<compile_context>
chip_gen: v7x
topology: tpu7x:2x2x1
jax: 0.10.2.dev20260603
libtpu: 0.0.44.dev20260713+nightly
codegen_flags: <defaults>
</compile_context>

<pallas_src>
import functools

import jax
import jax.numpy as jnp
from jax import lax
from jax.experimental import pallas as pl
from jax.experimental.pallas import tpu as pltpu
from jax.experimental.pallas import tpu_sc as plsc

D = 64
SCALE = 8.0
L = 16
C = 400


@functools.cache
def _make_gather(B: int):
    info = plsc.get_sparse_core_info()
    NW = info.num_cores * info.num_subcores
    b_per_w = B // NW
    nchunks = b_per_w // C
    assert B % NW == 0 and b_per_w % C == 0 and nchunks % 2 == 0

    mesh = plsc.VectorSubcoreMesh(core_axis_name="c", subcore_axis_name="s")

    @functools.partial(
        pl.kernel,
        mesh=mesh,
        out_type=jax.ShapeDtypeStruct((B, D), jnp.float32),
        scratch_types=[
            pltpu.VMEM((b_per_w,), jnp.int32),
            [pltpu.VMEM((C, D), jnp.float32)] * 2,
            [pltpu.SemaphoreType.DMA] * 2,
            [pltpu.SemaphoreType.DMA] * 2,
        ],
        compiler_params=pltpu.CompilerParams(use_tc_tiling_on_sc=True),
    )
    def k(table, idx, out, idx_v, gbuf, gsem, osem):
        wid = lax.axis_index("s") * info.num_cores + lax.axis_index("c")
        base = wid * b_per_w
        pltpu.sync_copy(idx.at[pl.ds(base, b_per_w)], idx_v)

        def start_gather(c, p, wait_out):
            if wait_out:
                pltpu.make_async_copy(
                    out.at[pl.ds(0, C)], gbuf[p], osem[p]
                ).wait()

            def grp(g, _):
                v = idx_v[pl.ds(c * C + g * L, L)]
                for lane in range(L):
                    s = v[lane]
                    pltpu.async_copy(
                        table.at[s >> 3, s & 7],
                        gbuf[p].at[g * L + lane],
                        gsem[p],
                    )
                return 0

            lax.fori_loop(0, C // L, grp, 0)

        def finish_chunk(d, q):
            pltpu.make_async_copy(
                out.at[pl.ds(0, C)], gbuf[q], gsem[q]
            ).wait()

            def sc(j, _):
                for i in range(D // L):
                    sl = pl.ds(i * L, L)
                    gbuf[q][j, sl] = gbuf[q][j, sl] * SCALE
                return 0

            lax.fori_loop(0, C, sc, 0)
            pltpu.async_copy(gbuf[q], out.at[pl.ds(base + d * C, C)], osem[q])

        start_gather(0, 0, False)
        start_gather(1, 1, False)
        finish_chunk(0, 0)
        start_gather(2, 0, True)
        finish_chunk(1, 1)
        start_gather(3, 1, True)

        def body(c2, _):
            d = 2 * c2
            finish_chunk(d, 0)
            start_gather(d + 2, 0, True)
            finish_chunk(d + 1, 1)
            start_gather(d + 3, 1, True)
            return 0

        lax.fori_loop(1, nchunks // 2 - 1, body, 0)

        finish_chunk(nchunks - 2, 0)
        finish_chunk(nchunks - 1, 1)
        pltpu.make_async_copy(out.at[pl.ds(0, C)], gbuf[0], osem[0]).wait()
        pltpu.make_async_copy(out.at[pl.ds(0, C)], gbuf[1], osem[1]).wait()

    return k


def kernel(x, input_embedding_table):
    B = x.shape[0] * x.shape[1]
    V = input_embedding_table.shape[0]
    t3 = input_embedding_table.reshape(V // 8, 8, D)
    idx = x.reshape(B).astype(jnp.int32)
    out = _make_gather(B)(t3, idx)
    return out.reshape(x.shape[0], x.shape[1], D)

# --- scband reference (transcript-rebuilt; emitter-appended) ---
"""Pipeline reference for scband-embedder-2302102471045 (READ-ONLY COPY).

The authoritative reference and input builder live on the scoring server;
editing this copy changes nothing except your own understanding.
"""

import jax, jax.numpy as jnp
import numpy as np

VOCAB_SIZE = 1000000
EMBED_DIM = 64
BATCH = 4096
SEQ_LEN = 50


def setup_inputs(seed: int = 0) -> dict:
    key = jax.random.key(seed)
    k1, k2 = jax.random.split(key)
    x = jax.random.randint(k1, (BATCH, SEQ_LEN), 0, VOCAB_SIZE, dtype=jnp.int64 if jax.config.jax_enable_x64 else jnp.int32)
    # variance_scaling(scale=1.0, mode='fan_in', in_axis=1, out_axis=0, distribution='normal')
    # fan_in = embed_dim -> stddev = sqrt(1.0 / embed_dim)
    stddev = np.sqrt(1.0 / EMBED_DIM)
    input_embedding_table = jax.random.normal(k2, (VOCAB_SIZE, EMBED_DIM), dtype=jnp.float32) * stddev
    return {"x": x, "input_embedding_table": input_embedding_table}


def reference(x, input_embedding_table):
    # Embedder.encode: gather rows then scale by sqrt(embed_dim)
    out = input_embedding_table[x,]
    out = out * jnp.sqrt(EMBED_DIM).astype(out.dtype)
    return out

if __name__ == "__main__":
    import jax
    _d = setup_inputs()
    print(jax.jit(kernel)(*tuple(_d.values())))

</pallas_src>

<mosaic_0001>
#map = affine_map<(d0, d1) -> (0, 0, 0)>
#map1 = affine_map<(d0, d1) -> (0)>
#map2 = affine_map<(d0, d1) -> (0, 0)>
module attributes {stable_mosaic.version = 14 : i64} {
  func.func @k(%arg0: i32, %arg1: i32, %arg2: memref<125000x8x64xf32, #tpu.memory_space<hbm>>, %arg3: memref<204800xi32, #tpu.memory_space<hbm>>, %arg4: memref<204800x64xf32, #tpu.memory_space<hbm>>, %arg5: memref<6400xi32, #tpu.memory_space<vmem>>, %arg6: memref<400x64xf32, #tpu.memory_space<vmem>>, %arg7: memref<400x64xf32, #tpu.memory_space<vmem>>, %arg8: memref<!tpu.dma_semaphore, #tpu.memory_space<semaphore_mem>>, %arg9: memref<!tpu.dma_semaphore, #tpu.memory_space<semaphore_mem>>, %arg10: memref<!tpu.dma_semaphore, #tpu.memory_space<semaphore_mem>>, %arg11: memref<!tpu.dma_semaphore, #tpu.memory_space<semaphore_mem>>) attributes {dimension_semantics = [#tpu.dimension_semantics<core_parallel>, #tpu.dimension_semantics<subcore_parallel>], iteration_bounds = array<i64: 2, 16>, scalar_prefetch = 0 : i64, scratch_operands = 7 : i64, tpu.core_type = #tpu.core_type<sc_vector_subcore>, window_params = [{transform_indices = #map}, {transform_indices = #map1}, {transform_indices = #map2}]} {
    %mul3A = arith.constant 2 : i32
    %mul3A_0 = arith.muli %arg1, %mul3A : i32
    %add3A = arith.addi %mul3A_0, %arg0 : i32
    %mul3A_1 = arith.constant 6400 : i32
    %mul3A_2 = arith.muli %add3A, %mul3A_1 : i32
    "tpu.region"() ({
      %run_scoped3A = tpu.sem_alloc : memref<!tpu.dma_semaphore, #tpu.memory_space<semaphore_mem>>
      %dma_start3A_135 = tpu.memref_slice %arg3[%mul3A_2] : memref<204800xi32, #tpu.memory_space<hbm>> -> memref<6400xi32, #tpu.memory_space<hbm>>
      %dma_start3A_136 = tpu.memref_slice %arg3[%mul3A_2] : memref<204800xi32, #tpu.memory_space<hbm>> -> memref<6400xi32, #tpu.memory_space<hbm>>
      tpu.enqueue_dma source(%dma_start3A_136 : memref<6400xi32, #tpu.memory_space<hbm>>) target(%arg5 : memref<6400xi32, #tpu.memory_space<vmem>>) target_semaphore(%run_scoped3A : memref<!tpu.dma_semaphore, #tpu.memory_space<semaphore_mem>>)
      %dma_wait3A_137 = tpu.memref_slice %arg3[%mul3A_2] : memref<204800xi32, #tpu.memory_space<hbm>> -> memref<6400xi32, #tpu.memory_space<hbm>>
      %dma_wait3A_138 = tpu.memref_slice %arg3[%mul3A_2] : memref<204800xi32, #tpu.memory_space<hbm>> -> memref<6400xi32, #tpu.memory_space<hbm>>
      tpu.wait_dma2 semaphore(%run_scoped3A : memref<!tpu.dma_semaphore, #tpu.memory_space<semaphore_mem>>) src(%dma_wait3A_138 : memref<6400xi32, #tpu.memory_space<hbm>>) dst(%arg5 : memref<6400xi32, #tpu.memory_space<vmem>>)
      tpu.yield
    }) : () -> ()
    %scan3A = arith.constant 0 : i32
    %scan3A_3 = arith.constant 0 : i32
    %scan3A_4 = arith.constant 25 : i32
    %scan3A_5 = arith.addi %scan3A_3, %scan3A_4 : i32
    %scan3A_6 = arith.constant 1 : i32
    %scan3A_7 = scf.for %scan3A_135 = %scan3A_3 to %scan3A_5 step %scan3A_6 iter_args(%scan3A_136 = %scan3A) -> (i32)  : i32 {
      %mul3A_137 = arith.constant 16 : i32
      %mul3A_138 = arith.muli %scan3A_135, %mul3A_137 : i32
      %add3A_139 = arith.constant 0 : i32
      %add3A_140 = arith.addi %add3A_139, %mul3A_138 : i32
      %get3A = arith.index_cast %add3A_140 : i32 to index
      %get3A_141 = tpu.vector_load %arg5[%get3A] {strides = array<i32>} : memref<6400xi32, #tpu.memory_space<vmem>>, vector<16xi32>,
      %get3A_142 = vector.shape_cast %get3A_141 : vector<16xi32> to vector<16xi32>
      %slice3A = vector.extract_strided_slice %get3A_142 {offsets = [0], sizes = [1], strides = [1]} : vector<16xi32> to vector<1xi32>
      %squeeze3A = vector.extract %slice3A[0] : i32 from vector<1xi32>
      %shift_right_arithmetic3A = arith.constant 3 : i32
      %shift_right_arithmetic3A_143 = arith.shrsi %squeeze3A, %shift_right_arithmetic3A : i32
      %and3A = arith.constant 7 : i32
      %and3A_144 = arith.andi %squeeze3A, %and3A : i32
      %mul3A_145 = arith.constant 16 : i32
      %mul3A_146 = arith.muli %scan3A_135, %mul3A_145 : i32
      %add3A_147 = arith.constant 0 : i32
      %add3A_148 = arith.addi %mul3A_146, %add3A_147 : i32
      %dma_start3A_149 = arith.constant 0 : i32
      %dma_start3A_150 = tpu.memref_slice %arg6[%add3A_148, %dma_start3A_149] : memref<400x64xf32, #tpu.memory_space<vmem>> -> memref<1x64xf32, #tpu.memory_space<vmem>>
      %dma_start3A_151 = tpu.memref_squeeze %dma_start3A_150 : memref<1x64xf32, #tpu.memory_space<vmem>> -> memref<64xf32, #tpu.memory_space<vmem>>
      %dma_start3A_152 = arith.constant 0 : i32
      %dma_start3A_153 = tpu.memref_slice %arg2[%shift_right_arithmetic3A_143, %and3A_144, %dma_start3A_152] : memref<125000x8x64xf32, #tpu.memory_space<hbm>> -> memref<1x1x64xf32, #tpu.memory_space<hbm>>
      %dma_start3A_154 = tpu.memref_squeeze %dma_start3A_153 : memref<1x1x64xf32, #tpu.memory_space<hbm>> -> memref<64xf32, #tpu.memory_space<hbm>>
      %dma_start3A_155 = arith.constant 0 : i32
      %dma_start3A_156 = tpu.memref_slice %arg6[%add3A_148, %dma_start3A_155] : memref<400x64xf32, #tpu.memory_space<vmem>> -> memref<1x64xf32, #tpu.memory_space<vmem>>
      %dma_start3A_157 = tpu.memref_squeeze %dma_start3A_156 : memref<1x64xf32, #tpu.memory_space<vmem>> -> memref<64xf32, #tpu.memory_space<vmem>>
      %dma_start3A_158 = arith.constant 0 : i32
      %dma_start3A_159 = tpu.memref_slice %arg2[%shift_right_arithmetic3A_143, %and3A_144, %dma_start3A_158] : memref<125000x8x64xf32, #tpu.memory_space<hbm>> -> memref<1x1x64xf32, #tpu.memory_space<hbm>>
      %dma_start3A_160 = tpu.memref_squeeze %dma_start3A_159 : memref<1x1x64xf32, #tpu.memory_space<hbm>> -> memref<64xf32, #tpu.memory_space<hbm>>
      tpu.enqueue_dma source(%dma_start3A_160 : memref<64xf32, #tpu.memory_space<hbm>>) target(%dma_start3A_157 : memref<64xf32, #tpu.memory_space<vmem>>) target_semaphore(%arg8 : memref<!tpu.dma_semaphore, #tpu.memory_space<semaphore_mem>>)
      %slice3A_161 = vector.extract_strided_slice %get3A_142 {offsets = [1], sizes = [1], strides = [1]} : vector<16xi32> to vector<1xi32>
      %squeeze3A_162 = vector.extract %slice3A_161[0] : i32 from vector<1xi32>
      %shift_right_arithmetic3A_163 = arith.constant 3 : i32
      %shift_right_arithmetic3A_164 = arith.shrsi %squeeze3A_162, %shift_right_arithmetic3A_163 : i32
      %and3A_165 = arith.constant 7 : i32
      %and3A_166 = arith.andi %squeeze3A_162, %and3A_165 : i32
      %mul3A_167 = arith.constant 16 : i32
      %mul3A_168 = arith.muli %scan3A_135, %mul3A_167 : i32
      %add3A_169 = arith.constant 1 : i32
      %add3A_170 = arith.addi %mul3A_168, %add3A_169 : i32
      %dma_start3A_171 = arith.constant 0 : i32
      %dma_start3A_172 = tpu.memref_slice %arg6[%add3A_170, %dma_start3A_171] : memref<400x64xf32, #tpu.memory_space<vmem>> -> memref<1x64xf32, #tpu.memory_space<vmem>>
      %dma_start3A_173 = tpu.memref_squeeze %dma_start3A_172 : memref<1x64xf32, #tpu.memory_space<vmem>> -> memref<64xf32, #tpu.memory_space<vmem>>
      %dma_start3A_174 = arith.constant 0 : i32
      %dma_start3A_175 = tpu.memref_slice %arg2[%shift_right_arithmetic3A_164, %and3A_166, %dma_start3A_174] : memref<125000x8x64xf32, #tpu.memory_space<hbm>> -> memref<1x1x64xf32, #tpu.memory_space<hbm>>
      %dma_start3A_176 = tpu.memref_squeeze %dma_start3A_175 : memref<1x1x64xf32, #tpu.memory_space<hbm>> -> memref<64xf32, #tpu.memory_space<hbm>>
      %dma_start3A_177 = arith.constant 0 : i32
      %dma_start3A_178 = tpu.memref_slice %arg6[%add3A_170, %dma_start3A_177] : memref<400x64xf32, #tpu.memory_space<vmem>> -> memref<1x64xf32, #tpu.memory_space<vmem>>
      %dma_start3A_179 = tpu.memref_squeeze %dma_start3A_178 : memref<1x64xf32, #tpu.memory_space<vmem>> -> memref<64xf32, #tpu.memory_space<vmem>>
      %dma_start3A_180 = arith.constant 0 : i32
      %dma_start3A_181 = tpu.memref_slice %arg2[%shift_right_arithmetic3A_164, %and3A_166, %dma_start3A_180] : memref<125000x8x64xf32, #tpu.memory_space<hbm>> -> memref<1x1x64xf32, #tpu.memory_space<hbm>>
      %dma_start3A_182 = tpu.memref_squeeze %dma_start3A_181 : memref<1x1x64xf32, #tpu.memory_space<hbm>> -> memref<64xf32, #tpu.memory_space<hbm>>
      tpu.enqueue_dma source(%dma_start3A_182 : memref<64xf32, #tpu.memory_space<hbm>>) target(%dma_start3A_179 : memref<64xf32, #tpu.memory_space<vmem>>) target_semaphore(%arg8 : memref<!tpu.dma_semaphore, #tpu.memory_space<semaphore_mem>>)
      %slice3A_183 = vector.extract_strided_slice %get3A_142 {offsets = [2], sizes = [1], strides = [1]} : vector<16xi32> to vector<1xi32>
      %squeeze3A_184 = vector.extract %slice3A_183[0] : i32 from vector<1xi32>
      %shift_right_arithmetic3A_185 = arith.constant 3 : i32
      %shift_right_arithmetic3A_186 = arith.shrsi %squeeze3A_184, %shift_right_arithmetic3A_185 : i32
      %and3A_187 = arith.constant 7 : i32
      %and3A_188 = arith.andi %squeeze3A_184, %and3A_187 : i32
      %mul3A_189 = arith.constant 16 : i32
      %mul3A_190 = arith.muli %scan3A_135, %mul3A_189 : i32
      %add3A_191 = arith.constant 2 : i32
      %add3A_192 = arith.addi %mul3A_190, %add3A_191 : i32
      %dma_start3A_193 = arith.constant 0 : i32
      %dma_start3A_194 = tpu.memref_slice %arg6[%add3A_192, %dma_start3A_193] : memref<400x64xf32, #tpu.memory_space<vmem>> -> memref<1x64xf32, #tpu.memory_space<vmem>>
      %dma_start3A_195 = tpu.memref_squeeze %dma_start3A_194 : memref<1x64xf32, #tpu.memory_space<vmem>> -> memref<64xf32, #tpu.memory_space<vmem>>
      %dma_start3A_196 = arith.constant 0 : i32
      %dma_start3A_197 = tpu.memref_slice %arg2[%shift_right_arithmetic3A_186, %and3A_188, %dma_start3A_196] : memref<125000x8x64xf32, #tpu.memory_space<hbm>> -> memref<1x1x64xf32, #tpu.memory_space<hbm>>
      %dma_start3A_198 = tpu.memref_squeeze %dma_start3A_197 : memref<1x1x64xf32, #tpu.memory_space<hbm>> -> memref<64xf32, #tpu.memory_space<hbm>>
      %dma_start3A_199 = arith.constant 0 : i32
      %dma_start3A_200 = tpu.memref_slice %arg6[%add3A_192, %dma_start3A_199] : memref<400x64xf32, #tpu.memory_space<vmem>> -> memref<1x64xf32, #tpu.memory_space<vmem>>
      %dma_start3A_201 = tpu.memref_squeeze %dma_start3A_200 : memref<1x64xf32, #tpu.memory_space<vmem>> -> memref<64xf32, #tpu.memory_space<vmem>>
      %dma_start3A_202 = arith.constant 0 : i32
      %dma_start3A_203 = tpu.memref_slice %arg2[%shift_right_arithmetic3A_186, %and3A_188, %dma_start3A_202] : memref<125000x8x64xf32, #tpu.memory_space<hbm>> -> memref<1x1x64xf32, #tpu.memory_space<hbm>>
      %dma_start3A_204 = tpu.memref_squeeze %dma_start3A_203 : memref<1x1x64xf32, #tpu.memory_space<hbm>> -> memref<64xf32, #tpu.memory_space<hbm>>
      tpu.enqueue_dma source(%dma_start3A_204 : memref<64xf32, #tpu.memory_space<hbm>>) target(%dma_start3A_201 : memref<64xf32, #tpu.memory_space<vmem>>) target_semaphore(%arg8 : memref<!tpu.dma_semaphore, #tpu.memory_space<semaphore_mem>>)
      %slice3A_205 = vector.extract_strided_slice %get3A_142 {offsets = [3], sizes = [1], strides = [1]} : vector<16xi32> to vector<1xi32>
      %squeeze3A_206 = vector.extract %slice3A_205[0] : i32 from vector<1xi32>
      %shift_right_arithmetic3A_207 = arith.constant 3 : i32
      %shift_right_arithmetic3A_208 = arith.shrsi %squeeze3A_206, %shift_right_arithmetic3A_207 : i32
      %and3A_209 = arith.constant 7 : i32
      %and3A_210 = arith.andi %squeeze3A_206, %and3A_209 : i32
      %mul3A_211 = arith.constant 16 : i32
      %mul3A_212 = arith.muli %scan3A_135, %mul3A_211 : i32
      %add3A_213 = arith.constant 3 : i32
      %add3A_214 = arith.addi %mul3A_212, %add3A_213 : i32
      %dma_start3A_215 = arith.constant 0 : i32
      %dma_start3A_216 = tpu.memref_slice %arg6[%add3A_214, %dma_start3A_215] : memref<400x64xf32, #tpu.memory_space<vmem>> -> memref<1x64xf32, #tpu.memory_space<vmem>>
      %dma_start3A_217 = tpu.memref_squeeze %dma_start3A_216 : memref<1x64xf32, #tpu.memory_space<vmem>> -> memref<64xf32, #tpu.memory_space<vmem>>
      %dma_start3A_218 = arith.constant 0 : i32
      %dma_start3A_219 = tpu.memref_slice %arg2[%shift_right_arithmetic3A_208, %and3A_210, %dma_start3A_218] : memref<125000x8x64xf32, #tpu.memory_space<hbm>> -> memref<1x1x64xf32, #tpu.memory_space<hbm>>
      %dma_start3A_220 = tpu.memref_squeeze %dma_start3A_219 : memref<1x1x64xf32, #tpu.memory_space<hbm>> -> memref<64xf32, #tpu.memory_space<hbm>>
      %dma_start3A_221 = arith.constant 0 : i32
      %dma_start3A_222 = tpu.memref_slice %arg6[%add3A_214, %dma_start3A_221] : memref<400x64xf32, #tpu.memory_space<vmem>> -> memref<1x64xf32, #tpu.memory_space<vmem>>
      %dma_start3A_223 = tpu.memref_squeeze %dma_start3A_222 : memref<1x64xf32, #tpu.memory_space<vmem>> -> memref<64xf32, #tpu.memory_space<vmem>>
      %dma_start3A_224 = arith.constant 0 : i32
      %dma_start3A_225 = tpu.memref_slice %arg2[%shift_right_arithmetic3A_208, %and3A_210, %dma_start3A_224] : memref<125000x8x64xf32, #tpu.memory_space<hbm>> -> memref<1x1x64xf32, #tpu.memory_space<hbm>>
      %dma_start3A_226 = tpu.memref_squeeze %dma_start3A_225 : memref<1x1x64xf32, #tpu.memory_space<hbm>> -> memref<64xf32, #tpu.memory_space<hbm>>
      tpu.enqueue_dma source(%dma_start3A_226 : memref<64xf32, #tpu.memory_space<hbm>>) target(%dma_start3A_223 : memref<64xf32, #tpu.memory_space<vmem>>) target_semaphore(%arg8 : memref<!tpu.dma_semaphore, #tpu.memory_space<semaphore_mem>>)
      %slice3A_227 = vector.extract_strided_slice %get3A_142 {offsets = [4], sizes = [1], strides = [1]} : vector<16xi32> to vector<1xi32>
      %squeeze3A_228 = vector.extract %slice3A_227[0] : i32 from vector<1xi32>
      %shift_right_arithmetic3A_229 = arith.constant 3 : i32
      %shift_right_arithmetic3A_230 = arith.shrsi %squeeze3A_228, %shift_right_arithmetic3A_229 : i32
      %and3A_231 = arith.constant 7 : i32
      %and3A_232 = arith.andi %squeeze3A_228, %and3A_231 : i32
      %mul3A_233 = arith.constant 16 : i32
      %mul3A_234 = arith.muli %scan3A_135, %mul3A_233 : i32
      %add3A_235 = arith.constant 4 : i32
      %add3A_236 = arith.addi %mul3A_234, %add3A_235 : i32
      %dma_start3A_237 = arith.constant 0 : i32
      %dma_start3A_238 = tpu.memref_slice %arg6[%add3A_236, %dma_start3A_237] : memref<400x64xf32, #tpu.memory_space<vmem>> -> memref<1x64xf32, #tpu.memory_space<vmem>>
      %dma_start3A_239 = tpu.memref_squeeze %dma_start3A_238 : memref<1x64xf32, #tpu.memory_space<vmem>> -> memref<64xf32, #tpu.memory_space<vmem>>
      %dma_start3A_240 = arith.constant 0 : i32
      %dma_start3A_241 = tpu.memref_slice %arg2[%shift_right_arithmetic3A_230, %and3A_232, %dma_start3A_240] : memref<125000x8x64xf32, #tpu.memory_space<hbm>> -> memref<1x1x64xf32, #tpu.memory_space<hbm>>
      %dma_start3A_242 = tpu.memref_squeeze %dma_start3A_241 : memref<1x1x64xf32, #tpu.memory_space<hbm>> -> memref<64xf32, #tpu.memory_space<hbm>>
      %dma_start3A_243 = arith.constant 0 : i32
      %dma_start3A_244 = tpu.memref_slice %arg6[%add3A_236, %dma_start3A_243] : memref<400x64xf32, #tpu.memory_space<vmem>> -> memref<1x64xf32, #tpu.memory_space<vmem>>
      %dma_start3A_245 = tpu.memref_squeeze %dma_start3A_244 : memref<1x64xf32, #tpu.memory_space<vmem>> -> memref<64xf32, #tpu.memory_space<vmem>>
      %dma_start3A_246 = arith.constant 0 : i32
      %dma_start3A_247 = tpu.memref_slice %arg2[%shift_right_arithmetic3A_230, %and3A_232, %dma_start3A_246] : memref<125000x8x64xf32, #tpu.memory_space<hbm>> -> memref<1x1x64xf32, #tpu.memory_space<hbm>>
      %dma_start3A_248 = tpu.memref_squeeze %dma_start3A_247 : memref<1x1x64xf32, #tpu.memory_space<hbm>> -> memref<64xf32, #tpu.memory_space<hbm>>
      tpu.enqueue_dma source(%dma_start3A_248 : memref<64xf32, #tpu.memory_space<hbm>>) target(%dma_start3A_245 : memref<64xf32, #tpu.memory_space<vmem>>) target_semaphore(%arg8 : memref<!tpu.dma_semaphore, #tpu.memory_space<semaphore_mem>>)
      %slice3A_249 = vector.extract_strided_slice %get3A_142 {offsets = [5], sizes = [1], strides = [1]} : vector<16xi32> to vector<1xi32>
      %squeeze3A_250 = vector.extract %slice3A_249[0] : i32 from vector<1xi32>
      %shift_right_arithmetic3A_251 = arith.constant 3 : i32
      %shift_right_arithmetic3A_252 = arith.shrsi %squeeze3A_250, %shift_right_arithmetic3A_251 : i32
      %and3A_253 = arith.constant 7 : i32
      %and3A_254 = arith.andi %squeeze3A_250, %and3A_253 : i32
      %mul3A_255 = arith.constant 16 : i32
      %mul3A_256 = arith.muli %scan3A_135, %mul3A_255 : i32
      %add3A_257 = arith.constant 5 : i32
      %add3A_258 = arith.addi %mul3A_256, %add3A_257 : i32
      %dma_start3A_259 = arith.constant 0 : i32
      %dma_start3A_260 = tpu.memref_slice %arg6[%add3A_258, %dma_start3A_259] : memref<400x64xf32, #tpu.memory_space<vmem>> -> memref<1x64xf32, #tpu.memory_space<vmem>>
      %dma_start3A_261 = tpu.memref_squeeze %dma_start3A_260 : memref<1x64xf32, #tpu.memory_space<vmem>> -> memref<64xf32, #tpu.memory_space<vmem>>
      %dma_start3A_262 = arith.constant 0 : i32
      %dma_start3A_263 = tpu.memref_slice %arg2[%shift_right_arithmetic3A_252, %and3A_254, %dma_start3A_262] : memref<125000x8x64xf32, #tpu.memory_space<hbm>> -> memref<1x1x64xf32, #tpu.memory_space<hbm>>
      %dma_start3A_264 = tpu.memref_squeeze %dma_start3A_263 : memref<1x1x64xf32, #tpu.memory_space<hbm>> -> memref<64xf32, #tpu.memory_space<hbm>>
      %dma_start3A_265 = arith.constant 0 : i32
      %dma_start3A_266 = tpu.memref_slice %arg6[%add3A_258, %dma_start3A_265] : memref<400x64xf32, #tpu.memory_space<vmem>> -> memref<1x64xf32, #tpu.memory_space<vmem>>
      %dma_start3A_267 = tpu.memref_squeeze %dma_start3A_266 : memref<1x64xf32, #tpu.memory_space<vmem>> -> memref<64xf32, #tpu.memory_space<vmem>>
      %dma_start3A_268 = arith.constant 0 : i32
      %dma_start3A_269 = tpu.memref_slice %arg2[%shift_right_arithmetic3A_252, %and3A_254, %dma_start3A_268] : memref<125000x8x64xf32, #tpu.memory_space<hbm>> -> memref<1x1x64xf32, #tpu.memory_space<hbm>>
      %dma_start3A_270 = tpu.memref_squeeze %dma_start3A_269 : memref<1x1x64xf32, #tpu.memory_space<hbm>> -> memref<64xf32, #tpu.memory_space<hbm>>
      tpu.enqueue_dma source(%dma_start3A_270 : memref<64xf32, #tpu.memory_space<hbm>>) target(%dma_start3A_267 : memref<64xf32, #tpu.memory_space<vmem>>) target_semaphore(%arg8 : memref<!tpu.dma_semaphore, #tpu.memory_space<semaphore_mem>>)
      %slice3A_271 = vector.extract_strided_slice %get3A_142 {offsets = [6], sizes = [1], strides = [1]} : vector<16xi32> to vector<1xi32>
      %squeeze3A_272 = vector.extract %slice3A_271[0] : i32 from vector<1xi32>
      %shift_right_arithmetic3A_273 = arith.constant 3 : i32
      %shift_right_arithmetic3A_274 = arith.shrsi %squeeze3A_272, %shift_right_arithmetic3A_273 : i32
      %and3A_275 = arith.constant 7 : i32
      %and3A_276 = arith.andi %squeeze3A_272, %and3A_275 : i32
      %mul3A_277 = arith.constant 16 : i32
      %mul3A_278 = arith.muli %scan3A_135, %mul3A_277 : i32
      %add3A_279 = arith.constant 6 : i32
      %add3A_280 = arith.addi %mul3A_278, %add3A_279 : i32
      %dma_start3A_281 = arith.constant 0 : i32
      %dma_start3A_282 = tpu.memref_slice %arg6[%add3A_280, %dma_start3A_281] : memref<400x64xf32, #tpu.memory_space<vmem>> -> memref<1x64xf32, #tpu.memory_space<vmem>>
      %dma_start3A_283 = tpu.memref_squeeze %dma_start3A_282 : memref<1x64xf32, #tpu.memory_space<vmem>> -> memref<64xf32, #tpu.memory_space<vmem>>
      %dma_start3A_284 = arith.constant 0 : i32
      %dma_start3A_285 = tpu.memref_slice %arg2[%shift_right_arithmetic3A_274, %and3A_276, %dma_start3A_284] : memref<125000x8x64xf32, #tpu.memory_space<hbm>> -> memref<1x1x64xf32, #tpu.memory_space<hbm>>
      %dma_start3A_286 = tpu.memref_squeeze %dma_start3A_285 : memref<1x1x64xf32, #tpu.memory_space<hbm>> -> memref<64xf32, #tpu.memory_space<hbm>>
      %dma_start3A_287 = arith.constant 0 : i32
      %dma_start3A_288 = tpu.memref_slice %arg6[%add3A_280, %dma_start3A_287] : memref<400x64xf32, #tpu.memory_space<vmem>> -> memref<1x64xf32, #tpu.memory_space<vmem>>
      %dma_start3A_289 = tpu.memref_squeeze %dma_start3A_288 : memref<1x64xf32, #tpu.memory_space<vmem>> -> memref<64xf32, #tpu.memory_space<vmem>>
      %dma_start3A_290 = arith.constant 0 : i32
      %dma_start3A_291 = tpu.memref_slice %arg2[%shift_right_arithmetic3A_274, %and3A_276, %dma_start3A_290] : memref<125000x8x64xf32, #tpu.memory_space<hbm>> -> memref<1x1x64xf32, #tpu.memory_space<hbm>>
      %dma_start3A_292 = tpu.memref_squeeze %dma_start3A_291 : memref<1x1x64xf32, #tpu.memory_space<hbm>> -> memref<64xf32, #tpu.memory_space<hbm>>
      tpu.enqueue_dma source(%dma_start3A_292 : memref<64xf32, #tpu.memory_space<hbm>>) target(%dma_start3A_289 : memref<64xf32, #tpu.memory_space<vmem>>) target_semaphore(%arg8 : memref<!tpu.dma_semaphore, #tpu.memory_space<semaphore_mem>>)
      %slice3A_293 = vector.extract_strided_slice %get3A_142 {offsets = [7], sizes = [1], strides = [1]} : vector<16xi32> to vector<1xi32>
      %squeeze3A_294 = vector.extract %slice3A_293[0] : i32 from vector<1xi32>
      %shift_right_arithmetic3A_295 = arith.constant 3 : i32
      %shift_right_arithmetic3A_296 = arith.shrsi %squeeze3A_294, %shift_right_arithmetic3A_295 : i32
      %and3A_297 = arith.constant 7 : i32
      %and3A_298 = arith.andi %squeeze3A_294, %and3A_297 : i32
      %mul3A_299 = arith.constant 16 : i32
      %mul3A_300 = arith.muli %scan3A_135, %mul3A_299 : i32
      %add3A_301 = arith.constant 7 : i32
      %add3A_302 = arith.addi %mul3A_300, %add3A_301 : i32
      %dma_start3A_303 = arith.constant 0 : i32
      %dma_start3A_304 = tpu.memref_slice %arg6[%add3A_302, %dma_start3A_303] : memref<400x64xf32, #tpu.memory_space<vmem>> -> memref<1x64xf32, #tpu.memory_space<vmem>>
      %dma_start3A_305 = tpu.memref_squeeze %dma_start3A_304 : memref<1x64xf32, #tpu.memory_space<vmem>> -> memref<64xf32, #tpu.memory_space<vmem>>
      %dma_start3A_306 = arith.constant 0 : i32
      %dma_start3A_307 = tpu.memref_slice %arg2[%shift_right_arithmetic3A_296, %and3A_298, %dma_start3A_306] : memref<125000x8x64xf32, #tpu.memory_space<hbm>> -> memref<1x1x64xf32, #tpu.memory_space<hbm>>
      %dma_start3A_308 = tpu.memref_squeeze %dma_start3A_307 : memref<1x1x64xf32, #tpu.memory_space<hbm>> -> memref<64xf32, #tpu.memory_space<hbm>>
      %dma_start3A_309 = arith.constant 0 : i32
      %dma_start3A_310 = tpu.memref_slice %arg6[%add3A_302, %dma_start3A_309] : memref<400x64xf32, #tpu.memory_space<vmem>> -> memref<1x64xf32, #tpu.memory_space<vmem>>
      %dma_start3A_311 = tpu.memref_squeeze %dma_start3A_310 : memref<1x64xf32, #tpu.memory_space<vmem>> -> memref<64xf32, #tpu.memory_space<vmem>>
      %dma_start3A_312 = arith.constant 0 : i32
      %dma_start3A_313 = tpu.memref_slice %arg2[%shift_right_arithmetic3A_296, %and3A_298, %dma_start3A_312] : memref<125000x8x64xf32, #tpu.memory_space<hbm>> -> memref<1x1x64xf32, #tpu.memory_space<hbm>>
      %dma_start3A_314 = tpu.memref_squeeze %dma_start3A_313 : memref<1x1x64xf32, #tpu.memory_space<hbm>> -> memref<64xf32, #tpu.memory_space<hbm>>
      tpu.enqueue_dma source(%dma_start3A_314 : memref<64xf32, #tpu.memory_space<hbm>>) target(%dma_start3A_311 : memref<64xf32, #tpu.memory_space<vmem>>) target_semaphore(%arg8 : memref<!tpu.dma_semaphore, #tpu.memory_space<semaphore_mem>>)
      %slice3A_315 = vector.extract_strided_slice %get3A_142 {offsets = [8], sizes = [1], strides = [1]} : vector<16xi32> to vector<1xi32>
      %squeeze3A_316 = vector.extract %slice3A_315[0] : i32 from vector<1xi32>
      %shift_right_arithmetic3A_317 = arith.constant 3 : i32
      %shift_right_arithmetic3A_318 = arith.shrsi %squeeze3A_316, %shift_right_arithmetic3A_317 : i32
      %and3A_319 = arith.constant 7 : i32
      %and3A_320 = arith.andi %squeeze3A_316, %and3A_319 : i32
      %mul3A_321 = arith.constant 16 : i32
      %mul3A_322 = arith.muli %scan3A_135, %mul3A_321 : i32
      %add3A_323 = arith.constant 8 : i32
      %add3A_324 = arith.addi %mul3A_322, %add3A_323 : i32
      %dma_start3A_325 = arith.constant 0 : i32
      %dma_start3A_326 = tpu.memref_slice %arg6[%add3A_324, %dma_start3A_325] : memref<400x64xf32, #tpu.memory_space<vmem>> -> memref<1x64xf32, #tpu.memory_space<vmem>>
      %dma_start3A_327 = tpu.memref_squeeze %dma_start3A_326 : memref<1x64xf32, #tpu.memory_space<vmem>> -> memref<64xf32, #tpu.memory_space<vmem>>
      %dma_start3A_328 = arith.constant 0 : i32
      %dma_start3A_329 = tpu.memref_slice %arg2[%shift_right_arithmetic3A_318, %and3A_320, %dma_start3A_328] : memref<125000x8x64xf32, #tpu.memory_space<hbm>> -> memref<1x1x64xf32, #tpu.memory_space<hbm>>
      %dma_start3A_330 = tpu.memref_squeeze %dma_start3A_329 : memref<1x1x64xf32, #tpu.memory_space<hbm>> -> memref<64xf32, #tpu.memory_space<hbm>>
      %dma_start3A_331 = arith.constant 0 : i32
      %dma_start3A_332 = tpu.memref_slice %arg6[%add3A_324, %dma_start3A_331] : memref<400x64xf32, #tpu.memory_space<vmem>> -> memref<1x64xf32, #tpu.memory_space<vmem>>
      %dma_start3A_333 = tpu.memref_squeeze %dma_start3A_332 : memref<1x64xf32, #tpu.memory_space<vmem>> -> memref<64xf32, #tpu.memory_space<vmem>>
      %dma_start3A_334 = arith.constant 0 : i32
      %dma_start3A_335 = tpu.memref_slice %arg2[%shift_right_arithmetic3A_318, %and3A_320, %dma_start3A_334] : memref<125000x8x64xf32, #tpu.memory_space<hbm>> -> memref<1x1x64xf32, #tpu.memory_space<hbm>>
      %dma_start3A_336 = tpu.memref_squeeze %dma_start3A_335 : memref<1x1x64xf32, #tpu.memory_space<hbm>> -> memref<64xf32, #tpu.memory_space<hbm>>
      tpu.enqueue_dma source(%dma_start3A_336 : memref<64xf32, #tpu.memory_space<hbm>>) target(%dma_start3A_333 : memref<64xf32, #tpu.memory_space<vmem>>) target_semaphore(%arg8 : memref<!tpu.dma_semaphore, #tpu.memory_space<semaphore_mem>>)
      %slice3A_337 = vector.extract_strided_slice %get3A_142 {offsets = [9], sizes = [1], strides = [1]} : vector<16xi32> to vector<1xi32>
      %squeeze3A_338 = vector.extract %slice3A_337[0] : i32 from vector<1xi32>
      %shift_right_arithmetic3A_339 = arith.constant 3 : i32
      %shift_right_arithmetic3A_340 = arith.shrsi %squeeze3A_338, %shift_right_arithmetic3A_339 : i32
      %and3A_341 = arith.constant 7 : i32
      %and3A_342 = arith.andi %squeeze3A_338, %and3A_341 : i32
      %mul3A_343 = arith.constant 16 : i32
      %mul3A_344 = arith.muli %scan3A_135, %mul3A_343 : i32
      %add3A_345 = arith.constant 9 : i32
      %add3A_346 = arith.addi %mul3A_344, %add3A_345 : i32
      %dma_start3A_347 = arith.constant 0 : i32
      %dma_start3A_348 = tpu.memref_slice %arg6[%add3A_346, %dma_start3A_347] : memref<400x64xf32, #tpu.memory_space<vmem>> -> memref<1x64xf32, #tpu.memory_space<vmem>>
      %dma_start3A_349 = tpu.memref_squeeze %dma_start3A_348 : memref<1x64xf32, #tpu.memory_space<vmem>> -> memref<64xf32, #tpu.memory_space<vmem>>
      %dma_start3A_350 = arith.constant 0 : i32
      %dma_start3A_351 = tpu.memref_slice %arg2[%shift_right_arithmetic3A_340, %and3A_342, %dma_start3A_350] : memref<125000x8x64xf32, #tpu.memory_space<hbm>> -> memref<1x1x64xf32, #tpu.memory_space<hbm>>
      %dma_start3A_352 = tpu.memref_squeeze %dma_start3A_351 : memref<1x1x64xf32, #tpu.memory_space<hbm>> -> memref<64xf32, #tpu.memory_space<hbm>>
      %dma_start3A_353 = arith.constant 0 : i32
      %dma_start3A_354 = tpu.memref_slice %arg6[%add3A_346, %dma_start3A_353] : memref<400x64xf32, #tpu.memory_space<vmem>> -> memref<1x64xf32, #tpu.memory_space<vmem>>
      %dma_start3A_355 = tpu.memref_squeeze %dma_start3A_354 : memref<1x64xf32, #tpu.memory_space<vmem>> -> memref<64xf32, #tpu.memory_space<vmem>>
      %dma_start3A_356 = arith.constant 0 : i32
      %dma_start3A_357 = tpu.memref_slice %arg2[%shift_right_arithmetic3A_340, %and3A_342, %dma_start3A_356] : memref<125000x8x64xf32, #tpu.memory_space<hbm>> -> memref<1x1x64xf32, #tpu.memory_space<hbm>>
      %dma_start3A_358 = tpu.memref_squeeze %dma_start3A_357 : memref<1x1x64xf32, #tpu.memory_space<hbm>> -> memref<64xf32, #tpu.memory_space<hbm>>
      tpu.enqueue_dma source(%dma_start3A_358 : memref<64xf32, #tpu.memory_space<hbm>>) target(%dma_start3A_355 : memref<64xf32, #tpu.memory_space<vmem>>) target_semaphore(%arg8 : memref<!tpu.dma_semaphore, #tpu.memory_space<semaphore_mem>>)
      %slice3A_359 = vector.extract_strided_slice %get3A_142 {offsets = [10], sizes = [1], strides = [1]} : vector<16xi32> to vector<1xi32>
      %squeeze3A_360 = vector.extract %slice3A_359[0] : i32 from vector<1xi32>
      %shift_right_arithmetic3A_361 = arith.constant 3 : i32
      %shift_right_arithmetic3A_362 = arith.shrsi %squeeze3A_360, %shift_right_arithmetic3A_361 : i32
      %and3A_363 = arith.constant 7 : i32
      %and3A_364 = arith.andi %squeeze3A_360, %and3A_363 : i32
      %mul3A_365 = arith.constant 16 : i32
      %mul3A_366 = arith.muli %scan3A_135, %mul3A_365 : i32
      %add3A_367 = arith.constant 10 : i32
      %add3A_368 = arith.addi %mul3A_366, %add3A_367 : i32
      %dma_start3A_369 = arith.constant 0 : i32
      %dma_start3A_370 = tpu.memref_slice %arg6[%add3A_368, %dma_start3A_369] : memref<400x64xf32, #tpu.memory_space<vmem>> -> memref<1x64xf32, #tpu.memory_space<vmem>>
      %dma_start3A_371 = tpu.memref_squeeze %dma_start3A_370 : memref<1x64xf32, #tpu.memory_space<vmem>> -> memref<64xf32, #tpu.memory_space<vmem>>
      %dma_start3A_372 = arith.constant 0 : i32
      %dma_start3A_373 = tpu.memref_slice %arg2[%shift_right_arithmetic3A_362, %and3A_364, %dma_start3A_372] : memref<125000x8x64xf32, #tpu.memory_space<hbm>> -> memref<1x1x64xf32, #tpu.memory_space<hbm>>
      %dma_start3A_374 = tpu.memref_squeeze %dma_start3A_373 : memref<1x1x64xf32, #tpu.memory_space<hbm>> -> memref<64xf32, #tpu.memory_space<hbm>>
      %dma_start3A_375 = arith.constant 0 : i32
      %dma_start3A_376 = tpu.memref_slice %arg6[%add3A_368, %dma_start3A_375] : memref<400x64xf32, #tpu.memory_space<vmem>> -> memref<1x64xf32, #tpu.memory_space<vmem>>
      %dma_start3A_377 = tpu.memref_squeeze %dma_start3A_376 : memref<1x64xf32, #tpu.memory_space<vmem>> -> memref<64xf32, #tpu.memory_space<vmem>>
      %dma_start3A_378 = arith.constant 0 : i32
      %dma_start3A_379 = tpu.memref_slice %arg2[%shift_right_arithmetic3A_362, %and3A_364, %dma_start3A_378] : memref<125000x8x64xf32, #tpu.memory_space<hbm>> -> memref<1x1x64xf32, #tpu.memory_space<hbm>>
      %dma_start3A_380 = tpu.memref_squeeze %dma_start3A_379 : memref<1x1x64xf32, #tpu.memory_space<hbm>> -> memref<64xf32, #tpu.memory_space<hbm>>
      tpu.enqueue_dma source(%dma_start3A_380 : memref<64xf32, #tpu.memory_space<hbm>>) target(%dma_start3A_377 : memref<64xf32, #tpu.memory_space<vmem>>) target_semaphore(%arg8 : memref<!tpu.dma_semaphore, #tpu.memory_space<semaphore_mem>>)
      %slice3A_381 = vector.extract_strided_slice %get3A_142 {offsets = [11], sizes = [1], strides = [1]} : vector<16xi32> to vector<1xi32>
      %squeeze3A_382 = vector.extract %slice3A_381[0] : i32 from vector<1xi32>
      %shift_right_arithmetic3A_383 = arith.constant 3 : i32
      %shift_right_arithmetic3A_384 = arith.shrsi %squeeze3A_382, %shift_right_arithmetic3A_383 : i32
      %and3A_385 = arith.constant 7 : i32
      %and3A_386 = arith.andi %squeeze3A_382, %and3A_385 : i32
      %mul3A_387 = arith.constant 16 : i32
      %mul3A_388 = arith.muli %scan3A_135, %mul3A_387 : i32
      %add3A_389 = arith.constant 11 : i32
      %add3A_390 = arith.addi %mul3A_388, %add3A_389 : i32
      %dma_start3A_391 = arith.constant 0 : i32
      %dma_start3A_392 = tpu.memref_slice %arg6[%add3A_390, %dma_start3A_391] : memref<400x64xf32, #tpu.memory_space<vmem>> -> memref<1x64xf32, #tpu.memory_space<vmem>>
      %dma_start3A_393 = tpu.memref_squeeze %dma_start3A_392 : memref<1x64xf32, #tpu.memory_space<vmem>> -> memref<64xf32, #tpu.memory_space<vmem>>
      %dma_start3A_394 = arith.constant 0 : i32
      %dma_start3A_395 = tpu.memref_slice %arg2[%shift_right_arithmetic3A_384, %and3A_386, %dma_start3A_394] : memref<125000x8x64xf32, #tpu.memory_space<hbm>> -> memref<1x1x64xf32, #tpu.memory_space<hbm>>
      %dma_start3A_396 = tpu.memref_squeeze %dma_start3A_395 : memref<1x1x64xf32, #tpu.memory_space<hbm>> -> memref<64xf32, #tpu.memory_space<hbm>>
      %dma_start3A_397 = arith.constant 0 : i32
      %dma_start3A_398 = tpu.memref_slice %arg6[%add3A_390, %dma_start3A_397] : memref<400x64xf32, #tpu.memory_space<vmem>> -> memref<1x64xf32, #tpu.memory_space<vmem>>
      %dma_start3A_399 = tpu.memref_squeeze %dma_start3A_398 : memref<1x64xf32, #tpu.memory_space<vmem>> -> memref<64xf32, #tpu.memory_space<vmem>>
      %dma_start3A_400 = arith.constant 0 : i32
      %dma_start3A_401 = tpu.memref_slice %arg2[%shift_right_arithmetic3A_384, %and3A_386, %dma_start3A_400] : memref<125000x8x64xf32, #tpu.memory_space<hbm>> -> memref<1x1x64xf32, #tpu.memory_space<hbm>>
      %dma_start3A_402 = tpu.memref_squeeze %dma_start3A_401 : memref<1x1x64xf32, #tpu.memory_space<hbm>> -> memref<64xf32, #tpu.memory_space<hbm>>
      tpu.enqueue_dma source(%dma_start3A_402 : memref<64xf32, #tpu.memory_space<hbm>>) target(%dma_start3A_399 : memref<64xf32, #tpu.memory_space<vmem>>) target_semaphore(%arg8 : memref<!tpu.dma_semaphore, #tpu.memory_space<semaphore_mem>>)
      %slice3A_403 = vector.extract_strided_slice %get3A_142 {offsets = [12], sizes = [1], strides = [1]} : vector<16xi32> to vector<1xi32>
      %squeeze3A_404 = vector.extract %slice3A_403[0] : i32 from vector<1xi32>
      %shift_right_arithmetic3A_405 = arith.constant 3 : i32
      %shift_right_arithmetic3A_406 = arith.shrsi %squeeze3A_404, %shift_right_arithmetic3A_405 : i32
      %and3A_407 = arith.constant 7 : i32
      %and3A_408 = arith.andi %squeeze3A_404, %and3A_407 : i32
      %mul3A_409 = arith.constant 16 : i32
      %mul3A_410 = arith.muli %scan3A_135, %mul3A_409 : i32
      %add3A_411 = arith.constant 12 : i32
      %add3A_412 = arith.addi %mul3A_410, %add3A_411 : i32
      %dma_start3A_413 = arith.constant 0 : i32
      %dma_start3A_414 = tpu.memref_slice %arg6[%add3A_412, %dma_start3A_413] : memref<400x64xf32, #tpu.memory_space<vmem>> -> memref<1x64xf32, #tpu.memory_space<vmem>>
      %dma_start3A_415 = tpu.memref_squeeze %dma_start3A_414 : memref<1x64xf32, #tpu.memory_space<vmem>> -> memref<64xf32, #tpu.memory_space<vmem>>
      %dma_start3A_416 = arith.constant 0 : i32
      %dma_start3A_417 = tpu.memref_slice %arg2[%shift_right_arithmetic3A_406, %and3A_408, %dma_start3A_416] : memref<125000x8x64xf32, #tpu.memory_space<hbm>> -> memref<1x1x64xf32, #tpu.memory_space<hbm>>
      %dma_start3A_418 = tpu.memref_squeeze %dma_start3A_417 : memref<1x1x64xf32, #tpu.memory_space<hbm>> -> memref<64xf32, #tpu.memory_space<hbm>>
      %dma_start3A_419 = arith.constant 0 : i32
      %dma_start3A_420 = tpu.memref_slice %arg6[%add3A_412, %dma_start3A_419] : memref<400x64xf32, #tpu.memory_space<vmem>> -> memref<1x64xf32, #tpu.memory_space<vmem>>
      %dma_start3A_421 = tpu.memref_squeeze %dma_start3A_420 : memref<1x64xf32, #tpu.memory_space<vmem>> -> memref<64xf32, #tpu.memory_space<vmem>>
      %dma_start3A_422 = arith.constant 0 : i32
      %dma_start3A_423 = tpu.memref_slice %arg2[%shift_right_arithmetic3A_406, %and3A_408, %dma_start3A_422] : memref<125000x8x64xf32, #tpu.memory_space<hbm>> -> memref<1x1x64xf32, #tpu.memory_space<hbm>>
      %dma_start3A_424 = tpu.memref_squeeze %dma_start3A_423 : memref<1x1x64xf32, #tpu.memory_space<hbm>> -> memref<64xf32, #tpu.memory_space<hbm>>
      tpu.enqueue_dma source(%dma_start3A_424 : memref<64xf32, #tpu.memory_space<hbm>>) target(%dma_start3A_421 : memref<64xf32, #tpu.memory_space<vmem>>) target_semaphore(%arg8 : memref<!tpu.dma_semaphore, #tpu.memory_space<semaphore_mem>>)
      %slice3A_425 = vector.extract_strided_slice %get3A_142 {offsets = [13], sizes = [1], strides = [1]} : vector<16xi32> to vector<1xi32>
      %squeeze3A_426 = vector.extract %slice3A_425[0] : i32 from vector<1xi32>
      %shift_right_arithmetic3A_427 = arith.constant 3 : i32
      %shift_right_arithmetic3A_428 = arith.shrsi %squeeze3A_426, %shift_right_arithmetic3A_427 : i32
      %and3A_429 = arith.constant 7 : i32
      %and3A_430 = arith.andi %squeeze3A_426, %and3A_429 : i32
      %mul3A_431 = arith.constant 16 : i32
      %mul3A_432 = arith.muli %scan3A_135, %mul3A_431 : i32
      %add3A_433 = arith.constant 13 : i32
      %add3A_434 = arith.addi %mul3A_432, %add3A_433 : i32
      %dma_start3A_435 = arith.constant 0 : i32
      %dma_start3A_436 = tpu.memref_slice %arg6[%add3A_434, %dma_start3A_435] : memref<400x64xf32, #tpu.memory_space<vmem>> -> memref<1x64xf32, #tpu.memory_space<vmem>>
      %dma_start3A_437 = tpu.memref_squeeze %dma_start3A_436 : memref<1x64xf32, #tpu.memory_space<vmem>> -> memref<64xf32, #tpu.memory_space<vmem>>
      %dma_start3A_438 = arith.constant 0 : i32
      %dma_start3A_439 = tpu.memref_slice %arg2[%shift_right_arithmetic3A_428, %and3A_430, %dma_start3A_438] : memref<125000x8x64xf32, #tpu.memory_space<hbm>> -> memref<1x1x64xf32, #tpu.memory_space<hbm>>
      %dma_start3A_440 = tpu.memref_squeeze %dma_start3A_439 : memref<1x1x64xf32, #tpu.memory_space<hbm>> -> memref<64xf32, #tpu.memory_space<hbm>>
      %dma_start3A_441 = arith.constant 0 : i32
      %dma_start3A_442 = tpu.memref_slice %arg6[%add3A_434, %dma_start3A_441] : memref<400x64xf32, #tpu.memory_space<vmem>> -> memref<1x64xf32, #tpu.memory_space<vmem>>
      %dma_start3A_443 = tpu.memref_squeeze %dma_start3A_442 : memref<1x64xf32, #tpu.memory_space<vmem>> -> memref<64xf32, #tpu.memory_space<vmem>>
      %dma_start3A_444 = arith.constant 0 : i32
      %dma_start3A_445 = tpu.memref_slice %arg2[%shift_right_arithmetic3A_428, %and3A_430, %dma_start3A_444] : memref<125000x8x64xf32, #tpu.memory_space<hbm>> -> memref<1x1x64xf32, #tpu.memory_space<hbm>>
      %dma_start3A_446 = tpu.memref_squeeze %dma_start3A_445 : memref<1x1x64xf32, #tpu.memory_space<hbm>> -> memref<64xf32, #tpu.memory_space<hbm>>
      tpu.enqueue_dma source(%dma_start3A_446 : memref<64xf32, #tpu.memory_space<hbm>>) target(%dma_start3A_443 : memref<64xf32, #tpu.memory_space<vmem>>) target_semaphore(%arg8 : memref<!tpu.dma_semaphore, #tpu.memory_space<semaphore_mem>>)
      %slice3A_447 = vector.extract_strided_slice %get3A_142 {offsets = [14], sizes = [1], strides = [1]} : vector<16xi32> to vector<1xi32>
      %squeeze3A_448 = vector.extract %slice3A_447[0] : i32 from vector<1xi32>
      %shift_right_arithmetic3A_449 = arith.constant 3 : i32
      %shift_right_arithmetic3A_450 = arith.shrsi %squeeze3A_448, %shift_right_arithmetic3A_449 : i32
      %and3A_451 = arith.constant 7 : i32
      %and3A_452 = arith.andi %squeeze3A_448, %and3A_451 : i32
      %mul3A_453 = arith.constant 16 : i32
      %mul3A_454 = arith.muli %scan3A_135, %mul3A_453 : i32
      %add3A_455 = arith.constant 14 : i32
      %add3A_456 = arith.addi %mul3A_454, %add3A_455 : i32
      %dma_start3A_457 = arith.constant 0 : i32
      %dma_start3A_458 = tpu.memref_slice %arg6[%add3A_456, %dma_start3A_457] : memref<400x64xf32, #tpu.memory_space<vmem>> -> memref<1x64xf32, #tpu.memory_space<vmem>>
      %dma_start3A_459 = tpu.memref_squeeze %dma_start3A_458 : memref<1x64xf32, #tpu.memory_space<vmem>> -> memref<64xf32, #tpu.memory_space<vmem>>
      %dma_start3A_460 = arith.constant 0 : i32
      %dma_start3A_461 = tpu.memref_slice %arg2[%shift_right_arithmetic3A_450, %and3A_452, %dma_start3A_460] : memref<125000x8x64xf32, #tpu.memory_space<hbm>> -> memref<1x1x64xf32, #tpu.memory_space<hbm>>
      %dma_start3A_462 = tpu.memref_squeeze %dma_start3A_461 : memref<1x1x64xf32, #tpu.memory_space<hbm>> -> memref<64xf32, #tpu.memory_space<hbm>>
      %dma_start3A_463 = arith.constant 0 : i32
      %dma_start3A_464 = tpu.memref_slice %arg6[%add3A_456, %dma_start3A_463] : memref<400x64xf32, #tpu.memory_space<vmem>> -> memref<1x64xf32, #tpu.memory_space<vmem>>
      %dma_start3A_465 = tpu.memref_squeeze %dma_start3A_464 : memref<1x64xf32, #tpu.memory_space<vmem>> -> memref<64xf32, #tpu.memory_space<vmem>>
      %dma_start3A_466 = arith.constant 0 : i32
      %dma_start3A_467 = tpu.memref_slice %arg2[%shift_right_arithmetic3A_450, %and3A_452, %dma_start3A_466] : memref<125000x8x64xf32, #tpu.memory_space<hbm>> -> memref<1x1x64xf32, #tpu.memory_space<hbm>>
      %dma_start3A_468 = tpu.memref_squeeze %dma_start3A_467 : memref<1x1x64xf32, #tpu.memory_space<hbm>> -> memref<64xf32, #tpu.memory_space<hbm>>
      tpu.enqueue_dma source(%dma_start3A_468 : memref<64xf32, #tpu.memory_space<hbm>>) target(%dma_start3A_465 : memref<64xf32, #tpu.memory_space<vmem>>) target_semaphore(%arg8 : memref<!tpu.dma_semaphore, #tpu.memory_space<semaphore_mem>>)
      %slice3A_469 = vector.extract_strided_slice %get3A_142 {offsets = [15], sizes = [1], strides = [1]} : vector<16xi32> to vector<1xi32>
      %squeeze3A_470 = vector.extract %slice3A_469[0] : i32 from vector<1xi32>
      %shift_right_arithmetic3A_471 = arith.constant 3 : i32
      %shift_right_arithmetic3A_472 = arith.shrsi %squeeze3A_470, %shift_right_arithmetic3A_471 : i32
      %and3A_473 = arith.constant 7 : i32
      %and3A_474 = arith.andi %squeeze3A_470, %and3A_473 : i32
      %mul3A_475 = arith.constant 16 : i32
      %mul3A_476 = arith.muli %scan3A_135, %mul3A_475 : i32
      %add3A_477 = arith.constant 15 : i32
      %add3A_478 = arith.addi %mul3A_476, %add3A_477 : i32
      %dma_start3A_479 = arith.constant 0 : i32
      %dma_start3A_480 = tpu.memref_slice %arg6[%add3A_478, %dma_start3A_479] : memref<400x64xf32, #tpu.memory_space<vmem>> -> memref<1x64xf32, #tpu.memory_space<vmem>>
      %dma_start3A_481 = tpu.memref_squeeze %dma_start3A_480 : memref<1x64xf32, #tpu.memory_space<vmem>> -> memref<64xf32, #tpu.memory_space<vmem>>
      %dma_start3A_482 = arith.constant 0 : i32
      %dma_start3A_483 = tpu.memref_slice %arg2[%shift_right_arithmetic3A_472, %and3A_474, %dma_start3A_482] : memref<125000x8x64xf32, #tpu.memory_space<hbm>> -> memref<1x1x64xf32, #tpu.memory_space<hbm>>
      %dma_start3A_484 = tpu.memref_squeeze %dma_start3A_483 : memref<1x1x64xf32, #tpu.memory_space<hbm>> -> memref<64xf32, #tpu.memory_space<hbm>>
      %dma_start3A_485 = arith.constant 0 : i32
      %dma_start3A_486 = tpu.memref_slice %arg6[%add3A_478, %dma_start3A_485] : memref<400x64xf32, #tpu.memory_space<vmem>> -> memref<1x64xf32, #tpu.memory_space<vmem>>
      %dma_start3A_487 = tpu.memref_squeeze %dma_start3A_486 : memref<1x64xf32, #tpu.memory_space<vmem>> -> memref<64xf32, #tpu.memory_space<vmem>>
      %dma_start3A_488 = arith.constant 0 : i32
      %dma_start3A_489 = tpu.memref_slice %arg2[%shift_right_arithmetic3A_472, %and3A_474, %dma_start3A_488] : memref<125000x8x64xf32, #tpu.memory_space<hbm>> -> memref<1x1x64xf32, #tpu.memory_space<hbm>>
      %dma_start3A_490 = tpu.memref_squeeze %dma_start3A_489 : memref<1x1x64xf32, #tpu.memory_space<hbm>> -> memref<64xf32, #tpu.memory_space<hbm>>
      tpu.enqueue_dma source(%dma_start3A_490 : memref<64xf32, #tpu.memory_space<hbm>>) target(%dma_start3A_487 : memref<64xf32, #tpu.memory_space<vmem>>) target_semaphore(%arg8 : memref<!tpu.dma_semaphore, #tpu.memory_space<semaphore_mem>>)
      %scan3A_491 = arith.constant 0 : i32
      scf.yield %scan3A_491 : i32
    }
    %scan3A_8 = arith.constant 25 : i32
    %scan3A_9 = arith.constant 0 : i32
    %scan3A_10 = arith.constant 0 : i32
    %scan3A_11 = arith.constant 25 : i32
    %scan3A_12 = arith.addi %scan3A_10, %scan3A_11 : i32
    %scan3A_13 = arith.constant 1 : i32
    %scan3A_14 = scf.for %scan3A_135 = %scan3A_10 to %scan3A_12 step %scan3A_13 iter_args(%scan3A_136 = %scan3A_9) -> (i32)  : i32 {
      %mul3A_137 = arith.constant 16 : i32
      %mul3A_138 = arith.muli %scan3A_135, %mul3A_137 : i32
      %add3A_139 = arith.constant 400 : i32
      %add3A_140 = arith.addi %add3A_139, %mul3A_138 : i32
      %get3A = arith.index_cast %add3A_140 : i32 to index
      %get3A_141 = tpu.vector_load %arg5[%get3A] {strides = array<i32>} : memref<6400xi32, #tpu.memory_space<vmem>>, vector<16xi32>,
      %get3A_142 = vector.shape_cast %get3A_141 : vector<16xi32> to vector<16xi32>
      %slice3A = vector.extract_strided_slice %get3A_142 {offsets = [0], sizes = [1], strides = [1]} : vector<16xi32> to vector<1xi32>
      %squeeze3A = vector.extract %slice3A[0] : i32 from vector<1xi32>
      %shift_right_arithmetic3A = arith.constant 3 : i32
      %shift_right_arithmetic3A_143 = arith.shrsi %squeeze3A, %shift_right_arithmetic3A : i32
      %and3A = arith.constant 7 : i32
      %and3A_144 = arith.andi %squeeze3A, %and3A : i32
      %mul3A_145 = arith.constant 16 : i32
      %mul3A_146 = arith.muli %scan3A_135, %mul3A_145 : i32
      %add3A_147 = arith.constant 0 : i32
      %add3A_148 = arith.addi %mul3A_146, %add3A_147 : i32
      %dma_start3A_149 = arith.constant 0 : i32
      %dma_start3A_150 = tpu.memref_slice %arg7[%add3A_148, %dma_start3A_149] : memref<400x64xf32, #tpu.memory_space<vmem>> -> memref<1x64xf32, #tpu.memory_space<vmem>>
      %dma_start3A_151 = tpu.memref_squeeze %dma_start3A_150 : memref<1x64xf32, #tpu.memory_space<vmem>> -> memref<64xf32, #tpu.memory_space<vmem>>
      %dma_start3A_152 = arith.constant 0 : i32
      %dma_start3A_153 = tpu.memref_slice %arg2[%shift_right_arithmetic3A_143, %and3A_144, %dma_start3A_152] : memref<125000x8x64xf32, #tpu.memory_space<hbm>> -> memref<1x1x64xf32, #tpu.memory_space<hbm>>
      %dma_start3A_154 = tpu.memref_squeeze %dma_start3A_153 : memref<1x1x64xf32, #tpu.memory_space<hbm>> -> memref<64xf32, #tpu.memory_space<hbm>>
      %dma_start3A_155 = arith.constant 0 : i32
      %dma_start3A_156 = tpu.memref_slice %arg7[%add3A_148, %dma_start3A_155] : memref<400x64xf32, #tpu.memory_space<vmem>> -> memref<1x64xf32, #tpu.memory_space<vmem>>
      %dma_start3A_157 = tpu.memref_squeeze %dma_start3A_156 : memref<1x64xf32, #tpu.memory_space<vmem>> -> memref<64xf32, #tpu.memory_space<vmem>>
      %dma_start3A_158 = arith.constant 0 : i32
      %dma_start3A_159 = tpu.memref_slice %arg2[%shift_right_arithmetic3A_143, %and3A_144, %dma_start3A_158] : memref<125000x8x64xf32, #tpu.memory_space<hbm>> -> memref<1x1x64xf32, #tpu.memory_space<hbm>>
      %dma_start3A_160 = tpu.memref_squeeze %dma_start3A_159 : memref<1x1x64xf32, #tpu.memory_space<hbm>> -> memref<64xf32, #tpu.memory_space<hbm>>
      tpu.enqueue_dma source(%dma_start3A_160 : memref<64xf32, #tpu.memory_space<hbm>>) target(%dma_start3A_157 : memref<64xf32, #tpu.memory_space<vmem>>) target_semaphore(%arg9 : memref<!tpu.dma_semaphore, #tpu.memory_space<semaphore_mem>>)
      %slice3A_161 = vector.extract_strided_slice %get3A_142 {offsets = [1], sizes = [1], strides = [1]} : vector<16xi32> to vector<1xi32>
      %squeeze3A_162 = vector.extract %slice3A_161[0] : i32 from vector<1xi32>
      %shift_right_arithmetic3A_163 = arith.constant 3 : i32
      %shift_right_arithmetic3A_164 = arith.shrsi %squeeze3A_162, %shift_right_arithmetic3A_163 : i32
      %and3A_165 = arith.constant 7 : i32
      %and3A_166 = arith.andi %squeeze3A_162, %and3A_165 : i32
      %mul3A_167 = arith.constant 16 : i32
      %mul3A_168 = arith.muli %scan3A_135, %mul3A_167 : i32
      %add3A_169 = arith.constant 1 : i32
      %add3A_170 = arith.addi %mul3A_168, %add3A_169 : i32
      %dma_start3A_171 = arith.constant 0 : i32
      %dma_start3A_172 = tpu.memref_slice %arg7[%add3A_170, %dma_start3A_171] : memref<400x64xf32, #tpu.memory_space<vmem>> -> memref<1x64xf32, #tpu.memory_space<vmem>>
      %dma_start3A_173 = tpu.memref_squeeze %dma_start3A_172 : memref<1x64xf32, #tpu.memory_space<vmem>> -> memref<64xf32, #tpu.memory_space<vmem>>
      %dma_start3A_174 = arith.constant 0 : i32
      %dma_start3A_175 = tpu.memref_slice %arg2[%shift_right_arithmetic3A_164, %and3A_166, %dma_start3A_174] : memref<125000x8x64xf32, #tpu.memory_space<hbm>> -> memref<1x1x64xf32, #tpu.memory_space<hbm>>
      %dma_start3A_176 = tpu.memref_squeeze %dma_start3A_175 : memref<1x1x64xf32, #tpu.memory_space<hbm>> -> memref<64xf32, #tpu.memory_space<hbm>>
      %dma_start3A_177 = arith.constant 0 : i32
      %dma_start3A_178 = tpu.memref_slice %arg7[%add3A_170, %dma_start3A_177] : memref<400x64xf32, #tpu.memory_space<vmem>> -> memref<1x64xf32, #tpu.memory_space<vmem>>
      %dma_start3A_179 = tpu.memref_squeeze %dma_start3A_178 : memref<1x64xf32, #tpu.memory_space<vmem>> -> memref<64xf32, #tpu.memory_space<vmem>>
      %dma_start3A_180 = arith.constant 0 : i32
      %dma_start3A_181 = tpu.memref_slice %arg2[%shift_right_arithmetic3A_164, %and3A_166, %dma_start3A_180] : memref<125000x8x64xf32, #tpu.memory_space<hbm>> -> memref<1x1x64xf32, #tpu.memory_space<hbm>>
      %dma_start3A_182 = tpu.memref_squeeze %dma_start3A_181 : memref<1x1x64xf32, #tpu.memory_space<hbm>> -> memref<64xf32, #tpu.memory_space<hbm>>
      tpu.enqueue_dma source(%dma_start3A_182 : memref<64xf32, #tpu.memory_space<hbm>>) target(%dma_start3A_179 : memref<64xf32, #tpu.memory_space<vmem>>) target_semaphore(%arg9 : memref<!tpu.dma_semaphore, #tpu.memory_space<semaphore_mem>>)
      %slice3A_183 = vector.extract_strided_slice %get3A_142 {offsets = [2], sizes = [1], strides = [1]} : vector<16xi32> to vector<1xi32>
      %squeeze3A_184 = vector.extract %slice3A_183[0] : i32 from vector<1xi32>
      %shift_right_arithmetic3A_185 = arith.constant 3 : i32
      %shift_right_arithmetic3A_186 = arith.shrsi %squeeze3A_184, %shift_right_arithmetic3A_185 : i32
      %and3A_187 = arith.constant 7 : i32
      %and3A_188 = arith.andi %squeeze3A_184, %and3A_187 : i32
      %mul3A_189 = arith.constant 16 : i32
      %mul3A_190 = arith.muli %scan3A_135, %mul3A_189 : i32
      %add3A_191 = arith.constant 2 : i32
      %add3A_192 = arith.addi %mul3A_190, %add3A_191 : i32
      %dma_start3A_193 = arith.constant 0 : i32
      %dma_start3A_194 = tpu.memref_slice %arg7[%add3A_192, %dma_start3A_193] : memref<400x64xf32, #tpu.memory_space<vmem>> -> memref<1x64xf32, #tpu.memory_space<vmem>>
      %dma_start3A_195 = tpu.memref_squeeze %dma_start3A_194 : memref<1x64xf32, #tpu.memory_space<vmem>> -> memref<64xf32, #tpu.memory_space<vmem>>
      %dma_start3A_196 = arith.constant 0 : i32
      %dma_start3A_197 = tpu.memref_slice %arg2[%shift_right_arithmetic3A_186, %and3A_188, %dma_start3A_196] : memref<125000x8x64xf32, #tpu.memory_space<hbm>> -> memref<1x1x64xf32, #tpu.memory_space<hbm>>
      %dma_start3A_198 = tpu.memref_squeeze %dma_start3A_197 : memref<1x1x64xf32, #tpu.memory_space<hbm>> -> memref<64xf32, #tpu.memory_space<hbm>>
      %dma_start3A_199 = arith.constant 0 : i32
      %dma_start3A_200 = tpu.memref_slice %arg7[%add3A_192, %dma_start3A_199] : memref<400x64xf32, #tpu.memory_space<vmem>> -> memref<1x64xf32, #tpu.memory_space<vmem>>
      %dma_start3A_201 = tpu.memref_squeeze %dma_start3A_200 : memref<1x64xf32, #tpu.memory_space<vmem>> -> memref<64xf32, #tpu.memory_space<vmem>>
      %dma_start3A_202 = arith.constant 0 : i32
      %dma_start3A_203 = tpu.memref_slice %arg2[%shift_right_arithmetic3A_186, %and3A_188, %dma_start3A_202] : memref<125000x8x64xf32, #tpu.memory_space<hbm>> -> memref<1x1x64xf32, #tpu.memory_space<hbm>>
      %dma_start3A_204 = tpu.memref_squeeze %dma_start3A_203 : memref<1x1x64xf32, #tpu.memory_space<hbm>> -> memref<64xf32, #tpu.memory_space<hbm>>
      tpu.enqueue_dma source(%dma_start3A_204 : memref<64xf32, #tpu.memory_space<hbm>>) target(%dma_start3A_201 : memref<64xf32, #tpu.memory_space<vmem>>) target_semaphore(%arg9 : memref<!tpu.dma_semaphore, #tpu.memory_space<semaphore_mem>>)
      %slice3A_205 = vector.extract_strided_slice %get3A_142 {offsets = [3], sizes = [1], strides = [1]} : vector<16xi32> to vector<1xi32>
      %squeeze3A_206 = vector.extract %slice3A_205[0] : i32 from vector<1xi32>
      %shift_right_arithmetic3A_207 = arith.constant 3 : i32
      %shift_right_arithmetic3A_208 = arith.shrsi %squeeze3A_206, %shift_right_arithmetic3A_207 : i32
      %and3A_209 = arith.constant 7 : i32
      %and3A_210 = arith.andi %squeeze3A_206, %and3A_209 : i32
      %mul3A_211 = arith.constant 16 : i32
      %mul3A_212 = arith.muli %scan3A_135, %mul3A_211 : i32
      %add3A_213 = arith.constant 3 : i32
      %add3A_214 = arith.addi %mul3A_212, %add3A_213 : i32
      %dma_start3A_215 = arith.constant 0 : i32
      %dma_start3A_216 = tpu.memref_slice %arg7[%add3A_214, %dma_start3A_215] : memref<400x64xf32, #tpu.memory_space<vmem>> -> memref<1x64xf32, #tpu.memory_space<vmem>>
      %dma_start3A_217 = tpu.memref_squeeze %dma_start3A_216 : memref<1x64xf32, #tpu.memory_space<vmem>> -> memref<64xf32, #tpu.memory_space<vmem>>
      %dma_start3A_218 = arith.constant 0 : i32
      %dma_start3A_219 = tpu.memref_slice %arg2[%shift_right_arithmetic3A_208, %and3A_210, %dma_start3A_218] : memref<125000x8x64xf32, #tpu.memory_space<hbm>> -> memref<1x1x64xf32, #tpu.memory_space<hbm>>
      %dma_start3A_220 = tpu.memref_squeeze %dma_start3A_219 : memref<1x1x64xf32, #tpu.memory_space<hbm>> -> memref<64xf32, #tpu.memory_space<hbm>>
      %dma_start3A_221 = arith.constant 0 : i32
      %dma_start3A_222 = tpu.memref_slice %arg7[%add3A_214, %dma_start3A_221] : memref<400x64xf32, #tpu.memory_space<vmem>> -> memref<1x64xf32, #tpu.memory_space<vmem>>
      %dma_start3A_223 = tpu.memref_squeeze %dma_start3A_222 : memref<1x64xf32, #tpu.memory_space<vmem>> -> memref<64xf32, #tpu.memory_space<vmem>>
      %dma_start3A_224 = arith.constant 0 : i32
      %dma_start3A_225 = tpu.memref_slice %arg2[%shift_right_arithmetic3A_208, %and3A_210, %dma_start3A_224] : memref<125000x8x64xf32, #tpu.memory_space<hbm>> -> memref<1x1x64xf32, #tpu.memory_space<hbm>>
      %dma_start3A_226 = tpu.memref_squeeze %dma_start3A_225 : memref<1x1x64xf32, #tpu.memory_space<hbm>> -> memref<64xf32, #tpu.memory_space<hbm>>
      tpu.enqueue_dma source(%dma_start3A_226 : memref<64xf32, #tpu.memory_space<hbm>>) target(%dma_start3A_223 : memref<64xf32, #tpu.memory_space<vmem>>) target_semaphore(%arg9 : memref<!tpu.dma_semaphore, #tpu.memory_space<semaphore_mem>>)
      %slice3A_227 = vector.extract_strided_slice %get3A_142 {offsets = [4], sizes = [1], strides = [1]} : vector<16xi32> to vector<1xi32>
      %squeeze3A_228 = vector.extract %slice3A_227[0] : i32 from vector<1xi32>
      %shift_right_arithmetic3A_229 = arith.constant 3 : i32
      %shift_right_arithmetic3A_230 = arith.shrsi %squeeze3A_228, %shift_right_arithmetic3A_229 : i32
      %and3A_231 = arith.constant 7 : i32
      %and3A_232 = arith.andi %squeeze3A_228, %and3A_231 : i32
      %mul3A_233 = arith.constant 16 : i32
      %mul3A_234 = arith.muli %scan3A_135, %mul3A_233 : i32
      %add3A_235 = arith.constant 4 : i32
      %add3A_236 = arith.addi %mul3A_234, %add3A_235 : i32
      %dma_start3A_237 = arith.constant 0 : i32
      %dma_start3A_238 = tpu.memref_slice %arg7[%add3A_236, %dma_start3A_237] : memref<400x64xf32, #tpu.memory_space<vmem>> -> memref<1x64xf32, #tpu.memory_space<vmem>>
      %dma_start3A_239 = tpu.memref_squeeze %dma_start3A_238 : memref<1x64xf32, #tpu.memory_space<vmem>> -> memref<64xf32, #tpu.memory_space<vmem>>
      %dma_start3A_240 = arith.constant 0 : i32
      %dma_start3A_241 = tpu.memref_slice %arg2[%shift_right_arithmetic3A_230, %and3A_232, %dma_start3A_240] : memref<125000x8x64xf32, #tpu.memory_space<hbm>> -> memref<1x1x64xf32, #tpu.memory_space<hbm>>
      %dma_start3A_242 = tpu.memref_squeeze %dma_start3A_241 : memref<1x1x64xf32, #tpu.memory_space<hbm>> -> memref<64xf32, #tpu.memory_space<hbm>>
      %dma_start3A_243 = arith.constant 0 : i32
      %dma_start3A_244 = tpu.memref_slice %arg7[%add3A_236, %dma_start3A_243] : memref<400x64xf32, #tpu.memory_space<vmem>> -> memref<1x64xf32, #tpu.memory_space<vmem>>
      %dma_start3A_245 = tpu.memref_squeeze %dma_start3A_244 : memref<1x64xf32, #tpu.memory_space<vmem>> -> memref<64xf32, #tpu.memory_space<vmem>>
      %dma_start3A_246 = arith.constant 0 : i32
      %dma_start3A_247 = tpu.memref_slice %arg2[%shift_right_arithmetic3A_230, %and3A_232, %dma_start3A_246] : memref<125000x8x64xf32, #tpu.memory_space<hbm>> -> memref<1x1x64xf32, #tpu.memory_space<hbm>>
      %dma_start3A_248 = tpu.memref_squeeze %dma_start3A_247 : memref<1x1x64xf32, #tpu.memory_space<hbm>> -> memref<64xf32, #tpu.memory_space<hbm>>
      tpu.enqueue_dma source(%dma_start3A_248 : memref<64xf32, #tpu.memory_space<hbm>>) target(%dma_start3A_245 : memref<64xf32, #tpu.memory_space<vmem>>) target_semaphore(%arg9 : memref<!tpu.dma_semaphore, #tpu.memory_space<semaphore_mem>>)
      %slice3A_249 = vector.extract_strided_slice %get3A_142 {offsets = [5], sizes = [1], strides = [1]} : vector<16xi32> to vector<1xi32>
      %squeeze3A_250 = vector.extract %slice3A_249[0] : i32 from vector<1xi32>
      %shift_right_arithmetic3A_251 = arith.constant 3 : i32
      %shift_right_arithmetic3A_252 = arith.shrsi %squeeze3A_250, %shift_right_arithmetic3A_251 : i32
      %and3A_253 = arith.constant 7 : i32
      %and3A_254 = arith.andi %squeeze3A_250, %and3A_253 : i32
      %mul3A_255 = arith.constant 16 : i32
      %mul3A_256 = arith.muli %scan3A_135, %mul3A_255 : i32
      %add3A_257 = arith.constant 5 : i32
      %add3A_258 = arith.addi %mul3A_256, %add3A_257 : i32
      %dma_start3A_259 = arith.constant 0 : i32
      %dma_start3A_260 = tpu.memref_slice %arg7[%add3A_258, %dma_start3A_259] : memref<400x64xf32, #tpu.memory_space<vmem>> -> memref<1x64xf32, #tpu.memory_space<vmem>>
      %dma_start3A_261 = tpu.memref_squeeze %dma_start3A_260 : memref<1x64xf32, #tpu.memory_space<vmem>> -> memref<64xf32, #tpu.memory_space<vmem>>
      %dma_start3A_262 = arith.constant 0 : i32
      %dma_start3A_263 = tpu.memref_slice %arg2[%shift_right_arithmetic3A_252, %and3A_254, %dma_start3A_262] : memref<125000x8x64xf32, #tpu.memory_space<hbm>> -> memref<1x1x64xf32, #tpu.memory_space<hbm>>
      %dma_start3A_264 = tpu.memref_squeeze %dma_start3A_263 : memref<1x1x64xf32, #tpu.memory_space<hbm>> -> memref<64xf32, #tpu.memory_space<hbm>>
      %dma_start3A_265 = arith.constant 0 : i32
      %dma_start3A_266 = tpu.memref_slice %arg7[%add3A_258, %dma_start3A_265] : memref<400x64xf32, #tpu.memory_space<vmem>> -> memref<1x64xf32, #tpu.memory_space<vmem>>
      %dma_start3A_267 = tpu.memref_squeeze %dma_start3A_266 : memref<1x64xf32, #tpu.memory_space<vmem>> -> memref<64xf32, #tpu.memory_space<vmem>>
      %dma_start3A_268 = arith.constant 0 : i32
      %dma_start3A_269 = tpu.memref_slice %arg2[%shift_right_arithmetic3A_252, %and3A_254, %dma_start3A_268] : memref<125000x8x64xf32, #tpu.memory_space<hbm>> -> memref<1x1x64xf32, #tpu.memory_space<hbm>>
      %dma_start3A_270 = tpu.memref_squeeze %dma_start3A_269 : memref<1x1x64xf32, #tpu.memory_space<hbm>> -> memref<64xf32, #tpu.memory_space<hbm>>
      tpu.enqueue_dma source(%dma_start3A_270 : memref<64xf32, #tpu.memory_space<hbm>>) target(%dma_start3A_267 : memref<64xf32, #tpu.memory_space<vmem>>) target_semaphore(%arg9 : memref<!tpu.dma_semaphore, #tpu.memory_space<semaphore_mem>>)
      %slice3A_271 = vector.extract_strided_slice %get3A_142 {offsets = [6], sizes = [1], strides = [1]} : vector<16xi32> to vector<1xi32>
      %squeeze3A_272 = vector.extract %slice3A_271[0] : i32 from vector<1xi32>
      %shift_right_arithmetic3A_273 = arith.constant 3 : i32
      %shift_right_arithmetic3A_274 = arith.shrsi %squeeze3A_272, %shift_right_arithmetic3A_273 : i32
      %and3A_275 = arith.constant 7 : i32
      %and3A_276 = arith.andi %squeeze3A_272, %and3A_275 : i32
      %mul3A_277 = arith.constant 16 : i32
      %mul3A_278 = arith.muli %scan3A_135, %mul3A_277 : i32
      %add3A_279 = arith.constant 6 : i32
      %add3A_280 = arith.addi %mul3A_278, %add3A_279 : i32
      %dma_start3A_281 = arith.constant 0 : i32
      %dma_start3A_282 = tpu.memref_slice %arg7[%add3A_280, %dma_start3A_281] : memref<400x64xf32, #tpu.memory_space<vmem>> -> memref<1x64xf32, #tpu.memory_space<vmem>>
      %dma_start3A_283 = tpu.memref_squeeze %dma_start3A_282 : memref<1x64xf32, #tpu.memory_space<vmem>> -> memref<64xf32, #tpu.memory_space<vmem>>
      %dma_start3A_284 = arith.constant 0 : i32
      %dma_start3A_285 = tpu.memref_slice %arg2[%shift_right_arithmetic3A_274, %and3A_276, %dma_start3A_284] : memref<125000x8x64xf32, #tpu.memory_space<hbm>> -> memref<1x1x64xf32, #tpu.memory_space<hbm>>
      %dma_start3A_286 = tpu.memref_squeeze %dma_start3A_285 : memref<1x1x64xf32, #tpu.memory_space<hbm>> -> memref<64xf32, #tpu.memory_space<hbm>>
      %dma_start3A_287 = arith.constant 0 : i32
      %dma_start3A_288 = tpu.memref_slice %arg7[%add3A_280, %dma_start3A_287] : memref<400x64xf32, #tpu.memory_space<vmem>> -> memref<1x64xf32, #tpu.memory_space<vmem>>
      %dma_start3A_289 = tpu.memref_squeeze %dma_start3A_288 : memref<1x64xf32, #tpu.memory_space<vmem>> -> memref<64xf32, #tpu.memory_space<vmem>>
      %dma_start3A_290 = arith.constant 0 : i32
      %dma_start3A_291 = tpu.memref_slice %arg2[%shift_right_arithmetic3A_274, %and3A_276, %dma_start3A_290] : memref<125000x8x64xf32, #tpu.memory_space<hbm>> -> memref<1x1x64xf32, #tpu.memory_space<hbm>>
      %dma_start3A_292 = tpu.memref_squeeze %dma_start3A_291 : memref<1x1x64xf32, #tpu.memory_space<hbm>> -> memref<64xf32, #tpu.memory_space<hbm>>
      tpu.enqueue_dma source(%dma_start3A_292 : memref<64xf32, #tpu.memory_space<hbm>>) target(%dma_start3A_289 : memref<64xf32, #tpu.memory_space<vmem>>) target_semaphore(%arg9 : memref<!tpu.dma_semaphore, #tpu.memory_space<semaphore_mem>>)
      %slice3A_293 = vector.extract_strided_slice %get3A_142 {offsets = [7], sizes = [1], strides = [1]} : vector<16xi32> to vector<1xi32>
      %squeeze3A_294 = vector.extract %slice3A_293[0] : i32 from vector<1xi32>
      %shift_right_arithmetic3A_295 = arith.constant 3 : i32
      %shift_right_arithmetic3A_296 = arith.shrsi %squeeze3A_294, %shift_right_arithmetic3A_295 : i32
      %and3A_297 = arith.constant 7 : i32
      %and3A_298 = arith.andi %squeeze3A_294, %and3A_297 : i32
      %mul3A_299 = arith.constant 16 : i32
      %mul3A_300 = arith.muli %scan3A_135, %mul3A_299 : i32
      %add3A_301 = arith.constant 7 : i32
      %add3A_302 = arith.addi %mul3A_300, %add3A_301 : i32
      %dma_start3A_303 = arith.constant 0 : i32
      %dma_start3A_304 = tpu.memref_slice %arg7[%add3A_302, %dma_start3A_303] : memref<400x64xf32, #tpu.memory_space<vmem>> -> memref<1x64xf32, #tpu.memory_space<vmem>>
      %dma_start3A_305 = tpu.memref_squeeze %dma_start3A_304 : memref<1x64xf32, #tpu.memory_space<vmem>> -> memref<64xf32, #tpu.memory_space<vmem>>
      %dma_start3A_306 = arith.constant 0 : i32
      %dma_start3A_307 = tpu.memref_slice %arg2[%shift_right_arithmetic3A_296, %and3A_298, %dma_start3A_306] : memref<125000x8x64xf32, #tpu.memory_space<hbm>> -> memref<1x1x64xf32, #tpu.memory_space<hbm>>
      %dma_start3A_308 = tpu.memref_squeeze %dma_start3A_307 : memref<1x1x64xf32, #tpu.memory_space<hbm>> -> memref<64xf32, #tpu.memory_space<hbm>>
      %dma_start3A_309 = arith.constant 0 : i32
      %dma_start3A_310 = tpu.memref_slice %arg7[%add3A_302, %dma_start3A_309] : memref<400x64xf32, #tpu.memory_space<vmem>> -> memref<1x64xf32, #tpu.memory_space<vmem>>
      %dma_start3A_311 = tpu.memref_squeeze %dma_start3A_310 : memref<1x64xf32, #tpu.memory_space<vmem>> -> memref<64xf32, #tpu.memory_space<vmem>>
      %dma_start3A_312 = arith.constant 0 : i32
      %dma_start3A_313 = tpu.memref_slice %arg2[%shift_right_arithmetic3A_296, %and3A_298, %dma_start3A_312] : memref<125000x8x64xf32, #tpu.memory_space<hbm>> -> memref<1x1x64xf32, #tpu.memory_space<hbm>>
      %dma_start3A_314 = tpu.memref_squeeze %dma_start3A_313 : memref<1x1x64xf32, #tpu.memory_space<hbm>> -> memref<64xf32, #tpu.memory_space<hbm>>
      tpu.enqueue_dma source(%dma_start3A_314 : memref<64xf32, #tpu.memory_space<hbm>>) target(%dma_start3A_311 : memref<64xf32, #tpu.memory_space<vmem>>) target_semaphore(%arg9 : memref<!tpu.dma_semaphore, #tpu.memory_space<semaphore_mem>>)
      %slice3A_315 = vector.extract_strided_slice %get3A_142 {offsets = [8], sizes = [1], strides = [1]} : vector<16xi32> to vector<1xi32>
      %squeeze3A_316 = vector.extract %slice3A_315[0] : i32 from vector<1xi32>
      %shift_right_arithmetic3A_317 = arith.constant 3 : i32
      %shift_right_arithmetic3A_318 = arith.shrsi %squeeze3A_316, %shift_right_arithmetic3A_317 : i32
      %and3A_319 = arith.constant 7 : i32
      %and3A_320 = arith.andi %squeeze3A_316, %and3A_319 : i32
      %mul3A_321 = arith.constant 16 : i32
      %mul3A_322 = arith.muli %scan3A_135, %mul3A_321 : i32
      %add3A_323 = arith.constant 8 : i32
      %add3A_324 = arith.addi %mul3A_322, %add3A_323 : i32
      %dma_start3A_325 = arith.constant 0 : i32
      %dma_start3A_326 = tpu.memref_slice %arg7[%add3A_324, %dma_start3A_325] : memref<400x64xf32, #tpu.memory_space<vmem>> -> memref<1x64xf32, #tpu.memory_space<vmem>>
      %dma_start3A_327 = tpu.memref_squeeze %dma_start3A_326 : memref<1x64xf32, #tpu.memory_space<vmem>> -> memref<64xf32, #tpu.memory_space<vmem>>
      %dma_start3A_328 = arith.constant 0 : i32
      %dma_start3A_329 = tpu.memref_slice %arg2[%shift_right_arithmetic3A_318, %and3A_320, %dma_start3A_328] : memref<125000x8x64xf32, #tpu.memory_space<hbm>> -> memref<1x1x64xf32, #tpu.memory_space<hbm>>
      %dma_start3A_330 = tpu.memref_squeeze %dma_start3A_329 : memref<1x1x64xf32, #tpu.memory_space<hbm>> -> memref<64xf32, #tpu.memory_space<hbm>>
      %dma_start3A_331 = arith.constant 0 : i32
      %dma_start3A_332 = tpu.memref_slice %arg7[%add3A_324, %dma_start3A_331] : memref<400x64xf32, #tpu.memory_space<vmem>> -> memref<1x64xf32, #tpu.memory_space<vmem>>
      %dma_start3A_333 = tpu.memref_squeeze %dma_start3A_332 : memref<1x64xf32, #tpu.memory_space<vmem>> -> memref<64xf32, #tpu.memory_space<vmem>>
      %dma_start3A_334 = arith.constant 0 : i32
      %dma_start3A_335 = tpu.memref_slice %arg2[%shift_right_arithmetic3A_318, %and3A_320, %dma_start3A_334] : memref<125000x8x64xf32, #tpu.memory_space<hbm>> -> memref<1x1x64xf32, #tpu.memory_space<hbm>>
      %dma_start3A_336 = tpu.memref_squeeze %dma_start3A_335 : memref<1x1x64xf32, #tpu.memory_space<hbm>> -> memref<64xf32, #tpu.memory_space<hbm>>
      tpu.enqueue_dma source(%dma_start3A_336 : memref<64xf32, #tpu.memory_space<hbm>>) target(%dma_start3A_333 : memref<64xf32, #tpu.memory_space<vmem>>) target_semaphore(%arg9 : memref<!tpu.dma_semaphore, #tpu.memory_space<semaphore_mem>>)
      %slice3A_337 = vector.extract_strided_slice %get3A_142 {offsets = [9], sizes = [1], strides = [1]} : vector<16xi32> to vector<1xi32>
      %squeeze3A_338 = vector.extract %slice3A_337[0] : i32 from vector<1xi32>
      %shift_right_arithmetic3A_339 = arith.constant 3 : i32
      %shift_right_arithmetic3A_340 = arith.shrsi %squeeze3A_338, %shift_right_arithmetic3A_339 : i32
      %and3A_341 = arith.constant 7 : i32
      %and3A_342 = arith.andi %squeeze3A_338, %and3A_341 : i32
      %mul3A_343 = arith.constant 16 : i32
      %mul3A_344 = arith.muli %scan3A_135, %mul3A_343 : i32
      %add3A_345 = arith.constant 9 : i32
      %add3A_346 = arith.addi %mul3A_344, %add3A_345 : i32
      %dma_start3A_347 = arith.constant 0 : i32
      %dma_start3A_348 = tpu.memref_slice %arg7[%add3A_346, %dma_start3A_347] : memref<400x64xf32, #tpu.memory_space<vmem>> -> memref<1x64xf32, #tpu.memory_space<vmem>>
      %dma_start3A_349 = tpu.memref_squeeze %dma_start3A_348 : memref<1x64xf32, #tpu.memory_space<vmem>> -> memref<64xf32, #tpu.memory_space<vmem>>
      %dma_start3A_350 = arith.constant 0 : i32
      %dma_start3A_351 = tpu.memref_slice %arg2[%shift_right_arithmetic3A_340, %and3A_342, %dma_start3A_350] : memref<125000x8x64xf32, #tpu.memory_space<hbm>> -> memref<1x1x64xf32, #tpu.memory_space<hbm>>
      %dma_start3A_352 = tpu.memref_squeeze %dma_start3A_351 : memref<1x1x64xf32, #tpu.memory_space<hbm>> -> memref<64xf32, #tpu.memory_space<hbm>>
      %dma_start3A_353 = arith.constant 0 : i32
      %dma_start3A_354 = tpu.memref_slice %arg7[%add3A_346, %dma_start3A_353] : memref<400x64xf32, #tpu.memory_space<vmem>> -> memref<1x64xf32, #tpu.memory_space<vmem>>
      %dma_start3A_355 = tpu.memref_squeeze %dma_start3A_354 : memref<1x64xf32, #tpu.memory_space<vmem>> -> memref<64xf32, #tpu.memory_space<vmem>>
      %dma_start3A_356 = arith.constant 0 : i32
      %dma_start3A_357 = tpu.memref_slice %arg2[%shift_right_arithmetic3A_340, %and3A_342, %dma_start3A_356] : memref<125000x8x64xf32, #tpu.memory_space<hbm>> -> memref<1x1x64xf32, #tpu.memory_space<hbm>>
      %dma_start3A_358 = tpu.memref_squeeze %dma_start3A_357 : memref<1x1x64xf32, #tpu.memory_space<hbm>> -> memref<64xf32, #tpu.memory_space<hbm>>
      tpu.enqueue_dma source(%dma_start3A_358 : memref<64xf32, #tpu.memory_space<hbm>>) target(%dma_start3A_355 : memref<64xf32, #tpu.memory_space<vmem>>) target_semaphore(%arg9 : memref<!tpu.dma_semaphore, #tpu.memory_space<semaphore_mem>>)
      %slice3A_359 = vector.extract_strided_slice %get3A_142 {offsets = [10], sizes = [1], strides = [1]} : vector<16xi32> to vector<1xi32>
      %squeeze3A_360 = vector.extract %slice3A_359[0] : i32 from vector<1xi32>
      %shift_right_arithmetic3A_361 = arith.constant 3 : i32
      %shift_right_arithmetic3A_362 = arith.shrsi %squeeze3A_360, %shift_right_arithmetic3A_361 : i32
      %and3A_363 = arith.constant 7 : i32
      %and3A_364 = arith.andi %squeeze3A_360, %and3A_363 : i32
      %mul3A_365 = arith.constant 16 : i32
      %mul3A_366 = arith.muli %scan3A_135, %mul3A_365 : i32
      %add3A_367 = arith.constant 10 : i32
      %add3A_368 = arith.addi %mul3A_366, %add3A_367 : i32
      %dma_start3A_369 = arith.constant 0 : i32
      %dma_start3A_370 = tpu.memref_slice %arg7[%add3A_368, %dma_start3A_369] : memref<400x64xf32, #tpu.memory_space<vmem>> -> memref<1x64xf32, #tpu.memory_space<vmem>>
      %dma_start3A_371 = tpu.memref_squeeze %dma_start3A_370 : memref<1x64xf32, #tpu.memory_space<vmem>> -> memref<64xf32, #tpu.memory_space<vmem>>
      %dma_start3A_372 = arith.constant 0 : i32
      %dma_start3A_373 = tpu.memref_slice %arg2[%shift_right_arithmetic3A_362, %and3A_364, %dma_start3A_372] : memref<125000x8x64xf32, #tpu.memory_space<hbm>> -> memref<1x1x64xf32, #tpu.memory_space<hbm>>
      %dma_start3A_374 = tpu.memref_squeeze %dma_start3A_373 : memref<1x1x64xf32, #tpu.memory_space<hbm>> -> memref<64xf32, #tpu.memory_space<hbm>>
      %dma_start3A_375 = arith.constant 0 : i32
      %dma_start3A_376 = tpu.memref_slice %arg7[%add3A_368, %dma_start3A_375] : memref<400x64xf32, #tpu.memory_space<vmem>> -> memref<1x64xf32, #tpu.memory_space<vmem>>
      %dma_start3A_377 = tpu.memref_squeeze %dma_start3A_376 : memref<1x64xf32, #tpu.memory_space<vmem>> -> memref<64xf32, #tpu.memory_space<vmem>>
      %dma_start3A_378 = arith.constant 0 : i32
      %dma_start3A_379 = tpu.memref_slice %arg2[%shift_right_arithmetic3A_362, %and3A_364, %dma_start3A_378] : memref<125000x8x64xf32, #tpu.memory_space<hbm>> -> memref<1x1x64xf32, #tpu.memory_space<hbm>>
      %dma_start3A_380 = tpu.memref_squeeze %dma_start3A_379 : memref<1x1x64xf32, #tpu.memory_space<hbm>> -> memref<64xf32, #tpu.memory_space<hbm>>
      tpu.enqueue_dma source(%dma_start3A_380 : memref<64xf32, #tpu.memory_space<hbm>>) target(%dma_start3A_377 : memref<64xf32, #tpu.memory_space<vmem>>) target_semaphore(%arg9 : memref<!tpu.dma_semaphore, #tpu.memory_space<semaphore_mem>>)
      %slice3A_381 = vector.extract_strided_slice %get3A_142 {offsets = [11], sizes = [1], strides = [1]} : vector<16xi32> to vector<1xi32>
      %squeeze3A_382 = vector.extract %slice3A_381[0] : i32 from vector<1xi32>
      %shift_right_arithmetic3A_383 = arith.constant 3 : i32
      %shift_right_arithmetic3A_384 = arith.shrsi %squeeze3A_382, %shift_right_arithmetic3A_383 : i32
      %and3A_385 = arith.constant 7 : i32
      %and3A_386 = arith.andi %squeeze3A_382, %and3A_385 : i32
      %mul3A_387 = arith.constant 16 : i32
      %mul3A_388 = arith.muli %scan3A_135, %mul3A_387 : i32
      %add3A_389 = arith.constant 11 : i32
      %add3A_390 = arith.addi %mul3A_388, %add3A_389 : i32
      %dma_start3A_391 = arith.constant 0 : i32
      %dma_start3A_392 = tpu.memref_slice %arg7[%add3A_390, %dma_start3A_391] : memref<400x64xf32, #tpu.memory_space<vmem>> -> memref<1x64xf32, #tpu.memory_space<vmem>>
      %dma_start3A_393 = tpu.memref_squeeze %dma_start3A_392 : memref<1x64xf32, #tpu.memory_space<vmem>> -> memref<64xf32, #tpu.memory_space<vmem>>
      %dma_start3A_394 = arith.constant 0 : i32
      %dma_start3A_395 = tpu.memref_slice %arg2[%shift_right_arithmetic3A_384, %and3A_386, %dma_start3A_394] : memref<125000x8x64xf32, #tpu.memory_space<hbm>> -> memref<1x1x64xf32, #tpu.memory_space<hbm>>
      %dma_start3A_396 = tpu.memref_squeeze %dma_start3A_395 : memref<1x1x64xf32, #tpu.memory_space<hbm>> -> memref<64xf32, #tpu.memory_space<hbm>>
      %dma_start3A_397 = arith.constant 0 : i32
      %dma_start3A_398 = tpu.memref_slice %arg7[%add3A_390, %dma_start3A_397] : memref<400x64xf32, #tpu.memory_space<vmem>> -> memref<1x64xf32, #tpu.memory_space<vmem>>
      %dma_start3A_399 = tpu.memref_squeeze %dma_start3A_398 : memref<1x64xf32, #tpu.memory_space<vmem>> -> memref<64xf32, #tpu.memory_space<vmem>>
      %dma_start3A_400 = arith.constant 0 : i32
      %dma_start3A_401 = tpu.memref_slice %arg2[%shift_right_arithmetic3A_384, %and3A_386, %dma_start3A_400] : memref<125000x8x64xf32, #tpu.memory_space<hbm>> -> memref<1x1x64xf32, #tpu.memory_space<hbm>>
      %dma_start3A_402 = tpu.memref_squeeze %dma_start3A_401 : memref<1x1x64xf32, #tpu.memory_space<hbm>> -> memref<64xf32, #tpu.memory_space<hbm>>
      tpu.enqueue_dma source(%dma_start3A_402 : memref<64xf32, #tpu.memory_space<hbm>>) target(%dma_start3A_399 : memref<64xf32, #tpu.memory_space<vmem>>) target_semaphore(%arg9 : memref<!tpu.dma_semaphore, #tpu.memory_space<semaphore_mem>>)
      %slice3A_403 = vector.extract_strided_slice %get3A_142 {offsets = [12], sizes = [1], strides = [1]} : vector<16xi32> to vector<1xi32>
      %squeeze3A_404 = vector.extract %slice3A_403[0] : i32 from vector<1xi32>
      %shift_right_arithmetic3A_405 = arith.constant 3 : i32
      %shift_right_arithmetic3A_406 = arith.shrsi %squeeze3A_404, %shift_right_arithmetic3A_405 : i32
      %and3A_407 = arith.constant 7 : i32
      %and3A_408 = arith.andi %squeeze3A_404, %and3A_407 : i32
      %mul3A_409 = arith.constant 16 : i32
      %mul3A_410 = arith.muli %scan3A_135, %mul3A_409 : i32
      %add3A_411 = arith.constant 12 : i32
      %add3A_412 = arith.addi %mul3A_410, %add3A_411 : i32
      %dma_start3A_413 = arith.constant 0 : i32
      %dma_start3A_414 = tpu.memref_slice %arg7[%add3A_412, %dma_start3A_413] : memref<400x64xf32, #tpu.memory_space<vmem>> -> memref<1x64xf32, #tpu.memory_space<vmem>>
      %dma_start3A_415 = tpu.memref_squeeze %dma_start3A_414 : memref<1x64xf32, #tpu.memory_space<vmem>> -> memref<64xf32, #tpu.memory_space<vmem>>
      %dma_start3A_416 = arith.constant 0 : i32
      %dma_start3A_417 = tpu.memref_slice %arg2[%shift_right_arithmetic3A_406, %and3A_408, %dma_start3A_416] : memref<125000x8x64xf32, #tpu.memory_space<hbm>> -> memref<1x1x64xf32, #tpu.memory_space<hbm>>
      %dma_start3A_418 = tpu.memref_squeeze %dma_start3A_417 : memref<1x1x64xf32, #tpu.memory_space<hbm>> -> memref<64xf32, #tpu.memory_space<hbm>>
      %dma_start3A_419 = arith.constant 0 : i32
      %dma_start3A_420 = tpu.memref_slice %arg7[%add3A_412, %dma_start3A_419] : memref<400x64xf32, #tpu.memory_space<vmem>> -> memref<1x64xf32, #tpu.memory_space<vmem>>
      %dma_start3A_421 = tpu.memref_squeeze %dma_start3A_420 : memref<1x64xf32, #tpu.memory_space<vmem>> -> memref<64xf32, #tpu.memory_space<vmem>>
      %dma_start3A_422 = arith.constant 0 : i32
      %dma_start3A_423 = tpu.memref_slice %arg2[%shift_right_arithmetic3A_406, %and3A_408, %dma_start3A_422] : memref<125000x8x64xf32, #tpu.memory_space<hbm>> -> memref<1x1x64xf32, #tpu.memory_space<hbm>>
      %dma_start3A_424 = tpu.memref_squeeze %dma_start3A_423 : memref<1x1x64xf32, #tpu.memory_space<hbm>> -> memref<64xf32, #tpu.memory_space<hbm>>
      tpu.enqueue_dma source(%dma_start3A_424 : memref<64xf32, #tpu.memory_space<hbm>>) target(%dma_start3A_421 : memref<64xf32, #tpu.memory_space<vmem>>) target_semaphore(%arg9 : memref<!tpu.dma_semaphore, #tpu.memory_space<semaphore_mem>>)
      %slice3A_425 = vector.extract_strided_slice %get3A_142 {offsets = [13], sizes = [1], strides = [1]} : vector<16xi32> to vector<1xi32>
      %squeeze3A_426 = vector.extract %slice3A_425[0] : i32 from vector<1xi32>
      %shift_right_arithmetic3A_427 = arith.constant 3 : i32
      %shift_right_arithmetic3A_428 = arith.shrsi %squeeze3A_426, %shift_right_arithmetic3A_427 : i32
      %and3A_429 = arith.constant 7 : i32
      %and3A_430 = arith.andi %squeeze3A_426, %and3A_429 : i32
      %mul3A_431 = arith.constant 16 : i32
      %mul3A_432 = arith.muli %scan3A_135, %mul3A_431 : i32
      %add3A_433 = arith.constant 13 : i32
      %add3A_434 = arith.addi %mul3A_432, %add3A_433 : i32
      %dma_start3A_435 = arith.constant 0 : i32
      %dma_start3A_436 = tpu.memref_slice %arg7[%add3A_434, %dma_start3A_435] : memref<400x64xf32, #tpu.memory_space<vmem>> -> memref<1x64xf32, #tpu.memory_space<vmem>>
      %dma_start3A_437 = tpu.memref_squeeze %dma_start3A_436 : memref<1x64xf32, #tpu.memory_space<vmem>> -> memref<64xf32, #tpu.memory_space<vmem>>
      %dma_start3A_438 = arith.constant 0 : i32
      %dma_start3A_439 = tpu.memref_slice %arg2[%shift_right_arithmetic3A_428, %and3A_430, %dma_start3A_438] : memref<125000x8x64xf32, #tpu.memory_space<hbm>> -> memref<1x1x64xf32, #tpu.memory_space<hbm>>
      %dma_start3A_440 = tpu.memref_squeeze %dma_start3A_439 : memref<1x1x64xf32, #tpu.memory_space<hbm>> -> memref<64xf32, #tpu.memory_space<hbm>>
      %dma_start3A_441 = arith.constant 0 : i32
      %dma_start3A_442 = tpu.memref_slice %arg7[%add3A_434, %dma_start3A_441] : memref<400x64xf32, #tpu.memory_space<vmem>> -> memref<1x64xf32, #tpu.memory_space<vmem>>
      %dma_start3A_443 = tpu.memref_squeeze %dma_start3A_442 : memref<1x64xf32, #tpu.memory_space<vmem>> -> memref<64xf32, #tpu.memory_space<vmem>>
      %dma_start3A_444 = arith.constant 0 : i32
      %dma_start3A_445 = tpu.memref_slice %arg2[%shift_right_arithmetic3A_428, %and3A_430, %dma_start3A_444] : memref<125000x8x64xf32, #tpu.memory_space<hbm>> -> memref<1x1x64xf32, #tpu.memory_space<hbm>>
      %dma_start3A_446 = tpu.memref_squeeze %dma_start3A_445 : memref<1x1x64xf32, #tpu.memory_space<hbm>> -> memref<64xf32, #tpu.memory_space<hbm>>
      tpu.enqueue_dma source(%dma_start3A_446 : memref<64xf32, #tpu.memory_space<hbm>>) target(%dma_start3A_443 : memref<64xf32, #tpu.memory_space<vmem>>) target_semaphore(%arg9 : memref<!tpu.dma_semaphore, #tpu.memory_space<semaphore_mem>>)
      %slice3A_447 = vector.extract_strided_slice %get3A_142 {offsets = [14], sizes = [1], strides = [1]} : vector<16xi32> to vector<1xi32>
      %squeeze3A_448 = vector.extract %slice3A_447[0] : i32 from vector<1xi32>
      %shift_right_arithmetic3A_449 = arith.constant 3 : i32
      %shift_right_arithmetic3A_450 = arith.shrsi %squeeze3A_448, %shift_right_arithmetic3A_449 : i32
      %and3A_451 = arith.constant 7 : i32
      %and3A_452 = arith.andi %squeeze3A_448, %and3A_451 : i32
      %mul3A_453 = arith.constant 16 : i32
      %mul3A_454 = arith.muli %scan3A_135, %mul3A_453 : i32
      %add3A_455 = arith.constant 14 : i32
      %add3A_456 = arith.addi %mul3A_454, %add3A_455 : i32
      %dma_start3A_457 = arith.constant 0 : i32
      %dma_start3A_458 = tpu.memref_slice %arg7[%add3A_456, %dma_start3A_457] : memref<400x64xf32, #tpu.memory_space<vmem>> -> memref<1x64xf32, #tpu.memory_space<vmem>>
      %dma_start3A_459 = tpu.memref_squeeze %dma_start3A_458 : memref<1x64xf32, #tpu.memory_space<vmem>> -> memref<64xf32, #tpu.memory_space<vmem>>
      %dma_start3A_460 = arith.constant 0 : i32
      %dma_start3A_461 = tpu.memref_slice %arg2[%shift_right_arithmetic3A_450, %and3A_452, %dma_start3A_460] : memref<125000x8x64xf32, #tpu.memory_space<hbm>> -> memref<1x1x64xf32, #tpu.memory_space<hbm>>
      %dma_start3A_462 = tpu.memref_squeeze %dma_start3A_461 : memref<1x1x64xf32, #tpu.memory_space<hbm>> -> memref<64xf32, #tpu.memory_space<hbm>>
      %dma_start3A_463 = arith.constant 0 : i32
      %dma_start3A_464 = tpu.memref_slice %arg7[%add3A_456, %dma_start3A_463] : memref<400x64xf32, #tpu.memory_space<vmem>> -> memref<1x64xf32, #tpu.memory_space<vmem>>
      %dma_start3A_465 = tpu.memref_squeeze %dma_start3A_464 : memref<1x64xf32, #tpu.memory_space<vmem>> -> memref<64xf32, #tpu.memory_space<vmem>>
      %dma_start3A_466 = arith.constant 0 : i32
      %dma_start3A_467 = tpu.memref_slice %arg2[%shift_right_arithmetic3A_450, %and3A_452, %dma_start3A_466] : memref<125000x8x64xf32, #tpu.memory_space<hbm>> -> memref<1x1x64xf32, #tpu.memory_space<hbm>>
      %dma_start3A_468 = tpu.memref_squeeze %dma_start3A_467 : memref<1x1x64xf32, #tpu.memory_space<hbm>> -> memref<64xf32, #tpu.memory_space<hbm>>
      tpu.enqueue_dma source(%dma_start3A_468 : memref<64xf32, #tpu.memory_space<hbm>>) target(%dma_start3A_465 : memref<64xf32, #tpu.memory_space<vmem>>) target_semaphore(%arg9 : memref<!tpu.dma_semaphore, #tpu.memory_space<semaphore_mem>>)
      %slice3A_469 = vector.extract_strided_slice %get3A_142 {offsets = [15], sizes = [1], strides = [1]} : vector<16xi32> to vector<1xi32>
      %squeeze3A_470 = vector.extract %slice3A_469[0] : i32 from vector<1xi32>
      %shift_right_arithmetic3A_471 = arith.constant 3 : i32
      %shift_right_arithmetic3A_472 = arith.shrsi %squeeze3A_470, %shift_right_arithmetic3A_471 : i32
      %and3A_473 = arith.constant 7 : i32
      %and3A_474 = arith.andi %squeeze3A_470, %and3A_473 : i32
      %mul3A_475 = arith.constant 16 : i32
      %mul3A_476 = arith.muli %scan3A_135, %mul3A_475 : i32
      %add3A_477 = arith.constant 15 : i32
      %add3A_478 = arith.addi %mul3A_476, %add3A_477 : i32
      %dma_start3A_479 = arith.constant 0 : i32
      %dma_start3A_480 = tpu.memref_slice %arg7[%add3A_478, %dma_start3A_479] : memref<400x64xf32, #tpu.memory_space<vmem>> -> memref<1x64xf32, #tpu.memory_space<vmem>>
      %dma_start3A_481 = tpu.memref_squeeze %dma_start3A_480 : memref<1x64xf32, #tpu.memory_space<vmem>> -> memref<64xf32, #tpu.memory_space<vmem>>
      %dma_start3A_482 = arith.constant 0 : i32
      %dma_start3A_483 = tpu.memref_slice %arg2[%shift_right_arithmetic3A_472, %and3A_474, %dma_start3A_482] : memref<125000x8x64xf32, #tpu.memory_space<hbm>> -> memref<1x1x64xf32, #tpu.memory_space<hbm>>
      %dma_start3A_484 = tpu.memref_squeeze %dma_start3A_483 : memref<1x1x64xf32, #tpu.memory_space<hbm>> -> memref<64xf32, #tpu.memory_space<hbm>>
      %dma_start3A_485 = arith.constant 0 : i32
      %dma_start3A_486 = tpu.memref_slice %arg7[%add3A_478, %dma_start3A_485] : memref<400x64xf32, #tpu.memory_space<vmem>> -> memref<1x64xf32, #tpu.memory_space<vmem>>
      %dma_start3A_487 = tpu.memref_squeeze %dma_start3A_486 : memref<1x64xf32, #tpu.memory_space<vmem>> -> memref<64xf32, #tpu.memory_space<vmem>>
      %dma_start3A_488 = arith.constant 0 : i32
      %dma_start3A_489 = tpu.memref_slice %arg2[%shift_right_arithmetic3A_472, %and3A_474, %dma_start3A_488] : memref<125000x8x64xf32, #tpu.memory_space<hbm>> -> memref<1x1x64xf32, #tpu.memory_space<hbm>>
      %dma_start3A_490 = tpu.memref_squeeze %dma_start3A_489 : memref<1x1x64xf32, #tpu.memory_space<hbm>> -> memref<64xf32, #tpu.memory_space<hbm>>
      tpu.enqueue_dma source(%dma_start3A_490 : memref<64xf32, #tpu.memory_space<hbm>>) target(%dma_start3A_487 : memref<64xf32, #tpu.memory_space<vmem>>) target_semaphore(%arg9 : memref<!tpu.dma_semaphore, #tpu.memory_space<semaphore_mem>>)
      %scan3A_491 = arith.constant 0 : i32
      scf.yield %scan3A_491 : i32
    }
    %scan3A_15 = arith.constant 25 : i32
    %dma_wait3A = arith.constant 0 : i32
    %dma_wait3A_16 = arith.constant 0 : i32
    %dma_wait3A_17 = tpu.memref_slice %arg4[%dma_wait3A, %dma_wait3A_16] : memref<204800x64xf32, #tpu.memory_space<hbm>> -> memref<400x64xf32, #tpu.memory_space<hbm>>
    %dma_wait3A_18 = arith.constant 0 : i32
    %dma_wait3A_19 = arith.constant 0 : i32
    %dma_wait3A_20 = tpu.memref_slice %arg4[%dma_wait3A_18, %dma_wait3A_19] : memref<204800x64xf32, #tpu.memory_space<hbm>> -> memref<400x64xf32, #tpu.memory_space<hbm>>
    tpu.wait_dma2 semaphore(%arg8 : memref<!tpu.dma_semaphore, #tpu.memory_space<semaphore_mem>>) src(%dma_wait3A_20 : memref<400x64xf32, #tpu.memory_space<hbm>>) dst(%arg6 : memref<400x64xf32, #tpu.memory_space<vmem>>)
    %scan3A_21 = arith.constant 0 : i32
    %scan3A_22 = arith.constant 0 : i32
    %scan3A_23 = arith.constant 400 : i32
    %scan3A_24 = arith.addi %scan3A_22, %scan3A_23 : i32
    %scan3A_25 = arith.constant 1 : i32
    %scan3A_26 = scf.for %scan3A_135 = %scan3A_22 to %scan3A_24 step %scan3A_25 iter_args(%scan3A_136 = %scan3A_21) -> (i32)  : i32 {
      %get3A = arith.index_cast %scan3A_135 : i32 to index
      %get3A_137 = arith.constant 0 : index
      %get3A_138 = tpu.vector_load %arg6[%get3A, %get3A_137] {strides = array<i32>} : memref<400x64xf32, #tpu.memory_space<vmem>>, vector<1x16xf32>,
      %get3A_139 = vector.shape_cast %get3A_138 : vector<1x16xf32> to vector<16xf32>
      %mul3A_140 = arith.constant 8.000000e+00 : f32
      %mul3A_141 = vector.broadcast %mul3A_140 : f32 to vector<16xf32>
      %mul3A_142 = arith.mulf %get3A_139, %mul3A_141 : vector<16xf32>
      %swap3A = arith.index_cast %scan3A_135 : i32 to index
      %swap3A_143 = arith.constant 0 : index
      %swap3A_144 = tpu.vector_load %arg6[%swap3A, %swap3A_143] {strides = array<i32>} : memref<400x64xf32, #tpu.memory_space<vmem>>, vector<1x16xf32>,
      %swap3A_145 = vector.shape_cast %swap3A_144 : vector<1x16xf32> to vector<16xf32>
      %swap3A_146 = vector.shape_cast %mul3A_142 : vector<16xf32> to vector<1x16xf32>
      tpu.vector_store %arg6[%swap3A, %swap3A_143], %swap3A_146 {strides = array<i32>} : memref<400x64xf32, #tpu.memory_space<vmem>>, vector<1x16xf32>,
      %get3A_147 = arith.index_cast %scan3A_135 : i32 to index
      %get3A_148 = arith.constant 16 : index
      %get3A_149 = tpu.vector_load %arg6[%get3A_147, %get3A_148] {strides = array<i32>} : memref<400x64xf32, #tpu.memory_space<vmem>>, vector<1x16xf32>,
      %get3A_150 = vector.shape_cast %get3A_149 : vector<1x16xf32> to vector<16xf32>
      %mul3A_151 = arith.constant 8.000000e+00 : f32
      %mul3A_152 = vector.broadcast %mul3A_151 : f32 to vector<16xf32>
      %mul3A_153 = arith.mulf %get3A_150, %mul3A_152 : vector<16xf32>
      %swap3A_154 = arith.index_cast %scan3A_135 : i32 to index
      %swap3A_155 = arith.constant 16 : index
      %swap3A_156 = tpu.vector_load %arg6[%swap3A_154, %swap3A_155] {strides = array<i32>} : memref<400x64xf32, #tpu.memory_space<vmem>>, vector<1x16xf32>,
      %swap3A_157 = vector.shape_cast %swap3A_156 : vector<1x16xf32> to vector<16xf32>
      %swap3A_158 = vector.shape_cast %mul3A_153 : vector<16xf32> to vector<1x16xf32>
      tpu.vector_store %arg6[%swap3A_154, %swap3A_155], %swap3A_158 {strides = array<i32>} : memref<400x64xf32, #tpu.memory_space<vmem>>, vector<1x16xf32>,
      %get3A_159 = arith.index_cast %scan3A_135 : i32 to index
      %get3A_160 = arith.constant 32 : index
      %get3A_161 = tpu.vector_load %arg6[%get3A_159, %get3A_160] {strides = array<i32>} : memref<400x64xf32, #tpu.memory_space<vmem>>, vector<1x16xf32>,
      %get3A_162 = vector.shape_cast %get3A_161 : vector<1x16xf32> to vector<16xf32>
      %mul3A_163 = arith.constant 8.000000e+00 : f32
      %mul3A_164 = vector.broadcast %mul3A_163 : f32 to vector<16xf32>
      %mul3A_165 = arith.mulf %get3A_162, %mul3A_164 : vector<16xf32>
      %swap3A_166 = arith.index_cast %scan3A_135 : i32 to index
      %swap3A_167 = arith.constant 32 : index
      %swap3A_168 = tpu.vector_load %arg6[%swap3A_166, %swap3A_167] {strides = array<i32>} : memref<400x64xf32, #tpu.memory_space<vmem>>, vector<1x16xf32>,
      %swap3A_169 = vector.shape_cast %swap3A_168 : vector<1x16xf32> to vector<16xf32>
      %swap3A_170 = vector.shape_cast %mul3A_165 : vector<16xf32> to vector<1x16xf32>
      tpu.vector_store %arg6[%swap3A_166, %swap3A_167], %swap3A_170 {strides = array<i32>} : memref<400x64xf32, #tpu.memory_space<vmem>>, vector<1x16xf32>,
      %get3A_171 = arith.index_cast %scan3A_135 : i32 to index
      %get3A_172 = arith.constant 48 : index
      %get3A_173 = tpu.vector_load %arg6[%get3A_171, %get3A_172] {strides = array<i32>} : memref<400x64xf32, #tpu.memory_space<vmem>>, vector<1x16xf32>,
      %get3A_174 = vector.shape_cast %get3A_173 : vector<1x16xf32> to vector<16xf32>
      %mul3A_175 = arith.constant 8.000000e+00 : f32
      %mul3A_176 = vector.broadcast %mul3A_175 : f32 to vector<16xf32>
      %mul3A_177 = arith.mulf %get3A_174, %mul3A_176 : vector<16xf32>
      %swap3A_178 = arith.index_cast %scan3A_135 : i32 to index
      %swap3A_179 = arith.constant 48 : index
      %swap3A_180 = tpu.vector_load %arg6[%swap3A_178, %swap3A_179] {strides = array<i32>} : memref<400x64xf32, #tpu.memory_space<vmem>>, vector<1x16xf32>,
      %swap3A_181 = vector.shape_cast %swap3A_180 : vector<1x16xf32> to vector<16xf32>
      %swap3A_182 = vector.shape_cast %mul3A_177 : vector<16xf32> to vector<1x16xf32>
      tpu.vector_store %arg6[%swap3A_178, %swap3A_179], %swap3A_182 {strides = array<i32>} : memref<400x64xf32, #tpu.memory_space<vmem>>, vector<1x16xf32>,
      %scan3A_183 = arith.constant 0 : i32
      scf.yield %scan3A_183 : i32
    }
    %scan3A_27 = arith.constant 400 : i32
    %add3A_28 = arith.constant 0 : i32
    %add3A_29 = arith.addi %mul3A_2, %add3A_28 : i32
    %dma_start3A = arith.constant 0 : i32
    %dma_start3A_30 = tpu.memref_slice %arg4[%add3A_29, %dma_start3A] : memref<204800x64xf32, #tpu.memory_space<hbm>> -> memref<400x64xf32, #tpu.memory_space<hbm>>
    %dma_start3A_31 = arith.constant 0 : i32
    %dma_start3A_32 = tpu.memref_slice %arg4[%add3A_29, %dma_start3A_31] : memref<204800x64xf32, #tpu.memory_space<hbm>> -> memref<400x64xf32, #tpu.memory_space<hbm>>
    tpu.enqueue_dma source(%arg6 : memref<400x64xf32, #tpu.memory_space<vmem>>) target(%dma_start3A_32 : memref<400x64xf32, #tpu.memory_space<hbm>>) target_semaphore(%arg10 : memref<!tpu.dma_semaphore, #tpu.memory_space<semaphore_mem>>)
    %dma_wait3A_33 = arith.constant 0 : i32
    %dma_wait3A_34 = arith.constant 0 : i32
    %dma_wait3A_35 = tpu.memref_slice %arg4[%dma_wait3A_33, %dma_wait3A_34] : memref<204800x64xf32, #tpu.memory_space<hbm>> -> memref<400x64xf32, #tpu.memory_space<hbm>>
    %dma_wait3A_36 = arith.constant 0 : i32
    %dma_wait3A_37 = arith.constant 0 : i32
    %dma_wait3A_38 = tpu.memref_slice %arg4[%dma_wait3A_36, %dma_wait3A_37] : memref<204800x64xf32, #tpu.memory_space<hbm>> -> memref<400x64xf32, #tpu.memory_space<hbm>>
    tpu.wait_dma2 semaphore(%arg10 : memref<!tpu.dma_semaphore, #tpu.memory_space<semaphore_mem>>) src(%dma_wait3A_38 : memref<400x64xf32, #tpu.memory_space<hbm>>) dst(%arg6 : memref<400x64xf32, #tpu.memory_space<vmem>>)
    %scan3A_39 = arith.constant 0 : i32
    %scan3A_40 = arith.constant 0 : i32
    %scan3A_41 = arith.constant 25 : i32
    %scan3A_42 = arith.addi %scan3A_40, %scan3A_41 : i32
    %scan3A_43 = arith.constant 1 : i32
    %scan3A_44 = scf.for %scan3A_135 = %scan3A_40 to %scan3A_42 step %scan3A_43 iter_args(%scan3A_136 = %scan3A_39) -> (i32)  : i32 {
      %mul3A_137 = arith.constant 16 : i32
      %mul3A_138 = arith.muli %scan3A_135, %mul3A_137 : i32
      %add3A_139 = arith.constant 800 : i32
      %add3A_140 = arith.addi %add3A_139, %mul3A_138 : i32
      %get3A = arith.index_cast %add3A_140 : i32 to index
      %get3A_141 = tpu.vector_load %arg5[%get3A] {strides = array<i32>} : memref<6400xi32, #tpu.memory_space<vmem>>, vector<16xi32>,
      %get3A_142 = vector.shape_cast %get3A_141 : vector<16xi32> to vector<16xi32>
      %slice3A = vector.extract_strided_slice %get3A_142 {offsets = [0], sizes = [1], strides = [1]} : vector<16xi32> to vector<1xi32>
      %squeeze3A = vector.extract %slice3A[0] : i32 from vector<1xi32>
      %shift_right_arithmetic3A = arith.constant 3 : i32
      %shift_right_arithmetic3A_143 = arith.shrsi %squeeze3A, %shift_right_arithmetic3A : i32
      %and3A = arith.constant 7 : i32
      %and3A_144 = arith.andi %squeeze3A, %and3A : i32
      %mul3A_145 = arith.constant 16 : i32
      %mul3A_146 = arith.muli %scan3A_135, %mul3A_145 : i32
      %add3A_147 = arith.constant 0 : i32
      %add3A_148 = arith.addi %mul3A_146, %add3A_147 : i32
      %dma_start3A_149 = arith.constant 0 : i32
      %dma_start3A_150 = tpu.memref_slice %arg6[%add3A_148, %dma_start3A_149] : memref<400x64xf32, #tpu.memory_space<vmem>> -> memref<1x64xf32, #tpu.memory_space<vmem>>
      %dma_start3A_151 = tpu.memref_squeeze %dma_start3A_150 : memref<1x64xf32, #tpu.memory_space<vmem>> -> memref<64xf32, #tpu.memory_space<vmem>>
      %dma_start3A_152 = arith.constant 0 : i32
      %dma_start3A_153 = tpu.memref_slice %arg2[%shift_right_arithmetic3A_143, %and3A_144, %dma_start3A_152] : memref<125000x8x64xf32, #tpu.memory_space<hbm>> -> memref<1x1x64xf32, #tpu.memory_space<hbm>>
      %dma_start3A_154 = tpu.memref_squeeze %dma_start3A_153 : memref<1x1x64xf32, #tpu.memory_space<hbm>> -> memref<64xf32, #tpu.memory_space<hbm>>
      %dma_start3A_155 = arith.constant 0 : i32
      %dma_start3A_156 = tpu.memref_slice %arg6[%add3A_148, %dma_start3A_155] : memref<400x64xf32, #tpu.memory_space<vmem>> -> memref<1x64xf32, #tpu.memory_space<vmem>>
      %dma_start3A_157 = tpu.memref_squeeze %dma_start3A_156 : memref<1x64xf32, #tpu.memory_space<vmem>> -> memref<64xf32, #tpu.memory_space<vmem>>
      %dma_start3A_158 = arith.constant 0 : i32
      %dma_start3A_159 = tpu.memref_slice %arg2[%shift_right_arithmetic3A_143, %and3A_144, %dma_start3A_158] : memref<125000x8x64xf32, #tpu.memory_space<hbm>> -> memref<1x1x64xf32, #tpu.memory_space<hbm>>
      %dma_start3A_160 = tpu.memref_squeeze %dma_start3A_159 : memref<1x1x64xf32, #tpu.memory_space<hbm>> -> memref<64xf32, #tpu.memory_space<hbm>>
      tpu.enqueue_dma source(%dma_start3A_160 : memref<64xf32, #tpu.memory_space<hbm>>) target(%dma_start3A_157 : memref<64xf32, #tpu.memory_space<vmem>>) target_semaphore(%arg8 : memref<!tpu.dma_semaphore, #tpu.memory_space<semaphore_mem>>)
      %slice3A_161 = vector.extract_strided_slice %get3A_142 {offsets = [1], sizes = [1], strides = [1]} : vector<16xi32> to vector<1xi32>
      %squeeze3A_162 = vector.extract %slice3A_161[0] : i32 from vector<1xi32>
      %shift_right_arithmetic3A_163 = arith.constant 3 : i32
      %shift_right_arithmetic3A_164 = arith.shrsi %squeeze3A_162, %shift_right_arithmetic3A_163 : i32
      %and3A_165 = arith.constant 7 : i32
      %and3A_166 = arith.andi %squeeze3A_162, %and3A_165 : i32
      %mul3A_167 = arith.constant 16 : i32
      %mul3A_168 = arith.muli %scan3A_135, %mul3A_167 : i32
      %add3A_169 = arith.constant 1 : i32
      %add3A_170 = arith.addi %mul3A_168, %add3A_169 : i32
      %dma_start3A_171 = arith.constant 0 : i32
      %dma_start3A_172 = tpu.memref_slice %arg6[%add3A_170, %dma_start3A_171] : memref<400x64xf32, #tpu.memory_space<vmem>> -> memref<1x64xf32, #tpu.memory_space<vmem>>
      %dma_start3A_173 = tpu.memref_squeeze %dma_start3A_172 : memref<1x64xf32, #tpu.memory_space<vmem>> -> memref<64xf32, #tpu.memory_space<vmem>>
      %dma_start3A_174 = arith.constant 0 : i32
      %dma_start3A_175 = tpu.memref_slice %arg2[%shift_right_arithmetic3A_164, %and3A_166, %dma_start3A_174] : memref<125000x8x64xf32, #tpu.memory_space<hbm>> -> memref<1x1x64xf32, #tpu.memory_space<hbm>>
      %dma_start3A_176 = tpu.memref_squeeze %dma_start3A_175 : memref<1x1x64xf32, #tpu.memory_space<hbm>> -> memref<64xf32, #tpu.memory_space<hbm>>
      %dma_start3A_177 = arith.constant 0 : i32
      %dma_start3A_178 = tpu.memref_slice %arg6[%add3A_170, %dma_start3A_177] : memref<400x64xf32, #tpu.memory_space<vmem>> -> memref<1x64xf32, #tpu.memory_space<vmem>>
      %dma_start3A_179 = tpu.memref_squeeze %dma_start3A_178 : memref<1x64xf32, #tpu.memory_space<vmem>> -> memref<64xf32, #tpu.memory_space<vmem>>
      %dma_start3A_180 = arith.constant 0 : i32
      %dma_start3A_181 = tpu.memref_slice %arg2[%shift_right_arithmetic3A_164, %and3A_166, %dma_start3A_180] : memref<125000x8x64xf32, #tpu.memory_space<hbm>> -> memref<1x1x64xf32, #tpu.memory_space<hbm>>
      %dma_start3A_182 = tpu.memref_squeeze %dma_start3A_181 : memref<1x1x64xf32, #tpu.memory_space<hbm>> -> memref<64xf32, #tpu.memory_space<hbm>>
      tpu.enqueue_dma source(%dma_start3A_182 : memref<64xf32, #tpu.memory_space<hbm>>) target(%dma_start3A_179 : memref<64xf32, #tpu.memory_space<vmem>>) target_semaphore(%arg8 : memref<!tpu.dma_semaphore, #tpu.memory_space<semaphore_mem>>)
      %slice3A_183 = vector.extract_strided_slice %get3A_142 {offsets = [2], sizes = [1], strides = [1]} : vector<16xi32> to vector<1xi32>
      %squeeze3A_184 = vector.extract %slice3A_183[0] : i32 from vector<1xi32>
      %shift_right_arithmetic3A_185 = arith.constant 3 : i32
      %shift_right_arithmetic3A_186 = arith.shrsi %squeeze3A_184, %shift_right_arithmetic3A_185 : i32
      %and3A_187 = arith.constant 7 : i32
      %and3A_188 = arith.andi %squeeze3A_184, %and3A_187 : i32
      %mul3A_189 = arith.constant 16 : i32
      %mul3A_190 = arith.muli %scan3A_135, %mul3A_189 : i32
      %add3A_191 = arith.constant 2 : i32
      %add3A_192 = arith.addi %mul3A_190, %add3A_191 : i32
      %dma_start3A_193 = arith.constant 0 : i32
      %dma_start3A_194 = tpu.memref_slice %arg6[%add3A_192, %dma_start3A_193] : memref<400x64xf32, #tpu.memory_space<vmem>> -> memref<1x64xf32, #tpu.memory_space<vmem>>
      %dma_start3A_195 = tpu.memref_squeeze %dma_start3A_194 : memref<1x64xf32, #tpu.memory_space<vmem>> -> memref<64xf32, #tpu.memory_space<vmem>>
      %dma_start3A_196 = arith.constant 0 : i32
      %dma_start3A_197 = tpu.memref_slice %arg2[%shift_right_arithmetic3A_186, %and3A_188, %dma_start3A_196] : memref<125000x8x64xf32, #tpu.memory_space<hbm>> -> memref<1x1x64xf32, #tpu.memory_space<hbm>>
      %dma_start3A_198 = tpu.memref_squeeze %dma_start3A_197 : memref<1x1x64xf32, #tpu.memory_space<hbm>> -> memref<64xf32, #tpu.memory_space<hbm>>
      %dma_start3A_199 = arith.constant 0 : i32
      %dma_start3A_200 = tpu.memref_slice %arg6[%add3A_192, %dma_start3A_199] : memref<400x64xf32, #tpu.memory_space<vmem>> -> memref<1x64xf32, #tpu.memory_space<vmem>>
      %dma_start3A_201 = tpu.memref_squeeze %dma_start3A_200 : memref<1x64xf32, #tpu.memory_space<vmem>> -> memref<64xf32, #tpu.memory_space<vmem>>
      %dma_start3A_202 = arith.constant 0 : i32
      %dma_start3A_203 = tpu.memref_slice %arg2[%shift_right_arithmetic3A_186, %and3A_188, %dma_start3A_202] : memref<125000x8x64xf32, #tpu.memory_space<hbm>> -> memref<1x1x64xf32, #tpu.memory_space<hbm>>
      %dma_start3A_204 = tpu.memref_squeeze %dma_start3A_203 : memref<1x1x64xf32, #tpu.memory_space<hbm>> -> memref<64xf32, #tpu.memory_space<hbm>>
      tpu.enqueue_dma source(%dma_start3A_204 : memref<64xf32, #tpu.memory_space<hbm>>) target(%dma_start3A_201 : memref<64xf32, #tpu.memory_space<vmem>>) target_semaphore(%arg8 : memref<!tpu.dma_semaphore, #tpu.memory_space<semaphore_mem>>)
      %slice3A_205 = vector.extract_strided_slice %get3A_142 {offsets = [3], sizes = [1], strides = [1]} : vector<16xi32> to vector<1xi32>
      %squeeze3A_206 = vector.extract %slice3A_205[0] : i32 from vector<1xi32>
      %shift_right_arithmetic3A_207 = arith.constant 3 : i32
      %shift_right_arithmetic3A_208 = arith.shrsi %squeeze3A_206, %shift_right_arithmetic3A_207 : i32
      %and3A_209 = arith.constant 7 : i32
      %and3A_210 = arith.andi %squeeze3A_206, %and3A_209 : i32
      %mul3A_211 = arith.constant 16 : i32
      %mul3A_212 = arith.muli %scan3A_135, %mul3A_211 : i32
      %add3A_213 = arith.constant 3 : i32
      %add3A_214 = arith.addi %mul3A_212, %add3A_213 : i32
      %dma_start3A_215 = arith.constant 0 : i32
      %dma_start3A_216 = tpu.memref_slice %arg6[%add3A_214, %dma_start3A_215] : memref<400x64xf32, #tpu.memory_space<vmem>> -> memref<1x64xf32, #tpu.memory_space<vmem>>
      %dma_start3A_217 = tpu.memref_squeeze %dma_start3A_216 : memref<1x64xf32, #tpu.memory_space<vmem>> -> memref<64xf32, #tpu.memory_space<vmem>>
      %dma_start3A_218 = arith.constant 0 : i32
      %dma_start3A_219 = tpu.memref_slice %arg2[%shift_right_arithmetic3A_208, %and3A_210, %dma_start3A_218] : memref<125000x8x64xf32, #tpu.memory_space<hbm>> -> memref<1x1x64xf32, #tpu.memory_space<hbm>>
      %dma_start3A_220 = tpu.memref_squeeze %dma_start3A_219 : memref<1x1x64xf32, #tpu.memory_space<hbm>> -> memref<64xf32, #tpu.memory_space<hbm>>
      %dma_start3A_221 = arith.constant 0 : i32
      %dma_start3A_222 = tpu.memref_slice %arg6[%add3A_214, %dma_start3A_221] : memref<400x64xf32, #tpu.memory_space<vmem>> -> memref<1x64xf32, #tpu.memory_space<vmem>>
      %dma_start3A_223 = tpu.memref_squeeze %dma_start3A_222 : memref<1x64xf32, #tpu.memory_space<vmem>> -> memref<64xf32, #tpu.memory_space<vmem>>
      %dma_start3A_224 = arith.constant 0 : i32
      %dma_start3A_225 = tpu.memref_slice %arg2[%shift_right_arithmetic3A_208, %and3A_210, %dma_start3A_224] : memref<125000x8x64xf32, #tpu.memory_space<hbm>> -> memref<1x1x64xf32, #tpu.memory_space<hbm>>
      %dma_start3A_226 = tpu.memref_squeeze %dma_start3A_225 : memref<1x1x64xf32, #tpu.memory_space<hbm>> -> memref<64xf32, #tpu.memory_space<hbm>>
      tpu.enqueue_dma source(%dma_start3A_226 : memref<64xf32, #tpu.memory_space<hbm>>) target(%dma_start3A_223 : memref<64xf32, #tpu.memory_space<vmem>>) target_semaphore(%arg8 : memref<!tpu.dma_semaphore, #tpu.memory_space<semaphore_mem>>)
      %slice3A_227 = vector.extract_strided_slice %get3A_142 {offsets = [4], sizes = [1], strides = [1]} : vector<16xi32> to vector<1xi32>
      %squeeze3A_228 = vector.extract %slice3A_227[0] : i32 from vector<1xi32>
      %shift_right_arithmetic3A_229 = arith.constant 3 : i32
      %shift_right_arithmetic3A_230 = arith.shrsi %squeeze3A_228, %shift_right_arithmetic3A_229 : i32
      %and3A_231 = arith.constant 7 : i32
      %and3A_232 = arith.andi %squeeze3A_228, %and3A_231 : i32
      %mul3A_233 = arith.constant 16 : i32
      %mul3A_234 = arith.muli %scan3A_135, %mul3A_233 : i32
      %add3A_235 = arith.constant 4 : i32
      %add3A_236 = arith.addi %mul3A_234, %add3A_235 : i32
      %dma_start3A_237 = arith.constant 0 : i32
      %dma_start3A_238 = tpu.memref_slice %arg6[%add3A_236, %dma_start3A_237] : memref<400x64xf32, #tpu.memory_space<vmem>> -> memref<1x64xf32, #tpu.memory_space<vmem>>
      %dma_start3A_239 = tpu.memref_squeeze %dma_start3A_238 : memref<1x64xf32, #tpu.memory_space<vmem>> -> memref<64xf32, #tpu.memory_space<vmem>>
      %dma_start3A_240 = arith.constant 0 : i32
      %dma_start3A_241 = tpu.memref_slice %arg2[%shift_right_arithmetic3A_230, %and3A_232, %dma_start3A_240] : memref<125000x8x64xf32, #tpu.memory_space<hbm>> -> memref<1x1x64xf32, #tpu.memory_space<hbm>>
      %dma_start3A_242 = tpu.memref_squeeze %dma_start3A_241 : memref<1x1x64xf32, #tpu.memory_space<hbm>> -> memref<64xf32, #tpu.memory_space<hbm>>
      %dma_start3A_243 = arith.constant 0 : i32
      %dma_start3A_244 = tpu.memref_slice %arg6[%add3A_236, %dma_start3A_243] : memref<400x64xf32, #tpu.memory_space<vmem>> -> memref<1x64xf32, #tpu.memory_space<vmem>>
      %dma_start3A_245 = tpu.memref_squeeze %dma_start3A_244 : memref<1x64xf32, #tpu.memory_space<vmem>> -> memref<64xf32, #tpu.memory_space<vmem>>
      %dma_start3A_246 = arith.constant 0 : i32
      %dma_start3A_247 = tpu.memref_slice %arg2[%shift_right_arithmetic3A_230, %and3A_232, %dma_start3A_246] : memref<125000x8x64xf32, #tpu.memory_space<hbm>> -> memref<1x1x64xf32, #tpu.memory_space<hbm>>
      %dma_start3A_248 = tpu.memref_squeeze %dma_start3A_247 : memref<1x1x64xf32, #tpu.memory_space<hbm>> -> memref<64xf32, #tpu.memory_space<hbm>>
      tpu.enqueue_dma source(%dma_start3A_248 : memref<64xf32, #tpu.memory_space<hbm>>) target(%dma_start3A_245 : memref<64xf32, #tpu.memory_space<vmem>>) target_semaphore(%arg8 : memref<!tpu.dma_semaphore, #tpu.memory_space<semaphore_mem>>)
      %slice3A_249 = vector.extract_strided_slice %get3A_142 {offsets = [5], sizes = [1], strides = [1]} : vector<16xi32> to vector<1xi32>
      %squeeze3A_250 = vector.extract %slice3A_249[0] : i32 from vector<1xi32>
      %shift_right_arithmetic3A_251 = arith.constant 3 : i32
      %shift_right_arithmetic3A_252 = arith.shrsi %squeeze3A_250, %shift_right_arithmetic3A_251 : i32
      %and3A_253 = arith.constant 7 : i32
      %and3A_254 = arith.andi %squeeze3A_250, %and3A_253 : i32
      %mul3A_255 = arith.constant 16 : i32
      %mul3A_256 = arith.muli %scan3A_135, %mul3A_255 : i32
      %add3A_257 = arith.constant 5 : i32
      %add3A_258 = arith.addi %mul3A_256, %add3A_257 : i32
      %dma_start3A_259 = arith.constant 0 : i32
      %dma_start3A_260 = tpu.memref_slice %arg6[%add3A_258, %dma_start3A_259] : memref<400x64xf32, #tpu.memory_space<vmem>> -> memref<1x64xf32, #tpu.memory_space<vmem>>
      %dma_start3A_261 = tpu.memref_squeeze %dma_start3A_260 : memref<1x64xf32, #tpu.memory_space<vmem>> -> memref<64xf32, #tpu.memory_space<vmem>>
      %dma_start3A_262 = arith.constant 0 : i32
      %dma_start3A_263 = tpu.memref_slice %arg2[%shift_right_arithmetic3A_252, %and3A_254, %dma_start3A_262] : memref<125000x8x64xf32, #tpu.memory_space<hbm>> -> memref<1x1x64xf32, #tpu.memory_space<hbm>>
      %dma_start3A_264 = tpu.memref_squeeze %dma_start3A_263 : memref<1x1x64xf32, #tpu.memory_space<hbm>> -> memref<64xf32, #tpu.memory_space<hbm>>
      %dma_start3A_265 = arith.constant 0 : i32
      %dma_start3A_266 = tpu.memref_slice %arg6[%add3A_258, %dma_start3A_265] : memref<400x64xf32, #tpu.memory_space<vmem>> -> memref<1x64xf32, #tpu.memory_space<vmem>>
      %dma_start3A_267 = tpu.memref_squeeze %dma_start3A_266 : memref<1x64xf32, #tpu.memory_space<vmem>> -> memref<64xf32, #tpu.memory_space<vmem>>
      %dma_start3A_268 = arith.constant 0 : i32
      %dma_start3A_269 = tpu.memref_slice %arg2[%shift_right_arithmetic3A_252, %and3A_254, %dma_start3A_268] : memref<125000x8x64xf32, #tpu.memory_space<hbm>> -> memref<1x1x64xf32, #tpu.memory_space<hbm>>
      %dma_start3A_270 = tpu.memref_squeeze %dma_start3A_269 : memref<1x1x64xf32, #tpu.memory_space<hbm>> -> memref<64xf32, #tpu.memory_space<hbm>>
      tpu.enqueue_dma source(%dma_start3A_270 : memref<64xf32, #tpu.memory_space<hbm>>) target(%dma_start3A_267 : memref<64xf32, #tpu.memory_space<vmem>>) target_semaphore(%arg8 : memref<!tpu.dma_semaphore, #tpu.memory_space<semaphore_mem>>)
      %slice3A_271 = vector.extract_strided_slice %get3A_142 {offsets = [6], sizes = [1], strides = [1]} : vector<16xi32> to vector<1xi32>
      %squeeze3A_272 = vector.extract %slice3A_271[0] : i32 from vector<1xi32>
      %shift_right_arithmetic3A_273 = arith.constant 3 : i32
      %shift_right_arithmetic3A_274 = arith.shrsi %squeeze3A_272, %shift_right_arithmetic3A_273 : i32
      %and3A_275 = arith.constant 7 : i32
      %and3A_276 = arith.andi %squeeze3A_272, %and3A_275 : i32
      %mul3A_277 = arith.constant 16 : i32
      %mul3A_278 = arith.muli %scan3A_135, %mul3A_277 : i32
      %add3A_279 = arith.constant 6 : i32
      %add3A_280 = arith.addi %mul3A_278, %add3A_279 : i32
      %dma_start3A_281 = arith.constant 0 : i32
      %dma_start3A_282 = tpu.memref_slice %arg6[%add3A_280, %dma_start3A_281] : memref<400x64xf32, #tpu.memory_space<vmem>> -> memref<1x64xf32, #tpu.memory_space<vmem>>
      %dma_start3A_283 = tpu.memref_squeeze %dma_start3A_282 : memref<1x64xf32, #tpu.memory_space<vmem>> -> memref<64xf32, #tpu.memory_space<vmem>>
      %dma_start3A_284 = arith.constant 0 : i32
      %dma_start3A_285 = tpu.memref_slice %arg2[%shift_right_arithmetic3A_274, %and3A_276, %dma_start3A_284] : memref<125000x8x64xf32, #tpu.memory_space<hbm>> -> memref<1x1x64xf32, #tpu.memory_space<hbm>>
      %dma_start3A_286 = tpu.memref_squeeze %dma_start3A_285 : memref<1x1x64xf32, #tpu.memory_space<hbm>> -> memref<64xf32, #tpu.memory_space<hbm>>
      %dma_start3A_287 = arith.constant 0 : i32
      %dma_start3A_288 = tpu.memref_slice %arg6[%add3A_280, %dma_start3A_287] : memref<400x64xf32, #tpu.memory_space<vmem>> -> memref<1x64xf32, #tpu.memory_space<vmem>>
      %dma_start3A_289 = tpu.memref_squeeze %dma_start3A_288 : memref<1x64xf32, #tpu.memory_space<vmem>> -> memref<64xf32, #tpu.memory_space<vmem>>
      %dma_start3A_290 = arith.constant 0 : i32
      %dma_start3A_291 = tpu.memref_slice %arg2[%shift_right_arithmetic3A_274, %and3A_276, %dma_start3A_290] : memref<125000x8x64xf32, #tpu.memory_space<hbm>> -> memref<1x1x64xf32, #tpu.memory_space<hbm>>
      %dma_start3A_292 = tpu.memref_squeeze %dma_start3A_291 : memref<1x1x64xf32, #tpu.memory_space<hbm>> -> memref<64xf32, #tpu.memory_space<hbm>>
      tpu.enqueue_dma source(%dma_start3A_292 : memref<64xf32, #tpu.memory_space<hbm>>) target(%dma_start3A_289 : memref<64xf32, #tpu.memory_space<vmem>>) target_semaphore(%arg8 : memref<!tpu.dma_semaphore, #tpu.memory_space<semaphore_mem>>)
      %slice3A_293 = vector.extract_strided_slice %get3A_142 {offsets = [7], sizes = [1], strides = [1]} : vector<16xi32> to vector<1xi32>
      %squeeze3A_294 = vector.extract %slice3A_293[0] : i32 from vector<1xi32>
      %shift_right_arithmetic3A_295 = arith.constant 3 : i32
      %shift_right_arithmetic3A_296 = arith.shrsi %squeeze3A_294, %shift_right_arithmetic3A_295 : i32
      %and3A_297 = arith.constant 7 : i32
      %and3A_298 = arith.andi %squeeze3A_294, %and3A_297 : i32
      %mul3A_299 = arith.constant 16 : i32
      %mul3A_300 = arith.muli %scan3A_135, %mul3A_299 : i32
      %add3A_301 = arith.constant 7 : i32
      %add3A_302 = arith.addi %mul3A_300, %add3A_301 : i32
      %dma_start3A_303 = arith.constant 0 : i32
      %dma_start3A_304 = tpu.memref_slice %arg6[%add3A_302, %dma_start3A_303] : memref<400x64xf32, #tpu.memory_space<vmem>> -> memref<1x64xf32, #tpu.memory_space<vmem>>
      %dma_start3A_305 = tpu.memref_squeeze %dma_start3A_304 : memref<1x64xf32, #tpu.memory_space<vmem>> -> memref<64xf32, #tpu.memory_space<vmem>>
      %dma_start3A_306 = arith.constant 0 : i32
      %dma_start3A_307 = tpu.memref_slice %arg2[%shift_right_arithmetic3A_296, %and3A_298, %dma_start3A_306] : memref<125000x8x64xf32, #tpu.memory_space<hbm>> -> memref<1x1x64xf32, #tpu.memory_space<hbm>>
      %dma_start3A_308 = tpu.memref_squeeze %dma_start3A_307 : memref<1x1x64xf32, #tpu.memory_space<hbm>> -> memref<64xf32, #tpu.memory_space<hbm>>
      %dma_start3A_309 = arith.constant 0 : i32
      %dma_start3A_310 = tpu.memref_slice %arg6[%add3A_302, %dma_start3A_309] : memref<400x64xf32, #tpu.memory_space<vmem>> -> memref<1x64xf32, #tpu.memory_space<vmem>>
      %dma_start3A_311 = tpu.memref_squeeze %dma_start3A_310 : memref<1x64xf32, #tpu.memory_space<vmem>> -> memref<64xf32, #tpu.memory_space<vmem>>
      %dma_start3A_312 = arith.constant 0 : i32
      %dma_start3A_313 = tpu.memref_slice %arg2[%shift_right_arithmetic3A_296, %and3A_298, %dma_start3A_312] : memref<125000x8x64xf32, #tpu.memory_space<hbm>> -> memref<1x1x64xf32, #tpu.memory_space<hbm>>
      %dma_start3A_314 = tpu.memref_squeeze %dma_start3A_313 : memref<1x1x64xf32, #tpu.memory_space<hbm>> -> memref<64xf32, #tpu.memory_space<hbm>>
      tpu.enqueue_dma source(%dma_start3A_314 : memref<64xf32, #tpu.memory_space<hbm>>) target(%dma_start3A_311 : memref<64xf32, #tpu.memory_space<vmem>>) target_semaphore(%arg8 : memref<!tpu.dma_semaphore, #tpu.memory_space<semaphore_mem>>)
      %slice3A_315 = vector.extract_strided_slice %get3A_142 {offsets = [8], sizes = [1], strides = [1]} : vector<16xi32> to vector<1xi32>
      %squeeze3A_316 = vector.extract %slice3A_315[0] : i32 from vector<1xi32>
      %shift_right_arithmetic3A_317 = arith.constant 3 : i32
      %shift_right_arithmetic3A_318 = arith.shrsi %squeeze3A_316, %shift_right_arithmetic3A_317 : i32
      %and3A_319 = arith.constant 7 : i32
      %and3A_320 = arith.andi %squeeze3A_316, %and3A_319 : i32
      %mul3A_321 = arith.constant 16 : i32
      %mul3A_322 = arith.muli %scan3A_135, %mul3A_321 : i32
      %add3A_323 = arith.constant 8 : i32
      %add3A_324 = arith.addi %mul3A_322, %add3A_323 : i32
      %dma_start3A_325 = arith.constant 0 : i32
      %dma_start3A_326 = tpu.memref_slice %arg6[%add3A_324, %dma_start3A_325] : memref<400x64xf32, #tpu.memory_space<vmem>> -> memref<1x64xf32, #tpu.memory_space<vmem>>
      %dma_start3A_327 = tpu.memref_squeeze %dma_start3A_326 : memref<1x64xf32, #tpu.memory_space<vmem>> -> memref<64xf32, #tpu.memory_space<vmem>>
      %dma_start3A_328 = arith.constant 0 : i32
      %dma_start3A_329 = tpu.memref_slice %arg2[%shift_right_arithmetic3A_318, %and3A_320, %dma_start3A_328] : memref<125000x8x64xf32, #tpu.memory_space<hbm>> -> memref<1x1x64xf32, #tpu.memory_space<hbm>>
      %dma_start3A_330 = tpu.memref_squeeze %dma_start3A_329 : memref<1x1x64xf32, #tpu.memory_space<hbm>> -> memref<64xf32, #tpu.memory_space<hbm>>
      %dma_start3A_331 = arith.constant 0 : i32
      %dma_start3A_332 = tpu.memref_slice %arg6[%add3A_324, %dma_start3A_331] : memref<400x64xf32, #tpu.memory_space<vmem>> -> memref<1x64xf32, #tpu.memory_space<vmem>>
      %dma_start3A_333 = tpu.memref_squeeze %dma_start3A_332 : memref<1x64xf32, #tpu.memory_space<vmem>> -> memref<64xf32, #tpu.memory_space<vmem>>
      %dma_start3A_334 = arith.constant 0 : i32
      %dma_start3A_335 = tpu.memref_slice %arg2[%shift_right_arithmetic3A_318, %and3A_320, %dma_start3A_334] : memref<125000x8x64xf32, #tpu.memory_space<hbm>> -> memref<1x1x64xf32, #tpu.memory_space<hbm>>
      %dma_start3A_336 = tpu.memref_squeeze %dma_start3A_335 : memref<1x1x64xf32, #tpu.memory_space<hbm>> -> memref<64xf32, #tpu.memory_space<hbm>>
      tpu.enqueue_dma source(%dma_start3A_336 : memref<64xf32, #tpu.memory_space<hbm>>) target(%dma_start3A_333 : memref<64xf32, #tpu.memory_space<vmem>>) target_semaphore(%arg8 : memref<!tpu.dma_semaphore, #tpu.memory_space<semaphore_mem>>)
      %slice3A_337 = vector.extract_strided_slice %get3A_142 {offsets = [9], sizes = [1], strides = [1]} : vector<16xi32> to vector<1xi32>
      %squeeze3A_338 = vector.extract %slice3A_337[0] : i32 from vector<1xi32>
      %shift_right_arithmetic3A_339 = arith.constant 3 : i32
      %shift_right_arithmetic3A_340 = arith.shrsi %squeeze3A_338, %shift_right_arithmetic3A_339 : i32
      %and3A_341 = arith.constant 7 : i32
      %and3A_342 = arith.andi %squeeze3A_338, %and3A_341 : i32
      %mul3A_343 = arith.constant 16 : i32
      %mul3A_344 = arith.muli %scan3A_135, %mul3A_343 : i32
      %add3A_345 = arith.constant 9 : i32
      %add3A_346 = arith.addi %mul3A_344, %add3A_345 : i32
      %dma_start3A_347 = arith.constant 0 : i32
      %dma_start3A_348 = tpu.memref_slice %arg6[%add3A_346, %dma_start3A_347] : memref<400x64xf32, #tpu.memory_space<vmem>> -> memref<1x64xf32, #tpu.memory_space<vmem>>
      %dma_start3A_349 = tpu.memref_squeeze %dma_start3A_348 : memref<1x64xf32, #tpu.memory_space<vmem>> -> memref<64xf32, #tpu.memory_space<vmem>>
      %dma_start3A_350 = arith.constant 0 : i32
      %dma_start3A_351 = tpu.memref_slice %arg2[%shift_right_arithmetic3A_340, %and3A_342, %dma_start3A_350] : memref<125000x8x64xf32, #tpu.memory_space<hbm>> -> memref<1x1x64xf32, #tpu.memory_space<hbm>>
      %dma_start3A_352 = tpu.memref_squeeze %dma_start3A_351 : memref<1x1x64xf32, #tpu.memory_space<hbm>> -> memref<64xf32, #tpu.memory_space<hbm>>
      %dma_start3A_353 = arith.constant 0 : i32
      %dma_start3A_354 = tpu.memref_slice %arg6[%add3A_346, %dma_start3A_353] : memref<400x64xf32, #tpu.memory_space<vmem>> -> memref<1x64xf32, #tpu.memory_space<vmem>>
      %dma_start3A_355 = tpu.memref_squeeze %dma_start3A_354 : memref<1x64xf32, #tpu.memory_space<vmem>> -> memref<64xf32, #tpu.memory_space<vmem>>
      %dma_start3A_356 = arith.constant 0 : i32
      %dma_start3A_357 = tpu.memref_slice %arg2[%shift_right_arithmetic3A_340, %and3A_342, %dma_start3A_356] : memref<125000x8x64xf32, #tpu.memory_space<hbm>> -> memref<1x1x64xf32, #tpu.memory_space<hbm>>
      %dma_start3A_358 = tpu.memref_squeeze %dma_start3A_357 : memref<1x1x64xf32, #tpu.memory_space<hbm>> -> memref<64xf32, #tpu.memory_space<hbm>>
      tpu.enqueue_dma source(%dma_start3A_358 : memref<64xf32, #tpu.memory_space<hbm>>) target(%dma_start3A_355 : memref<64xf32, #tpu.memory_space<vmem>>) target_semaphore(%arg8 : memref<!tpu.dma_semaphore, #tpu.memory_space<semaphore_mem>>)
      %slice3A_359 = vector.extract_strided_slice %get3A_142 {offsets = [10], sizes = [1], strides = [1]} : vector<16xi32> to vector<1xi32>
      %squeeze3A_360 = vector.extract %slice3A_359[0] : i32 from vector<1xi32>
      %shift_right_arithmetic3A_361 = arith.constant 3 : i32
      %shift_right_arithmetic3A_362 = arith.shrsi %squeeze3A_360, %shift_right_arithmetic3A_361 : i32
      %and3A_363 = arith.constant 7 : i32
      %and3A_364 = arith.andi %squeeze3A_360, %and3A_363 : i32
      %mul3A_365 = arith.constant 16 : i32
      %mul3A_366 = arith.muli %scan3A_135, %mul3A_365 : i32
      %add3A_367 = arith.constant 10 : i32
      %add3A_368 = arith.addi %mul3A_366, %add3A_367 : i32
      %dma_start3A_369 = arith.constant 0 : i32
      %dma_start3A_370 = tpu.memref_slice %arg6[%add3A_368, %dma_start3A_369] : memref<400x64xf32, #tpu.memory_space<vmem>> -> memref<1x64xf32, #tpu.memory_space<vmem>>
      %dma_start3A_371 = tpu.memref_squeeze %dma_start3A_370 : memref<1x64xf32, #tpu.memory_space<vmem>> -> memref<64xf32, #tpu.memory_space<vmem>>
      %dma_start3A_372 = arith.constant 0 : i32
      %dma_start3A_373 = tpu.memref_slice %arg2[%shift_right_arithmetic3A_362, %and3A_364, %dma_start3A_372] : memref<125000x8x64xf32, #tpu.memory_space<hbm>> -> memref<1x1x64xf32, #tpu.memory_space<hbm>>
      %dma_start3A_374 = tpu.memref_squeeze %dma_start3A_373 : memref<1x1x64xf32, #tpu.memory_space<hbm>> -> memref<64xf32, #tpu.memory_space<hbm>>
      %dma_start3A_375 = arith.constant 0 : i32
      %dma_start3A_376 = tpu.memref_slice %arg6[%add3A_368, %dma_start3A_375] : memref<400x64xf32, #tpu.memory_space<vmem>> -> memref<1x64xf32, #tpu.memory_space<vmem>>
      %dma_start3A_377 = tpu.memref_squeeze %dma_start3A_376 : memref<1x64xf32, #tpu.memory_space<vmem>> -> memref<64xf32, #tpu.memory_space<vmem>>
      %dma_start3A_378 = arith.constant 0 : i32
      %dma_start3A_379 = tpu.memref_slice %arg2[%shift_right_arithmetic3A_362, %and3A_364, %dma_start3A_378] : memref<125000x8x64xf32, #tpu.memory_space<hbm>> -> memref<1x1x64xf32, #tpu.memory_space<hbm>>
      %dma_start3A_380 = tpu.memref_squeeze %dma_start3A_379 : memref<1x1x64xf32, #tpu.memory_space<hbm>> -> memref<64xf32, #tpu.memory_space<hbm>>
      tpu.enqueue_dma source(%dma_start3A_380 : memref<64xf32, #tpu.memory_space<hbm>>) target(%dma_start3A_377 : memref<64xf32, #tpu.memory_space<vmem>>) target_semaphore(%arg8 : memref<!tpu.dma_semaphore, #tpu.memory_space<semaphore_mem>>)
      %slice3A_381 = vector.extract_strided_slice %get3A_142 {offsets = [11], sizes = [1], strides = [1]} : vector<16xi32> to vector<1xi32>
      %squeeze3A_382 = vector.extract %slice3A_381[0] : i32 from vector<1xi32>
      %shift_right_arithmetic3A_383 = arith.constant 3 : i32
      %shift_right_arithmetic3A_384 = arith.shrsi %squeeze3A_382, %shift_right_arithmetic3A_383 : i32
      %and3A_385 = arith.constant 7 : i32
      %and3A_386 = arith.andi %squeeze3A_382, %and3A_385 : i32
      %mul3A_387 = arith.constant 16 : i32
      %mul3A_388 = arith.muli %scan3A_135, %mul3A_387 : i32
      %add3A_389 = arith.constant 11 : i32
      %add3A_390 = arith.addi %mul3A_388, %add3A_389 : i32
      %dma_start3A_391 = arith.constant 0 : i32
      %dma_start3A_392 = tpu.memref_slice %arg6[%add3A_390, %dma_start3A_391] : memref<400x64xf32, #tpu.memory_space<vmem>> -> memref<1x64xf32, #tpu.memory_space<vmem>>
      %dma_start3A_393 = tpu.memref_squeeze %dma_start3A_392 : memref<1x64xf32, #tpu.memory_space<vmem>> -> memref<64xf32, #tpu.memory_space<vmem>>
      %dma_start3A_394 = arith.constant 0 : i32
      %dma_start3A_395 = tpu.memref_slice %arg2[%shift_right_arithmetic3A_384, %and3A_386, %dma_start3A_394] : memref<125000x8x64xf32, #tpu.memory_space<hbm>> -> memref<1x1x64xf32, #tpu.memory_space<hbm>>
      %dma_start3A_396 = tpu.memref_squeeze %dma_start3A_395 : memref<1x1x64xf32, #tpu.memory_space<hbm>> -> memref<64xf32, #tpu.memory_space<hbm>>
      %dma_start3A_397 = arith.constant 0 : i32
      %dma_start3A_398 = tpu.memref_slice %arg6[%add3A_390, %dma_start3A_397] : memref<400x64xf32, #tpu.memory_space<vmem>> -> memref<1x64xf32, #tpu.memory_space<vmem>>
      %dma_start3A_399 = tpu.memref_squeeze %dma_start3A_398 : memref<1x64xf32, #tpu.memory_space<vmem>> -> memref<64xf32, #tpu.memory_space<vmem>>
      %dma_start3A_400 = arith.constant 0 : i32
      %dma_start3A_401 = tpu.memref_slice %arg2[%shift_right_arithmetic3A_384, %and3A_386, %dma_start3A_400] : memref<125000x8x64xf32, #tpu.memory_space<hbm>> -> memref<1x1x64xf32, #tpu.memory_space<hbm>>
      %dma_start3A_402 = tpu.memref_squeeze %dma_start3A_401 : memref<1x1x64xf32, #tpu.memory_space<hbm>> -> memref<64xf32, #tpu.memory_space<hbm>>
      tpu.enqueue_dma source(%dma_start3A_402 : memref<64xf32, #tpu.memory_space<hbm>>) target(%dma_start3A_399 : memref<64xf32, #tpu.memory_space<vmem>>) target_semaphore(%arg8 : memref<!tpu.dma_semaphore, #tpu.memory_space<semaphore_mem>>)
      %slice3A_403 = vector.extract_strided_slice %get3A_142 {offsets = [12], sizes = [1], strides = [1]} : vector<16xi32> to vector<1xi32>
      %squeeze3A_404 = vector.extract %slice3A_403[0] : i32 from vector<1xi32>
      %shift_right_arithmetic3A_405 = arith.constant 3 : i32
      %shift_right_arithmetic3A_406 = arith.shrsi %squeeze3A_404, %shift_right_arithmetic3A_405 : i32
      %and3A_407 = arith.constant 7 : i32
      %and3A_408 = arith.andi %squeeze3A_404, %and3A_407 : i32
      %mul3A_409 = arith.constant 16 : i32
      %mul3A_410 = arith.muli %scan3A_135, %mul3A_409 : i32
      %add3A_411 = arith.constant 12 : i32
      %add3A_412 = arith.addi %mul3A_410, %add3A_411 : i32
      %dma_start3A_413 = arith.constant 0 : i32
      %dma_start3A_414 = tpu.memref_slice %arg6[%add3A_412, %dma_start3A_413] : memref<400x64xf32, #tpu.memory_space<vmem>> -> memref<1x64xf32, #tpu.memory_space<vmem>>
      %dma_start3A_415 = tpu.memref_squeeze %dma_start3A_414 : memref<1x64xf32, #tpu.memory_space<vmem>> -> memref<64xf32, #tpu.memory_space<vmem>>
      %dma_start3A_416 = arith.constant 0 : i32
      %dma_start3A_417 = tpu.memref_slice %arg2[%shift_right_arithmetic3A_406, %and3A_408, %dma_start3A_416] : memref<125000x8x64xf32, #tpu.memory_space<hbm>> -> memref<1x1x64xf32, #tpu.memory_space<hbm>>
      %dma_start3A_418 = tpu.memref_squeeze %dma_start3A_417 : memref<1x1x64xf32, #tpu.memory_space<hbm>> -> memref<64xf32, #tpu.memory_space<hbm>>
      %dma_start3A_419 = arith.constant 0 : i32
      %dma_start3A_420 = tpu.memref_slice %arg6[%add3A_412, %dma_start3A_419] : memref<400x64xf32, #tpu.memory_space<vmem>> -> memref<1x64xf32, #tpu.memory_space<vmem>>
      %dma_start3A_421 = tpu.memref_squeeze %dma_start3A_420 : memref<1x64xf32, #tpu.memory_space<vmem>> -> memref<64xf32, #tpu.memory_space<vmem>>
      %dma_start3A_422 = arith.constant 0 : i32
      %dma_start3A_423 = tpu.memref_slice %arg2[%shift_right_arithmetic3A_406, %and3A_408, %dma_start3A_422] : memref<125000x8x64xf32, #tpu.memory_space<hbm>> -> memref<1x1x64xf32, #tpu.memory_space<hbm>>
      %dma_start3A_424 = tpu.memref_squeeze %dma_start3A_423 : memref<1x1x64xf32, #tpu.memory_space<hbm>> -> memref<64xf32, #tpu.memory_space<hbm>>
      tpu.enqueue_dma source(%dma_start3A_424 : memref<64xf32, #tpu.memory_space<hbm>>) target(%dma_start3A_421 : memref<64xf32, #tpu.memory_space<vmem>>) target_semaphore(%arg8 : memref<!tpu.dma_semaphore, #tpu.memory_space<semaphore_mem>>)
      %slice3A_425 = vector.extract_strided_slice %get3A_142 {offsets = [13], sizes = [1], strides = [1]} : vector<16xi32> to vector<1xi32>
      %squeeze3A_426 = vector.extract %slice3A_425[0] : i32 from vector<1xi32>
      %shift_right_arithmetic3A_427 = arith.constant 3 : i32
      %shift_right_arithmetic3A_428 = arith.shrsi %squeeze3A_426, %shift_right_arithmetic3A_427 : i32
      %and3A_429 = arith.constant 7 : i32
      %and3A_430 = arith.andi %squeeze3A_426, %and3A_429 : i32
      %mul3A_431 = arith.constant 16 : i32
      %mul3A_432 = arith.muli %scan3A_135, %mul3A_431 : i32
      %add3A_433 = arith.constant 13 : i32
      %add3A_434 = arith.addi %mul3A_432, %add3A_433 : i32
      %dma_start3A_435 = arith.constant 0 : i32
      %dma_start3A_436 = tpu.memref_slice %arg6[%add3A_434, %dma_start3A_435] : memref<400x64xf32, #tpu.memory_space<vmem>> -> memref<1x64xf32, #tpu.memory_space<vmem>>
      %dma_start3A_437 = tpu.memref_squeeze %dma_start3A_436 : memref<1x64xf32, #tpu.memory_space<vmem>> -> memref<64xf32, #tpu.memory_space<vmem>>
      %dma_start3A_438 = arith.constant 0 : i32
      %dma_start3A_439 = tpu.memref_slice %arg2[%shift_right_arithmetic3A_428, %and3A_430, %dma_start3A_438] : memref<125000x8x64xf32, #tpu.memory_space<hbm>> -> memref<1x1x64xf32, #tpu.memory_space<hbm>>
      %dma_start3A_440 = tpu.memref_squeeze %dma_start3A_439 : memref<1x1x64xf32, #tpu.memory_space<hbm>> -> memref<64xf32, #tpu.memory_space<hbm>>
      %dma_start3A_441 = arith.constant 0 : i32
      %dma_start3A_442 = tpu.memref_slice %arg6[%add3A_434, %dma_start3A_441] : memref<400x64xf32, #tpu.memory_space<vmem>> -> memref<1x64xf32, #tpu.memory_space<vmem>>
      %dma_start3A_443 = tpu.memref_squeeze %dma_start3A_442 : memref<1x64xf32, #tpu.memory_space<vmem>> -> memref<64xf32, #tpu.memory_space<vmem>>
      %dma_start3A_444 = arith.constant 0 : i32
      %dma_start3A_445 = tpu.memref_slice %arg2[%shift_right_arithmetic3A_428, %and3A_430, %dma_start3A_444] : memref<125000x8x64xf32, #tpu.memory_space<hbm>> -> memref<1x1x64xf32, #tpu.memory_space<hbm>>
      %dma_start3A_446 = tpu.memref_squeeze %dma_start3A_445 : memref<1x1x64xf32, #tpu.memory_space<hbm>> -> memref<64xf32, #tpu.memory_space<hbm>>
      tpu.enqueue_dma source(%dma_start3A_446 : memref<64xf32, #tpu.memory_space<hbm>>) target(%dma_start3A_443 : memref<64xf32, #tpu.memory_space<vmem>>) target_semaphore(%arg8 : memref<!tpu.dma_semaphore, #tpu.memory_space<semaphore_mem>>)
      %slice3A_447 = vector.extract_strided_slice %get3A_142 {offsets = [14], sizes = [1], strides = [1]} : vector<16xi32> to vector<1xi32>
      %squeeze3A_448 = vector.extract %slice3A_447[0] : i32 from vector<1xi32>
      %shift_right_arithmetic3A_449 = arith.constant 3 : i32
      %shift_right_arithmetic3A_450 = arith.shrsi %squeeze3A_448, %shift_right_arithmetic3A_449 : i32
      %and3A_451 = arith.constant 7 : i32
      %and3A_452 = arith.andi %squeeze3A_448, %and3A_451 : i32
      %mul3A_453 = arith.constant 16 : i32
      %mul3A_454 = arith.muli %scan3A_135, %mul3A_453 : i32
      %add3A_455 = arith.constant 14 : i32
      %add3A_456 = arith.addi %mul3A_454, %add3A_455 : i32
      %dma_start3A_457 = arith.constant 0 : i32
      %dma_start3A_458 = tpu.memref_slice %arg6[%add3A_456, %dma_start3A_457] : memref<400x64xf32, #tpu.memory_space<vmem>> -> memref<1x64xf32, #tpu.memory_space<vmem>>
      %dma_start3A_459 = tpu.memref_squeeze %dma_start3A_458 : memref<1x64xf32, #tpu.memory_space<vmem>> -> memref<64xf32, #tpu.memory_space<vmem>>
      %dma_start3A_460 = arith.constant 0 : i32
      %dma_start3A_461 = tpu.memref_slice %arg2[%shift_right_arithmetic3A_450, %and3A_452, %dma_start3A_460] : memref<125000x8x64xf32, #tpu.memory_space<hbm>> -> memref<1x1x64xf32, #tpu.memory_space<hbm>>
      %dma_start3A_462 = tpu.memref_squeeze %dma_start3A_461 : memref<1x1x64xf32, #tpu.memory_space<hbm>> -> memref<64xf32, #tpu.memory_space<hbm>>
      %dma_start3A_463 = arith.constant 0 : i32
      %dma_start3A_464 = tpu.memref_slice %arg6[%add3A_456, %dma_start3A_463] : memref<400x64xf32, #tpu.memory_space<vmem>> -> memref<1x64xf32, #tpu.memory_space<vmem>>
      %dma_start3A_465 = tpu.memref_squeeze %dma_start3A_464 : memref<1x64xf32, #tpu.memory_space<vmem>> -> memref<64xf32, #tpu.memory_space<vmem>>
      %dma_start3A_466 = arith.constant 0 : i32
      %dma_start3A_467 = tpu.memref_slice %arg2[%shift_right_arithmetic3A_450, %and3A_452, %dma_start3A_466] : memref<125000x8x64xf32, #tpu.memory_space<hbm>> -> memref<1x1x64xf32, #tpu.memory_space<hbm>>
      %dma_start3A_468 = tpu.memref_squeeze %dma_start3A_467 : memref<1x1x64xf32, #tpu.memory_space<hbm>> -> memref<64xf32, #tpu.memory_space<hbm>>
      tpu.enqueue_dma source(%dma_start3A_468 : memref<64xf32, #tpu.memory_space<hbm>>) target(%dma_start3A_465 : memref<64xf32, #tpu.memory_space<vmem>>) target_semaphore(%arg8 : memref<!tpu.dma_semaphore, #tpu.memory_space<semaphore_mem>>)
      %slice3A_469 = vector.extract_strided_slice %get3A_142 {offsets = [15], sizes = [1], strides = [1]} : vector<16xi32> to vector<1xi32>
      %squeeze3A_470 = vector.extract %slice3A_469[0] : i32 from vector<1xi32>
      %shift_right_arithmetic3A_471 = arith.constant 3 : i32
      %shift_right_arithmetic3A_472 = arith.shrsi %squeeze3A_470, %shift_right_arithmetic3A_471 : i32
      %and3A_473 = arith.constant 7 : i32
      %and3A_474 = arith.andi %squeeze3A_470, %and3A_473 : i32
      %mul3A_475 = arith.constant 16 : i32
      %mul3A_476 = arith.muli %scan3A_135, %mul3A_475 : i32
      %add3A_477 = arith.constant 15 : i32
      %add3A_478 = arith.addi %mul3A_476, %add3A_477 : i32
      %dma_start3A_479 = arith.constant 0 : i32
      %dma_start3A_480 = tpu.memref_slice %arg6[%add3A_478, %dma_start3A_479] : memref<400x64xf32, #tpu.memory_space<vmem>> -> memref<1x64xf32, #tpu.memory_space<vmem>>
      %dma_start3A_481 = tpu.memref_squeeze %dma_start3A_480 : memref<1x64xf32, #tpu.memory_space<vmem>> -> memref<64xf32, #tpu.memory_space<vmem>>
      %dma_start3A_482 = arith.constant 0 : i32
      %dma_start3A_483 = tpu.memref_slice %arg2[%shift_right_arithmetic3A_472, %and3A_474, %dma_start3A_482] : memref<125000x8x64xf32, #tpu.memory_space<hbm>> -> memref<1x1x64xf32, #tpu.memory_space<hbm>>
      %dma_start3A_484 = tpu.memref_squeeze %dma_start3A_483 : memref<1x1x64xf32, #tpu.memory_space<hbm>> -> memref<64xf32, #tpu.memory_space<hbm>>
      %dma_start3A_485 = arith.constant 0 : i32
      %dma_start3A_486 = tpu.memref_slice %arg6[%add3A_478, %dma_start3A_485] : memref<400x64xf32, #tpu.memory_space<vmem>> -> memref<1x64xf32, #tpu.memory_space<vmem>>
      %dma_start3A_487 = tpu.memref_squeeze %dma_start3A_486 : memref<1x64xf32, #tpu.memory_space<vmem>> -> memref<64xf32, #tpu.memory_space<vmem>>
      %dma_start3A_488 = arith.constant 0 : i32
      %dma_start3A_489 = tpu.memref_slice %arg2[%shift_right_arithmetic3A_472, %and3A_474, %dma_start3A_488] : memref<125000x8x64xf32, #tpu.memory_space<hbm>> -> memref<1x1x64xf32, #tpu.memory_space<hbm>>
      %dma_start3A_490 = tpu.memref_squeeze %dma_start3A_489 : memref<1x1x64xf32, #tpu.memory_space<hbm>> -> memref<64xf32, #tpu.memory_space<hbm>>
      tpu.enqueue_dma source(%dma_start3A_490 : memref<64xf32, #tpu.memory_space<hbm>>) target(%dma_start3A_487 : memref<64xf32, #tpu.memory_space<vmem>>) target_semaphore(%arg8 : memref<!tpu.dma_semaphore, #tpu.memory_space<semaphore_mem>>)
      %scan3A_491 = arith.constant 0 : i32
      scf.yield %scan3A_491 : i32
    }
    %scan3A_45 = arith.constant 25 : i32
    %dma_wait3A_46 = arith.constant 0 : i32
    %dma_wait3A_47 = arith.constant 0 : i32
    %dma_wait3A_48 = tpu.memref_slice %arg4[%dma_wait3A_46, %dma_wait3A_47] : memref<204800x64xf32, #tpu.memory_space<hbm>> -> memref<400x64xf32, #tpu.memory_space<hbm>>
    %dma_wait3A_49 = arith.constant 0 : i32
    %dma_wait3A_50 = arith.constant 0 : i32
    %dma_wait3A_51 = tpu.memref_slice %arg4[%dma_wait3A_49, %dma_wait3A_50] : memref<204800x64xf32, #tpu.memory_space<hbm>> -> memref<400x64xf32, #tpu.memory_space<hbm>>
    tpu.wait_dma2 semaphore(%arg9 : memref<!tpu.dma_semaphore, #tpu.memory_space<semaphore_mem>>) src(%dma_wait3A_51 : memref<400x64xf32, #tpu.memory_space<hbm>>) dst(%arg7 : memref<400x64xf32, #tpu.memory_space<vmem>>)
    %scan3A_52 = arith.constant 0 : i32
    %scan3A_53 = arith.constant 0 : i32
    %scan3A_54 = arith.constant 400 : i32
    %scan3A_55 = arith.addi %scan3A_53, %scan3A_54 : i32
    %scan3A_56 = arith.constant 1 : i32
    %scan3A_57 = scf.for %scan3A_135 = %scan3A_53 to %scan3A_55 step %scan3A_56 iter_args(%scan3A_136 = %scan3A_52) -> (i32)  : i32 {
      %get3A = arith.index_cast %scan3A_135 : i32 to index
      %get3A_137 = arith.constant 0 : index
      %get3A_138 = tpu.vector_load %arg7[%get3A, %get3A_137] {strides = array<i32>} : memref<400x64xf32, #tpu.memory_space<vmem>>, vector<1x16xf32>,
      %get3A_139 = vector.shape_cast %get3A_138 : vector<1x16xf32> to vector<16xf32>
      %mul3A_140 = arith.constant 8.000000e+00 : f32
      %mul3A_141 = vector.broadcast %mul3A_140 : f32 to vector<16xf32>
      %mul3A_142 = arith.mulf %get3A_139, %mul3A_141 : vector<16xf32>
      %swap3A = arith.index_cast %scan3A_135 : i32 to index
      %swap3A_143 = arith.constant 0 : index
      %swap3A_144 = tpu.vector_load %arg7[%swap3A, %swap3A_143] {strides = array<i32>} : memref<400x64xf32, #tpu.memory_space<vmem>>, vector<1x16xf32>,
      %swap3A_145 = vector.shape_cast %swap3A_144 : vector<1x16xf32> to vector<16xf32>
      %swap3A_146 = vector.shape_cast %mul3A_142 : vector<16xf32> to vector<1x16xf32>
      tpu.vector_store %arg7[%swap3A, %swap3A_143], %swap3A_146 {strides = array<i32>} : memref<400x64xf32, #tpu.memory_space<vmem>>, vector<1x16xf32>,
      %get3A_147 = arith.index_cast %scan3A_135 : i32 to index
      %get3A_148 = arith.constant 16 : index
      %get3A_149 = tpu.vector_load %arg7[%get3A_147, %get3A_148] {strides = array<i32>} : memref<400x64xf32, #tpu.memory_space<vmem>>, vector<1x16xf32>,
      %get3A_150 = vector.shape_cast %get3A_149 : vector<1x16xf32> to vector<16xf32>
      %mul3A_151 = arith.constant 8.000000e+00 : f32
      %mul3A_152 = vector.broadcast %mul3A_151 : f32 to vector<16xf32>
      %mul3A_153 = arith.mulf %get3A_150, %mul3A_152 : vector<16xf32>
      %swap3A_154 = arith.index_cast %scan3A_135 : i32 to index
      %swap3A_155 = arith.constant 16 : index
      %swap3A_156 = tpu.vector_load %arg7[%swap3A_154, %swap3A_155] {strides = array<i32>} : memref<400x64xf32, #tpu.memory_space<vmem>>, vector<1x16xf32>,
      %swap3A_157 = vector.shape_cast %swap3A_156 : vector<1x16xf32> to vector<16xf32>
      %swap3A_158 = vector.shape_cast %mul3A_153 : vector<16xf32> to vector<1x16xf32>
      tpu.vector_store %arg7[%swap3A_154, %swap3A_155], %swap3A_158 {strides = array<i32>} : memref<400x64xf32, #tpu.memory_space<vmem>>, vector<1x16xf32>,
      %get3A_159 = arith.index_cast %scan3A_135 : i32 to index
      %get3A_160 = arith.constant 32 : index
      %get3A_161 = tpu.vector_load %arg7[%get3A_159, %get3A_160] {strides = array<i32>} : memref<400x64xf32, #tpu.memory_space<vmem>>, vector<1x16xf32>,
      %get3A_162 = vector.shape_cast %get3A_161 : vector<1x16xf32> to vector<16xf32>
      %mul3A_163 = arith.constant 8.000000e+00 : f32
      %mul3A_164 = vector.broadcast %mul3A_163 : f32 to vector<16xf32>
      %mul3A_165 = arith.mulf %get3A_162, %mul3A_164 : vector<16xf32>
      %swap3A_166 = arith.index_cast %scan3A_135 : i32 to index
      %swap3A_167 = arith.constant 32 : index
      %swap3A_168 = tpu.vector_load %arg7[%swap3A_166, %swap3A_167] {strides = array<i32>} : memref<400x64xf32, #tpu.memory_space<vmem>>, vector<1x16xf32>,
      %swap3A_169 = vector.shape_cast %swap3A_168 : vector<1x16xf32> to vector<16xf32>
      %swap3A_170 = vector.shape_cast %mul3A_165 : vector<16xf32> to vector<1x16xf32>
      tpu.vector_store %arg7[%swap3A_166, %swap3A_167], %swap3A_170 {strides = array<i32>} : memref<400x64xf32, #tpu.memory_space<vmem>>, vector<1x16xf32>,
      %get3A_171 = arith.index_cast %scan3A_135 : i32 to index
      %get3A_172 = arith.constant 48 : index
      %get3A_173 = tpu.vector_load %arg7[%get3A_171, %get3A_172] {strides = array<i32>} : memref<400x64xf32, #tpu.memory_space<vmem>>, vector<1x16xf32>,
      %get3A_174 = vector.shape_cast %get3A_173 : vector<1x16xf32> to vector<16xf32>
      %mul3A_175 = arith.constant 8.000000e+00 : f32
      %mul3A_176 = vector.broadcast %mul3A_175 : f32 to vector<16xf32>
      %mul3A_177 = arith.mulf %get3A_174, %mul3A_176 : vector<16xf32>
      %swap3A_178 = arith.index_cast %scan3A_135 : i32 to index
      %swap3A_179 = arith.constant 48 : index
      %swap3A_180 = tpu.vector_load %arg7[%swap3A_178, %swap3A_179] {strides = array<i32>} : memref<400x64xf32, #tpu.memory_space<vmem>>, vector<1x16xf32>,
      %swap3A_181 = vector.shape_cast %swap3A_180 : vector<1x16xf32> to vector<16xf32>
      %swap3A_182 = vector.shape_cast %mul3A_177 : vector<16xf32> to vector<1x16xf32>
      tpu.vector_store %arg7[%swap3A_178, %swap3A_179], %swap3A_182 {strides = array<i32>} : memref<400x64xf32, #tpu.memory_space<vmem>>, vector<1x16xf32>,
      %scan3A_183 = arith.constant 0 : i32
      scf.yield %scan3A_183 : i32
    }
    %scan3A_58 = arith.constant 400 : i32
    %add3A_59 = arith.constant 400 : i32
    %add3A_60 = arith.addi %mul3A_2, %add3A_59 : i32
    %dma_start3A_61 = arith.constant 0 : i32
    %dma_start3A_62 = tpu.memref_slice %arg4[%add3A_60, %dma_start3A_61] : memref<204800x64xf32, #tpu.memory_space<hbm>> -> memref<400x64xf32, #tpu.memory_space<hbm>>
    %dma_start3A_63 = arith.constant 0 : i32
    %dma_start3A_64 = tpu.memref_slice %arg4[%add3A_60, %dma_start3A_63] : memref<204800x64xf32, #tpu.memory_space<hbm>> -> memref<400x64xf32, #tpu.memory_space<hbm>>
    tpu.enqueue_dma source(%arg7 : memref<400x64xf32, #tpu.memory_space<vmem>>) target(%dma_start3A_64 : memref<400x64xf32, #tpu.memory_space<hbm>>) target_semaphore(%arg11 : memref<!tpu.dma_semaphore, #tpu.memory_space<semaphore_mem>>)
    %dma_wait3A_65 = arith.constant 0 : i32
    %dma_wait3A_66 = arith.constant 0 : i32
    %dma_wait3A_67 = tpu.memref_slice %arg4[%dma_wait3A_65, %dma_wait3A_66] : memref<204800x64xf32, #tpu.memory_space<hbm>> -> memref<400x64xf32, #tpu.memory_space<hbm>>
    %dma_wait3A_68 = arith.constant 0 : i32
    %dma_wait3A_69 = arith.constant 0 : i32
    %dma_wait3A_70 = tpu.memref_slice %arg4[%dma_wait3A_68, %dma_wait3A_69] : memref<204800x64xf32, #tpu.memory_space<hbm>> -> memref<400x64xf32, #tpu.memory_space<hbm>>
    tpu.wait_dma2 semaphore(%arg11 : memref<!tpu.dma_semaphore, #tpu.memory_space<semaphore_mem>>) src(%dma_wait3A_70 : memref<400x64xf32, #tpu.memory_space<hbm>>) dst(%arg7 : memref<400x64xf32, #tpu.memory_space<vmem>>)
    %scan3A_71 = arith.constant 0 : i32
    %scan3A_72 = arith.constant 0 : i32
    %scan3A_73 = arith.constant 25 : i32
    %scan3A_74 = arith.addi %scan3A_72, %scan3A_73 : i32
    %scan3A_75 = arith.constant 1 : i32
    %scan3A_76 = scf.for %scan3A_135 = %scan3A_72 to %scan3A_74 step %scan3A_75 iter_args(%scan3A_136 = %scan3A_71) -> (i32)  : i32 {
      %mul3A_137 = arith.constant 16 : i32
      %mul3A_138 = arith.muli %scan3A_135, %mul3A_137 : i32
      %add3A_139 = arith.constant 1200 : i32
      %add3A_140 = arith.addi %add3A_139, %mul3A_138 : i32
      %get3A = arith.index_cast %add3A_140 : i32 to index
      %get3A_141 = tpu.vector_load %arg5[%get3A] {strides = array<i32>} : memref<6400xi32, #tpu.memory_space<vmem>>, vector<16xi32>,
      %get3A_142 = vector.shape_cast %get3A_141 : vector<16xi32> to vector<16xi32>
      %slice3A = vector.extract_strided_slice %get3A_142 {offsets = [0], sizes = [1], strides = [1]} : vector<16xi32> to vector<1xi32>
      %squeeze3A = vector.extract %slice3A[0] : i32 from vector<1xi32>
      %shift_right_arithmetic3A = arith.constant 3 : i32
      %shift_right_arithmetic3A_143 = arith.shrsi %squeeze3A, %shift_right_arithmetic3A : i32
      %and3A = arith.constant 7 : i32
      %and3A_144 = arith.andi %squeeze3A, %and3A : i32
      %mul3A_145 = arith.constant 16 : i32
      %mul3A_146 = arith.muli %scan3A_135, %mul3A_145 : i32
      %add3A_147 = arith.constant 0 : i32
      %add3A_148 = arith.addi %mul3A_146, %add3A_147 : i32
      %dma_start3A_149 = arith.constant 0 : i32
      %dma_start3A_150 = tpu.memref_slice %arg7[%add3A_148, %dma_start3A_149] : memref<400x64xf32, #tpu.memory_space<vmem>> -> memref<1x64xf32, #tpu.memory_space<vmem>>
      %dma_start3A_151 = tpu.memref_squeeze %dma_start3A_150 : memref<1x64xf32, #tpu.memory_space<vmem>> -> memref<64xf32, #tpu.memory_space<vmem>>
      %dma_start3A_152 = arith.constant 0 : i32
      %dma_start3A_153 = tpu.memref_slice %arg2[%shift_right_arithmetic3A_143, %and3A_144, %dma_start3A_152] : memref<125000x8x64xf32, #tpu.memory_space<hbm>> -> memref<1x1x64xf32, #tpu.memory_space<hbm>>
      %dma_start3A_154 = tpu.memref_squeeze %dma_start3A_153 : memref<1x1x64xf32, #tpu.memory_space<hbm>> -> memref<64xf32, #tpu.memory_space<hbm>>
      %dma_start3A_155 = arith.constant 0 : i32
      %dma_start3A_156 = tpu.memref_slice %arg7[%add3A_148, %dma_start3A_155] : memref<400x64xf32, #tpu.memory_space<vmem>> -> memref<1x64xf32, #tpu.memory_space<vmem>>
      %dma_start3A_157 = tpu.memref_squeeze %dma_start3A_156 : memref<1x64xf32, #tpu.memory_space<vmem>> -> memref<64xf32, #tpu.memory_space<vmem>>
      %dma_start3A_158 = arith.constant 0 : i32
      %dma_start3A_159 = tpu.memref_slice %arg2[%shift_right_arithmetic3A_143, %and3A_144, %dma_start3A_158] : memref<125000x8x64xf32, #tpu.memory_space<hbm>> -> memref<1x1x64xf32, #tpu.memory_space<hbm>>
      %dma_start3A_160 = tpu.memref_squeeze %dma_start3A_159 : memref<1x1x64xf32, #tpu.memory_space<hbm>> -> memref<64xf32, #tpu.memory_space<hbm>>
      tpu.enqueue_dma source(%dma_start3A_160 : memref<64xf32, #tpu.memory_space<hbm>>) target(%dma_start3A_157 : memref<64xf32, #tpu.memory_space<vmem>>) target_semaphore(%arg9 : memref<!tpu.dma_semaphore, #tpu.memory_space<semaphore_mem>>)
      %slice3A_161 = vector.extract_strided_slice %get3A_142 {offsets = [1], sizes = [1], strides = [1]} : vector<16xi32> to vector<1xi32>
      %squeeze3A_162 = vector.extract %slice3A_161[0] : i32 from vector<1xi32>
      %shift_right_arithmetic3A_163 = arith.constant 3 : i32
      %shift_right_arithmetic3A_164 = arith.shrsi %squeeze3A_162, %shift_right_arithmetic3A_163 : i32
      %and3A_165 = arith.constant 7 : i32
      %and3A_166 = arith.andi %squeeze3A_162, %and3A_165 : i32
      %mul3A_167 = arith.constant 16 : i32
      %mul3A_168 = arith.muli %scan3A_135, %mul3A_167 : i32
      %add3A_169 = arith.constant 1 : i32
      %add3A_170 = arith.addi %mul3A_168, %add3A_169 : i32
      %dma_start3A_171 = arith.constant 0 : i32
      %dma_start3A_172 = tpu.memref_slice %arg7[%add3A_170, %dma_start3A_171] : memref<400x64xf32, #tpu.memory_space<vmem>> -> memref<1x64xf32, #tpu.memory_space<vmem>>
      %dma_start3A_173 = tpu.memref_squeeze %dma_start3A_172 : memref<1x64xf32, #tpu.memory_space<vmem>> -> memref<64xf32, #tpu.memory_space<vmem>>
      %dma_start3A_174 = arith.constant 0 : i32
      %dma_start3A_175 = tpu.memref_slice %arg2[%shift_right_arithmetic3A_164, %and3A_166, %dma_start3A_174] : memref<125000x8x64xf32, #tpu.memory_space<hbm>> -> memref<1x1x64xf32, #tpu.memory_space<hbm>>
      %dma_start3A_176 = tpu.memref_squeeze %dma_start3A_175 : memref<1x1x64xf32, #tpu.memory_space<hbm>> -> memref<64xf32, #tpu.memory_space<hbm>>
      %dma_start3A_177 = arith.constant 0 : i32
      %dma_start3A_178 = tpu.memref_slice %arg7[%add3A_170, %dma_start3A_177] : memref<400x64xf32, #tpu.memory_space<vmem>> -> memref<1x64xf32, #tpu.memory_space<vmem>>
      %dma_start3A_179 = tpu.memref_squeeze %dma_start3A_178 : memref<1x64xf32, #tpu.memory_space<vmem>> -> memref<64xf32, #tpu.memory_space<vmem>>
      %dma_start3A_180 = arith.constant 0 : i32
      %dma_start3A_181 = tpu.memref_slice %arg2[%shift_right_arithmetic3A_164, %and3A_166, %dma_start3A_180] : memref<125000x8x64xf32, #tpu.memory_space<hbm>> -> memref<1x1x64xf32, #tpu.memory_space<hbm>>
      %dma_start3A_182 = tpu.memref_squeeze %dma_start3A_181 : memref<1x1x64xf32, #tpu.memory_space<hbm>> -> memref<64xf32, #tpu.memory_space<hbm>>
      tpu.enqueue_dma source(%dma_start3A_182 : memref<64xf32, #tpu.memory_space<hbm>>) target(%dma_start3A_179 : memref<64xf32, #tpu.memory_space<vmem>>) target_semaphore(%arg9 : memref<!tpu.dma_semaphore, #tpu.memory_space<semaphore_mem>>)
      %slice3A_183 = vector.extract_strided_slice %get3A_142 {offsets = [2], sizes = [1], strides = [1]} : vector<16xi32> to vector<1xi32>
      %squeeze3A_184 = vector.extract %slice3A_183[0] : i32 from vector<1xi32>
      %shift_right_arithmetic3A_185 = arith.constant 3 : i32
      %shift_right_arithmetic3A_186 = arith.shrsi %squeeze3A_184, %shift_right_arithmetic3A_185 : i32
      %and3A_187 = arith.constant 7 : i32
      %and3A_188 = arith.andi %squeeze3A_184, %and3A_187 : i32
      %mul3A_189 = arith.constant 16 : i32
      %mul3A_190 = arith.muli %scan3A_135, %mul3A_189 : i32
      %add3A_191 = arith.constant 2 : i32
      %add3A_192 = arith.addi %mul3A_190, %add3A_191 : i32
      %dma_start3A_193 = arith.constant 0 : i32
      %dma_start3A_194 = tpu.memref_slice %arg7[%add3A_192, %dma_start3A_193] : memref<400x64xf32, #tpu.memory_space<vmem>> -> memref<1x64xf32, #tpu.memory_space<vmem>>
      %dma_start3A_195 = tpu.memref_squeeze %dma_start3A_194 : memref<1x64xf32, #tpu.memory_space<vmem>> -> memref<64xf32, #tpu.memory_space<vmem>>
      %dma_start3A_196 = arith.constant 0 : i32
      %dma_start3A_197 = tpu.memref_slice %arg2[%shift_right_arithmetic3A_186, %and3A_188, %dma_start3A_196] : memref<125000x8x64xf32, #tpu.memory_space<hbm>> -> memref<1x1x64xf32, #tpu.memory_space<hbm>>
      %dma_start3A_198 = tpu.memref_squeeze %dma_start3A_197 : memref<1x1x64xf32, #tpu.memory_space<hbm>> -> memref<64xf32, #tpu.memory_space<hbm>>
      %dma_start3A_199 = arith.constant 0 : i32
      %dma_start3A_200 = tpu.memref_slice %arg7[%add3A_192, %dma_start3A_199] : memref<400x64xf32, #tpu.memory_space<vmem>> -> memref<1x64xf32, #tpu.memory_space<vmem>>
      %dma_start3A_201 = tpu.memref_squeeze %dma_start3A_200 : memref<1x64xf32, #tpu.memory_space<vmem>> -> memref<64xf32, #tpu.memory_space<vmem>>
      %dma_start3A_202 = arith.constant 0 : i32
      %dma_start3A_203 = tpu.memref_slice %arg2[%shift_right_arithmetic3A_186, %and3A_188, %dma_start3A_202] : memref<125000x8x64xf32, #tpu.memory_space<hbm>> -> memref<1x1x64xf32, #tpu.memory_space<hbm>>
      %dma_start3A_204 = tpu.memref_squeeze %dma_start3A_203 : memref<1x1x64xf32, #tpu.memory_space<hbm>> -> memref<64xf32, #tpu.memory_space<hbm>>
      tpu.enqueue_dma source(%dma_start3A_204 : memref<64xf32, #tpu.memory_space<hbm>>) target(%dma_start3A_201 : memref<64xf32, #tpu.memory_space<vmem>>) target_semaphore(%arg9 : memref<!tpu.dma_semaphore, #tpu.memory_space<semaphore_mem>>)
      %slice3A_205 = vector.extract_strided_slice %get3A_142 {offsets = [3], sizes = [1], strides = [1]} : vector<16xi32> to vector<1xi32>
      %squeeze3A_206 = vector.extract %slice3A_205[0] : i32 from vector<1xi32>
      %shift_right_arithmetic3A_207 = arith.constant 3 : i32
      %shift_right_arithmetic3A_208 = arith.shrsi %squeeze3A_206, %shift_right_arithmetic3A_207 : i32
      %and3A_209 = arith.constant 7 : i32
      %and3A_210 = arith.andi %squeeze3A_206, %and3A_209 : i32
      %mul3A_211 = arith.constant 16 : i32
      %mul3A_212 = arith.muli %scan3A_135, %mul3A_211 : i32
      %add3A_213 = arith.constant 3 : i32
      %add3A_214 = arith.addi %mul3A_212, %add3A_213 : i32
      %dma_start3A_215 = arith.constant 0 : i32
      %dma_start3A_216 = tpu.memref_slice %arg7[%add3A_214, %dma_start3A_215] : memref<400x64xf32, #tpu.memory_space<vmem>> -> memref<1x64xf32, #tpu.memory_space<vmem>>
      %dma_start3A_217 = tpu.memref_squeeze %dma_start3A_216 : memref<1x64xf32, #tpu.memory_space<vmem>> -> memref<64xf32, #tpu.memory_space<vmem>>
      %dma_start3A_218 = arith.constant 0 : i32
      %dma_start3A_219 = tpu.memref_slice %arg2[%shift_right_arithmetic3A_208, %and3A_210, %dma_start3A_218] : memref<125000x8x64xf32, #tpu.memory_space<hbm>> -> memref<1x1x64xf32, #tpu.memory_space<hbm>>
      %dma_start3A_220 = tpu.memref_squeeze %dma_start3A_219 : memref<1x1x64xf32, #tpu.memory_space<hbm>> -> memref<64xf32, #tpu.memory_space<hbm>>
      %dma_start3A_221 = arith.constant 0 : i32
      %dma_start3A_222 = tpu.memref_slice %arg7[%add3A_214, %dma_start3A_221] : memref<400x64xf32, #tpu.memory_space<vmem>> -> memref<1x64xf32, #tpu.memory_space<vmem>>
      %dma_start3A_223 = tpu.memref_squeeze %dma_start3A_222 : memref<1x64xf32, #tpu.memory_space<vmem>> -> memref<64xf32, #tpu.memory_space<vmem>>
      %dma_start3A_224 = arith.constant 0 : i32
      %dma_start3A_225 = tpu.memref_slice %arg2[%shift_right_arithmetic3A_208, %and3A_210, %dma_start3A_224] : memref<125000x8x64xf32, #tpu.memory_space<hbm>> -> memref<1x1x64xf32, #tpu.memory_space<hbm>>
      %dma_start3A_226 = tpu.memref_squeeze %dma_start3A_225 : memref<1x1x64xf32, #tpu.memory_space<hbm>> -> memref<64xf32, #tpu.memory_space<hbm>>
      tpu.enqueue_dma source(%dma_start3A_226 : memref<64xf32, #tpu.memory_space<hbm>>) target(%dma_start3A_223 : memref<64xf32, #tpu.memory_space<vmem>>) target_semaphore(%arg9 : memref<!tpu.dma_semaphore, #tpu.memory_space<semaphore_mem>>)
      %slice3A_227 = vector.extract_strided_slice %get3A_142 {offsets = [4], sizes = [1], strides = [1]} : vector<16xi32> to vector<1xi32>
      %squeeze3A_228 = vector.extract %slice3A_227[0] : i32 from vector<1xi32>
      %shift_right_arithmetic3A_229 = arith.constant 3 : i32
      %shift_right_arithmetic3A_230 = arith.shrsi %squeeze3A_228, %shift_right_arithmetic3A_229 : i32
      %and3A_231 = arith.constant 7 : i32
      %and3A_232 = arith.andi %squeeze3A_228, %and3A_231 : i32
      %mul3A_233 = arith.constant 16 : i32
      %mul3A_234 = arith.muli %scan3A_135, %mul3A_233 : i32
      %add3A_235 = arith.constant 4 : i32
      %add3A_236 = arith.addi %mul3A_234, %add3A_235 : i32
      %dma_start3A_237 = arith.constant 0 : i32
      %dma_start3A_238 = tpu.memref_slice %arg7[%add3A_236, %dma_start3A_237] : memref<400x64xf32, #tpu.memory_space<vmem>> -> memref<1x64xf32, #tpu.memory_space<vmem>>
      %dma_start3A_239 = tpu.memref_squeeze %dma_start3A_238 : memref<1x64xf32, #tpu.memory_space<vmem>> -> memref<64xf32, #tpu.memory_space<vmem>>
      %dma_start3A_240 = arith.constant 0 : i32
      %dma_start3A_241 = tpu.memref_slice %arg2[%shift_right_arithmetic3A_230, %and3A_232, %dma_start3A_240] : memref<125000x8x64xf32, #tpu.memory_space<hbm>> -> memref<1x1x64xf32, #tpu.memory_space<hbm>>
      %dma_start3A_242 = tpu.memref_squeeze %dma_start3A_241 : memref<1x1x64xf32, #tpu.memory_space<hbm>> -> memref<64xf32, #tpu.memory_space<hbm>>
      %dma_start3A_243 = arith.constant 0 : i32
      %dma_start3A_244 = tpu.memref_slice %arg7[%add3A_236, %dma_start3A_243] : memref<400x64xf32, #tpu.memory_space<vmem>> -> memref<1x64xf32, #tpu.memory_space<vmem>>
      %dma_start3A_245 = tpu.memref_squeeze %dma_start3A_244 : memref<1x64xf32, #tpu.memory_space<vmem>> -> memref<64xf32, #tpu.memory_space<vmem>>
      %dma_start3A_246 = arith.constant 0 : i32
      %dma_start3A_247 = tpu.memref_slice %arg2[%shift_right_arithmetic3A_230, %and3A_232, %dma_start3A_246] : memref<125000x8x64xf32, #tpu.memory_space<hbm>> -> memref<1x1x64xf32, #tpu.memory_space<hbm>>
      %dma_start3A_248 = tpu.memref_squeeze %dma_start3A_247 : memref<1x1x64xf32, #tpu.memory_space<hbm>> -> memref<64xf32, #tpu.memory_space<hbm>>
      tpu.enqueue_dma source(%dma_start3A_248 : memref<64xf32, #tpu.memory_space<hbm>>) target(%dma_start3A_245 : memref<64xf32, #tpu.memory_space<vmem>>) target_semaphore(%arg9 : memref<!tpu.dma_semaphore, #tpu.memory_space<semaphore_mem>>)
      %slice3A_249 = vector.extract_strided_slice %get3A_142 {offsets = [5], sizes = [1], strides = [1]} : vector<16xi32> to vector<1xi32>
      %squeeze3A_250 = vector.extract %slice3A_249[0] : i32 from vector<1xi32>
      %shift_right_arithmetic3A_251 = arith.constant 3 : i32
      %shift_right_arithmetic3A_252 = arith.shrsi %squeeze3A_250, %shift_right_arithmetic3A_251 : i32
      %and3A_253 = arith.constant 7 : i32
      %and3A_254 = arith.andi %squeeze3A_250, %and3A_253 : i32
      %mul3A_255 = arith.constant 16 : i32
      %mul3A_256 = arith.muli %scan3A_135, %mul3A_255 : i32
      %add3A_257 = arith.constant 5 : i32
      %add3A_258 = arith.addi %mul3A_256, %add3A_257 : i32
      %dma_start3A_259 = arith.constant 0 : i32
      %dma_start3A_260 = tpu.memref_slice %arg7[%add3A_258, %dma_start3A_259] : memref<400x64xf32, #tpu.memory_space<vmem>> -> memref<1x64xf32, #tpu.memory_space<vmem>>
      %dma_start3A_261 = tpu.memref_squeeze %dma_start3A_260 : memref<1x64xf32, #tpu.memory_space<vmem>> -> memref<64xf32, #tpu.memory_space<vmem>>
      %dma_start3A_262 = arith.constant 0 : i32
      %dma_start3A_263 = tpu.memref_slice %arg2[%shift_right_arithmetic3A_252, %and3A_254, %dma_start3A_262] : memref<125000x8x64xf32, #tpu.memory_space<hbm>> -> memref<1x1x64xf32, #tpu.memory_space<hbm>>
      %dma_start3A_264 = tpu.memref_squeeze %dma_start3A_263 : memref<1x1x64xf32, #tpu.memory_space<hbm>> -> memref<64xf32, #tpu.memory_space<hbm>>
      %dma_start3A_265 = arith.constant 0 : i32
      %dma_start3A_266 = tpu.memref_slice %arg7[%add3A_258, %dma_start3A_265] : memref<400x64xf32, #tpu.memory_space<vmem>> -> memref<1x64xf32, #tpu.memory_space<vmem>>
      %dma_start3A_267 = tpu.memref_squeeze %dma_start3A_266 : memref<1x64xf32, #tpu.memory_space<vmem>> -> memref<64xf32, #tpu.memory_space<vmem>>
      %dma_start3A_268 = arith.constant 0 : i32
      %dma_start3A_269 = tpu.memref_slice %arg2[%shift_right_arithmetic3A_252, %and3A_254, %dma_start3A_268] : memref<125000x8x64xf32, #tpu.memory_space<hbm>> -> memref<1x1x64xf32, #tpu.memory_space<hbm>>
      %dma_start3A_270 = tpu.memref_squeeze %dma_start3A_269 : memref<1x1x64xf32, #tpu.memory_space<hbm>> -> memref<64xf32, #tpu.memory_space<hbm>>
      tpu.enqueue_dma source(%dma_start3A_270 : memref<64xf32, #tpu.memory_space<hbm>>) target(%dma_start3A_267 : memref<64xf32, #tpu.memory_space<vmem>>) target_semaphore(%arg9 : memref<!tpu.dma_semaphore, #tpu.memory_space<semaphore_mem>>)
      %slice3A_271 = vector.extract_strided_slice %get3A_142 {offsets = [6], sizes = [1], strides = [1]} : vector<16xi32> to vector<1xi32>
      %squeeze3A_272 = vector.extract %slice3A_271[0] : i32 from vector<1xi32>
      %shift_right_arithmetic3A_273 = arith.constant 3 : i32
      %shift_right_arithmetic3A_274 = arith.shrsi %squeeze3A_272, %shift_right_arithmetic3A_273 : i32
      %and3A_275 = arith.constant 7 : i32
      %and3A_276 = arith.andi %squeeze3A_272, %and3A_275 : i32
      %mul3A_277 = arith.constant 16 : i32
      %mul3A_278 = arith.muli %scan3A_135, %mul3A_277 : i32
      %add3A_279 = arith.constant 6 : i32
      %add3A_280 = arith.addi %mul3A_278, %add3A_279 : i32
      %dma_start3A_281 = arith.constant 0 : i32
      %dma_start3A_282 = tpu.memref_slice %arg7[%add3A_280, %dma_start3A_281] : memref<400x64xf32, #tpu.memory_space<vmem>> -> memref<1x64xf32, #tpu.memory_space<vmem>>
      %dma_start3A_283 = tpu.memref_squeeze %dma_start3A_282 : memref<1x64xf32, #tpu.memory_space<vmem>> -> memref<64xf32, #tpu.memory_space<vmem>>
      %dma_start3A_284 = arith.constant 0 : i32
      %dma_start3A_285 = tpu.memref_slice %arg2[%shift_right_arithmetic3A_274, %and3A_276, %dma_start3A_284] : memref<125000x8x64xf32, #tpu.memory_space<hbm>> -> memref<1x1x64xf32, #tpu.memory_space<hbm>>
      %dma_start3A_286 = tpu.memref_squeeze %dma_start3A_285 : memref<1x1x64xf32, #tpu.memory_space<hbm>> -> memref<64xf32, #tpu.memory_space<hbm>>
      %dma_start3A_287 = arith.constant 0 : i32
      %dma_start3A_288 = tpu.memref_slice %arg7[%add3A_280, %dma_start3A_287] : memref<400x64xf32, #tpu.memory_space<vmem>> -> memref<1x64xf32, #tpu.memory_space<vmem>>
      %dma_start3A_289 = tpu.memref_squeeze %dma_start3A_288 : memref<1x64xf32, #tpu.memory_space<vmem>> -> memref<64xf32, #tpu.memory_space<vmem>>
      %dma_start3A_290 = arith.constant 0 : i32
      %dma_start3A_291 = tpu.memref_slice %arg2[%shift_right_arithmetic3A_274, %and3A_276, %dma_start3A_290] : memref<125000x8x64xf32, #tpu.memory_space<hbm>> -> memref<1x1x64xf32, #tpu.memory_space<hbm>>
      %dma_start3A_292 = tpu.memref_squeeze %dma_start3A_291 : memref<1x1x64xf32, #tpu.memory_space<hbm>> -> memref<64xf32, #tpu.memory_space<hbm>>
      tpu.enqueue_dma source(%dma_start3A_292 : memref<64xf32, #tpu.memory_space<hbm>>) target(%dma_start3A_289 : memref<64xf32, #tpu.memory_space<vmem>>) target_semaphore(%arg9 : memref<!tpu.dma_semaphore, #tpu.memory_space<semaphore_mem>>)
      %slice3A_293 = vector.extract_strided_slice %get3A_142 {offsets = [7], sizes = [1], strides = [1]} : vector<16xi32> to vector<1xi32>
      %squeeze3A_294 = vector.extract %slice3A_293[0] : i32 from vector<1xi32>
      %shift_right_arithmetic3A_295 = arith.constant 3 : i32
      %shift_right_arithmetic3A_296 = arith.shrsi %squeeze3A_294, %shift_right_arithmetic3A_295 : i32
      %and3A_297 = arith.constant 7 : i32
      %and3A_298 = arith.andi %squeeze3A_294, %and3A_297 : i32
      %mul3A_299 = arith.constant 16 : i32
      %mul3A_300 = arith.muli %scan3A_135, %mul3A_299 : i32
      %add3A_301 = arith.constant 7 : i32
      %add3A_302 = arith.addi %mul3A_300, %add3A_301 : i32
      %dma_start3A_303 = arith.constant 0 : i32
      %dma_start3A_304 = tpu.memref_slice %arg7[%add3A_302, %dma_start3A_303] : memref<400x64xf32, #tpu.memory_space<vmem>> -> memref<1x64xf32, #tpu.memory_space<vmem>>
      %dma_start3A_305 = tpu.memref_squeeze %dma_start3A_304 : memref<1x64xf32, #tpu.memory_space<vmem>> -> memref<64xf32, #tpu.memory_space<vmem>>
      %dma_start3A_306 = arith.constant 0 : i32
      %dma_start3A_307 = tpu.memref_slice %arg2[%shift_right_arithmetic3A_296, %and3A_298, %dma_start3A_306] : memref<125000x8x64xf32, #tpu.memory_space<hbm>> -> memref<1x1x64xf32, #tpu.memory_space<hbm>>
      %dma_start3A_308 = tpu.memref_squeeze %dma_start3A_307 : memref<1x1x64xf32, #tpu.memory_space<hbm>> -> memref<64xf32, #tpu.memory_space<hbm>>
      %dma_start3A_309 = arith.constant 0 : i32
      %dma_start3A_310 = tpu.memref_slice %arg7[%add3A_302, %dma_start3A_309] : memref<400x64xf32, #tpu.memory_space<vmem>> -> memref<1x64xf32, #tpu.memory_space<vmem>>
      %dma_start3A_311 = tpu.memref_squeeze %dma_start3A_310 : memref<1x64xf32, #tpu.memory_space<vmem>> -> memref<64xf32, #tpu.memory_space<vmem>>
      %dma_start3A_312 = arith.constant 0 : i32
      %dma_start3A_313 = tpu.memref_slice %arg2[%shift_right_arithmetic3A_296, %and3A_298, %dma_start3A_312] : memref<125000x8x64xf32, #tpu.memory_space<hbm>> -> memref<1x1x64xf32, #tpu.memory_space<hbm>>
      %dma_start3A_314 = tpu.memref_squeeze %dma_start3A_313 : memref<1x1x64xf32, #tpu.memory_space<hbm>> -> memref<64xf32, #tpu.memory_space<hbm>>
      tpu.enqueue_dma source(%dma_start3A_314 : memref<64xf32, #tpu.memory_space<hbm>>) target(%dma_start3A_311 : memref<64xf32, #tpu.memory_space<vmem>>) target_semaphore(%arg9 : memref<!tpu.dma_semaphore, #tpu.memory_space<semaphore_mem>>)
      %slice3A_315 = vector.extract_strided_slice %get3A_142 {offsets = [8], sizes = [1], strides = [1]} : vector<16xi32> to vector<1xi32>
      %squeeze3A_316 = vector.extract %slice3A_315[0] : i32 from vector<1xi32>
      %shift_right_arithmetic3A_317 = arith.constant 3 : i32
      %shift_right_arithmetic3A_318 = arith.shrsi %squeeze3A_316, %shift_right_arithmetic3A_317 : i32
      %and3A_319 = arith.constant 7 : i32
      %and3A_320 = arith.andi %squeeze3A_316, %and3A_319 : i32
      %mul3A_321 = arith.constant 16 : i32
      %mul3A_322 = arith.muli %scan3A_135, %mul3A_321 : i32
      %add3A_323 = arith.constant 8 : i32
      %add3A_324 = arith.addi %mul3A_322, %add3A_323 : i32
      %dma_start3A_325 = arith.constant 0 : i32
      %dma_start3A_326 = tpu.memref_slice %arg7[%add3A_324, %dma_start3A_325] : memref<400x64xf32, #tpu.memory_space<vmem>> -> memref<1x64xf32, #tpu.memory_space<vmem>>
      %dma_start3A_327 = tpu.memref_squeeze %dma_start3A_326 : memref<1x64xf32, #tpu.memory_space<vmem>> -> memref<64xf32, #tpu.memory_space<vmem>>
      %dma_start3A_328 = arith.constant 0 : i32
      %dma_start3A_329 = tpu.memref_slice %arg2[%shift_right_arithmetic3A_318, %and3A_320, %dma_start3A_328] : memref<125000x8x64xf32, #tpu.memory_space<hbm>> -> memref<1x1x64xf32, #tpu.memory_space<hbm>>
      %dma_start3A_330 = tpu.memref_squeeze %dma_start3A_329 : memref<1x1x64xf32, #tpu.memory_space<hbm>> -> memref<64xf32, #tpu.memory_space<hbm>>
      %dma_start3A_331 = arith.constant 0 : i32
      %dma_start3A_332 = tpu.memref_slice %arg7[%add3A_324, %dma_start3A_331] : memref<400x64xf32, #tpu.memory_space<vmem>> -> memref<1x64xf32, #tpu.memory_space<vmem>>
      %dma_start3A_333 = tpu.memref_squeeze %dma_start3A_332 : memref<1x64xf32, #tpu.memory_space<vmem>> -> memref<64xf32, #tpu.memory_space<vmem>>
      %dma_start3A_334 = arith.constant 0 : i32
      %dma_start3A_335 = tpu.memref_slice %arg2[%shift_right_arithmetic3A_318, %and3A_320, %dma_start3A_334] : memref<125000x8x64xf32, #tpu.memory_space<hbm>> -> memref<1x1x64xf32, #tpu.memory_space<hbm>>
      %dma_start3A_336 = tpu.memref_squeeze %dma_start3A_335 : memref<1x1x64xf32, #tpu.memory_space<hbm>> -> memref<64xf32, #tpu.memory_space<hbm>>
      tpu.enqueue_dma source(%dma_start3A_336 : memref<64xf32, #tpu.memory_space<hbm>>) target(%dma_start3A_333 : memref<64xf32, #tpu.memory_space<vmem>>) target_semaphore(%arg9 : memref<!tpu.dma_semaphore, #tpu.memory_space<semaphore_mem>>)
      %slice3A_337 = vector.extract_strided_slice %get3A_142 {offsets = [9], sizes = [1], strides = [1]} : vector<16xi32> to vector<1xi32>
      %squeeze3A_338 = vector.extract %slice3A_337[0] : i32 from vector<1xi32>
      %shift_right_arithmetic3A_339 = arith.constant 3 : i32
      %shift_right_arithmetic3A_340 = arith.shrsi %squeeze3A_338, %shift_right_arithmetic3A_339 : i32
      %and3A_341 = arith.constant 7 : i32
      %and3A_342 = arith.andi %squeeze3A_338, %and3A_341 : i32
      %mul3A_343 = arith.constant 16 : i32
      %mul3A_344 = arith.muli %scan3A_135, %mul3A_343 : i32
      %add3A_345 = arith.constant 9 : i32
      %add3A_346 = arith.addi %mul3A_344, %add3A_345 : i32
      %dma_start3A_347 = arith.constant 0 : i32
      %dma_start3A_348 = tpu.memref_slice %arg7[%add3A_346, %dma_start3A_347] : memref<400x64xf32, #tpu.memory_space<vmem>> -> memref<1x64xf32, #tpu.memory_space<vmem>>
      %dma_start3A_349 = tpu.memref_squeeze %dma_start3A_348 : memref<1x64xf32, #tpu.memory_space<vmem>> -> memref<64xf32, #tpu.memory_space<vmem>>
      %dma_start3A_350 = arith.constant 0 : i32
      %dma_start3A_351 = tpu.memref_slice %arg2[%shift_right_arithmetic3A_340, %and3A_342, %dma_start3A_350] : memref<125000x8x64xf32, #tpu.memory_space<hbm>> -> memref<1x1x64xf32, #tpu.memory_space<hbm>>
      %dma_start3A_352 = tpu.memref_squeeze %dma_start3A_351 : memref<1x1x64xf32, #tpu.memory_space<hbm>> -> memref<64xf32, #tpu.memory_space<hbm>>
      %dma_start3A_353 = arith.constant 0 : i32
      %dma_start3A_354 = tpu.memref_slice %arg7[%add3A_346, %dma_start3A_353] : memref<400x64xf32, #tpu.memory_space<vmem>> -> memref<1x64xf32, #tpu.memory_space<vmem>>
      %dma_start3A_355 = tpu.memref_squeeze %dma_start3A_354 : memref<1x64xf32, #tpu.memory_space<vmem>> -> memref<64xf32, #tpu.memory_space<vmem>>
      %dma_start3A_356 = arith.constant 0 : i32
      %dma_start3A_357 = tpu.memref_slice %arg2[%shift_right_arithmetic3A_340, %and3A_342, %dma_start3A_356] : memref<125000x8x64xf32, #tpu.memory_space<hbm>> -> memref<1x1x64xf32, #tpu.memory_space<hbm>>
      %dma_start3A_358 = tpu.memref_squeeze %dma_start3A_357 : memref<1x1x64xf32, #tpu.memory_space<hbm>> -> memref<64xf32, #tpu.memory_space<hbm>>
      tpu.enqueue_dma source(%dma_start3A_358 : memref<64xf32, #tpu.memory_space<hbm>>) target(%dma_start3A_355 : memref<64xf32, #tpu.memory_space<vmem>>) target_semaphore(%arg9 : memref<!tpu.dma_semaphore, #tpu.memory_space<semaphore_mem>>)
      %slice3A_359 = vector.extract_strided_slice %get3A_142 {offsets = [10], sizes = [1], strides = [1]} : vector<16xi32> to vector<1xi32>
      %squeeze3A_360 = vector.extract %slice3A_359[0] : i32 from vector<1xi32>
      %shift_right_arithmetic3A_361 = arith.constant 3 : i32
      %shift_right_arithmetic3A_362 = arith.shrsi %squeeze3A_360, %shift_right_arithmetic3A_361 : i32
      %and3A_363 = arith.constant 7 : i32
      %and3A_364 = arith.andi %squeeze3A_360, %and3A_363 : i32
      %mul3A_365 = arith.constant 16 : i32
      %mul3A_366 = arith.muli %scan3A_135, %mul3A_365 : i32
      %add3A_367 = arith.constant 10 : i32
      %add3A_368 = arith.addi %mul3A_366, %add3A_367 : i32
      %dma_start3A_369 = arith.constant 0 : i32
      %dma_start3A_370 = tpu.memref_slice %arg7[%add3A_368, %dma_start3A_369] : memref<400x64xf32, #tpu.memory_space<vmem>> -> memref<1x64xf32, #tpu.memory_space<vmem>>
      %dma_start3A_371 = tpu.memref_squeeze %dma_start3A_370 : memref<1x64xf32, #tpu.memory_space<vmem>> -> memref<64xf32, #tpu.memory_space<vmem>>
      %dma_start3A_372 = arith.constant 0 : i32
      %dma_start3A_373 = tpu.memref_slice %arg2[%shift_right_arithmetic3A_362, %and3A_364, %dma_start3A_372] : memref<125000x8x64xf32, #tpu.memory_space<hbm>> -> memref<1x1x64xf32, #tpu.memory_space<hbm>>
      %dma_start3A_374 = tpu.memref_squeeze %dma_start3A_373 : memref<1x1x64xf32, #tpu.memory_space<hbm>> -> memref<64xf32, #tpu.memory_space<hbm>>
      %dma_start3A_375 = arith.constant 0 : i32
      %dma_start3A_376 = tpu.memref_slice %arg7[%add3A_368, %dma_start3A_375] : memref<400x64xf32, #tpu.memory_space<vmem>> -> memref<1x64xf32, #tpu.memory_space<vmem>>
      %dma_start3A_377 = tpu.memref_squeeze %dma_start3A_376 : memref<1x64xf32, #tpu.memory_space<vmem>> -> memref<64xf32, #tpu.memory_space<vmem>>
      %dma_start3A_378 = arith.constant 0 : i32
      %dma_start3A_379 = tpu.memref_slice %arg2[%shift_right_arithmetic3A_362, %and3A_364, %dma_start3A_378] : memref<125000x8x64xf32, #tpu.memory_space<hbm>> -> memref<1x1x64xf32, #tpu.memory_space<hbm>>
      %dma_start3A_380 = tpu.memref_squeeze %dma_start3A_379 : memref<1x1x64xf32, #tpu.memory_space<hbm>> -> memref<64xf32, #tpu.memory_space<hbm>>
      tpu.enqueue_dma source(%dma_start3A_380 : memref<64xf32, #tpu.memory_space<hbm>>) target(%dma_start3A_377 : memref<64xf32, #tpu.memory_space<vmem>>) target_semaphore(%arg9 : memref<!tpu.dma_semaphore, #tpu.memory_space<semaphore_mem>>)
      %slice3A_381 = vector.extract_strided_slice %get3A_142 {offsets = [11], sizes = [1], strides = [1]} : vector<16xi32> to vector<1xi32>
      %squeeze3A_382 = vector.extract %slice3A_381[0] : i32 from vector<1xi32>
      %shift_right_arithmetic3A_383 = arith.constant 3 : i32
      %shift_right_arithmetic3A_384 = arith.shrsi %squeeze3A_382, %shift_right_arithmetic3A_383 : i32
      %and3A_385 = arith.constant 7 : i32
      %and3A_386 = arith.andi %squeeze3A_382, %and3A_385 : i32
      %mul3A_387 = arith.constant 16 : i32
      %mul3A_388 = arith.muli %scan3A_135, %mul3A_387 : i32
      %add3A_389 = arith.constant 11 : i32
      %add3A_390 = arith.addi %mul3A_388, %add3A_389 : i32
      %dma_start3A_391 = arith.constant 0 : i32
      %dma_start3A_392 = tpu.memref_slice %arg7[%add3A_390, %dma_start3A_391] : memref<400x64xf32, #tpu.memory_space<vmem>> -> memref<1x64xf32, #tpu.memory_space<vmem>>
      %dma_start3A_393 = tpu.memref_squeeze %dma_start3A_392 : memref<1x64xf32, #tpu.memory_space<vmem>> -> memref<64xf32, #tpu.memory_space<vmem>>
      %dma_start3A_394 = arith.constant 0 : i32
      %dma_start3A_395 = tpu.memref_slice %arg2[%shift_right_arithmetic3A_384, %and3A_386, %dma_start3A_394] : memref<125000x8x64xf32, #tpu.memory_space<hbm>> -> memref<1x1x64xf32, #tpu.memory_space<hbm>>
      %dma_start3A_396 = tpu.memref_squeeze %dma_start3A_395 : memref<1x1x64xf32, #tpu.memory_space<hbm>> -> memref<64xf32, #tpu.memory_space<hbm>>
      %dma_start3A_397 = arith.constant 0 : i32
      %dma_start3A_398 = tpu.memref_slice %arg7[%add3A_390, %dma_start3A_397] : memref<400x64xf32, #tpu.memory_space<vmem>> -> memref<1x64xf32, #tpu.memory_space<vmem>>
      %dma_start3A_399 = tpu.memref_squeeze %dma_start3A_398 : memref<1x64xf32, #tpu.memory_space<vmem>> -> memref<64xf32, #tpu.memory_space<vmem>>
      %dma_start3A_400 = arith.constant 0 : i32
      %dma_start3A_401 = tpu.memref_slice %arg2[%shift_right_arithmetic3A_384, %and3A_386, %dma_start3A_400] : memref<125000x8x64xf32, #tpu.memory_space<hbm>> -> memref<1x1x64xf32, #tpu.memory_space<hbm>>
      %dma_start3A_402 = tpu.memref_squeeze %dma_start3A_401 : memref<1x1x64xf32, #tpu.memory_space<hbm>> -> memref<64xf32, #tpu.memory_space<hbm>>
      tpu.enqueue_dma source(%dma_start3A_402 : memref<64xf32, #tpu.memory_space<hbm>>) target(%dma_start3A_399 : memref<64xf32, #tpu.memory_space<vmem>>) target_semaphore(%arg9 : memref<!tpu.dma_semaphore, #tpu.memory_space<semaphore_mem>>)
      %slice3A_403 = vector.extract_strided_slice %get3A_142 {offsets = [12], sizes = [1], strides = [1]} : vector<16xi32> to vector<1xi32>
      %squeeze3A_404 = vector.extract %slice3A_403[0] : i32 from vector<1xi32>
      %shift_right_arithmetic3A_405 = arith.constant 3 : i32
      %shift_right_arithmetic3A_406 = arith.shrsi %squeeze3A_404, %shift_right_arithmetic3A_405 : i32
      %and3A_407 = arith.constant 7 : i32
      %and3A_408 = arith.andi %squeeze3A_404, %and3A_407 : i32
      %mul3A_409 = arith.constant 16 : i32
      %mul3A_410 = arith.muli %scan3A_135, %mul3A_409 : i32
      %add3A_411 = arith.constant 12 : i32
      %add3A_412 = arith.addi %mul3A_410, %add3A_411 : i32
      %dma_start3A_413 = arith.constant 0 : i32
      %dma_start3A_414 = tpu.memref_slice %arg7[%add3A_412, %dma_start3A_413] : memref<400x64xf32, #tpu.memory_space<vmem>> -> memref<1x64xf32, #tpu.memory_space<vmem>>
      %dma_start3A_415 = tpu.memref_squeeze %dma_start3A_414 : memref<1x64xf32, #tpu.memory_space<vmem>> -> memref<64xf32, #tpu.memory_space<vmem>>
      %dma_start3A_416 = arith.constant 0 : i32
      %dma_start3A_417 = tpu.memref_slice %arg2[%shift_right_arithmetic3A_406, %and3A_408, %dma_start3A_416] : memref<125000x8x64xf32, #tpu.memory_space<hbm>> -> memref<1x1x64xf32, #tpu.memory_space<hbm>>
      %dma_start3A_418 = tpu.memref_squeeze %dma_start3A_417 : memref<1x1x64xf32, #tpu.memory_space<hbm>> -> memref<64xf32, #tpu.memory_space<hbm>>
      %dma_start3A_419 = arith.constant 0 : i32
      %dma_start3A_420 = tpu.memref_slice %arg7[%add3A_412, %dma_start3A_419] : memref<400x64xf32, #tpu.memory_space<vmem>> -> memref<1x64xf32, #tpu.memory_space<vmem>>
      %dma_start3A_421 = tpu.memref_squeeze %dma_start3A_420 : memref<1x64xf32, #tpu.memory_space<vmem>> -> memref<64xf32, #tpu.memory_space<vmem>>
      %dma_start3A_422 = arith.constant 0 : i32
      %dma_start3A_423 = tpu.memref_slice %arg2[%shift_right_arithmetic3A_406, %and3A_408, %dma_start3A_422] : memref<125000x8x64xf32, #tpu.memory_space<hbm>> -> memref<1x1x64xf32, #tpu.memory_space<hbm>>
      %dma_start3A_424 = tpu.memref_squeeze %dma_start3A_423 : memref<1x1x64xf32, #tpu.memory_space<hbm>> -> memref<64xf32, #tpu.memory_space<hbm>>
      tpu.enqueue_dma source(%dma_start3A_424 : memref<64xf32, #tpu.memory_space<hbm>>) target(%dma_start3A_421 : memref<64xf32, #tpu.memory_space<vmem>>) target_semaphore(%arg9 : memref<!tpu.dma_semaphore, #tpu.memory_space<semaphore_mem>>)
      %slice3A_425 = vector.extract_strided_slice %get3A_142 {offsets = [13], sizes = [1], strides = [1]} : vector<16xi32> to vector<1xi32>
      %squeeze3A_426 = vector.extract %slice3A_425[0] : i32 from vector<1xi32>
      %shift_right_arithmetic3A_427 = arith.constant 3 : i32
      %shift_right_arithmetic3A_428 = arith.shrsi %squeeze3A_426, %shift_right_arithmetic3A_427 : i32
      %and3A_429 = arith.constant 7 : i32
      %and3A_430 = arith.andi %squeeze3A_426, %and3A_429 : i32
      %mul3A_431 = arith.constant 16 : i32
      %mul3A_432 = arith.muli %scan3A_135, %mul3A_431 : i32
      %add3A_433 = arith.constant 13 : i32
      %add3A_434 = arith.addi %mul3A_432, %add3A_433 : i32
      %dma_start3A_435 = arith.constant 0 : i32
      %dma_start3A_436 = tpu.memref_slice %arg7[%add3A_434, %dma_start3A_435] : memref<400x64xf32, #tpu.memory_space<vmem>> -> memref<1x64xf32, #tpu.memory_space<vmem>>
      %dma_start3A_437 = tpu.memref_squeeze %dma_start3A_436 : memref<1x64xf32, #tpu.memory_space<vmem>> -> memref<64xf32, #tpu.memory_space<vmem>>
      %dma_start3A_438 = arith.constant 0 : i32
      %dma_start3A_439 = tpu.memref_slice %arg2[%shift_right_arithmetic3A_428, %and3A_430, %dma_start3A_438] : memref<125000x8x64xf32, #tpu.memory_space<hbm>> -> memref<1x1x64xf32, #tpu.memory_space<hbm>>
      %dma_start3A_440 = tpu.memref_squeeze %dma_start3A_439 : memref<1x1x64xf32, #tpu.memory_space<hbm>> -> memref<64xf32, #tpu.memory_space<hbm>>
      %dma_start3A_441 = arith.constant 0 : i32
      %dma_start3A_442 = tpu.memref_slice %arg7[%add3A_434, %dma_start3A_441] : memref<400x64xf32, #tpu.memory_space<vmem>> -> memref<1x64xf32, #tpu.memory_space<vmem>>
      %dma_start3A_443 = tpu.memref_squeeze %dma_start3A_442 : memref<1x64xf32, #tpu.memory_space<vmem>> -> memref<64xf32, #tpu.memory_space<vmem>>
      %dma_start3A_444 = arith.constant 0 : i32
      %dma_start3A_445 = tpu.memref_slice %arg2[%shift_right_arithmetic3A_428, %and3A_430, %dma_start3A_444] : memref<125000x8x64xf32, #tpu.memory_space<hbm>> -> memref<1x1x64xf32, #tpu.memory_space<hbm>>
      %dma_start3A_446 = tpu.memref_squeeze %dma_start3A_445 : memref<1x1x64xf32, #tpu.memory_space<hbm>> -> memref<64xf32, #tpu.memory_space<hbm>>
      tpu.enqueue_dma source(%dma_start3A_446 : memref<64xf32, #tpu.memory_space<hbm>>) target(%dma_start3A_443 : memref<64xf32, #tpu.memory_space<vmem>>) target_semaphore(%arg9 : memref<!tpu.dma_semaphore, #tpu.memory_space<semaphore_mem>>)
      %slice3A_447 = vector.extract_strided_slice %get3A_142 {offsets = [14], sizes = [1], strides = [1]} : vector<16xi32> to vector<1xi32>
      %squeeze3A_448 = vector.extract %slice3A_447[0] : i32 from vector<1xi32>
      %shift_right_arithmetic3A_449 = arith.constant 3 : i32
      %shift_right_arithmetic3A_450 = arith.shrsi %squeeze3A_448, %shift_right_arithmetic3A_449 : i32
      %and3A_451 = arith.constant 7 : i32
      %and3A_452 = arith.andi %squeeze3A_448, %and3A_451 : i32
      %mul3A_453 = arith.constant 16 : i32
      %mul3A_454 = arith.muli %scan3A_135, %mul3A_453 : i32
      %add3A_455 = arith.constant 14 : i32
      %add3A_456 = arith.addi %mul3A_454, %add3A_455 : i32
      %dma_start3A_457 = arith.constant 0 : i32
      %dma_start3A_458 = tpu.memref_slice %arg7[%add3A_456, %dma_start3A_457] : memref<400x64xf32, #tpu.memory_space<vmem>> -> memref<1x64xf32, #tpu.memory_space<vmem>>
      %dma_start3A_459 = tpu.memref_squeeze %dma_start3A_458 : memref<1x64xf32, #tpu.memory_space<vmem>> -> memref<64xf32, #tpu.memory_space<vmem>>
      %dma_start3A_460 = arith.constant 0 : i32
      %dma_start3A_461 = tpu.memref_slice %arg2[%shift_right_arithmetic3A_450, %and3A_452, %dma_start3A_460] : memref<125000x8x64xf32, #tpu.memory_space<hbm>> -> memref<1x1x64xf32, #tpu.memory_space<hbm>>
      %dma_start3A_462 = tpu.memref_squeeze %dma_start3A_461 : memref<1x1x64xf32, #tpu.memory_space<hbm>> -> memref<64xf32, #tpu.memory_space<hbm>>
      %dma_start3A_463 = arith.constant 0 : i32
      %dma_start3A_464 = tpu.memref_slice %arg7[%add3A_456, %dma_start3A_463] : memref<400x64xf32, #tpu.memory_space<vmem>> -> memref<1x64xf32, #tpu.memory_space<vmem>>
      %dma_start3A_465 = tpu.memref_squeeze %dma_start3A_464 : memref<1x64xf32, #tpu.memory_space<vmem>> -> memref<64xf32, #tpu.memory_space<vmem>>
      %dma_start3A_466 = arith.constant 0 : i32
      %dma_start3A_467 = tpu.memref_slice %arg2[%shift_right_arithmetic3A_450, %and3A_452, %dma_start3A_466] : memref<125000x8x64xf32, #tpu.memory_space<hbm>> -> memref<1x1x64xf32, #tpu.memory_space<hbm>>
      %dma_start3A_468 = tpu.memref_squeeze %dma_start3A_467 : memref<1x1x64xf32, #tpu.memory_space<hbm>> -> memref<64xf32, #tpu.memory_space<hbm>>
      tpu.enqueue_dma source(%dma_start3A_468 : memref<64xf32, #tpu.memory_space<hbm>>) target(%dma_start3A_465 : memref<64xf32, #tpu.memory_space<vmem>>) target_semaphore(%arg9 : memref<!tpu.dma_semaphore, #tpu.memory_space<semaphore_mem>>)
      %slice3A_469 = vector.extract_strided_slice %get3A_142 {offsets = [15], sizes = [1], strides = [1]} : vector<16xi32> to vector<1xi32>
      %squeeze3A_470 = vector.extract %slice3A_469[0] : i32 from vector<1xi32>
      %shift_right_arithmetic3A_471 = arith.constant 3 : i32
      %shift_right_arithmetic3A_472 = arith.shrsi %squeeze3A_470, %shift_right_arithmetic3A_471 : i32
      %and3A_473 = arith.constant 7 : i32
      %and3A_474 = arith.andi %squeeze3A_470, %and3A_473 : i32
      %mul3A_475 = arith.constant 16 : i32
      %mul3A_476 = arith.muli %scan3A_135, %mul3A_475 : i32
      %add3A_477 = arith.constant 15 : i32
      %add3A_478 = arith.addi %mul3A_476, %add3A_477 : i32
      %dma_start3A_479 = arith.constant 0 : i32
      %dma_start3A_480 = tpu.memref_slice %arg7[%add3A_478, %dma_start3A_479] : memref<400x64xf32, #tpu.memory_space<vmem>> -> memref<1x64xf32, #tpu.memory_space<vmem>>
      %dma_start3A_481 = tpu.memref_squeeze %dma_start3A_480 : memref<1x64xf32, #tpu.memory_space<vmem>> -> memref<64xf32, #tpu.memory_space<vmem>>
      %dma_start3A_482 = arith.constant 0 : i32
      %dma_start3A_483 = tpu.memref_slice %arg2[%shift_right_arithmetic3A_472, %and3A_474, %dma_start3A_482] : memref<125000x8x64xf32, #tpu.memory_space<hbm>> -> memref<1x1x64xf32, #tpu.memory_space<hbm>>
      %dma_start3A_484 = tpu.memref_squeeze %dma_start3A_483 : memref<1x1x64xf32, #tpu.memory_space<hbm>> -> memref<64xf32, #tpu.memory_space<hbm>>
      %dma_start3A_485 = arith.constant 0 : i32
      %dma_start3A_486 = tpu.memref_slice %arg7[%add3A_478, %dma_start3A_485] : memref<400x64xf32, #tpu.memory_space<vmem>> -> memref<1x64xf32, #tpu.memory_space<vmem>>
      %dma_start3A_487 = tpu.memref_squeeze %dma_start3A_486 : memref<1x64xf32, #tpu.memory_space<vmem>> -> memref<64xf32, #tpu.memory_space<vmem>>
      %dma_start3A_488 = arith.constant 0 : i32
      %dma_start3A_489 = tpu.memref_slice %arg2[%shift_right_arithmetic3A_472, %and3A_474, %dma_start3A_488] : memref<125000x8x64xf32, #tpu.memory_space<hbm>> -> memref<1x1x64xf32, #tpu.memory_space<hbm>>
      %dma_start3A_490 = tpu.memref_squeeze %dma_start3A_489 : memref<1x1x64xf32, #tpu.memory_space<hbm>> -> memref<64xf32, #tpu.memory_space<hbm>>
      tpu.enqueue_dma source(%dma_start3A_490 : memref<64xf32, #tpu.memory_space<hbm>>) target(%dma_start3A_487 : memref<64xf32, #tpu.memory_space<vmem>>) target_semaphore(%arg9 : memref<!tpu.dma_semaphore, #tpu.memory_space<semaphore_mem>>)
      %scan3A_491 = arith.constant 0 : i32
      scf.yield %scan3A_491 : i32
    }
    %scan3A_77 = arith.constant 25 : i32
    %scan3A_78 = arith.constant 0 : i32
    %scan3A_79 = arith.constant 1 : i32
    %scan3A_80 = arith.constant 6 : i32
    %scan3A_81 = arith.addi %scan3A_79, %scan3A_80 : i32
    %scan3A_82 = arith.constant 1 : i32
    %scan3A_83 = scf.for %scan3A_135 = %scan3A_79 to %scan3A_81 step %scan3A_82 iter_args(%scan3A_136 = %scan3A_78) -> (i32)  : i32 {
      %mul3A_137 = arith.constant 2 : i32
      %mul3A_138 = arith.muli %mul3A_137, %scan3A_135 : i32
      %dma_wait3A_139 = arith.constant 0 : i32
      %dma_wait3A_140 = arith.constant 0 : i32
      %dma_wait3A_141 = tpu.memref_slice %arg4[%dma_wait3A_139, %dma_wait3A_140] : memref<204800x64xf32, #tpu.memory_space<hbm>> -> memref<400x64xf32, #tpu.memory_space<hbm>>
      %dma_wait3A_142 = arith.constant 0 : i32
      %dma_wait3A_143 = arith.constant 0 : i32
      %dma_wait3A_144 = tpu.memref_slice %arg4[%dma_wait3A_142, %dma_wait3A_143] : memref<204800x64xf32, #tpu.memory_space<hbm>> -> memref<400x64xf32, #tpu.memory_space<hbm>>
      tpu.wait_dma2 semaphore(%arg8 : memref<!tpu.dma_semaphore, #tpu.memory_space<semaphore_mem>>) src(%dma_wait3A_144 : memref<400x64xf32, #tpu.memory_space<hbm>>) dst(%arg6 : memref<400x64xf32, #tpu.memory_space<vmem>>)
      %scan3A_145 = arith.constant 0 : i32
      %scan3A_146 = arith.constant 0 : i32
      %scan3A_147 = arith.constant 400 : i32
      %scan3A_148 = arith.addi %scan3A_146, %scan3A_147 : i32
      %scan3A_149 = arith.constant 1 : i32
      %scan3A_150 = scf.for %scan3A_212 = %scan3A_146 to %scan3A_148 step %scan3A_149 iter_args(%scan3A_213 = %scan3A_145) -> (i32)  : i32 {
        %get3A = arith.index_cast %scan3A_212 : i32 to index
        %get3A_214 = arith.constant 0 : index
        %get3A_215 = tpu.vector_load %arg6[%get3A, %get3A_214] {strides = array<i32>} : memref<400x64xf32, #tpu.memory_space<vmem>>, vector<1x16xf32>,
        %get3A_216 = vector.shape_cast %get3A_215 : vector<1x16xf32> to vector<16xf32>
        %mul3A_217 = arith.constant 8.000000e+00 : f32
        %mul3A_218 = vector.broadcast %mul3A_217 : f32 to vector<16xf32>
        %mul3A_219 = arith.mulf %get3A_216, %mul3A_218 : vector<16xf32>
        %swap3A = arith.index_cast %scan3A_212 : i32 to index
        %swap3A_220 = arith.constant 0 : index
        %swap3A_221 = tpu.vector_load %arg6[%swap3A, %swap3A_220] {strides = array<i32>} : memref<400x64xf32, #tpu.memory_space<vmem>>, vector<1x16xf32>,
        %swap3A_222 = vector.shape_cast %swap3A_221 : vector<1x16xf32> to vector<16xf32>
        %swap3A_223 = vector.shape_cast %mul3A_219 : vector<16xf32> to vector<1x16xf32>
        tpu.vector_store %arg6[%swap3A, %swap3A_220], %swap3A_223 {strides = array<i32>} : memref<400x64xf32, #tpu.memory_space<vmem>>, vector<1x16xf32>,
        %get3A_224 = arith.index_cast %scan3A_212 : i32 to index
        %get3A_225 = arith.constant 16 : index
        %get3A_226 = tpu.vector_load %arg6[%get3A_224, %get3A_225] {strides = array<i32>} : memref<400x64xf32, #tpu.memory_space<vmem>>, vector<1x16xf32>,
        %get3A_227 = vector.shape_cast %get3A_226 : vector<1x16xf32> to vector<16xf32>
        %mul3A_228 = arith.constant 8.000000e+00 : f32
        %mul3A_229 = vector.broadcast %mul3A_228 : f32 to vector<16xf32>
        %mul3A_230 = arith.mulf %get3A_227, %mul3A_229 : vector<16xf32>
        %swap3A_231 = arith.index_cast %scan3A_212 : i32 to index
        %swap3A_232 = arith.constant 16 : index
        %swap3A_233 = tpu.vector_load %arg6[%swap3A_231, %swap3A_232] {strides = array<i32>} : memref<400x64xf32, #tpu.memory_space<vmem>>, vector<1x16xf32>,
        %swap3A_234 = vector.shape_cast %swap3A_233 : vector<1x16xf32> to vector<16xf32>
        %swap3A_235 = vector.shape_cast %mul3A_230 : vector<16xf32> to vector<1x16xf32>
        tpu.vector_store %arg6[%swap3A_231, %swap3A_232], %swap3A_235 {strides = array<i32>} : memref<400x64xf32, #tpu.memory_space<vmem>>, vector<1x16xf32>,
        %get3A_236 = arith.index_cast %scan3A_212 : i32 to index
        %get3A_237 = arith.constant 32 : index
        %get3A_238 = tpu.vector_load %arg6[%get3A_236, %get3A_237] {strides = array<i32>} : memref<400x64xf32, #tpu.memory_space<vmem>>, vector<1x16xf32>,
        %get3A_239 = vector.shape_cast %get3A_238 : vector<1x16xf32> to vector<16xf32>
        %mul3A_240 = arith.constant 8.000000e+00 : f32
        %mul3A_241 = vector.broadcast %mul3A_240 : f32 to vector<16xf32>
        %mul3A_242 = arith.mulf %get3A_239, %mul3A_241 : vector<16xf32>
        %swap3A_243 = arith.index_cast %scan3A_212 : i32 to index
        %swap3A_244 = arith.constant 32 : index
        %swap3A_245 = tpu.vector_load %arg6[%swap3A_243, %swap3A_244] {strides = array<i32>} : memref<400x64xf32, #tpu.memory_space<vmem>>, vector<1x16xf32>,
        %swap3A_246 = vector.shape_cast %swap3A_245 : vector<1x16xf32> to vector<16xf32>
        %swap3A_247 = vector.shape_cast %mul3A_242 : vector<16xf32> to vector<1x16xf32>
        tpu.vector_store %arg6[%swap3A_243, %swap3A_244], %swap3A_247 {strides = array<i32>} : memref<400x64xf32, #tpu.memory_space<vmem>>, vector<1x16xf32>,
        %get3A_248 = arith.index_cast %scan3A_212 : i32 to index
        %get3A_249 = arith.constant 48 : index
        %get3A_250 = tpu.vector_load %arg6[%get3A_248, %get3A_249] {strides = array<i32>} : memref<400x64xf32, #tpu.memory_space<vmem>>, vector<1x16xf32>,
        %get3A_251 = vector.shape_cast %get3A_250 : vector<1x16xf32> to vector<16xf32>
        %mul3A_252 = arith.constant 8.000000e+00 : f32
        %mul3A_253 = vector.broadcast %mul3A_252 : f32 to vector<16xf32>
        %mul3A_254 = arith.mulf %get3A_251, %mul3A_253 : vector<16xf32>
        %swap3A_255 = arith.index_cast %scan3A_212 : i32 to index
        %swap3A_256 = arith.constant 48 : index
        %swap3A_257 = tpu.vector_load %arg6[%swap3A_255, %swap3A_256] {strides = array<i32>} : memref<400x64xf32, #tpu.memory_space<vmem>>, vector<1x16xf32>,
        %swap3A_258 = vector.shape_cast %swap3A_257 : vector<1x16xf32> to vector<16xf32>
        %swap3A_259 = vector.shape_cast %mul3A_254 : vector<16xf32> to vector<1x16xf32>
        tpu.vector_store %arg6[%swap3A_255, %swap3A_256], %swap3A_259 {strides = array<i32>} : memref<400x64xf32, #tpu.memory_space<vmem>>, vector<1x16xf32>,
        %scan3A_260 = arith.constant 0 : i32
        scf.yield %scan3A_260 : i32
      }
      %scan3A_151 = arith.constant 400 : i32
      %mul3A_152 = arith.constant 400 : i32
      %mul3A_153 = arith.muli %mul3A_138, %mul3A_152 : i32
      %add3A_154 = arith.addi %mul3A_2, %mul3A_153 : i32
      %dma_start3A_155 = arith.constant 0 : i32
      %dma_start3A_156 = tpu.memref_slice %arg4[%add3A_154, %dma_start3A_155] : memref<204800x64xf32, #tpu.memory_space<hbm>> -> memref<400x64xf32, #tpu.memory_space<hbm>>
      %dma_start3A_157 = arith.constant 0 : i32
      %dma_start3A_158 = tpu.memref_slice %arg4[%add3A_154, %dma_start3A_157] : memref<204800x64xf32, #tpu.memory_space<hbm>> -> memref<400x64xf32, #tpu.memory_space<hbm>>
      tpu.enqueue_dma source(%arg6 : memref<400x64xf32, #tpu.memory_space<vmem>>) target(%dma_start3A_158 : memref<400x64xf32, #tpu.memory_space<hbm>>) target_semaphore(%arg10 : memref<!tpu.dma_semaphore, #tpu.memory_space<semaphore_mem>>)
      %add3A_159 = arith.constant 2 : i32
      %add3A_160 = arith.addi %mul3A_138, %add3A_159 : i32
      %dma_wait3A_161 = arith.constant 0 : i32
      %dma_wait3A_162 = arith.constant 0 : i32
      %dma_wait3A_163 = tpu.memref_slice %arg4[%dma_wait3A_161, %dma_wait3A_162] : memref<204800x64xf32, #tpu.memory_space<hbm>> -> memref<400x64xf32, #tpu.memory_space<hbm>>
      %dma_wait3A_164 = arith.constant 0 : i32
      %dma_wait3A_165 = arith.constant 0 : i32
      %dma_wait3A_166 = tpu.memref_slice %arg4[%dma_wait3A_164, %dma_wait3A_165] : memref<204800x64xf32, #tpu.memory_space<hbm>> -> memref<400x64xf32, #tpu.memory_space<hbm>>
      tpu.wait_dma2 semaphore(%arg10 : memref<!tpu.dma_semaphore, #tpu.memory_space<semaphore_mem>>) src(%dma_wait3A_166 : memref<400x64xf32, #tpu.memory_space<hbm>>) dst(%arg6 : memref<400x64xf32, #tpu.memory_space<vmem>>)
      %scan3A_167 = arith.constant 0 : i32
      %scan3A_168 = arith.constant 0 : i32
      %scan3A_169 = arith.constant 25 : i32
      %scan3A_170 = arith.addi %scan3A_168, %scan3A_169 : i32
      %scan3A_171 = arith.constant 1 : i32
      %scan3A_172 = scf.for %scan3A_212 = %scan3A_168 to %scan3A_170 step %scan3A_171 iter_args(%scan3A_213 = %scan3A_167) -> (i32)  : i32 {
        %mul3A_214 = arith.constant 400 : i32
        %mul3A_215 = arith.muli %add3A_160, %mul3A_214 : i32
        %mul3A_216 = arith.constant 16 : i32
        %mul3A_217 = arith.muli %scan3A_212, %mul3A_216 : i32
        %add3A_218 = arith.addi %mul3A_215, %mul3A_217 : i32
        %get3A = arith.index_cast %add3A_218 : i32 to index
        %get3A_219 = tpu.vector_load %arg5[%get3A] {strides = array<i32>} : memref<6400xi32, #tpu.memory_space<vmem>>, vector<16xi32>,
        %get3A_220 = vector.shape_cast %get3A_219 : vector<16xi32> to vector<16xi32>
        %slice3A = vector.extract_strided_slice %get3A_220 {offsets = [0], sizes = [1], strides = [1]} : vector<16xi32> to vector<1xi32>
        %squeeze3A = vector.extract %slice3A[0] : i32 from vector<1xi32>
        %shift_right_arithmetic3A = arith.constant 3 : i32
        %shift_right_arithmetic3A_221 = arith.shrsi %squeeze3A, %shift_right_arithmetic3A : i32
        %and3A = arith.constant 7 : i32
        %and3A_222 = arith.andi %squeeze3A, %and3A : i32
        %mul3A_223 = arith.constant 16 : i32
        %mul3A_224 = arith.muli %scan3A_212, %mul3A_223 : i32
        %add3A_225 = arith.constant 0 : i32
        %add3A_226 = arith.addi %mul3A_224, %add3A_225 : i32
        %dma_start3A_227 = arith.constant 0 : i32
        %dma_start3A_228 = tpu.memref_slice %arg6[%add3A_226, %dma_start3A_227] : memref<400x64xf32, #tpu.memory_space<vmem>> -> memref<1x64xf32, #tpu.memory_space<vmem>>
        %dma_start3A_229 = tpu.memref_squeeze %dma_start3A_228 : memref<1x64xf32, #tpu.memory_space<vmem>> -> memref<64xf32, #tpu.memory_space<vmem>>
        %dma_start3A_230 = arith.constant 0 : i32
        %dma_start3A_231 = tpu.memref_slice %arg2[%shift_right_arithmetic3A_221, %and3A_222, %dma_start3A_230] : memref<125000x8x64xf32, #tpu.memory_space<hbm>> -> memref<1x1x64xf32, #tpu.memory_space<hbm>>
        %dma_start3A_232 = tpu.memref_squeeze %dma_start3A_231 : memref<1x1x64xf32, #tpu.memory_space<hbm>> -> memref<64xf32, #tpu.memory_space<hbm>>
        %dma_start3A_233 = arith.constant 0 : i32
        %dma_start3A_234 = tpu.memref_slice %arg6[%add3A_226, %dma_start3A_233] : memref<400x64xf32, #tpu.memory_space<vmem>> -> memref<1x64xf32, #tpu.memory_space<vmem>>
        %dma_start3A_235 = tpu.memref_squeeze %dma_start3A_234 : memref<1x64xf32, #tpu.memory_space<vmem>> -> memref<64xf32, #tpu.memory_space<vmem>>
        %dma_start3A_236 = arith.constant 0 : i32
        %dma_start3A_237 = tpu.memref_slice %arg2[%shift_right_arithmetic3A_221, %and3A_222, %dma_start3A_236] : memref<125000x8x64xf32, #tpu.memory_space<hbm>> -> memref<1x1x64xf32, #tpu.memory_space<hbm>>
        %dma_start3A_238 = tpu.memref_squeeze %dma_start3A_237 : memref<1x1x64xf32, #tpu.memory_space<hbm>> -> memref<64xf32, #tpu.memory_space<hbm>>
        tpu.enqueue_dma source(%dma_start3A_238 : memref<64xf32, #tpu.memory_space<hbm>>) target(%dma_start3A_235 : memref<64xf32, #tpu.memory_space<vmem>>) target_semaphore(%arg8 : memref<!tpu.dma_semaphore, #tpu.memory_space<semaphore_mem>>)
        %slice3A_239 = vector.extract_strided_slice %get3A_220 {offsets = [1], sizes = [1], strides = [1]} : vector<16xi32> to vector<1xi32>
        %squeeze3A_240 = vector.extract %slice3A_239[0] : i32 from vector<1xi32>
        %shift_right_arithmetic3A_241 = arith.constant 3 : i32
        %shift_right_arithmetic3A_242 = arith.shrsi %squeeze3A_240, %shift_right_arithmetic3A_241 : i32
        %and3A_243 = arith.constant 7 : i32
        %and3A_244 = arith.andi %squeeze3A_240, %and3A_243 : i32
        %mul3A_245 = arith.constant 16 : i32
        %mul3A_246 = arith.muli %scan3A_212, %mul3A_245 : i32
        %add3A_247 = arith.constant 1 : i32
        %add3A_248 = arith.addi %mul3A_246, %add3A_247 : i32
        %dma_start3A_249 = arith.constant 0 : i32
        %dma_start3A_250 = tpu.memref_slice %arg6[%add3A_248, %dma_start3A_249] : memref<400x64xf32, #tpu.memory_space<vmem>> -> memref<1x64xf32, #tpu.memory_space<vmem>>
        %dma_start3A_251 = tpu.memref_squeeze %dma_start3A_250 : memref<1x64xf32, #tpu.memory_space<vmem>> -> memref<64xf32, #tpu.memory_space<vmem>>
        %dma_start3A_252 = arith.constant 0 : i32
        %dma_start3A_253 = tpu.memref_slice %arg2[%shift_right_arithmetic3A_242, %and3A_244, %dma_start3A_252] : memref<125000x8x64xf32, #tpu.memory_space<hbm>> -> memref<1x1x64xf32, #tpu.memory_space<hbm>>
        %dma_start3A_254 = tpu.memref_squeeze %dma_start3A_253 : memref<1x1x64xf32, #tpu.memory_space<hbm>> -> memref<64xf32, #tpu.memory_space<hbm>>
        %dma_start3A_255 = arith.constant 0 : i32
        %dma_start3A_256 = tpu.memref_slice %arg6[%add3A_248, %dma_start3A_255] : memref<400x64xf32, #tpu.memory_space<vmem>> -> memref<1x64xf32, #tpu.memory_space<vmem>>
        %dma_start3A_257 = tpu.memref_squeeze %dma_start3A_256 : memref<1x64xf32, #tpu.memory_space<vmem>> -> memref<64xf32, #tpu.memory_space<vmem>>
        %dma_start3A_258 = arith.constant 0 : i32
        %dma_start3A_259 = tpu.memref_slice %arg2[%shift_right_arithmetic3A_242, %and3A_244, %dma_start3A_258] : memref<125000x8x64xf32, #tpu.memory_space<hbm>> -> memref<1x1x64xf32, #tpu.memory_space<hbm>>
        %dma_start3A_260 = tpu.memref_squeeze %dma_start3A_259 : memref<1x1x64xf32, #tpu.memory_space<hbm>> -> memref<64xf32, #tpu.memory_space<hbm>>
        tpu.enqueue_dma source(%dma_start3A_260 : memref<64xf32, #tpu.memory_space<hbm>>) target(%dma_start3A_257 : memref<64xf32, #tpu.memory_space<vmem>>) target_semaphore(%arg8 : memref<!tpu.dma_semaphore, #tpu.memory_space<semaphore_mem>>)
        %slice3A_261 = vector.extract_strided_slice %get3A_220 {offsets = [2], sizes = [1], strides = [1]} : vector<16xi32> to vector<1xi32>
        %squeeze3A_262 = vector.extract %slice3A_261[0] : i32 from vector<1xi32>
        %shift_right_arithmetic3A_263 = arith.constant 3 : i32
        %shift_right_arithmetic3A_264 = arith.shrsi %squeeze3A_262, %shift_right_arithmetic3A_263 : i32
        %and3A_265 = arith.constant 7 : i32
        %and3A_266 = arith.andi %squeeze3A_262, %and3A_265 : i32
        %mul3A_267 = arith.constant 16 : i32
        %mul3A_268 = arith.muli %scan3A_212, %mul3A_267 : i32
        %add3A_269 = arith.constant 2 : i32
        %add3A_270 = arith.addi %mul3A_268, %add3A_269 : i32
        %dma_start3A_271 = arith.constant 0 : i32
        %dma_start3A_272 = tpu.memref_slice %arg6[%add3A_270, %dma_start3A_271] : memref<400x64xf32, #tpu.memory_space<vmem>> -> memref<1x64xf32, #tpu.memory_space<vmem>>
        %dma_start3A_273 = tpu.memref_squeeze %dma_start3A_272 : memref<1x64xf32, #tpu.memory_space<vmem>> -> memref<64xf32, #tpu.memory_space<vmem>>
        %dma_start3A_274 = arith.constant 0 : i32
        %dma_start3A_275 = tpu.memref_slice %arg2[%shift_right_arithmetic3A_264, %and3A_266, %dma_start3A_274] : memref<125000x8x64xf32, #tpu.memory_space<hbm>> -> memref<1x1x64xf32, #tpu.memory_space<hbm>>
        %dma_start3A_276 = tpu.memref_squeeze %dma_start3A_275 : memref<1x1x64xf32, #tpu.memory_space<hbm>> -> memref<64xf32, #tpu.memory_space<hbm>>
        %dma_start3A_277 = arith.constant 0 : i32
        %dma_start3A_278 = tpu.memref_slice %arg6[%add3A_270, %dma_start3A_277] : memref<400x64xf32, #tpu.memory_space<vmem>> -> memref<1x64xf32, #tpu.memory_space<vmem>>
        %dma_start3A_279 = tpu.memref_squeeze %dma_start3A_278 : memref<1x64xf32, #tpu.memory_space<vmem>> -> memref<64xf32, #tpu.memory_space<vmem>>
        %dma_start3A_280 = arith.constant 0 : i32
        %dma_start3A_281 = tpu.memref_slice %arg2[%shift_right_arithmetic3A_264, %and3A_266, %dma_start3A_280] : memref<125000x8x64xf32, #tpu.memory_space<hbm>> -> memref<1x1x64xf32, #tpu.memory_space<hbm>>
        %dma_start3A_282 = tpu.memref_squeeze %dma_start3A_281 : memref<1x1x64xf32, #tpu.memory_space<hbm>> -> memref<64xf32, #tpu.memory_space<hbm>>
        tpu.enqueue_dma source(%dma_start3A_282 : memref<64xf32, #tpu.memory_space<hbm>>) target(%dma_start3A_279 : memref<64xf32, #tpu.memory_space<vmem>>) target_semaphore(%arg8 : memref<!tpu.dma_semaphore, #tpu.memory_space<semaphore_mem>>)
        %slice3A_283 = vector.extract_strided_slice %get3A_220 {offsets = [3], sizes = [1], strides = [1]} : vector<16xi32> to vector<1xi32>
        %squeeze3A_284 = vector.extract %slice3A_283[0] : i32 from vector<1xi32>
        %shift_right_arithmetic3A_285 = arith.constant 3 : i32
        %shift_right_arithmetic3A_286 = arith.shrsi %squeeze3A_284, %shift_right_arithmetic3A_285 : i32
        %and3A_287 = arith.constant 7 : i32
        %and3A_288 = arith.andi %squeeze3A_284, %and3A_287 : i32
        %mul3A_289 = arith.constant 16 : i32
        %mul3A_290 = arith.muli %scan3A_212, %mul3A_289 : i32
        %add3A_291 = arith.constant 3 : i32
        %add3A_292 = arith.addi %mul3A_290, %add3A_291 : i32
        %dma_start3A_293 = arith.constant 0 : i32
        %dma_start3A_294 = tpu.memref_slice %arg6[%add3A_292, %dma_start3A_293] : memref<400x64xf32, #tpu.memory_space<vmem>> -> memref<1x64xf32, #tpu.memory_space<vmem>>
        %dma_start3A_295 = tpu.memref_squeeze %dma_start3A_294 : memref<1x64xf32, #tpu.memory_space<vmem>> -> memref<64xf32, #tpu.memory_space<vmem>>
        %dma_start3A_296 = arith.constant 0 : i32
        %dma_start3A_297 = tpu.memref_slice %arg2[%shift_right_arithmetic3A_286, %and3A_288, %dma_start3A_296] : memref<125000x8x64xf32, #tpu.memory_space<hbm>> -> memref<1x1x64xf32, #tpu.memory_space<hbm>>
        %dma_start3A_298 = tpu.memref_squeeze %dma_start3A_297 : memref<1x1x64xf32, #tpu.memory_space<hbm>> -> memref<64xf32, #tpu.memory_space<hbm>>
        %dma_start3A_299 = arith.constant 0 : i32
        %dma_start3A_300 = tpu.memref_slice %arg6[%add3A_292, %dma_start3A_299] : memref<400x64xf32, #tpu.memory_space<vmem>> -> memref<1x64xf32, #tpu.memory_space<vmem>>
        %dma_start3A_301 = tpu.memref_squeeze %dma_start3A_300 : memref<1x64xf32, #tpu.memory_space<vmem>> -> memref<64xf32, #tpu.memory_space<vmem>>
        %dma_start3A_302 = arith.constant 0 : i32
        %dma_start3A_303 = tpu.memref_slice %arg2[%shift_right_arithmetic3A_286, %and3A_288, %dma_start3A_302] : memref<125000x8x64xf32, #tpu.memory_space<hbm>> -> memref<1x1x64xf32, #tpu.memory_space<hbm>>
        %dma_start3A_304 = tpu.memref_squeeze %dma_start3A_303 : memref<1x1x64xf32, #tpu.memory_space<hbm>> -> memref<64xf32, #tpu.memory_space<hbm>>
        tpu.enqueue_dma source(%dma_start3A_304 : memref<64xf32, #tpu.memory_space<hbm>>) target(%dma_start3A_301 : memref<64xf32, #tpu.memory_space<vmem>>) target_semaphore(%arg8 : memref<!tpu.dma_semaphore, #tpu.memory_space<semaphore_mem>>)
        %slice3A_305 = vector.extract_strided_slice %get3A_220 {offsets = [4], sizes = [1], strides = [1]} : vector<16xi32> to vector<1xi32>
        %squeeze3A_306 = vector.extract %slice3A_305[0] : i32 from vector<1xi32>
        %shift_right_arithmetic3A_307 = arith.constant 3 : i32
        %shift_right_arithmetic3A_308 = arith.shrsi %squeeze3A_306, %shift_right_arithmetic3A_307 : i32
        %and3A_309 = arith.constant 7 : i32
        %and3A_310 = arith.andi %squeeze3A_306, %and3A_309 : i32
        %mul3A_311 = arith.constant 16 : i32
        %mul3A_312 = arith.muli %scan3A_212, %mul3A_311 : i32
        %add3A_313 = arith.constant 4 : i32
        %add3A_314 = arith.addi %mul3A_312, %add3A_313 : i32
        %dma_start3A_315 = arith.constant 0 : i32
        %dma_start3A_316 = tpu.memref_slice %arg6[%add3A_314, %dma_start3A_315] : memref<400x64xf32, #tpu.memory_space<vmem>> -> memref<1x64xf32, #tpu.memory_space<vmem>>
        %dma_start3A_317 = tpu.memref_squeeze %dma_start3A_316 : memref<1x64xf32, #tpu.memory_space<vmem>> -> memref<64xf32, #tpu.memory_space<vmem>>
        %dma_start3A_318 = arith.constant 0 : i32
        %dma_start3A_319 = tpu.memref_slice %arg2[%shift_right_arithmetic3A_308, %and3A_310, %dma_start3A_318] : memref<125000x8x64xf32, #tpu.memory_space<hbm>> -> memref<1x1x64xf32, #tpu.memory_space<hbm>>
        %dma_start3A_320 = tpu.memref_squeeze %dma_start3A_319 : memref<1x1x64xf32, #tpu.memory_space<hbm>> -> memref<64xf32, #tpu.memory_space<hbm>>
        %dma_start3A_321 = arith.constant 0 : i32
        %dma_start3A_322 = tpu.memref_slice %arg6[%add3A_314, %dma_start3A_321] : memref<400x64xf32, #tpu.memory_space<vmem>> -> memref<1x64xf32, #tpu.memory_space<vmem>>
        %dma_start3A_323 = tpu.memref_squeeze %dma_start3A_322 : memref<1x64xf32, #tpu.memory_space<vmem>> -> memref<64xf32, #tpu.memory_space<vmem>>
        %dma_start3A_324 = arith.constant 0 : i32
        %dma_start3A_325 = tpu.memref_slice %arg2[%shift_right_arithmetic3A_308, %and3A_310, %dma_start3A_324] : memref<125000x8x64xf32, #tpu.memory_space<hbm>> -> memref<1x1x64xf32, #tpu.memory_space<hbm>>
        %dma_start3A_326 = tpu.memref_squeeze %dma_start3A_325 : memref<1x1x64xf32, #tpu.memory_space<hbm>> -> memref<64xf32, #tpu.memory_space<hbm>>
        tpu.enqueue_dma source(%dma_start3A_326 : memref<64xf32, #tpu.memory_space<hbm>>) target(%dma_start3A_323 : memref<64xf32, #tpu.memory_space<vmem>>) target_semaphore(%arg8 : memref<!tpu.dma_semaphore, #tpu.memory_space<semaphore_mem>>)
        %slice3A_327 = vector.extract_strided_slice %get3A_220 {offsets = [5], sizes = [1], strides = [1]} : vector<16xi32> to vector<1xi32>
        %squeeze3A_328 = vector.extract %slice3A_327[0] : i32 from vector<1xi32>
        %shift_right_arithmetic3A_329 = arith.constant 3 : i32
        %shift_right_arithmetic3A_330 = arith.shrsi %squeeze3A_328, %shift_right_arithmetic3A_329 : i32
        %and3A_331 = arith.constant 7 : i32
        %and3A_332 = arith.andi %squeeze3A_328, %and3A_331 : i32
        %mul3A_333 = arith.constant 16 : i32
        %mul3A_334 = arith.muli %scan3A_212, %mul3A_333 : i32
        %add3A_335 = arith.constant 5 : i32
        %add3A_336 = arith.addi %mul3A_334, %add3A_335 : i32
        %dma_start3A_337 = arith.constant 0 : i32
        %dma_start3A_338 = tpu.memref_slice %arg6[%add3A_336, %dma_start3A_337] : memref<400x64xf32, #tpu.memory_space<vmem>> -> memref<1x64xf32, #tpu.memory_space<vmem>>
        %dma_start3A_339 = tpu.memref_squeeze %dma_start3A_338 : memref<1x64xf32, #tpu.memory_space<vmem>> -> memref<64xf32, #tpu.memory_space<vmem>>
        %dma_start3A_340 = arith.constant 0 : i32
        %dma_start3A_341 = tpu.memref_slice %arg2[%shift_right_arithmetic3A_330, %and3A_332, %dma_start3A_340] : memref<125000x8x64xf32, #tpu.memory_space<hbm>> -> memref<1x1x64xf32, #tpu.memory_space<hbm>>
        %dma_start3A_342 = tpu.memref_squeeze %dma_start3A_341 : memref<1x1x64xf32, #tpu.memory_space<hbm>> -> memref<64xf32, #tpu.memory_space<hbm>>
        %dma_start3A_343 = arith.constant 0 : i32
        %dma_start3A_344 = tpu.memref_slice %arg6[%add3A_336, %dma_start3A_343] : memref<400x64xf32, #tpu.memory_space<vmem>> -> memref<1x64xf32, #tpu.memory_space<vmem>>
        %dma_start3A_345 = tpu.memref_squeeze %dma_start3A_344 : memref<1x64xf32, #tpu.memory_space<vmem>> -> memref<64xf32, #tpu.memory_space<vmem>>
        %dma_start3A_346 = arith.constant 0 : i32
        %dma_start3A_347 = tpu.memref_slice %arg2[%shift_right_arithmetic3A_330, %and3A_332, %dma_start3A_346] : memref<125000x8x64xf32, #tpu.memory_space<hbm>> -> memref<1x1x64xf32, #tpu.memory_space<hbm>>
        %dma_start3A_348 = tpu.memref_squeeze %dma_start3A_347 : memref<1x1x64xf32, #tpu.memory_space<hbm>> -> memref<64xf32, #tpu.memory_space<hbm>>
        tpu.enqueue_dma source(%dma_start3A_348 : memref<64xf32, #tpu.memory_space<hbm>>) target(%dma_start3A_345 : memref<64xf32, #tpu.memory_space<vmem>>) target_semaphore(%arg8 : memref<!tpu.dma_semaphore, #tpu.memory_space<semaphore_mem>>)
        %slice3A_349 = vector.extract_strided_slice %get3A_220 {offsets = [6], sizes = [1], strides = [1]} : vector<16xi32> to vector<1xi32>
        %squeeze3A_350 = vector.extract %slice3A_349[0] : i32 from vector<1xi32>
        %shift_right_arithmetic3A_351 = arith.constant 3 : i32
        %shift_right_arithmetic3A_352 = arith.shrsi %squeeze3A_350, %shift_right_arithmetic3A_351 : i32
        %and3A_353 = arith.constant 7 : i32
        %and3A_354 = arith.andi %squeeze3A_350, %and3A_353 : i32
        %mul3A_355 = arith.constant 16 : i32
        %mul3A_356 = arith.muli %scan3A_212, %mul3A_355 : i32
        %add3A_357 = arith.constant 6 : i32
        %add3A_358 = arith.addi %mul3A_356, %add3A_357 : i32
        %dma_start3A_359 = arith.constant 0 : i32
        %dma_start3A_360 = tpu.memref_slice %arg6[%add3A_358, %dma_start3A_359] : memref<400x64xf32, #tpu.memory_space<vmem>> -> memref<1x64xf32, #tpu.memory_space<vmem>>
        %dma_start3A_361 = tpu.memref_squeeze %dma_start3A_360 : memref<1x64xf32, #tpu.memory_space<vmem>> -> memref<64xf32, #tpu.memory_space<vmem>>
        %dma_start3A_362 = arith.constant 0 : i32
        %dma_start3A_363 = tpu.memref_slice %arg2[%shift_right_arithmetic3A_352, %and3A_354, %dma_start3A_362] : memref<125000x8x64xf32, #tpu.memory_space<hbm>> -> memref<1x1x64xf32, #tpu.memory_space<hbm>>
        %dma_start3A_364 = tpu.memref_squeeze %dma_start3A_363 : memref<1x1x64xf32, #tpu.memory_space<hbm>> -> memref<64xf32, #tpu.memory_space<hbm>>
        %dma_start3A_365 = arith.constant 0 : i32
        %dma_start3A_366 = tpu.memref_slice %arg6[%add3A_358, %dma_start3A_365] : memref<400x64xf32, #tpu.memory_space<vmem>> -> memref<1x64xf32, #tpu.memory_space<vmem>>
        %dma_start3A_367 = tpu.memref_squeeze %dma_start3A_366 : memref<1x64xf32, #tpu.memory_space<vmem>> -> memref<64xf32, #tpu.memory_space<vmem>>
        %dma_start3A_368 = arith.constant 0 : i32
        %dma_start3A_369 = tpu.memref_slice %arg2[%shift_right_arithmetic3A_352, %and3A_354, %dma_start3A_368] : memref<125000x8x64xf32, #tpu.memory_space<hbm>> -> memref<1x1x64xf32, #tpu.memory_space<hbm>>
        %dma_start3A_370 = tpu.memref_squeeze %dma_start3A_369 : memref<1x1x64xf32, #tpu.memory_space<hbm>> -> memref<64xf32, #tpu.memory_space<hbm>>
        tpu.enqueue_dma source(%dma_start3A_370 : memref<64xf32, #tpu.memory_space<hbm>>) target(%dma_start3A_367 : memref<64xf32, #tpu.memory_space<vmem>>) target_semaphore(%arg8 : memref<!tpu.dma_semaphore, #tpu.memory_space<semaphore_mem>>)
        %slice3A_371 = vector.extract_strided_slice %get3A_220 {offsets = [7], sizes = [1], strides = [1]} : vector<16xi32> to vector<1xi32>
        %squeeze3A_372 = vector.extract %slice3A_371[0] : i32 from vector<1xi32>
        %shift_right_arithmetic3A_373 = arith.constant 3 : i32
        %shift_right_arithmetic3A_374 = arith.shrsi %squeeze3A_372, %shift_right_arithmetic3A_373 : i32
        %and3A_375 = arith.constant 7 : i32
        %and3A_376 = arith.andi %squeeze3A_372, %and3A_375 : i32
        %mul3A_377 = arith.constant 16 : i32
        %mul3A_378 = arith.muli %scan3A_212, %mul3A_377 : i32
        %add3A_379 = arith.constant 7 : i32
        %add3A_380 = arith.addi %mul3A_378, %add3A_379 : i32
        %dma_start3A_381 = arith.constant 0 : i32
        %dma_start3A_382 = tpu.memref_slice %arg6[%add3A_380, %dma_start3A_381] : memref<400x64xf32, #tpu.memory_space<vmem>> -> memref<1x64xf32, #tpu.memory_space<vmem>>
        %dma_start3A_383 = tpu.memref_squeeze %dma_start3A_382 : memref<1x64xf32, #tpu.memory_space<vmem>> -> memref<64xf32, #tpu.memory_space<vmem>>
        %dma_start3A_384 = arith.constant 0 : i32
        %dma_start3A_385 = tpu.memref_slice %arg2[%shift_right_arithmetic3A_374, %and3A_376, %dma_start3A_384] : memref<125000x8x64xf32, #tpu.memory_space<hbm>> -> memref<1x1x64xf32, #tpu.memory_space<hbm>>
        %dma_start3A_386 = tpu.memref_squeeze %dma_start3A_385 : memref<1x1x64xf32, #tpu.memory_space<hbm>> -> memref<64xf32, #tpu.memory_space<hbm>>
        %dma_start3A_387 = arith.constant 0 : i32
        %dma_start3A_388 = tpu.memref_slice %arg6[%add3A_380, %dma_start3A_387] : memref<400x64xf32, #tpu.memory_space<vmem>> -> memref<1x64xf32, #tpu.memory_space<vmem>>
        %dma_start3A_389 = tpu.memref_squeeze %dma_start3A_388 : memref<1x64xf32, #tpu.memory_space<vmem>> -> memref<64xf32, #tpu.memory_space<vmem>>
        %dma_start3A_390 = arith.constant 0 : i32
        %dma_start3A_391 = tpu.memref_slice %arg2[%shift_right_arithmetic3A_374, %and3A_376, %dma_start3A_390] : memref<125000x8x64xf32, #tpu.memory_space<hbm>> -> memref<1x1x64xf32, #tpu.memory_space<hbm>>
        %dma_start3A_392 = tpu.memref_squeeze %dma_start3A_391 : memref<1x1x64xf32, #tpu.memory_space<hbm>> -> memref<64xf32, #tpu.memory_space<hbm>>
        tpu.enqueue_dma source(%dma_start3A_392 : memref<64xf32, #tpu.memory_space<hbm>>) target(%dma_start3A_389 : memref<64xf32, #tpu.memory_space<vmem>>) target_semaphore(%arg8 : memref<!tpu.dma_semaphore, #tpu.memory_space<semaphore_mem>>)
        %slice3A_393 = vector.extract_strided_slice %get3A_220 {offsets = [8], sizes = [1], strides = [1]} : vector<16xi32> to vector<1xi32>
        %squeeze3A_394 = vector.extract %slice3A_393[0] : i32 from vector<1xi32>
        %shift_right_arithmetic3A_395 = arith.constant 3 : i32
        %shift_right_arithmetic3A_396 = arith.shrsi %squeeze3A_394, %shift_right_arithmetic3A_395 : i32
        %and3A_397 = arith.constant 7 : i32
        %and3A_398 = arith.andi %squeeze3A_394, %and3A_397 : i32
        %mul3A_399 = arith.constant 16 : i32
        %mul3A_400 = arith.muli %scan3A_212, %mul3A_399 : i32
        %add3A_401 = arith.constant 8 : i32
        %add3A_402 = arith.addi %mul3A_400, %add3A_401 : i32
        %dma_start3A_403 = arith.constant 0 : i32
        %dma_start3A_404 = tpu.memref_slice %arg6[%add3A_402, %dma_start3A_403] : memref<400x64xf32, #tpu.memory_space<vmem>> -> memref<1x64xf32, #tpu.memory_space<vmem>>
        %dma_start3A_405 = tpu.memref_squeeze %dma_start3A_404 : memref<1x64xf32, #tpu.memory_space<vmem>> -> memref<64xf32, #tpu.memory_space<vmem>>
        %dma_start3A_406 = arith.constant 0 : i32
        %dma_start3A_407 = tpu.memref_slice %arg2[%shift_right_arithmetic3A_396, %and3A_398, %dma_start3A_406] : memref<125000x8x64xf32, #tpu.memory_space<hbm>> -> memref<1x1x64xf32, #tpu.memory_space<hbm>>
        %dma_start3A_408 = tpu.memref_squeeze %dma_start3A_407 : memref<1x1x64xf32, #tpu.memory_space<hbm>> -> memref<64xf32, #tpu.memory_space<hbm>>
        %dma_start3A_409 = arith.constant 0 : i32
        %dma_start3A_410 = tpu.memref_slice %arg6[%add3A_402, %dma_start3A_409] : memref<400x64xf32, #tpu.memory_space<vmem>> -> memref<1x64xf32, #tpu.memory_space<vmem>>
        %dma_start3A_411 = tpu.memref_squeeze %dma_start3A_410 : memref<1x64xf32, #tpu.memory_space<vmem>> -> memref<64xf32, #tpu.memory_space<vmem>>
        %dma_start3A_412 = arith.constant 0 : i32
        %dma_start3A_413 = tpu.memref_slice %arg2[%shift_right_arithmetic3A_396, %and3A_398, %dma_start3A_412] : memref<125000x8x64xf32, #tpu.memory_space<hbm>> -> memref<1x1x64xf32, #tpu.memory_space<hbm>>
        %dma_start3A_414 = tpu.memref_squeeze %dma_start3A_413 : memref<1x1x64xf32, #tpu.memory_space<hbm>> -> memref<64xf32, #tpu.memory_space<hbm>>
        tpu.enqueue_dma source(%dma_start3A_414 : memref<64xf32, #tpu.memory_space<hbm>>) target(%dma_start3A_411 : memref<64xf32, #tpu.memory_space<vmem>>) target_semaphore(%arg8 : memref<!tpu.dma_semaphore, #tpu.memory_space<semaphore_mem>>)
        %slice3A_415 = vector.extract_strided_slice %get3A_220 {offsets = [9], sizes = [1], strides = [1]} : vector<16xi32> to vector<1xi32>
        %squeeze3A_416 = vector.extract %slice3A_415[0] : i32 from vector<1xi32>
        %shift_right_arithmetic3A_417 = arith.constant 3 : i32
        %shift_right_arithmetic3A_418 = arith.shrsi %squeeze3A_416, %shift_right_arithmetic3A_417 : i32
        %and3A_419 = arith.constant 7 : i32
        %and3A_420 = arith.andi %squeeze3A_416, %and3A_419 : i32
        %mul3A_421 = arith.constant 16 : i32
        %mul3A_422 = arith.muli %scan3A_212, %mul3A_421 : i32
        %add3A_423 = arith.constant 9 : i32
        %add3A_424 = arith.addi %mul3A_422, %add3A_423 : i32
        %dma_start3A_425 = arith.constant 0 : i32
        %dma_start3A_426 = tpu.memref_slice %arg6[%add3A_424, %dma_start3A_425] : memref<400x64xf32, #tpu.memory_space<vmem>> -> memref<1x64xf32, #tpu.memory_space<vmem>>
        %dma_start3A_427 = tpu.memref_squeeze %dma_start3A_426 : memref<1x64xf32, #tpu.memory_space<vmem>> -> memref<64xf32, #tpu.memory_space<vmem>>
        %dma_start3A_428 = arith.constant 0 : i32
        %dma_start3A_429 = tpu.memref_slice %arg2[%shift_right_arithmetic3A_418, %and3A_420, %dma_start3A_428] : memref<125000x8x64xf32, #tpu.memory_space<hbm>> -> memref<1x1x64xf32, #tpu.memory_space<hbm>>
        %dma_start3A_430 = tpu.memref_squeeze %dma_start3A_429 : memref<1x1x64xf32, #tpu.memory_space<hbm>> -> memref<64xf32, #tpu.memory_space<hbm>>
        %dma_start3A_431 = arith.constant 0 : i32
        %dma_start3A_432 = tpu.memref_slice %arg6[%add3A_424, %dma_start3A_431] : memref<400x64xf32, #tpu.memory_space<vmem>> -> memref<1x64xf32, #tpu.memory_space<vmem>>
        %dma_start3A_433 = tpu.memref_squeeze %dma_start3A_432 : memref<1x64xf32, #tpu.memory_space<vmem>> -> memref<64xf32, #tpu.memory_space<vmem>>
        %dma_start3A_434 = arith.constant 0 : i32
        %dma_start3A_435 = tpu.memref_slice %arg2[%shift_right_arithmetic3A_418, %and3A_420, %dma_start3A_434] : memref<125000x8x64xf32, #tpu.memory_space<hbm>> -> memref<1x1x64xf32, #tpu.memory_space<hbm>>
        %dma_start3A_436 = tpu.memref_squeeze %dma_start3A_435 : memref<1x1x64xf32, #tpu.memory_space<hbm>> -> memref<64xf32, #tpu.memory_space<hbm>>
        tpu.enqueue_dma source(%dma_start3A_436 : memref<64xf32, #tpu.memory_space<hbm>>) target(%dma_start3A_433 : memref<64xf32, #tpu.memory_space<vmem>>) target_semaphore(%arg8 : memref<!tpu.dma_semaphore, #tpu.memory_space<semaphore_mem>>)
        %slice3A_437 = vector.extract_strided_slice %get3A_220 {offsets = [10], sizes = [1], strides = [1]} : vector<16xi32> to vector<1xi32>
        %squeeze3A_438 = vector.extract %slice3A_437[0] : i32 from vector<1xi32>
        %shift_right_arithmetic3A_439 = arith.constant 3 : i32
        %shift_right_arithmetic3A_440 = arith.shrsi %squeeze3A_438, %shift_right_arithmetic3A_439 : i32
        %and3A_441 = arith.constant 7 : i32
        %and3A_442 = arith.andi %squeeze3A_438, %and3A_441 : i32
        %mul3A_443 = arith.constant 16 : i32
        %mul3A_444 = arith.muli %scan3A_212, %mul3A_443 : i32
        %add3A_445 = arith.constant 10 : i32
        %add3A_446 = arith.addi %mul3A_444, %add3A_445 : i32
        %dma_start3A_447 = arith.constant 0 : i32
        %dma_start3A_448 = tpu.memref_slice %arg6[%add3A_446, %dma_start3A_447] : memref<400x64xf32, #tpu.memory_space<vmem>> -> memref<1x64xf32, #tpu.memory_space<vmem>>
        %dma_start3A_449 = tpu.memref_squeeze %dma_start3A_448 : memref<1x64xf32, #tpu.memory_space<vmem>> -> memref<64xf32, #tpu.memory_space<vmem>>
        %dma_start3A_450 = arith.constant 0 : i32
        %dma_start3A_451 = tpu.memref_slice %arg2[%shift_right_arithmetic3A_440, %and3A_442, %dma_start3A_450] : memref<125000x8x64xf32, #tpu.memory_space<hbm>> -> memref<1x1x64xf32, #tpu.memory_space<hbm>>
        %dma_start3A_452 = tpu.memref_squeeze %dma_start3A_451 : memref<1x1x64xf32, #tpu.memory_space<hbm>> -> memref<64xf32, #tpu.memory_space<hbm>>
        %dma_start3A_453 = arith.constant 0 : i32
        %dma_start3A_454 = tpu.memref_slice %arg6[%add3A_446, %dma_start3A_453] : memref<400x64xf32, #tpu.memory_space<vmem>> -> memref<1x64xf32, #tpu.memory_space<vmem>>
        %dma_start3A_455 = tpu.memref_squeeze %dma_start3A_454 : memref<1x64xf32, #tpu.memory_space<vmem>> -> memref<64xf32, #tpu.memory_space<vmem>>
        %dma_start3A_456 = arith.constant 0 : i32
        %dma_start3A_457 = tpu.memref_slice %arg2[%shift_right_arithmetic3A_440, %and3A_442, %dma_start3A_456] : memref<125000x8x64xf32, #tpu.memory_space<hbm>> -> memref<1x1x64xf32, #tpu.memory_space<hbm>>
        %dma_start3A_458 = tpu.memref_squeeze %dma_start3A_457 : memref<1x1x64xf32, #tpu.memory_space<hbm>> -> memref<64xf32, #tpu.memory_space<hbm>>
        tpu.enqueue_dma source(%dma_start3A_458 : memref<64xf32, #tpu.memory_space<hbm>>) target(%dma_start3A_455 : memref<64xf32, #tpu.memory_space<vmem>>) target_semaphore(%arg8 : memref<!tpu.dma_semaphore, #tpu.memory_space<semaphore_mem>>)
        %slice3A_459 = vector.extract_strided_slice %get3A_220 {offsets = [11], sizes = [1], strides = [1]} : vector<16xi32> to vector<1xi32>
        %squeeze3A_460 = vector.extract %slice3A_459[0] : i32 from vector<1xi32>
        %shift_right_arithmetic3A_461 = arith.constant 3 : i32
        %shift_right_arithmetic3A_462 = arith.shrsi %squeeze3A_460, %shift_right_arithmetic3A_461 : i32
        %and3A_463 = arith.constant 7 : i32
        %and3A_464 = arith.andi %squeeze3A_460, %and3A_463 : i32
        %mul3A_465 = arith.constant 16 : i32
        %mul3A_466 = arith.muli %scan3A_212, %mul3A_465 : i32
        %add3A_467 = arith.constant 11 : i32
        %add3A_468 = arith.addi %mul3A_466, %add3A_467 : i32
        %dma_start3A_469 = arith.constant 0 : i32
        %dma_start3A_470 = tpu.memref_slice %arg6[%add3A_468, %dma_start3A_469] : memref<400x64xf32, #tpu.memory_space<vmem>> -> memref<1x64xf32, #tpu.memory_space<vmem>>
        %dma_start3A_471 = tpu.memref_squeeze %dma_start3A_470 : memref<1x64xf32, #tpu.memory_space<vmem>> -> memref<64xf32, #tpu.memory_space<vmem>>
        %dma_start3A_472 = arith.constant 0 : i32
        %dma_start3A_473 = tpu.memref_slice %arg2[%shift_right_arithmetic3A_462, %and3A_464, %dma_start3A_472] : memref<125000x8x64xf32, #tpu.memory_space<hbm>> -> memref<1x1x64xf32, #tpu.memory_space<hbm>>
        %dma_start3A_474 = tpu.memref_squeeze %dma_start3A_473 : memref<1x1x64xf32, #tpu.memory_space<hbm>> -> memref<64xf32, #tpu.memory_space<hbm>>
        %dma_start3A_475 = arith.constant 0 : i32
        %dma_start3A_476 = tpu.memref_slice %arg6[%add3A_468, %dma_start3A_475] : memref<400x64xf32, #tpu.memory_space<vmem>> -> memref<1x64xf32, #tpu.memory_space<vmem>>
        %dma_start3A_477 = tpu.memref_squeeze %dma_start3A_476 : memref<1x64xf32, #tpu.memory_space<vmem>> -> memref<64xf32, #tpu.memory_space<vmem>>
        %dma_start3A_478 = arith.constant 0 : i32
        %dma_start3A_479 = tpu.memref_slice %arg2[%shift_right_arithmetic3A_462, %and3A_464, %dma_start3A_478] : memref<125000x8x64xf32, #tpu.memory_space<hbm>> -> memref<1x1x64xf32, #tpu.memory_space<hbm>>
        %dma_start3A_480 = tpu.memref_squeeze %dma_start3A_479 : memref<1x1x64xf32, #tpu.memory_space<hbm>> -> memref<64xf32, #tpu.memory_space<hbm>>
        tpu.enqueue_dma source(%dma_start3A_480 : memref<64xf32, #tpu.memory_space<hbm>>) target(%dma_start3A_477 : memref<64xf32, #tpu.memory_space<vmem>>) target_semaphore(%arg8 : memref<!tpu.dma_semaphore, #tpu.memory_space<semaphore_mem>>)
        %slice3A_481 = vector.extract_strided_slice %get3A_220 {offsets = [12], sizes = [1], strides = [1]} : vector<16xi32> to vector<1xi32>
        %squeeze3A_482 = vector.extract %slice3A_481[0] : i32 from vector<1xi32>
        %shift_right_arithmetic3A_483 = arith.constant 3 : i32
        %shift_right_arithmetic3A_484 = arith.shrsi %squeeze3A_482, %shift_right_arithmetic3A_483 : i32
        %and3A_485 = arith.constant 7 : i32
        %and3A_486 = arith.andi %squeeze3A_482, %and3A_485 : i32
        %mul3A_487 = arith.constant 16 : i32
        %mul3A_488 = arith.muli %scan3A_212, %mul3A_487 : i32
        %add3A_489 = arith.constant 12 : i32
        %add3A_490 = arith.addi %mul3A_488, %add3A_489 : i32
        %dma_start3A_491 = arith.constant 0 : i32
        %dma_start3A_492 = tpu.memref_slice %arg6[%add3A_490, %dma_start3A_491] : memref<400x64xf32, #tpu.memory_space<vmem>> -> memref<1x64xf32, #tpu.memory_space<vmem>>
        %dma_start3A_493 = tpu.memref_squeeze %dma_start3A_492 : memref<1x64xf32, #tpu.memory_space<vmem>> -> memref<64xf32, #tpu.memory_space<vmem>>
        %dma_start3A_494 = arith.constant 0 : i32
        %dma_start3A_495 = tpu.memref_slice %arg2[%shift_right_arithmetic3A_484, %and3A_486, %dma_start3A_494] : memref<125000x8x64xf32, #tpu.memory_space<hbm>> -> memref<1x1x64xf32, #tpu.memory_space<hbm>>
        %dma_start3A_496 = tpu.memref_squeeze %dma_start3A_495 : memref<1x1x64xf32, #tpu.memory_space<hbm>> -> memref<64xf32, #tpu.memory_space<hbm>>
        %dma_start3A_497 = arith.constant 0 : i32
        %dma_start3A_498 = tpu.memref_slice %arg6[%add3A_490, %dma_start3A_497] : memref<400x64xf32, #tpu.memory_space<vmem>> -> memref<1x64xf32, #tpu.memory_space<vmem>>
        %dma_start3A_499 = tpu.memref_squeeze %dma_start3A_498 : memref<1x64xf32, #tpu.memory_space<vmem>> -> memref<64xf32, #tpu.memory_space<vmem>>
        %dma_start3A_500 = arith.constant 0 : i32
        %dma_start3A_501 = tpu.memref_slice %arg2[%shift_right_arithmetic3A_484, %and3A_486, %dma_start3A_500] : memref<125000x8x64xf32, #tpu.memory_space<hbm>> -> memref<1x1x64xf32, #tpu.memory_space<hbm>>
        %dma_start3A_502 = tpu.memref_squeeze %dma_start3A_501 : memref<1x1x64xf32, #tpu.memory_space<hbm>> -> memref<64xf32, #tpu.memory_space<hbm>>
        tpu.enqueue_dma source(%dma_start3A_502 : memref<64xf32, #tpu.memory_space<hbm>>) target(%dma_start3A_499 : memref<64xf32, #tpu.memory_space<vmem>>) target_semaphore(%arg8 : memref<!tpu.dma_semaphore, #tpu.memory_space<semaphore_mem>>)
        %slice3A_503 = vector.extract_strided_slice %get3A_220 {offsets = [13], sizes = [1], strides = [1]} : vector<16xi32> to vector<1xi32>
        %squeeze3A_504 = vector.extract %slice3A_503[0] : i32 from vector<1xi32>
        %shift_right_arithmetic3A_505 = arith.constant 3 : i32
        %shift_right_arithmetic3A_506 = arith.shrsi %squeeze3A_504, %shift_right_arithmetic3A_505 : i32
        %and3A_507 = arith.constant 7 : i32
        %and3A_508 = arith.andi %squeeze3A_504, %and3A_507 : i32
        %mul3A_509 = arith.constant 16 : i32
        %mul3A_510 = arith.muli %scan3A_212, %mul3A_509 : i32
        %add3A_511 = arith.constant 13 : i32
        %add3A_512 = arith.addi %mul3A_510, %add3A_511 : i32
        %dma_start3A_513 = arith.constant 0 : i32
        %dma_start3A_514 = tpu.memref_slice %arg6[%add3A_512, %dma_start3A_513] : memref<400x64xf32, #tpu.memory_space<vmem>> -> memref<1x64xf32, #tpu.memory_space<vmem>>
        %dma_start3A_515 = tpu.memref_squeeze %dma_start3A_514 : memref<1x64xf32, #tpu.memory_space<vmem>> -> memref<64xf32, #tpu.memory_space<vmem>>
        %dma_start3A_516 = arith.constant 0 : i32
        %dma_start3A_517 = tpu.memref_slice %arg2[%shift_right_arithmetic3A_506, %and3A_508, %dma_start3A_516] : memref<125000x8x64xf32, #tpu.memory_space<hbm>> -> memref<1x1x64xf32, #tpu.memory_space<hbm>>
        %dma_start3A_518 = tpu.memref_squeeze %dma_start3A_517 : memref<1x1x64xf32, #tpu.memory_space<hbm>> -> memref<64xf32, #tpu.memory_space<hbm>>
        %dma_start3A_519 = arith.constant 0 : i32
        %dma_start3A_520 = tpu.memref_slice %arg6[%add3A_512, %dma_start3A_519] : memref<400x64xf32, #tpu.memory_space<vmem>> -> memref<1x64xf32, #tpu.memory_space<vmem>>
        %dma_start3A_521 = tpu.memref_squeeze %dma_start3A_520 : memref<1x64xf32, #tpu.memory_space<vmem>> -> memref<64xf32, #tpu.memory_space<vmem>>
        %dma_start3A_522 = arith.constant 0 : i32
        %dma_start3A_523 = tpu.memref_slice %arg2[%shift_right_arithmetic3A_506, %and3A_508, %dma_start3A_522] : memref<125000x8x64xf32, #tpu.memory_space<hbm>> -> memref<1x1x64xf32, #tpu.memory_space<hbm>>
        %dma_start3A_524 = tpu.memref_squeeze %dma_start3A_523 : memref<1x1x64xf32, #tpu.memory_space<hbm>> -> memref<64xf32, #tpu.memory_space<hbm>>
        tpu.enqueue_dma source(%dma_start3A_524 : memref<64xf32, #tpu.memory_space<hbm>>) target(%dma_start3A_521 : memref<64xf32, #tpu.memory_space<vmem>>) target_semaphore(%arg8 : memref<!tpu.dma_semaphore, #tpu.memory_space<semaphore_mem>>)
        %slice3A_525 = vector.extract_strided_slice %get3A_220 {offsets = [14], sizes = [1], strides = [1]} : vector<16xi32> to vector<1xi32>
        %squeeze3A_526 = vector.extract %slice3A_525[0] : i32 from vector<1xi32>
        %shift_right_arithmetic3A_527 = arith.constant 3 : i32
        %shift_right_arithmetic3A_528 = arith.shrsi %squeeze3A_526, %shift_right_arithmetic3A_527 : i32
        %and3A_529 = arith.constant 7 : i32
        %and3A_530 = arith.andi %squeeze3A_526, %and3A_529 : i32
        %mul3A_531 = arith.constant 16 : i32
        %mul3A_532 = arith.muli %scan3A_212, %mul3A_531 : i32
        %add3A_533 = arith.constant 14 : i32
        %add3A_534 = arith.addi %mul3A_532, %add3A_533 : i32
        %dma_start3A_535 = arith.constant 0 : i32
        %dma_start3A_536 = tpu.memref_slice %arg6[%add3A_534, %dma_start3A_535] : memref<400x64xf32, #tpu.memory_space<vmem>> -> memref<1x64xf32, #tpu.memory_space<vmem>>
        %dma_start3A_537 = tpu.memref_squeeze %dma_start3A_536 : memref<1x64xf32, #tpu.memory_space<vmem>> -> memref<64xf32, #tpu.memory_space<vmem>>
        %dma_start3A_538 = arith.constant 0 : i32
        %dma_start3A_539 = tpu.memref_slice %arg2[%shift_right_arithmetic3A_528, %and3A_530, %dma_start3A_538] : memref<125000x8x64xf32, #tpu.memory_space<hbm>> -> memref<1x1x64xf32, #tpu.memory_space<hbm>>
        %dma_start3A_540 = tpu.memref_squeeze %dma_start3A_539 : memref<1x1x64xf32, #tpu.memory_space<hbm>> -> memref<64xf32, #tpu.memory_space<hbm>>
        %dma_start3A_541 = arith.constant 0 : i32
        %dma_start3A_542 = tpu.memref_slice %arg6[%add3A_534, %dma_start3A_541] : memref<400x64xf32, #tpu.memory_space<vmem>> -> memref<1x64xf32, #tpu.memory_space<vmem>>
        %dma_start3A_543 = tpu.memref_squeeze %dma_start3A_542 : memref<1x64xf32, #tpu.memory_space<vmem>> -> memref<64xf32, #tpu.memory_space<vmem>>
        %dma_start3A_544 = arith.constant 0 : i32
        %dma_start3A_545 = tpu.memref_slice %arg2[%shift_right_arithmetic3A_528, %and3A_530, %dma_start3A_544] : memref<125000x8x64xf32, #tpu.memory_space<hbm>> -> memref<1x1x64xf32, #tpu.memory_space<hbm>>
        %dma_start3A_546 = tpu.memref_squeeze %dma_start3A_545 : memref<1x1x64xf32, #tpu.memory_space<hbm>> -> memref<64xf32, #tpu.memory_space<hbm>>
        tpu.enqueue_dma source(%dma_start3A_546 : memref<64xf32, #tpu.memory_space<hbm>>) target(%dma_start3A_543 : memref<64xf32, #tpu.memory_space<vmem>>) target_semaphore(%arg8 : memref<!tpu.dma_semaphore, #tpu.memory_space<semaphore_mem>>)
        %slice3A_547 = vector.extract_strided_slice %get3A_220 {offsets = [15], sizes = [1], strides = [1]} : vector<16xi32> to vector<1xi32>
        %squeeze3A_548 = vector.extract %slice3A_547[0] : i32 from vector<1xi32>
        %shift_right_arithmetic3A_549 = arith.constant 3 : i32
        %shift_right_arithmetic3A_550 = arith.shrsi %squeeze3A_548, %shift_right_arithmetic3A_549 : i32
        %and3A_551 = arith.constant 7 : i32
        %and3A_552 = arith.andi %squeeze3A_548, %and3A_551 : i32
        %mul3A_553 = arith.constant 16 : i32
        %mul3A_554 = arith.muli %scan3A_212, %mul3A_553 : i32
        %add3A_555 = arith.constant 15 : i32
        %add3A_556 = arith.addi %mul3A_554, %add3A_555 : i32
        %dma_start3A_557 = arith.constant 0 : i32
        %dma_start3A_558 = tpu.memref_slice %arg6[%add3A_556, %dma_start3A_557] : memref<400x64xf32, #tpu.memory_space<vmem>> -> memref<1x64xf32, #tpu.memory_space<vmem>>
        %dma_start3A_559 = tpu.memref_squeeze %dma_start3A_558 : memref<1x64xf32, #tpu.memory_space<vmem>> -> memref<64xf32, #tpu.memory_space<vmem>>
        %dma_start3A_560 = arith.constant 0 : i32
        %dma_start3A_561 = tpu.memref_slice %arg2[%shift_right_arithmetic3A_550, %and3A_552, %dma_start3A_560] : memref<125000x8x64xf32, #tpu.memory_space<hbm>> -> memref<1x1x64xf32, #tpu.memory_space<hbm>>
        %dma_start3A_562 = tpu.memref_squeeze %dma_start3A_561 : memref<1x1x64xf32, #tpu.memory_space<hbm>> -> memref<64xf32, #tpu.memory_space<hbm>>
        %dma_start3A_563 = arith.constant 0 : i32
        %dma_start3A_564 = tpu.memref_slice %arg6[%add3A_556, %dma_start3A_563] : memref<400x64xf32, #tpu.memory_space<vmem>> -> memref<1x64xf32, #tpu.memory_space<vmem>>
        %dma_start3A_565 = tpu.memref_squeeze %dma_start3A_564 : memref<1x64xf32, #tpu.memory_space<vmem>> -> memref<64xf32, #tpu.memory_space<vmem>>
        %dma_start3A_566 = arith.constant 0 : i32
        %dma_start3A_567 = tpu.memref_slice %arg2[%shift_right_arithmetic3A_550, %and3A_552, %dma_start3A_566] : memref<125000x8x64xf32, #tpu.memory_space<hbm>> -> memref<1x1x64xf32, #tpu.memory_space<hbm>>
        %dma_start3A_568 = tpu.memref_squeeze %dma_start3A_567 : memref<1x1x64xf32, #tpu.memory_space<hbm>> -> memref<64xf32, #tpu.memory_space<hbm>>
        tpu.enqueue_dma source(%dma_start3A_568 : memref<64xf32, #tpu.memory_space<hbm>>) target(%dma_start3A_565 : memref<64xf32, #tpu.memory_space<vmem>>) target_semaphore(%arg8 : memref<!tpu.dma_semaphore, #tpu.memory_space<semaphore_mem>>)
        %scan3A_569 = arith.constant 0 : i32
        scf.yield %scan3A_569 : i32
      }
      %scan3A_173 = arith.constant 25 : i32
      %add3A_174 = arith.constant 1 : i32
      %add3A_175 = arith.addi %mul3A_138, %add3A_174 : i32
      %dma_wait3A_176 = arith.constant 0 : i32
      %dma_wait3A_177 = arith.constant 0 : i32
      %dma_wait3A_178 = tpu.memref_slice %arg4[%dma_wait3A_176, %dma_wait3A_177] : memref<204800x64xf32, #tpu.memory_space<hbm>> -> memref<400x64xf32, #tpu.memory_space<hbm>>
      %dma_wait3A_179 = arith.constant 0 : i32
      %dma_wait3A_180 = arith.constant 0 : i32
      %dma_wait3A_181 = tpu.memref_slice %arg4[%dma_wait3A_179, %dma_wait3A_180] : memref<204800x64xf32, #tpu.memory_space<hbm>> -> memref<400x64xf32, #tpu.memory_space<hbm>>
      tpu.wait_dma2 semaphore(%arg9 : memref<!tpu.dma_semaphore, #tpu.memory_space<semaphore_mem>>) src(%dma_wait3A_181 : memref<400x64xf32, #tpu.memory_space<hbm>>) dst(%arg7 : memref<400x64xf32, #tpu.memory_space<vmem>>)
      %scan3A_182 = arith.constant 0 : i32
      %scan3A_183 = arith.constant 0 : i32
      %scan3A_184 = arith.constant 400 : i32
      %scan3A_185 = arith.addi %scan3A_183, %scan3A_184 : i32
      %scan3A_186 = arith.constant 1 : i32
      %scan3A_187 = scf.for %scan3A_212 = %scan3A_183 to %scan3A_185 step %scan3A_186 iter_args(%scan3A_213 = %scan3A_182) -> (i32)  : i32 {
        %get3A = arith.index_cast %scan3A_212 : i32 to index
        %get3A_214 = arith.constant 0 : index
        %get3A_215 = tpu.vector_load %arg7[%get3A, %get3A_214] {strides = array<i32>} : memref<400x64xf32, #tpu.memory_space<vmem>>, vector<1x16xf32>,
        %get3A_216 = vector.shape_cast %get3A_215 : vector<1x16xf32> to vector<16xf32>
        %mul3A_217 = arith.constant 8.000000e+00 : f32
        %mul3A_218 = vector.broadcast %mul3A_217 : f32 to vector<16xf32>
        %mul3A_219 = arith.mulf %get3A_216, %mul3A_218 : vector<16xf32>
        %swap3A = arith.index_cast %scan3A_212 : i32 to index
        %swap3A_220 = arith.constant 0 : index
        %swap3A_221 = tpu.vector_load %arg7[%swap3A, %swap3A_220] {strides = array<i32>} : memref<400x64xf32, #tpu.memory_space<vmem>>, vector<1x16xf32>,
        %swap3A_222 = vector.shape_cast %swap3A_221 : vector<1x16xf32> to vector<16xf32>
        %swap3A_223 = vector.shape_cast %mul3A_219 : vector<16xf32> to vector<1x16xf32>
        tpu.vector_store %arg7[%swap3A, %swap3A_220], %swap3A_223 {strides = array<i32>} : memref<400x64xf32, #tpu.memory_space<vmem>>, vector<1x16xf32>,
        %get3A_224 = arith.index_cast %scan3A_212 : i32 to index
        %get3A_225 = arith.constant 16 : index
        %get3A_226 = tpu.vector_load %arg7[%get3A_224, %get3A_225] {strides = array<i32>} : memref<400x64xf32, #tpu.memory_space<vmem>>, vector<1x16xf32>,
        %get3A_227 = vector.shape_cast %get3A_226 : vector<1x16xf32> to vector<16xf32>
        %mul3A_228 = arith.constant 8.000000e+00 : f32
        %mul3A_229 = vector.broadcast %mul3A_228 : f32 to vector<16xf32>
        %mul3A_230 = arith.mulf %get3A_227, %mul3A_229 : vector<16xf32>
        %swap3A_231 = arith.index_cast %scan3A_212 : i32 to index
        %swap3A_232 = arith.constant 16 : index
        %swap3A_233 = tpu.vector_load %arg7[%swap3A_231, %swap3A_232] {strides = array<i32>} : memref<400x64xf32, #tpu.memory_space<vmem>>, vector<1x16xf32>,
        %swap3A_234 = vector.shape_cast %swap3A_233 : vector<1x16xf32> to vector<16xf32>
        %swap3A_235 = vector.shape_cast %mul3A_230 : vector<16xf32> to vector<1x16xf32>
        tpu.vector_store %arg7[%swap3A_231, %swap3A_232], %swap3A_235 {strides = array<i32>} : memref<400x64xf32, #tpu.memory_space<vmem>>, vector<1x16xf32>,
        %get3A_236 = arith.index_cast %scan3A_212 : i32 to index
        %get3A_237 = arith.constant 32 : index
        %get3A_238 = tpu.vector_load %arg7[%get3A_236, %get3A_237] {strides = array<i32>} : memref<400x64xf32, #tpu.memory_space<vmem>>, vector<1x16xf32>,
        %get3A_239 = vector.shape_cast %get3A_238 : vector<1x16xf32> to vector<16xf32>
        %mul3A_240 = arith.constant 8.000000e+00 : f32
        %mul3A_241 = vector.broadcast %mul3A_240 : f32 to vector<16xf32>
        %mul3A_242 = arith.mulf %get3A_239, %mul3A_241 : vector<16xf32>
        %swap3A_243 = arith.index_cast %scan3A_212 : i32 to index
        %swap3A_244 = arith.constant 32 : index
        %swap3A_245 = tpu.vector_load %arg7[%swap3A_243, %swap3A_244] {strides = array<i32>} : memref<400x64xf32, #tpu.memory_space<vmem>>, vector<1x16xf32>,
        %swap3A_246 = vector.shape_cast %swap3A_245 : vector<1x16xf32> to vector<16xf32>
        %swap3A_247 = vector.shape_cast %mul3A_242 : vector<16xf32> to vector<1x16xf32>
        tpu.vector_store %arg7[%swap3A_243, %swap3A_244], %swap3A_247 {strides = array<i32>} : memref<400x64xf32, #tpu.memory_space<vmem>>, vector<1x16xf32>,
        %get3A_248 = arith.index_cast %scan3A_212 : i32 to index
        %get3A_249 = arith.constant 48 : index
        %get3A_250 = tpu.vector_load %arg7[%get3A_248, %get3A_249] {strides = array<i32>} : memref<400x64xf32, #tpu.memory_space<vmem>>, vector<1x16xf32>,
        %get3A_251 = vector.shape_cast %get3A_250 : vector<1x16xf32> to vector<16xf32>
        %mul3A_252 = arith.constant 8.000000e+00 : f32
        %mul3A_253 = vector.broadcast %mul3A_252 : f32 to vector<16xf32>
        %mul3A_254 = arith.mulf %get3A_251, %mul3A_253 : vector<16xf32>
        %swap3A_255 = arith.index_cast %scan3A_212 : i32 to index
        %swap3A_256 = arith.constant 48 : index
        %swap3A_257 = tpu.vector_load %arg7[%swap3A_255, %swap3A_256] {strides = array<i32>} : memref<400x64xf32, #tpu.memory_space<vmem>>, vector<1x16xf32>,
        %swap3A_258 = vector.shape_cast %swap3A_257 : vector<1x16xf32> to vector<16xf32>
        %swap3A_259 = vector.shape_cast %mul3A_254 : vector<16xf32> to vector<1x16xf32>
        tpu.vector_store %arg7[%swap3A_255, %swap3A_256], %swap3A_259 {strides = array<i32>} : memref<400x64xf32, #tpu.memory_space<vmem>>, vector<1x16xf32>,
        %scan3A_260 = arith.constant 0 : i32
        scf.yield %scan3A_260 : i32
      }
      %scan3A_188 = arith.constant 400 : i32
      %mul3A_189 = arith.constant 400 : i32
      %mul3A_190 = arith.muli %add3A_175, %mul3A_189 : i32
      %add3A_191 = arith.addi %mul3A_2, %mul3A_190 : i32
      %dma_start3A_192 = arith.constant 0 : i32
      %dma_start3A_193 = tpu.memref_slice %arg4[%add3A_191, %dma_start3A_192] : memref<204800x64xf32, #tpu.memory_space<hbm>> -> memref<400x64xf32, #tpu.memory_space<hbm>>
      %dma_start3A_194 = arith.constant 0 : i32
      %dma_start3A_195 = tpu.memref_slice %arg4[%add3A_191, %dma_start3A_194] : memref<204800x64xf32, #tpu.memory_space<hbm>> -> memref<400x64xf32, #tpu.memory_space<hbm>>
      tpu.enqueue_dma source(%arg7 : memref<400x64xf32, #tpu.memory_space<vmem>>) target(%dma_start3A_195 : memref<400x64xf32, #tpu.memory_space<hbm>>) target_semaphore(%arg11 : memref<!tpu.dma_semaphore, #tpu.memory_space<semaphore_mem>>)
      %add3A_196 = arith.constant 3 : i32
      %add3A_197 = arith.addi %mul3A_138, %add3A_196 : i32
      %dma_wait3A_198 = arith.constant 0 : i32
      %dma_wait3A_199 = arith.constant 0 : i32
      %dma_wait3A_200 = tpu.memref_slice %arg4[%dma_wait3A_198, %dma_wait3A_199] : memref<204800x64xf32, #tpu.memory_space<hbm>> -> memref<400x64xf32, #tpu.memory_space<hbm>>
      %dma_wait3A_201 = arith.constant 0 : i32
      %dma_wait3A_202 = arith.constant 0 : i32
      %dma_wait3A_203 = tpu.memref_slice %arg4[%dma_wait3A_201, %dma_wait3A_202] : memref<204800x64xf32, #tpu.memory_space<hbm>> -> memref<400x64xf32, #tpu.memory_space<hbm>>
      tpu.wait_dma2 semaphore(%arg11 : memref<!tpu.dma_semaphore, #tpu.memory_space<semaphore_mem>>) src(%dma_wait3A_203 : memref<400x64xf32, #tpu.memory_space<hbm>>) dst(%arg7 : memref<400x64xf32, #tpu.memory_space<vmem>>)
      %scan3A_204 = arith.constant 0 : i32
      %scan3A_205 = arith.constant 0 : i32
      %scan3A_206 = arith.constant 25 : i32
      %scan3A_207 = arith.addi %scan3A_205, %scan3A_206 : i32
      %scan3A_208 = arith.constant 1 : i32
      %scan3A_209 = scf.for %scan3A_212 = %scan3A_205 to %scan3A_207 step %scan3A_208 iter_args(%scan3A_213 = %scan3A_204) -> (i32)  : i32 {
        %mul3A_214 = arith.constant 400 : i32
        %mul3A_215 = arith.muli %add3A_197, %mul3A_214 : i32
        %mul3A_216 = arith.constant 16 : i32
        %mul3A_217 = arith.muli %scan3A_212, %mul3A_216 : i32
        %add3A_218 = arith.addi %mul3A_215, %mul3A_217 : i32
        %get3A = arith.index_cast %add3A_218 : i32 to index
        %get3A_219 = tpu.vector_load %arg5[%get3A] {strides = array<i32>} : memref<6400xi32, #tpu.memory_space<vmem>>, vector<16xi32>,
        %get3A_220 = vector.shape_cast %get3A_219 : vector<16xi32> to vector<16xi32>
        %slice3A = vector.extract_strided_slice %get3A_220 {offsets = [0], sizes = [1], strides = [1]} : vector<16xi32> to vector<1xi32>
        %squeeze3A = vector.extract %slice3A[0] : i32 from vector<1xi32>
        %shift_right_arithmetic3A = arith.constant 3 : i32
        %shift_right_arithmetic3A_221 = arith.shrsi %squeeze3A, %shift_right_arithmetic3A : i32
        %and3A = arith.constant 7 : i32
        %and3A_222 = arith.andi %squeeze3A, %and3A : i32
        %mul3A_223 = arith.constant 16 : i32
        %mul3A_224 = arith.muli %scan3A_212, %mul3A_223 : i32
        %add3A_225 = arith.constant 0 : i32
        %add3A_226 = arith.addi %mul3A_224, %add3A_225 : i32
        %dma_start3A_227 = arith.constant 0 : i32
        %dma_start3A_228 = tpu.memref_slice %arg7[%add3A_226, %dma_start3A_227] : memref<400x64xf32, #tpu.memory_space<vmem>> -> memref<1x64xf32, #tpu.memory_space<vmem>>
        %dma_start3A_229 = tpu.memref_squeeze %dma_start3A_228 : memref<1x64xf32, #tpu.memory_space<vmem>> -> memref<64xf32, #tpu.memory_space<vmem>>
        %dma_start3A_230 = arith.constant 0 : i32
        %dma_start3A_231 = tpu.memref_slice %arg2[%shift_right_arithmetic3A_221, %and3A_222, %dma_start3A_230] : memref<125000x8x64xf32, #tpu.memory_space<hbm>> -> memref<1x1x64xf32, #tpu.memory_space<hbm>>
        %dma_start3A_232 = tpu.memref_squeeze %dma_start3A_231 : memref<1x1x64xf32, #tpu.memory_space<hbm>> -> memref<64xf32, #tpu.memory_space<hbm>>
        %dma_start3A_233 = arith.constant 0 : i32
        %dma_start3A_234 = tpu.memref_slice %arg7[%add3A_226, %dma_start3A_233] : memref<400x64xf32, #tpu.memory_space<vmem>> -> memref<1x64xf32, #tpu.memory_space<vmem>>
        %dma_start3A_235 = tpu.memref_squeeze %dma_start3A_234 : memref<1x64xf32, #tpu.memory_space<vmem>> -> memref<64xf32, #tpu.memory_space<vmem>>
        %dma_start3A_236 = arith.constant 0 : i32
        %dma_start3A_237 = tpu.memref_slice %arg2[%shift_right_arithmetic3A_221, %and3A_222, %dma_start3A_236] : memref<125000x8x64xf32, #tpu.memory_space<hbm>> -> memref<1x1x64xf32, #tpu.memory_space<hbm>>
        %dma_start3A_238 = tpu.memref_squeeze %dma_start3A_237 : memref<1x1x64xf32, #tpu.memory_space<hbm>> -> memref<64xf32, #tpu.memory_space<hbm>>
        tpu.enqueue_dma source(%dma_start3A_238 : memref<64xf32, #tpu.memory_space<hbm>>) target(%dma_start3A_235 : memref<64xf32, #tpu.memory_space<vmem>>) target_semaphore(%arg9 : memref<!tpu.dma_semaphore, #tpu.memory_space<semaphore_mem>>)
        %slice3A_239 = vector.extract_strided_slice %get3A_220 {offsets = [1], sizes = [1], strides = [1]} : vector<16xi32> to vector<1xi32>
        %squeeze3A_240 = vector.extract %slice3A_239[0] : i32 from vector<1xi32>
        %shift_right_arithmetic3A_241 = arith.constant 3 : i32
        %shift_right_arithmetic3A_242 = arith.shrsi %squeeze3A_240, %shift_right_arithmetic3A_241 : i32
        %and3A_243 = arith.constant 7 : i32
        %and3A_244 = arith.andi %squeeze3A_240, %and3A_243 : i32
        %mul3A_245 = arith.constant 16 : i32
        %mul3A_246 = arith.muli %scan3A_212, %mul3A_245 : i32
        %add3A_247 = arith.constant 1 : i32
        %add3A_248 = arith.addi %mul3A_246, %add3A_247 : i32
        %dma_start3A_249 = arith.constant 0 : i32
        %dma_start3A_250 = tpu.memref_slice %arg7[%add3A_248, %dma_start3A_249] : memref<400x64xf32, #tpu.memory_space<vmem>> -> memref<1x64xf32, #tpu.memory_space<vmem>>
        %dma_start3A_251 = tpu.memref_squeeze %dma_start3A_250 : memref<1x64xf32, #tpu.memory_space<vmem>> -> memref<64xf32, #tpu.memory_space<vmem>>
        %dma_start3A_252 = arith.constant 0 : i32
        %dma_start3A_253 = tpu.memref_slice %arg2[%shift_right_arithmetic3A_242, %and3A_244, %dma_start3A_252] : memref<125000x8x64xf32, #tpu.memory_space<hbm>> -> memref<1x1x64xf32, #tpu.memory_space<hbm>>
        %dma_start3A_254 = tpu.memref_squeeze %dma_start3A_253 : memref<1x1x64xf32, #tpu.memory_space<hbm>> -> memref<64xf32, #tpu.memory_space<hbm>>
        %dma_start3A_255 = arith.constant 0 : i32
        %dma_start3A_256 = tpu.memref_slice %arg7[%add3A_248, %dma_start3A_255] : memref<400x64xf32, #tpu.memory_space<vmem>> -> memref<1x64xf32, #tpu.memory_space<vmem>>
        %dma_start3A_257 = tpu.memref_squeeze %dma_start3A_256 : memref<1x64xf32, #tpu.memory_space<vmem>> -> memref<64xf32, #tpu.memory_space<vmem>>
        %dma_start3A_258 = arith.constant 0 : i32
        %dma_start3A_259 = tpu.memref_slice %arg2[%shift_right_arithmetic3A_242, %and3A_244, %dma_start3A_258] : memref<125000x8x64xf32, #tpu.memory_space<hbm>> -> memref<1x1x64xf32, #tpu.memory_space<hbm>>
        %dma_start3A_260 = tpu.memref_squeeze %dma_start3A_259 : memref<1x1x64xf32, #tpu.memory_space<hbm>> -> memref<64xf32, #tpu.memory_space<hbm>>
        tpu.enqueue_dma source(%dma_start3A_260 : memref<64xf32, #tpu.memory_space<hbm>>) target(%dma_start3A_257 : memref<64xf32, #tpu.memory_space<vmem>>) target_semaphore(%arg9 : memref<!tpu.dma_semaphore, #tpu.memory_space<semaphore_mem>>)
        %slice3A_261 = vector.extract_strided_slice %get3A_220 {offsets = [2], sizes = [1], strides = [1]} : vector<16xi32> to vector<1xi32>
        %squeeze3A_262 = vector.extract %slice3A_261[0] : i32 from vector<1xi32>
        %shift_right_arithmetic3A_263 = arith.constant 3 : i32
        %shift_right_arithmetic3A_264 = arith.shrsi %squeeze3A_262, %shift_right_arithmetic3A_263 : i32
        %and3A_265 = arith.constant 7 : i32
        %and3A_266 = arith.andi %squeeze3A_262, %and3A_265 : i32
        %mul3A_267 = arith.constant 16 : i32
        %mul3A_268 = arith.muli %scan3A_212, %mul3A_267 : i32
        %add3A_269 = arith.constant 2 : i32
        %add3A_270 = arith.addi %mul3A_268, %add3A_269 : i32
        %dma_start3A_271 = arith.constant 0 : i32
        %dma_start3A_272 = tpu.memref_slice %arg7[%add3A_270, %dma_start3A_271] : memref<400x64xf32, #tpu.memory_space<vmem>> -> memref<1x64xf32, #tpu.memory_space<vmem>>
        %dma_start3A_273 = tpu.memref_squeeze %dma_start3A_272 : memref<1x64xf32, #tpu.memory_space<vmem>> -> memref<64xf32, #tpu.memory_space<vmem>>
        %dma_start3A_274 = arith.constant 0 : i32
        %dma_start3A_275 = tpu.memref_slice %arg2[%shift_right_arithmetic3A_264, %and3A_266, %dma_start3A_274] : memref<125000x8x64xf32, #tpu.memory_space<hbm>> -> memref<1x1x64xf32, #tpu.memory_space<hbm>>
        %dma_start3A_276 = tpu.memref_squeeze %dma_start3A_275 : memref<1x1x64xf32, #tpu.memory_space<hbm>> -> memref<64xf32, #tpu.memory_space<hbm>>
        %dma_start3A_277 = arith.constant 0 : i32
        %dma_start3A_278 = tpu.memref_slice %arg7[%add3A_270, %dma_start3A_277] : memref<400x64xf32, #tpu.memory_space<vmem>> -> memref<1x64xf32, #tpu.memory_space<vmem>>
        %dma_start3A_279 = tpu.memref_squeeze %dma_start3A_278 : memref<1x64xf32, #tpu.memory_space<vmem>> -> memref<64xf32, #tpu.memory_space<vmem>>
        %dma_start3A_280 = arith.constant 0 : i32
        %dma_start3A_281 = tpu.memref_slice %arg2[%shift_right_arithmetic3A_264, %and3A_266, %dma_start3A_280] : memref<125000x8x64xf32, #tpu.memory_space<hbm>> -> memref<1x1x64xf32, #tpu.memory_space<hbm>>
        %dma_start3A_282 = tpu.memref_squeeze %dma_start3A_281 : memref<1x1x64xf32, #tpu.memory_space<hbm>> -> memref<64xf32, #tpu.memory_space<hbm>>
        tpu.enqueue_dma source(%dma_start3A_282 : memref<64xf32, #tpu.memory_space<hbm>>) target(%dma_start3A_279 : memref<64xf32, #tpu.memory_space<vmem>>) target_semaphore(%arg9 : memref<!tpu.dma_semaphore, #tpu.memory_space<semaphore_mem>>)
        %slice3A_283 = vector.extract_strided_slice %get3A_220 {offsets = [3], sizes = [1], strides = [1]} : vector<16xi32> to vector<1xi32>
        %squeeze3A_284 = vector.extract %slice3A_283[0] : i32 from vector<1xi32>
        %shift_right_arithmetic3A_285 = arith.constant 3 : i32
        %shift_right_arithmetic3A_286 = arith.shrsi %squeeze3A_284, %shift_right_arithmetic3A_285 : i32
        %and3A_287 = arith.constant 7 : i32
        %and3A_288 = arith.andi %squeeze3A_284, %and3A_287 : i32
        %mul3A_289 = arith.constant 16 : i32
        %mul3A_290 = arith.muli %scan3A_212, %mul3A_289 : i32
        %add3A_291 = arith.constant 3 : i32
        %add3A_292 = arith.addi %mul3A_290, %add3A_291 : i32
        %dma_start3A_293 = arith.constant 0 : i32
        %dma_start3A_294 = tpu.memref_slice %arg7[%add3A_292, %dma_start3A_293] : memref<400x64xf32, #tpu.memory_space<vmem>> -> memref<1x64xf32, #tpu.memory_space<vmem>>
        %dma_start3A_295 = tpu.memref_squeeze %dma_start3A_294 : memref<1x64xf32, #tpu.memory_space<vmem>> -> memref<64xf32, #tpu.memory_space<vmem>>
        %dma_start3A_296 = arith.constant 0 : i32
        %dma_start3A_297 = tpu.memref_slice %arg2[%shift_right_arithmetic3A_286, %and3A_288, %dma_start3A_296] : memref<125000x8x64xf32, #tpu.memory_space<hbm>> -> memref<1x1x64xf32, #tpu.memory_space<hbm>>
        %dma_start3A_298 = tpu.memref_squeeze %dma_start3A_297 : memref<1x1x64xf32, #tpu.memory_space<hbm>> -> memref<64xf32, #tpu.memory_space<hbm>>
        %dma_start3A_299 = arith.constant 0 : i32
        %dma_start3A_300 = tpu.memref_slice %arg7[%add3A_292, %dma_start3A_299] : memref<400x64xf32, #tpu.memory_space<vmem>> -> memref<1x64xf32, #tpu.memory_space<vmem>>
        %dma_start3A_301 = tpu.memref_squeeze %dma_start3A_300 : memref<1x64xf32, #tpu.memory_space<vmem>> -> memref<64xf32, #tpu.memory_space<vmem>>
        %dma_start3A_302 = arith.constant 0 : i32
        %dma_start3A_303 = tpu.memref_slice %arg2[%shift_right_arithmetic3A_286, %and3A_288, %dma_start3A_302] : memref<125000x8x64xf32, #tpu.memory_space<hbm>> -> memref<1x1x64xf32, #tpu.memory_space<hbm>>
        %dma_start3A_304 = tpu.memref_squeeze %dma_start3A_303 : memref<1x1x64xf32, #tpu.memory_space<hbm>> -> memref<64xf32, #tpu.memory_space<hbm>>
        tpu.enqueue_dma source(%dma_start3A_304 : memref<64xf32, #tpu.memory_space<hbm>>) target(%dma_start3A_301 : memref<64xf32, #tpu.memory_space<vmem>>) target_semaphore(%arg9 : memref<!tpu.dma_semaphore, #tpu.memory_space<semaphore_mem>>)
        %slice3A_305 = vector.extract_strided_slice %get3A_220 {offsets = [4], sizes = [1], strides = [1]} : vector<16xi32> to vector<1xi32>
        %squeeze3A_306 = vector.extract %slice3A_305[0] : i32 from vector<1xi32>
        %shift_right_arithmetic3A_307 = arith.constant 3 : i32
        %shift_right_arithmetic3A_308 = arith.shrsi %squeeze3A_306, %shift_right_arithmetic3A_307 : i32
        %and3A_309 = arith.constant 7 : i32
        %and3A_310 = arith.andi %squeeze3A_306, %and3A_309 : i32
        %mul3A_311 = arith.constant 16 : i32
        %mul3A_312 = arith.muli %scan3A_212, %mul3A_311 : i32
        %add3A_313 = arith.constant 4 : i32
        %add3A_314 = arith.addi %mul3A_312, %add3A_313 : i32
        %dma_start3A_315 = arith.constant 0 : i32
        %dma_start3A_316 = tpu.memref_slice %arg7[%add3A_314, %dma_start3A_315] : memref<400x64xf32, #tpu.memory_space<vmem>> -> memref<1x64xf32, #tpu.memory_space<vmem>>
        %dma_start3A_317 = tpu.memref_squeeze %dma_start3A_316 : memref<1x64xf32, #tpu.memory_space<vmem>> -> memref<64xf32, #tpu.memory_space<vmem>>
        %dma_start3A_318 = arith.constant 0 : i32
        %dma_start3A_319 = tpu.memref_slice %arg2[%shift_right_arithmetic3A_308, %and3A_310, %dma_start3A_318] : memref<125000x8x64xf32, #tpu.memory_space<hbm>> -> memref<1x1x64xf32, #tpu.memory_space<hbm>>
        %dma_start3A_320 = tpu.memref_squeeze %dma_start3A_319 : memref<1x1x64xf32, #tpu.memory_space<hbm>> -> memref<64xf32, #tpu.memory_space<hbm>>
        %dma_start3A_321 = arith.constant 0 : i32
        %dma_start3A_322 = tpu.memref_slice %arg7[%add3A_314, %dma_start3A_321] : memref<400x64xf32, #tpu.memory_space<vmem>> -> memref<1x64xf32, #tpu.memory_space<vmem>>
        %dma_start3A_323 = tpu.memref_squeeze %dma_start3A_322 : memref<1x64xf32, #tpu.memory_space<vmem>> -> memref<64xf32, #tpu.memory_space<vmem>>
        %dma_start3A_324 = arith.constant 0 : i32
        %dma_start3A_325 = tpu.memref_slice %arg2[%shift_right_arithmetic3A_308, %and3A_310, %dma_start3A_324] : memref<125000x8x64xf32, #tpu.memory_space<hbm>> -> memref<1x1x64xf32, #tpu.memory_space<hbm>>
        %dma_start3A_326 = tpu.memref_squeeze %dma_start3A_325 : memref<1x1x64xf32, #tpu.memory_space<hbm>> -> memref<64xf32, #tpu.memory_space<hbm>>
        tpu.enqueue_dma source(%dma_start3A_326 : memref<64xf32, #tpu.memory_space<hbm>>) target(%dma_start3A_323 : memref<64xf32, #tpu.memory_space<vmem>>) target_semaphore(%arg9 : memref<!tpu.dma_semaphore, #tpu.memory_space<semaphore_mem>>)
        %slice3A_327 = vector.extract_strided_slice %get3A_220 {offsets = [5], sizes = [1], strides = [1]} : vector<16xi32> to vector<1xi32>
        %squeeze3A_328 = vector.extract %slice3A_327[0] : i32 from vector<1xi32>
        %shift_right_arithmetic3A_329 = arith.constant 3 : i32
        %shift_right_arithmetic3A_330 = arith.shrsi %squeeze3A_328, %shift_right_arithmetic3A_329 : i32
        %and3A_331 = arith.constant 7 : i32
        %and3A_332 = arith.andi %squeeze3A_328, %and3A_331 : i32
        %mul3A_333 = arith.constant 16 : i32
        %mul3A_334 = arith.muli %scan3A_212, %mul3A_333 : i32
        %add3A_335 = arith.constant 5 : i32
        %add3A_336 = arith.addi %mul3A_334, %add3A_335 : i32
        %dma_start3A_337 = arith.constant 0 : i32
        %dma_start3A_338 = tpu.memref_slice %arg7[%add3A_336, %dma_start3A_337] : memref<400x64xf32, #tpu.memory_space<vmem>> -> memref<1x64xf32, #tpu.memory_space<vmem>>
        %dma_start3A_339 = tpu.memref_squeeze %dma_start3A_338 : memref<1x64xf32, #tpu.memory_space<vmem>> -> memref<64xf32, #tpu.memory_space<vmem>>
        %dma_start3A_340 = arith.constant 0 : i32
        %dma_start3A_341 = tpu.memref_slice %arg2[%shift_right_arithmetic3A_330, %and3A_332, %dma_start3A_340] : memref<125000x8x64xf32, #tpu.memory_space<hbm>> -> memref<1x1x64xf32, #tpu.memory_space<hbm>>
        %dma_start3A_342 = tpu.memref_squeeze %dma_start3A_341 : memref<1x1x64xf32, #tpu.memory_space<hbm>> -> memref<64xf32, #tpu.memory_space<hbm>>
        %dma_start3A_343 = arith.constant 0 : i32
        %dma_start3A_344 = tpu.memref_slice %arg7[%add3A_336, %dma_start3A_343] : memref<400x64xf32, #tpu.memory_space<vmem>> -> memref<1x64xf32, #tpu.memory_space<vmem>>
        %dma_start3A_345 = tpu.memref_squeeze %dma_start3A_344 : memref<1x64xf32, #tpu.memory_space<vmem>> -> memref<64xf32, #tpu.memory_space<vmem>>
        %dma_start3A_346 = arith.constant 0 : i32
        %dma_start3A_347 = tpu.memref_slice %arg2[%shift_right_arithmetic3A_330, %and3A_332, %dma_start3A_346] : memref<125000x8x64xf32, #tpu.memory_space<hbm>> -> memref<1x1x64xf32, #tpu.memory_space<hbm>>
        %dma_start3A_348 = tpu.memref_squeeze %dma_start3A_347 : memref<1x1x64xf32, #tpu.memory_space<hbm>> -> memref<64xf32, #tpu.memory_space<hbm>>
        tpu.enqueue_dma source(%dma_start3A_348 : memref<64xf32, #tpu.memory_space<hbm>>) target(%dma_start3A_345 : memref<64xf32, #tpu.memory_space<vmem>>) target_semaphore(%arg9 : memref<!tpu.dma_semaphore, #tpu.memory_space<semaphore_mem>>)
        %slice3A_349 = vector.extract_strided_slice %get3A_220 {offsets = [6], sizes = [1], strides = [1]} : vector<16xi32> to vector<1xi32>
        %squeeze3A_350 = vector.extract %slice3A_349[0] : i32 from vector<1xi32>
        %shift_right_arithmetic3A_351 = arith.constant 3 : i32
        %shift_right_arithmetic3A_352 = arith.shrsi %squeeze3A_350, %shift_right_arithmetic3A_351 : i32
        %and3A_353 = arith.constant 7 : i32
        %and3A_354 = arith.andi %squeeze3A_350, %and3A_353 : i32
        %mul3A_355 = arith.constant 16 : i32
        %mul3A_356 = arith.muli %scan3A_212, %mul3A_355 : i32
        %add3A_357 = arith.constant 6 : i32
        %add3A_358 = arith.addi %mul3A_356, %add3A_357 : i32
        %dma_start3A_359 = arith.constant 0 : i32
        %dma_start3A_360 = tpu.memref_slice %arg7[%add3A_358, %dma_start3A_359] : memref<400x64xf32, #tpu.memory_space<vmem>> -> memref<1x64xf32, #tpu.memory_space<vmem>>
        %dma_start3A_361 = tpu.memref_squeeze %dma_start3A_360 : memref<1x64xf32, #tpu.memory_space<vmem>> -> memref<64xf32, #tpu.memory_space<vmem>>
        %dma_start3A_362 = arith.constant 0 : i32
        %dma_start3A_363 = tpu.memref_slice %arg2[%shift_right_arithmetic3A_352, %and3A_354, %dma_start3A_362] : memref<125000x8x64xf32, #tpu.memory_space<hbm>> -> memref<1x1x64xf32, #tpu.memory_space<hbm>>
        %dma_start3A_364 = tpu.memref_squeeze %dma_start3A_363 : memref<1x1x64xf32, #tpu.memory_space<hbm>> -> memref<64xf32, #tpu.memory_space<hbm>>
        %dma_start3A_365 = arith.constant 0 : i32
        %dma_start3A_366 = tpu.memref_slice %arg7[%add3A_358, %dma_start3A_365] : memref<400x64xf32, #tpu.memory_space<vmem>> -> memref<1x64xf32, #tpu.memory_space<vmem>>
        %dma_start3A_367 = tpu.memref_squeeze %dma_start3A_366 : memref<1x64xf32, #tpu.memory_space<vmem>> -> memref<64xf32, #tpu.memory_space<vmem>>
        %dma_start3A_368 = arith.constant 0 : i32
        %dma_start3A_369 = tpu.memref_slice %arg2[%shift_right_arithmetic3A_352, %and3A_354, %dma_start3A_368] : memref<125000x8x64xf32, #tpu.memory_space<hbm>> -> memref<1x1x64xf32, #tpu.memory_space<hbm>>
        %dma_start3A_370 = tpu.memref_squeeze %dma_start3A_369 : memref<1x1x64xf32, #tpu.memory_space<hbm>> -> memref<64xf32, #tpu.memory_space<hbm>>
        tpu.enqueue_dma source(%dma_start3A_370 : memref<64xf32, #tpu.memory_space<hbm>>) target(%dma_start3A_367 : memref<64xf32, #tpu.memory_space<vmem>>) target_semaphore(%arg9 : memref<!tpu.dma_semaphore, #tpu.memory_space<semaphore_mem>>)
        %slice3A_371 = vector.extract_strided_slice %get3A_220 {offsets = [7], sizes = [1], strides = [1]} : vector<16xi32> to vector<1xi32>
        %squeeze3A_372 = vector.extract %slice3A_371[0] : i32 from vector<1xi32>
        %shift_right_arithmetic3A_373 = arith.constant 3 : i32
        %shift_right_arithmetic3A_374 = arith.shrsi %squeeze3A_372, %shift_right_arithmetic3A_373 : i32
        %and3A_375 = arith.constant 7 : i32
        %and3A_376 = arith.andi %squeeze3A_372, %and3A_375 : i32
        %mul3A_377 = arith.constant 16 : i32
        %mul3A_378 = arith.muli %scan3A_212, %mul3A_377 : i32
        %add3A_379 = arith.constant 7 : i32
        %add3A_380 = arith.addi %mul3A_378, %add3A_379 : i32
        %dma_start3A_381 = arith.constant 0 : i32
        %dma_start3A_382 = tpu.memref_slice %arg7[%add3A_380, %dma_start3A_381] : memref<400x64xf32, #tpu.memory_space<vmem>> -> memref<1x64xf32, #tpu.memory_space<vmem>>
        %dma_start3A_383 = tpu.memref_squeeze %dma_start3A_382 : memref<1x64xf32, #tpu.memory_space<vmem>> -> memref<64xf32, #tpu.memory_space<vmem>>
        %dma_start3A_384 = arith.constant 0 : i32
        %dma_start3A_385 = tpu.memref_slice %arg2[%shift_right_arithmetic3A_374, %and3A_376, %dma_start3A_384] : memref<125000x8x64xf32, #tpu.memory_space<hbm>> -> memref<1x1x64xf32, #tpu.memory_space<hbm>>
        %dma_start3A_386 = tpu.memref_squeeze %dma_start3A_385 : memref<1x1x64xf32, #tpu.memory_space<hbm>> -> memref<64xf32, #tpu.memory_space<hbm>>
        %dma_start3A_387 = arith.constant 0 : i32
        %dma_start3A_388 = tpu.memref_slice %arg7[%add3A_380, %dma_start3A_387] : memref<400x64xf32, #tpu.memory_space<vmem>> -> memref<1x64xf32, #tpu.memory_space<vmem>>
        %dma_start3A_389 = tpu.memref_squeeze %dma_start3A_388 : memref<1x64xf32, #tpu.memory_space<vmem>> -> memref<64xf32, #tpu.memory_space<vmem>>
        %dma_start3A_390 = arith.constant 0 : i32
        %dma_start3A_391 = tpu.memref_slice %arg2[%shift_right_arithmetic3A_374, %and3A_376, %dma_start3A_390] : memref<125000x8x64xf32, #tpu.memory_space<hbm>> -> memref<1x1x64xf32, #tpu.memory_space<hbm>>
        %dma_start3A_392 = tpu.memref_squeeze %dma_start3A_391 : memref<1x1x64xf32, #tpu.memory_space<hbm>> -> memref<64xf32, #tpu.memory_space<hbm>>
        tpu.enqueue_dma source(%dma_start3A_392 : memref<64xf32, #tpu.memory_space<hbm>>) target(%dma_start3A_389 : memref<64xf32, #tpu.memory_space<vmem>>) target_semaphore(%arg9 : memref<!tpu.dma_semaphore, #tpu.memory_space<semaphore_mem>>)
        %slice3A_393 = vector.extract_strided_slice %get3A_220 {offsets = [8], sizes = [1], strides = [1]} : vector<16xi32> to vector<1xi32>
        %squeeze3A_394 = vector.extract %slice3A_393[0] : i32 from vector<1xi32>
        %shift_right_arithmetic3A_395 = arith.constant 3 : i32
        %shift_right_arithmetic3A_396 = arith.shrsi %squeeze3A_394, %shift_right_arithmetic3A_395 : i32
        %and3A_397 = arith.constant 7 : i32
        %and3A_398 = arith.andi %squeeze3A_394, %and3A_397 : i32
        %mul3A_399 = arith.constant 16 : i32
        %mul3A_400 = arith.muli %scan3A_212, %mul3A_399 : i32
        %add3A_401 = arith.constant 8 : i32
        %add3A_402 = arith.addi %mul3A_400, %add3A_401 : i32
        %dma_start3A_403 = arith.constant 0 : i32
        %dma_start3A_404 = tpu.memref_slice %arg7[%add3A_402, %dma_start3A_403] : memref<400x64xf32, #tpu.memory_space<vmem>> -> memref<1x64xf32, #tpu.memory_space<vmem>>
        %dma_start3A_405 = tpu.memref_squeeze %dma_start3A_404 : memref<1x64xf32, #tpu.memory_space<vmem>> -> memref<64xf32, #tpu.memory_space<vmem>>
        %dma_start3A_406 = arith.constant 0 : i32
        %dma_start3A_407 = tpu.memref_slice %arg2[%shift_right_arithmetic3A_396, %and3A_398, %dma_start3A_406] : memref<125000x8x64xf32, #tpu.memory_space<hbm>> -> memref<1x1x64xf32, #tpu.memory_space<hbm>>
        %dma_start3A_408 = tpu.memref_squeeze %dma_start3A_407 : memref<1x1x64xf32, #tpu.memory_space<hbm>> -> memref<64xf32, #tpu.memory_space<hbm>>
        %dma_start3A_409 = arith.constant 0 : i32
        %dma_start3A_410 = tpu.memref_slice %arg7[%add3A_402, %dma_start3A_409] : memref<400x64xf32, #tpu.memory_space<vmem>> -> memref<1x64xf32, #tpu.memory_space<vmem>>
        %dma_start3A_411 = tpu.memref_squeeze %dma_start3A_410 : memref<1x64xf32, #tpu.memory_space<vmem>> -> memref<64xf32, #tpu.memory_space<vmem>>
        %dma_start3A_412 = arith.constant 0 : i32
        %dma_start3A_413 = tpu.memref_slice %arg2[%shift_right_arithmetic3A_396, %and3A_398, %dma_start3A_412] : memref<125000x8x64xf32, #tpu.memory_space<hbm>> -> memref<1x1x64xf32, #tpu.memory_space<hbm>>
        %dma_start3A_414 = tpu.memref_squeeze %dma_start3A_413 : memref<1x1x64xf32, #tpu.memory_space<hbm>> -> memref<64xf32, #tpu.memory_space<hbm>>
        tpu.enqueue_dma source(%dma_start3A_414 : memref<64xf32, #tpu.memory_space<hbm>>) target(%dma_start3A_411 : memref<64xf32, #tpu.memory_space<vmem>>) target_semaphore(%arg9 : memref<!tpu.dma_semaphore, #tpu.memory_space<semaphore_mem>>)
        %slice3A_415 = vector.extract_strided_slice %get3A_220 {offsets = [9], sizes = [1], strides = [1]} : vector<16xi32> to vector<1xi32>
        %squeeze3A_416 = vector.extract %slice3A_415[0] : i32 from vector<1xi32>
        %shift_right_arithmetic3A_417 = arith.constant 3 : i32
        %shift_right_arithmetic3A_418 = arith.shrsi %squeeze3A_416, %shift_right_arithmetic3A_417 : i32
        %and3A_419 = arith.constant 7 : i32
        %and3A_420 = arith.andi %squeeze3A_416, %and3A_419 : i32
        %mul3A_421 = arith.constant 16 : i32
        %mul3A_422 = arith.muli %scan3A_212, %mul3A_421 : i32
        %add3A_423 = arith.constant 9 : i32
        %add3A_424 = arith.addi %mul3A_422, %add3A_423 : i32
        %dma_start3A_425 = arith.constant 0 : i32
        %dma_start3A_426 = tpu.memref_slice %arg7[%add3A_424, %dma_start3A_425] : memref<400x64xf32, #tpu.memory_space<vmem>> -> memref<1x64xf32, #tpu.memory_space<vmem>>
        %dma_start3A_427 = tpu.memref_squeeze %dma_start3A_426 : memref<1x64xf32, #tpu.memory_space<vmem>> -> memref<64xf32, #tpu.memory_space<vmem>>
        %dma_start3A_428 = arith.constant 0 : i32
        %dma_start3A_429 = tpu.memref_slice %arg2[%shift_right_arithmetic3A_418, %and3A_420, %dma_start3A_428] : memref<125000x8x64xf32, #tpu.memory_space<hbm>> -> memref<1x1x64xf32, #tpu.memory_space<hbm>>
        %dma_start3A_430 = tpu.memref_squeeze %dma_start3A_429 : memref<1x1x64xf32, #tpu.memory_space<hbm>> -> memref<64xf32, #tpu.memory_space<hbm>>
        %dma_start3A_431 = arith.constant 0 : i32
        %dma_start3A_432 = tpu.memref_slice %arg7[%add3A_424, %dma_start3A_431] : memref<400x64xf32, #tpu.memory_space<vmem>> -> memref<1x64xf32, #tpu.memory_space<vmem>>
        %dma_start3A_433 = tpu.memref_squeeze %dma_start3A_432 : memref<1x64xf32, #tpu.memory_space<vmem>> -> memref<64xf32, #tpu.memory_space<vmem>>
        %dma_start3A_434 = arith.constant 0 : i32
        %dma_start3A_435 = tpu.memref_slice %arg2[%shift_right_arithmetic3A_418, %and3A_420, %dma_start3A_434] : memref<125000x8x64xf32, #tpu.memory_space<hbm>> -> memref<1x1x64xf32, #tpu.memory_space<hbm>>
        %dma_start3A_436 = tpu.memref_squeeze %dma_start3A_435 : memref<1x1x64xf32, #tpu.memory_space<hbm>> -> memref<64xf32, #tpu.memory_space<hbm>>
        tpu.enqueue_dma source(%dma_start3A_436 : memref<64xf32, #tpu.memory_space<hbm>>) target(%dma_start3A_433 : memref<64xf32, #tpu.memory_space<vmem>>) target_semaphore(%arg9 : memref<!tpu.dma_semaphore, #tpu.memory_space<semaphore_mem>>)
        %slice3A_437 = vector.extract_strided_slice %get3A_220 {offsets = [10], sizes = [1], strides = [1]} : vector<16xi32> to vector<1xi32>
        %squeeze3A_438 = vector.extract %slice3A_437[0] : i32 from vector<1xi32>
        %shift_right_arithmetic3A_439 = arith.constant 3 : i32
        %shift_right_arithmetic3A_440 = arith.shrsi %squeeze3A_438, %shift_right_arithmetic3A_439 : i32
        %and3A_441 = arith.constant 7 : i32
        %and3A_442 = arith.andi %squeeze3A_438, %and3A_441 : i32
        %mul3A_443 = arith.constant 16 : i32
        %mul3A_444 = arith.muli %scan3A_212, %mul3A_443 : i32
        %add3A_445 = arith.constant 10 : i32
        %add3A_446 = arith.addi %mul3A_444, %add3A_445 : i32
        %dma_start3A_447 = arith.constant 0 : i32
        %dma_start3A_448 = tpu.memref_slice %arg7[%add3A_446, %dma_start3A_447] : memref<400x64xf32, #tpu.memory_space<vmem>> -> memref<1x64xf32, #tpu.memory_space<vmem>>
        %dma_start3A_449 = tpu.memref_squeeze %dma_start3A_448 : memref<1x64xf32, #tpu.memory_space<vmem>> -> memref<64xf32, #tpu.memory_space<vmem>>
        %dma_start3A_450 = arith.constant 0 : i32
        %dma_start3A_451 = tpu.memref_slice %arg2[%shift_right_arithmetic3A_440, %and3A_442, %dma_start3A_450] : memref<125000x8x64xf32, #tpu.memory_space<hbm>> -> memref<1x1x64xf32, #tpu.memory_space<hbm>>
        %dma_start3A_452 = tpu.memref_squeeze %dma_start3A_451 : memref<1x1x64xf32, #tpu.memory_space<hbm>> -> memref<64xf32, #tpu.memory_space<hbm>>
        %dma_start3A_453 = arith.constant 0 : i32
        %dma_start3A_454 = tpu.memref_slice %arg7[%add3A_446, %dma_start3A_453] : memref<400x64xf32, #tpu.memory_space<vmem>> -> memref<1x64xf32, #tpu.memory_space<vmem>>
        %dma_start3A_455 = tpu.memref_squeeze %dma_start3A_454 : memref<1x64xf32, #tpu.memory_space<vmem>> -> memref<64xf32, #tpu.memory_space<vmem>>
        %dma_start3A_456 = arith.constant 0 : i32
        %dma_start3A_457 = tpu.memref_slice %arg2[%shift_right_arithmetic3A_440, %and3A_442, %dma_start3A_456] : memref<125000x8x64xf32, #tpu.memory_space<hbm>> -> memref<1x1x64xf32, #tpu.memory_space<hbm>>
        %dma_start3A_458 = tpu.memref_squeeze %dma_start3A_457 : memref<1x1x64xf32, #tpu.memory_space<hbm>> -> memref<64xf32, #tpu.memory_space<hbm>>
        tpu.enqueue_dma source(%dma_start3A_458 : memref<64xf32, #tpu.memory_space<hbm>>) target(%dma_start3A_455 : memref<64xf32, #tpu.memory_space<vmem>>) target_semaphore(%arg9 : memref<!tpu.dma_semaphore, #tpu.memory_space<semaphore_mem>>)
        %slice3A_459 = vector.extract_strided_slice %get3A_220 {offsets = [11], sizes = [1], strides = [1]} : vector<16xi32> to vector<1xi32>
        %squeeze3A_460 = vector.extract %slice3A_459[0] : i32 from vector<1xi32>
        %shift_right_arithmetic3A_461 = arith.constant 3 : i32
        %shift_right_arithmetic3A_462 = arith.shrsi %squeeze3A_460, %shift_right_arithmetic3A_461 : i32
        %and3A_463 = arith.constant 7 : i32
        %and3A_464 = arith.andi %squeeze3A_460, %and3A_463 : i32
        %mul3A_465 = arith.constant 16 : i32
        %mul3A_466 = arith.muli %scan3A_212, %mul3A_465 : i32
        %add3A_467 = arith.constant 11 : i32
        %add3A_468 = arith.addi %mul3A_466, %add3A_467 : i32
        %dma_start3A_469 = arith.constant 0 : i32
        %dma_start3A_470 = tpu.memref_slice %arg7[%add3A_468, %dma_start3A_469] : memref<400x64xf32, #tpu.memory_space<vmem>> -> memref<1x64xf32, #tpu.memory_space<vmem>>
        %dma_start3A_471 = tpu.memref_squeeze %dma_start3A_470 : memref<1x64xf32, #tpu.memory_space<vmem>> -> memref<64xf32, #tpu.memory_space<vmem>>
        %dma_start3A_472 = arith.constant 0 : i32
        %dma_start3A_473 = tpu.memref_slice %arg2[%shift_right_arithmetic3A_462, %and3A_464, %dma_start3A_472] : memref<125000x8x64xf32, #tpu.memory_space<hbm>> -> memref<1x1x64xf32, #tpu.memory_space<hbm>>
        %dma_start3A_474 = tpu.memref_squeeze %dma_start3A_473 : memref<1x1x64xf32, #tpu.memory_space<hbm>> -> memref<64xf32, #tpu.memory_space<hbm>>
        %dma_start3A_475 = arith.constant 0 : i32
        %dma_start3A_476 = tpu.memref_slice %arg7[%add3A_468, %dma_start3A_475] : memref<400x64xf32, #tpu.memory_space<vmem>> -> memref<1x64xf32, #tpu.memory_space<vmem>>
        %dma_start3A_477 = tpu.memref_squeeze %dma_start3A_476 : memref<1x64xf32, #tpu.memory_space<vmem>> -> memref<64xf32, #tpu.memory_space<vmem>>
        %dma_start3A_478 = arith.constant 0 : i32
        %dma_start3A_479 = tpu.memref_slice %arg2[%shift_right_arithmetic3A_462, %and3A_464, %dma_start3A_478] : memref<125000x8x64xf32, #tpu.memory_space<hbm>> -> memref<1x1x64xf32, #tpu.memory_space<hbm>>
        %dma_start3A_480 = tpu.memref_squeeze %dma_start3A_479 : memref<1x1x64xf32, #tpu.memory_space<hbm>> -> memref<64xf32, #tpu.memory_space<hbm>>
        tpu.enqueue_dma source(%dma_start3A_480 : memref<64xf32, #tpu.memory_space<hbm>>) target(%dma_start3A_477 : memref<64xf32, #tpu.memory_space<vmem>>) target_semaphore(%arg9 : memref<!tpu.dma_semaphore, #tpu.memory_space<semaphore_mem>>)
        %slice3A_481 = vector.extract_strided_slice %get3A_220 {offsets = [12], sizes = [1], strides = [1]} : vector<16xi32> to vector<1xi32>
        %squeeze3A_482 = vector.extract %slice3A_481[0] : i32 from vector<1xi32>
        %shift_right_arithmetic3A_483 = arith.constant 3 : i32
        %shift_right_arithmetic3A_484 = arith.shrsi %squeeze3A_482, %shift_right_arithmetic3A_483 : i32
        %and3A_485 = arith.constant 7 : i32
        %and3A_486 = arith.andi %squeeze3A_482, %and3A_485 : i32
        %mul3A_487 = arith.constant 16 : i32
        %mul3A_488 = arith.muli %scan3A_212, %mul3A_487 : i32
        %add3A_489 = arith.constant 12 : i32
        %add3A_490 = arith.addi %mul3A_488, %add3A_489 : i32
        %dma_start3A_491 = arith.constant 0 : i32
        %dma_start3A_492 = tpu.memref_slice %arg7[%add3A_490, %dma_start3A_491] : memref<400x64xf32, #tpu.memory_space<vmem>> -> memref<1x64xf32, #tpu.memory_space<vmem>>
        %dma_start3A_493 = tpu.memref_squeeze %dma_start3A_492 : memref<1x64xf32, #tpu.memory_space<vmem>> -> memref<64xf32, #tpu.memory_space<vmem>>
        %dma_start3A_494 = arith.constant 0 : i32
        %dma_start3A_495 = tpu.memref_slice %arg2[%shift_right_arithmetic3A_484, %and3A_486, %dma_start3A_494] : memref<125000x8x64xf32, #tpu.memory_space<hbm>> -> memref<1x1x64xf32, #tpu.memory_space<hbm>>
        %dma_start3A_496 = tpu.memref_squeeze %dma_start3A_495 : memref<1x1x64xf32, #tpu.memory_space<hbm>> -> memref<64xf32, #tpu.memory_space<hbm>>
        %dma_start3A_497 = arith.constant 0 : i32
        %dma_start3A_498 = tpu.memref_slice %arg7[%add3A_490, %dma_start3A_497] : memref<400x64xf32, #tpu.memory_space<vmem>> -> memref<1x64xf32, #tpu.memory_space<vmem>>
        %dma_start3A_499 = tpu.memref_squeeze %dma_start3A_498 : memref<1x64xf32, #tpu.memory_space<vmem>> -> memref<64xf32, #tpu.memory_space<vmem>>
        %dma_start3A_500 = arith.constant 0 : i32
        %dma_start3A_501 = tpu.memref_slice %arg2[%shift_right_arithmetic3A_484, %and3A_486, %dma_start3A_500] : memref<125000x8x64xf32, #tpu.memory_space<hbm>> -> memref<1x1x64xf32, #tpu.memory_space<hbm>>
        %dma_start3A_502 = tpu.memref_squeeze %dma_start3A_501 : memref<1x1x64xf32, #tpu.memory_space<hbm>> -> memref<64xf32, #tpu.memory_space<hbm>>
        tpu.enqueue_dma source(%dma_start3A_502 : memref<64xf32, #tpu.memory_space<hbm>>) target(%dma_start3A_499 : memref<64xf32, #tpu.memory_space<vmem>>) target_semaphore(%arg9 : memref<!tpu.dma_semaphore, #tpu.memory_space<semaphore_mem>>)
        %slice3A_503 = vector.extract_strided_slice %get3A_220 {offsets = [13], sizes = [1], strides = [1]} : vector<16xi32> to vector<1xi32>
        %squeeze3A_504 = vector.extract %slice3A_503[0] : i32 from vector<1xi32>
        %shift_right_arithmetic3A_505 = arith.constant 3 : i32
        %shift_right_arithmetic3A_506 = arith.shrsi %squeeze3A_504, %shift_right_arithmetic3A_505 : i32
        %and3A_507 = arith.constant 7 : i32
        %and3A_508 = arith.andi %squeeze3A_504, %and3A_507 : i32
        %mul3A_509 = arith.constant 16 : i32
        %mul3A_510 = arith.muli %scan3A_212, %mul3A_509 : i32
        %add3A_511 = arith.constant 13 : i32
        %add3A_512 = arith.addi %mul3A_510, %add3A_511 : i32
        %dma_start3A_513 = arith.constant 0 : i32
        %dma_start3A_514 = tpu.memref_slice %arg7[%add3A_512, %dma_start3A_513] : memref<400x64xf32, #tpu.memory_space<vmem>> -> memref<1x64xf32, #tpu.memory_space<vmem>>
        %dma_start3A_515 = tpu.memref_squeeze %dma_start3A_514 : memref<1x64xf32, #tpu.memory_space<vmem>> -> memref<64xf32, #tpu.memory_space<vmem>>
        %dma_start3A_516 = arith.constant 0 : i32
        %dma_start3A_517 = tpu.memref_slice %arg2[%shift_right_arithmetic3A_506, %and3A_508, %dma_start3A_516] : memref<125000x8x64xf32, #tpu.memory_space<hbm>> -> memref<1x1x64xf32, #tpu.memory_space<hbm>>
        %dma_start3A_518 = tpu.memref_squeeze %dma_start3A_517 : memref<1x1x64xf32, #tpu.memory_space<hbm>> -> memref<64xf32, #tpu.memory_space<hbm>>
        %dma_start3A_519 = arith.constant 0 : i32
        %dma_start3A_520 = tpu.memref_slice %arg7[%add3A_512, %dma_start3A_519] : memref<400x64xf32, #tpu.memory_space<vmem>> -> memref<1x64xf32, #tpu.memory_space<vmem>>
        %dma_start3A_521 = tpu.memref_squeeze %dma_start3A_520 : memref<1x64xf32, #tpu.memory_space<vmem>> -> memref<64xf32, #tpu.memory_space<vmem>>
        %dma_start3A_522 = arith.constant 0 : i32
        %dma_start3A_523 = tpu.memref_slice %arg2[%shift_right_arithmetic3A_506, %and3A_508, %dma_start3A_522] : memref<125000x8x64xf32, #tpu.memory_space<hbm>> -> memref<1x1x64xf32, #tpu.memory_space<hbm>>
        %dma_start3A_524 = tpu.memref_squeeze %dma_start3A_523 : memref<1x1x64xf32, #tpu.memory_space<hbm>> -> memref<64xf32, #tpu.memory_space<hbm>>
        tpu.enqueue_dma source(%dma_start3A_524 : memref<64xf32, #tpu.memory_space<hbm>>) target(%dma_start3A_521 : memref<64xf32, #tpu.memory_space<vmem>>) target_semaphore(%arg9 : memref<!tpu.dma_semaphore, #tpu.memory_space<semaphore_mem>>)
        %slice3A_525 = vector.extract_strided_slice %get3A_220 {offsets = [14], sizes = [1], strides = [1]} : vector<16xi32> to vector<1xi32>
        %squeeze3A_526 = vector.extract %slice3A_525[0] : i32 from vector<1xi32>
        %shift_right_arithmetic3A_527 = arith.constant 3 : i32
        %shift_right_arithmetic3A_528 = arith.shrsi %squeeze3A_526, %shift_right_arithmetic3A_527 : i32
        %and3A_529 = arith.constant 7 : i32
        %and3A_530 = arith.andi %squeeze3A_526, %and3A_529 : i32
        %mul3A_531 = arith.constant 16 : i32
        %mul3A_532 = arith.muli %scan3A_212, %mul3A_531 : i32
        %add3A_533 = arith.constant 14 : i32
        %add3A_534 = arith.addi %mul3A_532, %add3A_533 : i32
        %dma_start3A_535 = arith.constant 0 : i32
        %dma_start3A_536 = tpu.memref_slice %arg7[%add3A_534, %dma_start3A_535] : memref<400x64xf32, #tpu.memory_space<vmem>> -> memref<1x64xf32, #tpu.memory_space<vmem>>
        %dma_start3A_537 = tpu.memref_squeeze %dma_start3A_536 : memref<1x64xf32, #tpu.memory_space<vmem>> -> memref<64xf32, #tpu.memory_space<vmem>>
        %dma_start3A_538 = arith.constant 0 : i32
        %dma_start3A_539 = tpu.memref_slice %arg2[%shift_right_arithmetic3A_528, %and3A_530, %dma_start3A_538] : memref<125000x8x64xf32, #tpu.memory_space<hbm>> -> memref<1x1x64xf32, #tpu.memory_space<hbm>>
        %dma_start3A_540 = tpu.memref_squeeze %dma_start3A_539 : memref<1x1x64xf32, #tpu.memory_space<hbm>> -> memref<64xf32, #tpu.memory_space<hbm>>
        %dma_start3A_541 = arith.constant 0 : i32
        %dma_start3A_542 = tpu.memref_slice %arg7[%add3A_534, %dma_start3A_541] : memref<400x64xf32, #tpu.memory_space<vmem>> -> memref<1x64xf32, #tpu.memory_space<vmem>>
        %dma_start3A_543 = tpu.memref_squeeze %dma_start3A_542 : memref<1x64xf32, #tpu.memory_space<vmem>> -> memref<64xf32, #tpu.memory_space<vmem>>
        %dma_start3A_544 = arith.constant 0 : i32
        %dma_start3A_545 = tpu.memref_slice %arg2[%shift_right_arithmetic3A_528, %and3A_530, %dma_start3A_544] : memref<125000x8x64xf32, #tpu.memory_space<hbm>> -> memref<1x1x64xf32, #tpu.memory_space<hbm>>
        %dma_start3A_546 = tpu.memref_squeeze %dma_start3A_545 : memref<1x1x64xf32, #tpu.memory_space<hbm>> -> memref<64xf32, #tpu.memory_space<hbm>>
        tpu.enqueue_dma source(%dma_start3A_546 : memref<64xf32, #tpu.memory_space<hbm>>) target(%dma_start3A_543 : memref<64xf32, #tpu.memory_space<vmem>>) target_semaphore(%arg9 : memref<!tpu.dma_semaphore, #tpu.memory_space<semaphore_mem>>)
        %slice3A_547 = vector.extract_strided_slice %get3A_220 {offsets = [15], sizes = [1], strides = [1]} : vector<16xi32> to vector<1xi32>
        %squeeze3A_548 = vector.extract %slice3A_547[0] : i32 from vector<1xi32>
        %shift_right_arithmetic3A_549 = arith.constant 3 : i32
        %shift_right_arithmetic3A_550 = arith.shrsi %squeeze3A_548, %shift_right_arithmetic3A_549 : i32
        %and3A_551 = arith.constant 7 : i32
        %and3A_552 = arith.andi %squeeze3A_548, %and3A_551 : i32
        %mul3A_553 = arith.constant 16 : i32
        %mul3A_554 = arith.muli %scan3A_212, %mul3A_553 : i32
        %add3A_555 = arith.constant 15 : i32
        %add3A_556 = arith.addi %mul3A_554, %add3A_555 : i32
        %dma_start3A_557 = arith.constant 0 : i32
        %dma_start3A_558 = tpu.memref_slice %arg7[%add3A_556, %dma_start3A_557] : memref<400x64xf32, #tpu.memory_space<vmem>> -> memref<1x64xf32, #tpu.memory_space<vmem>>
        %dma_start3A_559 = tpu.memref_squeeze %dma_start3A_558 : memref<1x64xf32, #tpu.memory_space<vmem>> -> memref<64xf32, #tpu.memory_space<vmem>>
        %dma_start3A_560 = arith.constant 0 : i32
        %dma_start3A_561 = tpu.memref_slice %arg2[%shift_right_arithmetic3A_550, %and3A_552, %dma_start3A_560] : memref<125000x8x64xf32, #tpu.memory_space<hbm>> -> memref<1x1x64xf32, #tpu.memory_space<hbm>>
        %dma_start3A_562 = tpu.memref_squeeze %dma_start3A_561 : memref<1x1x64xf32, #tpu.memory_space<hbm>> -> memref<64xf32, #tpu.memory_space<hbm>>
        %dma_start3A_563 = arith.constant 0 : i32
        %dma_start3A_564 = tpu.memref_slice %arg7[%add3A_556, %dma_start3A_563] : memref<400x64xf32, #tpu.memory_space<vmem>> -> memref<1x64xf32, #tpu.memory_space<vmem>>
        %dma_start3A_565 = tpu.memref_squeeze %dma_start3A_564 : memref<1x64xf32, #tpu.memory_space<vmem>> -> memref<64xf32, #tpu.memory_space<vmem>>
        %dma_start3A_566 = arith.constant 0 : i32
        %dma_start3A_567 = tpu.memref_slice %arg2[%shift_right_arithmetic3A_550, %and3A_552, %dma_start3A_566] : memref<125000x8x64xf32, #tpu.memory_space<hbm>> -> memref<1x1x64xf32, #tpu.memory_space<hbm>>
        %dma_start3A_568 = tpu.memref_squeeze %dma_start3A_567 : memref<1x1x64xf32, #tpu.memory_space<hbm>> -> memref<64xf32, #tpu.memory_space<hbm>>
        tpu.enqueue_dma source(%dma_start3A_568 : memref<64xf32, #tpu.memory_space<hbm>>) target(%dma_start3A_565 : memref<64xf32, #tpu.memory_space<vmem>>) target_semaphore(%arg9 : memref<!tpu.dma_semaphore, #tpu.memory_space<semaphore_mem>>)
        %scan3A_569 = arith.constant 0 : i32
        scf.yield %scan3A_569 : i32
      }
      %scan3A_210 = arith.constant 25 : i32
      %scan3A_211 = arith.constant 0 : i32
      scf.yield %scan3A_211 : i32
    }
    %scan3A_84 = arith.constant 6 : i32
    %dma_wait3A_85 = arith.constant 0 : i32
    %dma_wait3A_86 = arith.constant 0 : i32
    %dma_wait3A_87 = tpu.memref_slice %arg4[%dma_wait3A_85, %dma_wait3A_86] : memref<204800x64xf32, #tpu.memory_space<hbm>> -> memref<400x64xf32, #tpu.memory_space<hbm>>
    %dma_wait3A_88 = arith.constant 0 : i32
    %dma_wait3A_89 = arith.constant 0 : i32
    %dma_wait3A_90 = tpu.memref_slice %arg4[%dma_wait3A_88, %dma_wait3A_89] : memref<204800x64xf32, #tpu.memory_space<hbm>> -> memref<400x64xf32, #tpu.memory_space<hbm>>
    tpu.wait_dma2 semaphore(%arg8 : memref<!tpu.dma_semaphore, #tpu.memory_space<semaphore_mem>>) src(%dma_wait3A_90 : memref<400x64xf32, #tpu.memory_space<hbm>>) dst(%arg6 : memref<400x64xf32, #tpu.memory_space<vmem>>)
    %scan3A_91 = arith.constant 0 : i32
    %scan3A_92 = arith.constant 0 : i32
    %scan3A_93 = arith.constant 400 : i32
    %scan3A_94 = arith.addi %scan3A_92, %scan3A_93 : i32
    %scan3A_95 = arith.constant 1 : i32
    %scan3A_96 = scf.for %scan3A_135 = %scan3A_92 to %scan3A_94 step %scan3A_95 iter_args(%scan3A_136 = %scan3A_91) -> (i32)  : i32 {
      %get3A = arith.index_cast %scan3A_135 : i32 to index
      %get3A_137 = arith.constant 0 : index
      %get3A_138 = tpu.vector_load %arg6[%get3A, %get3A_137] {strides = array<i32>} : memref<400x64xf32, #tpu.memory_space<vmem>>, vector<1x16xf32>,
      %get3A_139 = vector.shape_cast %get3A_138 : vector<1x16xf32> to vector<16xf32>
      %mul3A_140 = arith.constant 8.000000e+00 : f32
      %mul3A_141 = vector.broadcast %mul3A_140 : f32 to vector<16xf32>
      %mul3A_142 = arith.mulf %get3A_139, %mul3A_141 : vector<16xf32>
      %swap3A = arith.index_cast %scan3A_135 : i32 to index
      %swap3A_143 = arith.constant 0 : index
      %swap3A_144 = tpu.vector_load %arg6[%swap3A, %swap3A_143] {strides = array<i32>} : memref<400x64xf32, #tpu.memory_space<vmem>>, vector<1x16xf32>,
      %swap3A_145 = vector.shape_cast %swap3A_144 : vector<1x16xf32> to vector<16xf32>
      %swap3A_146 = vector.shape_cast %mul3A_142 : vector<16xf32> to vector<1x16xf32>
      tpu.vector_store %arg6[%swap3A, %swap3A_143], %swap3A_146 {strides = array<i32>} : memref<400x64xf32, #tpu.memory_space<vmem>>, vector<1x16xf32>,
      %get3A_147 = arith.index_cast %scan3A_135 : i32 to index
      %get3A_148 = arith.constant 16 : index
      %get3A_149 = tpu.vector_load %arg6[%get3A_147, %get3A_148] {strides = array<i32>} : memref<400x64xf32, #tpu.memory_space<vmem>>, vector<1x16xf32>,
      %get3A_150 = vector.shape_cast %get3A_149 : vector<1x16xf32> to vector<16xf32>
      %mul3A_151 = arith.constant 8.000000e+00 : f32
      %mul3A_152 = vector.broadcast %mul3A_151 : f32 to vector<16xf32>
      %mul3A_153 = arith.mulf %get3A_150, %mul3A_152 : vector<16xf32>
      %swap3A_154 = arith.index_cast %scan3A_135 : i32 to index
      %swap3A_155 = arith.constant 16 : index
      %swap3A_156 = tpu.vector_load %arg6[%swap3A_154, %swap3A_155] {strides = array<i32>} : memref<400x64xf32, #tpu.memory_space<vmem>>, vector<1x16xf32>,
      %swap3A_157 = vector.shape_cast %swap3A_156 : vector<1x16xf32> to vector<16xf32>
      %swap3A_158 = vector.shape_cast %mul3A_153 : vector<16xf32> to vector<1x16xf32>
      tpu.vector_store %arg6[%swap3A_154, %swap3A_155], %swap3A_158 {strides = array<i32>} : memref<400x64xf32, #tpu.memory_space<vmem>>, vector<1x16xf32>,
      %get3A_159 = arith.index_cast %scan3A_135 : i32 to index
      %get3A_160 = arith.constant 32 : index
      %get3A_161 = tpu.vector_load %arg6[%get3A_159, %get3A_160] {strides = array<i32>} : memref<400x64xf32, #tpu.memory_space<vmem>>, vector<1x16xf32>,
      %get3A_162 = vector.shape_cast %get3A_161 : vector<1x16xf32> to vector<16xf32>
      %mul3A_163 = arith.constant 8.000000e+00 : f32
      %mul3A_164 = vector.broadcast %mul3A_163 : f32 to vector<16xf32>
      %mul3A_165 = arith.mulf %get3A_162, %mul3A_164 : vector<16xf32>
      %swap3A_166 = arith.index_cast %scan3A_135 : i32 to index
      %swap3A_167 = arith.constant 32 : index
      %swap3A_168 = tpu.vector_load %arg6[%swap3A_166, %swap3A_167] {strides = array<i32>} : memref<400x64xf32, #tpu.memory_space<vmem>>, vector<1x16xf32>,
      %swap3A_169 = vector.shape_cast %swap3A_168 : vector<1x16xf32> to vector<16xf32>
      %swap3A_170 = vector.shape_cast %mul3A_165 : vector<16xf32> to vector<1x16xf32>
      tpu.vector_store %arg6[%swap3A_166, %swap3A_167], %swap3A_170 {strides = array<i32>} : memref<400x64xf32, #tpu.memory_space<vmem>>, vector<1x16xf32>,
      %get3A_171 = arith.index_cast %scan3A_135 : i32 to index
      %get3A_172 = arith.constant 48 : index
      %get3A_173 = tpu.vector_load %arg6[%get3A_171, %get3A_172] {strides = array<i32>} : memref<400x64xf32, #tpu.memory_space<vmem>>, vector<1x16xf32>,
      %get3A_174 = vector.shape_cast %get3A_173 : vector<1x16xf32> to vector<16xf32>
      %mul3A_175 = arith.constant 8.000000e+00 : f32
      %mul3A_176 = vector.broadcast %mul3A_175 : f32 to vector<16xf32>
      %mul3A_177 = arith.mulf %get3A_174, %mul3A_176 : vector<16xf32>
      %swap3A_178 = arith.index_cast %scan3A_135 : i32 to index
      %swap3A_179 = arith.constant 48 : index
      %swap3A_180 = tpu.vector_load %arg6[%swap3A_178, %swap3A_179] {strides = array<i32>} : memref<400x64xf32, #tpu.memory_space<vmem>>, vector<1x16xf32>,
      %swap3A_181 = vector.shape_cast %swap3A_180 : vector<1x16xf32> to vector<16xf32>
      %swap3A_182 = vector.shape_cast %mul3A_177 : vector<16xf32> to vector<1x16xf32>
      tpu.vector_store %arg6[%swap3A_178, %swap3A_179], %swap3A_182 {strides = array<i32>} : memref<400x64xf32, #tpu.memory_space<vmem>>, vector<1x16xf32>,
      %scan3A_183 = arith.constant 0 : i32
      scf.yield %scan3A_183 : i32
    }
    %scan3A_97 = arith.constant 400 : i32
    %add3A_98 = arith.constant 5600 : i32
    %add3A_99 = arith.addi %mul3A_2, %add3A_98 : i32
    %dma_start3A_100 = arith.constant 0 : i32
    %dma_start3A_101 = tpu.memref_slice %arg4[%add3A_99, %dma_start3A_100] : memref<204800x64xf32, #tpu.memory_space<hbm>> -> memref<400x64xf32, #tpu.memory_space<hbm>>
    %dma_start3A_102 = arith.constant 0 : i32
    %dma_start3A_103 = tpu.memref_slice %arg4[%add3A_99, %dma_start3A_102] : memref<204800x64xf32, #tpu.memory_space<hbm>> -> memref<400x64xf32, #tpu.memory_space<hbm>>
    tpu.enqueue_dma source(%arg6 : memref<400x64xf32, #tpu.memory_space<vmem>>) target(%dma_start3A_103 : memref<400x64xf32, #tpu.memory_space<hbm>>) target_semaphore(%arg10 : memref<!tpu.dma_semaphore, #tpu.memory_space<semaphore_mem>>)
    %dma_wait3A_104 = arith.constant 0 : i32
    %dma_wait3A_105 = arith.constant 0 : i32
    %dma_wait3A_106 = tpu.memref_slice %arg4[%dma_wait3A_104, %dma_wait3A_105] : memref<204800x64xf32, #tpu.memory_space<hbm>> -> memref<400x64xf32, #tpu.memory_space<hbm>>
    %dma_wait3A_107 = arith.constant 0 : i32
    %dma_wait3A_108 = arith.constant 0 : i32
    %dma_wait3A_109 = tpu.memref_slice %arg4[%dma_wait3A_107, %dma_wait3A_108] : memref<204800x64xf32, #tpu.memory_space<hbm>> -> memref<400x64xf32, #tpu.memory_space<hbm>>
    tpu.wait_dma2 semaphore(%arg9 : memref<!tpu.dma_semaphore, #tpu.memory_space<semaphore_mem>>) src(%dma_wait3A_109 : memref<400x64xf32, #tpu.memory_space<hbm>>) dst(%arg7 : memref<400x64xf32, #tpu.memory_space<vmem>>)
    %scan3A_110 = arith.constant 0 : i32
    %scan3A_111 = arith.constant 0 : i32
    %scan3A_112 = arith.constant 400 : i32
    %scan3A_113 = arith.addi %scan3A_111, %scan3A_112 : i32
    %scan3A_114 = arith.constant 1 : i32
    %scan3A_115 = scf.for %scan3A_135 = %scan3A_111 to %scan3A_113 step %scan3A_114 iter_args(%scan3A_136 = %scan3A_110) -> (i32)  : i32 {
      %get3A = arith.index_cast %scan3A_135 : i32 to index
      %get3A_137 = arith.constant 0 : index
      %get3A_138 = tpu.vector_load %arg7[%get3A, %get3A_137] {strides = array<i32>} : memref<400x64xf32, #tpu.memory_space<vmem>>, vector<1x16xf32>,
      %get3A_139 = vector.shape_cast %get3A_138 : vector<1x16xf32> to vector<16xf32>
      %mul3A_140 = arith.constant 8.000000e+00 : f32
      %mul3A_141 = vector.broadcast %mul3A_140 : f32 to vector<16xf32>
      %mul3A_142 = arith.mulf %get3A_139, %mul3A_141 : vector<16xf32>
      %swap3A = arith.index_cast %scan3A_135 : i32 to index
      %swap3A_143 = arith.constant 0 : index
      %swap3A_144 = tpu.vector_load %arg7[%swap3A, %swap3A_143] {strides = array<i32>} : memref<400x64xf32, #tpu.memory_space<vmem>>, vector<1x16xf32>,
      %swap3A_145 = vector.shape_cast %swap3A_144 : vector<1x16xf32> to vector<16xf32>
      %swap3A_146 = vector.shape_cast %mul3A_142 : vector<16xf32> to vector<1x16xf32>
      tpu.vector_store %arg7[%swap3A, %swap3A_143], %swap3A_146 {strides = array<i32>} : memref<400x64xf32, #tpu.memory_space<vmem>>, vector<1x16xf32>,
      %get3A_147 = arith.index_cast %scan3A_135 : i32 to index
      %get3A_148 = arith.constant 16 : index
      %get3A_149 = tpu.vector_load %arg7[%get3A_147, %get3A_148] {strides = array<i32>} : memref<400x64xf32, #tpu.memory_space<vmem>>, vector<1x16xf32>,
      %get3A_150 = vector.shape_cast %get3A_149 : vector<1x16xf32> to vector<16xf32>
      %mul3A_151 = arith.constant 8.000000e+00 : f32
      %mul3A_152 = vector.broadcast %mul3A_151 : f32 to vector<16xf32>
      %mul3A_153 = arith.mulf %get3A_150, %mul3A_152 : vector<16xf32>
      %swap3A_154 = arith.index_cast %scan3A_135 : i32 to index
      %swap3A_155 = arith.constant 16 : index
      %swap3A_156 = tpu.vector_load %arg7[%swap3A_154, %swap3A_155] {strides = array<i32>} : memref<400x64xf32, #tpu.memory_space<vmem>>, vector<1x16xf32>,
      %swap3A_157 = vector.shape_cast %swap3A_156 : vector<1x16xf32> to vector<16xf32>
      %swap3A_158 = vector.shape_cast %mul3A_153 : vector<16xf32> to vector<1x16xf32>
      tpu.vector_store %arg7[%swap3A_154, %swap3A_155], %swap3A_158 {strides = array<i32>} : memref<400x64xf32, #tpu.memory_space<vmem>>, vector<1x16xf32>,
      %get3A_159 = arith.index_cast %scan3A_135 : i32 to index
      %get3A_160 = arith.constant 32 : index
      %get3A_161 = tpu.vector_load %arg7[%get3A_159, %get3A_160] {strides = array<i32>} : memref<400x64xf32, #tpu.memory_space<vmem>>, vector<1x16xf32>,
      %get3A_162 = vector.shape_cast %get3A_161 : vector<1x16xf32> to vector<16xf32>
      %mul3A_163 = arith.constant 8.000000e+00 : f32
      %mul3A_164 = vector.broadcast %mul3A_163 : f32 to vector<16xf32>
      %mul3A_165 = arith.mulf %get3A_162, %mul3A_164 : vector<16xf32>
      %swap3A_166 = arith.index_cast %scan3A_135 : i32 to index
      %swap3A_167 = arith.constant 32 : index
      %swap3A_168 = tpu.vector_load %arg7[%swap3A_166, %swap3A_167] {strides = array<i32>} : memref<400x64xf32, #tpu.memory_space<vmem>>, vector<1x16xf32>,
      %swap3A_169 = vector.shape_cast %swap3A_168 : vector<1x16xf32> to vector<16xf32>
      %swap3A_170 = vector.shape_cast %mul3A_165 : vector<16xf32> to vector<1x16xf32>
      tpu.vector_store %arg7[%swap3A_166, %swap3A_167], %swap3A_170 {strides = array<i32>} : memref<400x64xf32, #tpu.memory_space<vmem>>, vector<1x16xf32>,
      %get3A_171 = arith.index_cast %scan3A_135 : i32 to index
      %get3A_172 = arith.constant 48 : index
      %get3A_173 = tpu.vector_load %arg7[%get3A_171, %get3A_172] {strides = array<i32>} : memref<400x64xf32, #tpu.memory_space<vmem>>, vector<1x16xf32>,
      %get3A_174 = vector.shape_cast %get3A_173 : vector<1x16xf32> to vector<16xf32>
      %mul3A_175 = arith.constant 8.000000e+00 : f32
      %mul3A_176 = vector.broadcast %mul3A_175 : f32 to vector<16xf32>
      %mul3A_177 = arith.mulf %get3A_174, %mul3A_176 : vector<16xf32>
      %swap3A_178 = arith.index_cast %scan3A_135 : i32 to index
      %swap3A_179 = arith.constant 48 : index
      %swap3A_180 = tpu.vector_load %arg7[%swap3A_178, %swap3A_179] {strides = array<i32>} : memref<400x64xf32, #tpu.memory_space<vmem>>, vector<1x16xf32>,
      %swap3A_181 = vector.shape_cast %swap3A_180 : vector<1x16xf32> to vector<16xf32>
      %swap3A_182 = vector.shape_cast %mul3A_177 : vector<16xf32> to vector<1x16xf32>
      tpu.vector_store %arg7[%swap3A_178, %swap3A_179], %swap3A_182 {strides = array<i32>} : memref<400x64xf32, #tpu.memory_space<vmem>>, vector<1x16xf32>,
      %scan3A_183 = arith.constant 0 : i32
      scf.yield %scan3A_183 : i32
    }
    %scan3A_116 = arith.constant 400 : i32
    %add3A_117 = arith.constant 6000 : i32
    %add3A_118 = arith.addi %mul3A_2, %add3A_117 : i32
    %dma_start3A_119 = arith.constant 0 : i32
    %dma_start3A_120 = tpu.memref_slice %arg4[%add3A_118, %dma_start3A_119] : memref<204800x64xf32, #tpu.memory_space<hbm>> -> memref<400x64xf32, #tpu.memory_space<hbm>>
    %dma_start3A_121 = arith.constant 0 : i32
    %dma_start3A_122 = tpu.memref_slice %arg4[%add3A_118, %dma_start3A_121] : memref<204800x64xf32, #tpu.memory_space<hbm>> -> memref<400x64xf32, #tpu.memory_space<hbm>>
    tpu.enqueue_dma source(%arg7 : memref<400x64xf32, #tpu.memory_space<vmem>>) target(%dma_start3A_122 : memref<400x64xf32, #tpu.memory_space<hbm>>) target_semaphore(%arg11 : memref<!tpu.dma_semaphore, #tpu.memory_space<semaphore_mem>>)
    %dma_wait3A_123 = arith.constant 0 : i32
    %dma_wait3A_124 = arith.constant 0 : i32
    %dma_wait3A_125 = tpu.memref_slice %arg4[%dma_wait3A_123, %dma_wait3A_124] : memref<204800x64xf32, #tpu.memory_space<hbm>> -> memref<400x64xf32, #tpu.memory_space<hbm>>
    %dma_wait3A_126 = arith.constant 0 : i32
    %dma_wait3A_127 = arith.constant 0 : i32
    %dma_wait3A_128 = tpu.memref_slice %arg4[%dma_wait3A_126, %dma_wait3A_127] : memref<204800x64xf32, #tpu.memory_space<hbm>> -> memref<400x64xf32, #tpu.memory_space<hbm>>
    tpu.wait_dma2 semaphore(%arg10 : memref<!tpu.dma_semaphore, #tpu.memory_space<semaphore_mem>>) src(%dma_wait3A_128 : memref<400x64xf32, #tpu.memory_space<hbm>>) dst(%arg6 : memref<400x64xf32, #tpu.memory_space<vmem>>)
    %dma_wait3A_129 = arith.constant 0 : i32
    %dma_wait3A_130 = arith.constant 0 : i32
    %dma_wait3A_131 = tpu.memref_slice %arg4[%dma_wait3A_129, %dma_wait3A_130] : memref<204800x64xf32, #tpu.memory_space<hbm>> -> memref<400x64xf32, #tpu.memory_space<hbm>>
    %dma_wait3A_132 = arith.constant 0 : i32
    %dma_wait3A_133 = arith.constant 0 : i32
    %dma_wait3A_134 = tpu.memref_slice %arg4[%dma_wait3A_132, %dma_wait3A_133] : memref<204800x64xf32, #tpu.memory_space<hbm>> -> memref<400x64xf32, #tpu.memory_space<hbm>>
    tpu.wait_dma2 semaphore(%arg11 : memref<!tpu.dma_semaphore, #tpu.memory_space<semaphore_mem>>) src(%dma_wait3A_134 : memref<400x64xf32, #tpu.memory_space<hbm>>) dst(%arg7 : memref<400x64xf32, #tpu.memory_space<vmem>>)
    return
  }
}

</mosaic_0001>

<sc_bundles>
// kernel: kernel.3.cloned.1.call-start
scs
__scs_entry_jumppad:
0x0: {  	(pc) =	sbr.rel $0x88, $3  }
0x1: {  	(tag) =	ssettag $0x0;
	lr =	simm.s32 $0x1  }
0x2: {  	[smem:$0x3F9F] =	sst lr;
	_ =	strace $0xD0000000  }
0x3: {  	_ = 	snop  }
0x4: {  	_ = 	snop  }
0x5: {  	_ = 	snop  }
0x6: {  	_ = 	snop  }
0x7: {  	_ = 	snop  }
__scs_overlays_trampoline_lowered:
0x8: {  	[smem:$0x3FAE] =	sst s0  }
0x9: {  	[smem:$0x3FAF] =	sst s1  }
0xa: {  	[smem:$0x3FB0] =	sst s2  }
0xb: {  	[smem:$0x3FB1] =	sst s3  }
0xc: {  	[smem:$0x3FB2] =	sst s4  }
0xd: {  	[smem:$0x3FB3] =	sst s5  }
0xe: {  	[smem:$0x3FB4] =	sst s6  }
0xf: {  	[smem:$0x3FB5] =	sst s7  }
0x10: {  	[smem:$0x3FB6] =	sst s8  }
0x11: {  	[smem:$0x3FB7] =	sst s9;
	s0 =	simm.s32 @!p0 $0x0  }
0x12: {  	s1 =	sld [smem:$0x3F9D];
	s0 =	simm.s32 @p0 $0x1  }
0x13: {  	[smem:$0x3FB8] =	sst s0;
	s0 =	simm.s32 @!p1 $0x0  }
0x14: {  	s2 =	sld [smem:$0x3F9C];
	s0 =	simm.s32 @p1 $0x1  }
0x15: {  	[smem:$0x3FB9] =	sst s0;
	s0 =	simm.s32 @!p2 $0x0  }
0x16: {  	s3 =	sld [smem:$0x3FDB];
	s0 =	simm.s32 @p2 $0x1  }
0x17: {  	s4 =	simm.s32 $0x1BF5;
	[smem:$0x3FBB] =	sst s0  }
0x18: {  	s0 =	sld [smem:$0x3F9E];
	_ =	swait.ge [sflag:s4], $0x0  }
0x19: {  	s7 =	sld [smem:$0x3F9F]  }
0x1a: {  	s8 =	sadd.s32 $0xFFFFE003, lr  }
0x1b: {  	s9 =	sadd.s32 $0xFFFFFEF7, lr;
	s5 =	simm.s32 $0xFFFFFFFF;
	p2 =	slt.u32 s8, $0xFFFFF086  }
0x1c: {  	p1 =	slt.u32 s9, $0xF7A;
	s5 =	simm.s32 @!p2 $0x0  }
0x1d: {  	s5 =	simm.s32 @p1 $0x1;
	p0 =	seq.s32 s7, s2  }
0x1e: {  	s7 =	smul.u32 @!p0 $0xF7A, s2;
	p2 =	seq.s32 @!p0 s5, $0x0  }
0x1f: {  	s9 =	smul.u32 $0xF7A, s1;
	s8 =	simm.s32 @!p0 $0x1BF5;
	p2 =	por !p2, p0  }
0x20: {  	[sflag:s8] =	ssyncset.s32 @!p0 $0xFFFFF086;
	s6 =	sadd.s32 @!p0 s3, s7;
	s7 =	simm.s32 @!p0 $0x108  }
0x21: {  	s3 =	sadd.s32 s3, s9;
	s6 =	sadd.s32 @!p0 $0x88, s6;
	s7 =	simm.s32 @p2 $0x1082  }
0x22: {  	[simem:s7], [sflag:s8] =	dma.local @!p0 [hbm:s6], $0xF7A  }
0x23: {  	s9 =	sor.u32 $0xD0000000, s2;
	s6 =	simm.s32 $0x108;
	_ =	swait.ge @!p0 [sflag:s8], $0x0  }
0x24: {  	s3 =	sadd.s32 $0x88, s3;
	s6 =	simm.s32 @!p1 $0x1082;
	[sflag:s4] =	ssyncset.s32 $0xFFFFF086  }
0x25: {  	[simem:s6], [sflag:s4] =	dma.local [hbm:s3], $0xF7A  }
0x26: {  	[smem:$0x3F9F] =	sst s1;
	(tag) =	ssettag s2;
	_ =	strace s9  }
0x27: {  	s1 =	sld [smem:$0x3FAF]  }
0x28: {  	s2 =	sld [smem:$0x3FB0]  }
0x29: {  	s4 =	sld [smem:$0x3FB2]  }
0x2a: {  	p0 =	seq.s32 s5, $0x0;
	s5 =	sld [smem:$0x3FB3]  }
0x2b: {  	s6 =	sld [smem:$0x3FB4]  }
0x2c: {  	s7 =	sld [smem:$0x3FB5]  }
0x2d: {  	s3 =	simm.s32 $0x108;
	s8 =	sld [smem:$0x3FB6]  }
0x2e: {  	s3 =	simm.s32 @!p0 $0x1082;
	s9 =	sld [smem:$0x3FB7]  }
0x2f: {  	lr =	sadd.s32 s0, s3;
	s0 =	sld [smem:$0x3FAE]  }
0x30: {  	s3 =	sld [smem:$0x3FB1]  }
0x31: {  	[smem:$0x3FBA] =	sst s10  }
0x32: {  	s10 =	sld [smem:$0x3FB8];
	_ =	sdelay $0x3  }
0x33: {  	p0 =	seq.s32 s10, $0x1;
	s10 =	sld [smem:$0x3FBA];
	_ =	sdelay $0x3  }
0x34: {  	[smem:$0x3FBA] =	sst s10  }
0x35: {  	s10 =	sld [smem:$0x3FB9];
	_ =	sdelay $0x3  }
0x36: {  	p1 =	seq.s32 s10, $0x1;
	s10 =	sld [smem:$0x3FBA];
	_ =	sdelay $0x3  }
0x37: {  	[smem:$0x3FBA] =	sst s10  }
0x38: {  	s10 =	sld [smem:$0x3FBB]  }
0x39: {  	_ = 	snop;
	(pc) =	sbr.ind lr, $3  }
0x3a: {  	_ = 	snop  }
0x3b: {  	_ = 	snop  }
0x3c: {  	p2 =	seq.s32 s10, $0x1;
	s10 =	sld [smem:$0x3FBA]  }
0x3d: {  	_ =	shalt  }
0x3e: {  	_ =	shalt  }
0x3f: {  	_ =	shalt  }
0x40: {  	_ =	shalt  }
0x41: {  	_ =	shalt  }
0x42: {  	_ =	shalt  }
0x43: {  	_ =	shalt  }
0x44: {  	_ =	shalt  }
0x45: {  	_ =	shalt  }
0x46: {  	_ =	shalt  }
0x47: {  	_ =	shalt  }
0x48: {  	_ =	shalt  }
0x49: {  	_ =	shalt  }
0x4a: {  	_ =	shalt  }
0x4b: {  	_ =	shalt  }
0x4c: {  	_ =	shalt  }
0x4d: {  	_ =	shalt  }
0x4e: {  	_ =	shalt  }
0x4f: {  	_ =	shalt  }
0x50: {  	_ =	shalt  }
0x51: {  	_ =	shalt  }
0x52: {  	_ =	shalt  }
0x53: {  	_ =	shalt  }
0x54: {  	_ =	shalt  }
0x55: {  	_ =	shalt  }
0x56: {  	_ =	shalt  }
0x57: {  	_ =	shalt  }
0x58: {  	_ =	shalt  }
0x59: {  	_ =	shalt  }
0x5a: {  	_ =	shalt  }
0x5b: {  	_ =	shalt  }
0x5c: {  	_ =	shalt  }
0x5d: {  	_ =	shalt  }
0x5e: {  	_ =	shalt  }
0x5f: {  	_ =	shalt  }
0x60: {  	_ =	shalt  }
0x61: {  	_ =	shalt  }
0x62: {  	_ =	shalt  }
0x63: {  	_ =	shalt  }
0x64: {  	_ =	shalt  }
0x65: {  	_ =	shalt  }
0x66: {  	_ =	shalt  }
0x67: {  	_ =	shalt  }
0x68: {  	_ =	shalt  }
0x69: {  	_ =	shalt  }
0x6a: {  	_ =	shalt  }
0x6b: {  	_ =	shalt  }
0x6c: {  	_ =	shalt  }
0x6d: {  	_ =	shalt  }
0x6e: {  	_ =	shalt  }
0x6f: {  	_ =	shalt  }
0x70: {  	_ =	shalt  }
0x71: {  	_ =	shalt  }
0x72: {  	_ =	shalt  }
0x73: {  	_ =	shalt  }
0x74: {  	_ =	shalt  }
0x75: {  	_ =	shalt  }
0x76: {  	_ =	shalt  }
0x77: {  	_ =	shalt  }
0x78: {  	_ =	shalt  }
0x79: {  	_ =	shalt  }
0x7a: {  	_ =	shalt  }
0x7b: {  	_ =	shalt  }
0x7c: {  	_ =	shalt  }
0x7d: {  	_ =	shalt  }
0x7e: {  	_ =	shalt  }
0x7f: {  	_ =	shalt  }
0x80: {  	_ =	shalt  }
0x81: {  	_ =	shalt  }
0x82: {  	_ =	shalt  }
0x83: {  	_ =	shalt  }
0x84: {  	_ =	shalt  }
0x85: {  	_ =	shalt  }
0x86: {  	_ =	shalt  }
0x87: {  	_ =	shalt  }
.Lfunc_end0:
.L_simem_size_0:
called_computation.1_lowered:
.L_overlay_start_0:
0x88: {  	s2 =	sld [smem:$0x3FD9]  }
0x89: {  	s3 =	sld [smem:$0x3FFE];
	_ =	sdelay $0x1  }
0x8a: {  	s1 =	srdreg.scid  }
0x8b: {  	s0 =	sand.u32 $0x1, s1  }
0x8c: {  	s17 =	sshll.u32 s0, $0xA;
	s2 =	sadd.s32 s3, s2  }
0x8d: {  	s2 =	sadd.s32 s2, s17  }
0x8e: {  	[smem:$0x3FC6] =	sst s2  }
0x8f: {  	_ = 	snop  }
0x90: {  	s2 =	sld [smem:$0x3FD0];
	(tm) =	ssettm $0x1  }
0x91: {  	s18 =	sld [smem:$0x3FFB];
	_ =	sdelay $0x3  }
0x92: {  	_ =	strace s18  }
0x93: {  	s3 =	sld [smem:$0x3FFC];
	_ =	sdelay $0x3  }
0x94: {  	_ =	strace s3  }
0x95: {  	s3 =	sld [smem:$0x3FFD];
	_ =	sdelay $0x3  }
0x96: {  	_ =	strace s3  }
0x97: {  	_ =	strace $0x8FFFFFFF  }
0x98: {  	s19 =	sld [smem:$0x3FDB];
	_ =	sdelay $0x1  }
0x99: {  	s4 =	simm.s32 $_scs_section_size  }
0x9a: {  	s5 =	simm.s32 $_size__tile_overlayer_lowered;
	s6 =	simm.s32 $_tile_overlayer_lowered  }
0x9b: {  	s22 =	simm.s32 $0x1BFF;
	s21 =	sshll.u32 s6, $0x1;
	s3 =	sadd.s32 s4, s19  }
0x9c: {  	s7 =	simm.s32 $0x0;
	s20 =	sshll.u32 s5, $0x1;
	s5 =	sadd.s32 s21, s3  }
0x9d: {  	[timem:s7], [sflag:s22] =	dma.local [hbm:s5], s20  }
0x9e: {  	_ =	swait.ge [sflag:s22], s20  }
0x9f: {  	s4 =	ssub.s32 $0x0, s20;
	[sflag:s22] =	ssyncset.done $0x0  }
0xa0: {  	[sflag:s22] =	ssyncadd.s32 s4;
	_ =	sdelay $0x1  }
0xa1: {  	s23 =	simm.s32 $0x1B8B  }
0xa2: {  	_ =	swait.ge [sflag:s23], $0x1  }
0xa3: {  	[sflag:s23] =	ssyncset.done $0x0  }
0xa4: {  	s25 =	simm.s32 $0x1B8E;
	s24 =	sld [smem:$0x3FFE];
	[sflag:s23] =	ssyncadd.s32 $0xFFFFFFFF  }
0xa5: {  	s26 =	simm.s32 $execute0_lowered;
	[smem:$0x3FD2] =	sst s25  }
0xa6: {  	s5 =	sshll.u32 s26, $0x1;
	_ =	strace $0x80000046;
	[dreg:$0x1] =	wrdreg $0xFFFFFFFF  }
0xa7: {  	s28 =	simm.s32 $_size_execute0_lowered;
	s3 =	sadd.s32 s3, s5;
	[dreg:$0x0] =	wrdreg $0x0  }
0xa8: {  	s5 =	sshll.u32 s28, $0x1;
	[dreg:$0x2] =	wrdreg s3  }
0xa9: {  	[dreg:$0x3] =	wrdreg s5  }
0xaa: {  	[dreg:$0x4] =	wrdreg $0xC0  }
0xab: {  	_ =	task [dreg:s7], $0x5FFFF  }
0xac: {  	[dreg:$0x1] =	wrdreg $0xFFFFFFFF  }
0xad: {  	[dreg:$0x0] =	wrdreg $0x60  }
0xae: {  	[dreg:$0x2] =	wrdreg s24  }
0xaf: {  	[dreg:$0x3] =	wrdreg s2  }
0xb0: {  	[dreg:$0x4] =	wrdreg $0x9  }
0xb1: {  	_ =	task.clear_ibuf [dreg:s7], $0x5FFFF;
	_ =	strace $0x90000046  }
0xb2: {  	s29 =	simm.s32 $0x9;
	_ =	strace $0x80000048  }
0xb3: {  	_ =	swait.ge [sflag:s29], $0x1  }
0xb4: {  	[sflag:s29] =	ssyncadd.s32 $0xFFFFFFFF  }
0xb5: {  	_ =	strace $0x90000048  }
0xb6: {  	_ =	sfence  }
0xb7: {  	s30 =	sld [smem:$0x0];
	_ =	sdelay $0x2  }
0xb8: {  	s31 =	sshll.u32 s1, $0xD;
	s1 =	sshrl.u32 s1, $0x2  }
0xb9: {  	s3 =	sand.u32 $0x4000, s31;
	s1 =	sadd.s32 s1, s30  }
0xba: {  	s0 =	sor.u32 s3, s0;
	s1 =	sshll.u32 s1, $0x11  }
0xbb: {  	s0 =	sor.u32 s1, s0  }
0xbc: {  	s0 =	sadd.s32 $0x8F2B, s0  }
0xbd: {  	[sflag:s0] =	ssyncadd.remote.s32 $0x1  }
0xbe: {  	_ =	sfence.sel $0xFFFF  }
0xbf: {  	[dreg:$0x0] =	wrdreg $0xFFFFFFFF;
	(pc) =	sbr.abs _section_cstart, $3  }
0xc0: {  	[dreg:$0x1] =	wrdreg $0xFFFFFFFF  }
0xc1: {  	_ =	task.clear_ibuf [dreg:s7], $0x2FFFF;
	_ =	strace $0x9FFFFFFF  }
0xc2: {  	(tm) =	ssettm $0x7FFFFFFF  }
0xc3: {  	_ =	shalt  }
tec
execute0_lowered:
.L_overlay_start_1:
0x0: {  	(tag) =	ssettag $0x1  }
0x1: {  	s3 =	srdreg.scid;
	s4 =	stileid.u32  }
0x2: {  	s5 =	sand.u32 $0x1, s3;
	s22 =	sshll.u32 s4, $0x1  }
0x3: {  	s0 =	rddreg [dreg:$0x0];
	s6 =	sor.u32 s5, s22  }
0x4: {  	s1 =	rddreg [dreg:$0x1];
	s2 =	simm.s32 $0x0;
	s7 =	smul.u32 $0xC8000, s6  }
0x5: {  	[smem:$0x7FF] =	sst s2;
	s24 =	smul.u32 $0x1900, s6  }
0x6: {  	s3 =	sadd.s32 $0x800, s0;
	s23 =	ssub.s32 $0x2, s5;
	s6 =	smul.u32 $0x19000, s6  }
0x7: {  	s4 =	sadd.s32 $0xF42C00, s0;
	_ =	strace $0x80000047;
	s8 =	sshrl.u32 s23, $0x1  }
0x8: {  	s0 =	ssub.s32 s23, s8;
	s26 =	sadd.s32 s4, s6;
	[dreg:$0x3] =	wrdreg s24  }
0x9: {  	s7 =	sshrl.u32 s7, $0x3;
	s29 =	sadd.s32 $0x190, s24;
	[dreg:$0x5] =	wrdreg s26  }
0xa: {  	s25 =	sshrl.u32 s24, $0x3;
	s0 =	smax.u32 s0, $0x1;
	[dreg:$0x7] =	wrdreg s29  }
0xb: {  	s7 =	sadd.s32 s4, s7;
	s1 =	sadd.s32 s1, s25;
	[dreg:$0xa] =	wrdreg s0  }
0xc: {  	s14 =	simm.s32 $0x1;
	[dreg:$0x4] =	wrdreg s1;
	s28 =	sadd.s32 $0x1900, s7  }
0xd: {  	s16 =	simm.s32 $0x3;
	s30 =	sadd.s32 $0x15E00, s7;
	[dreg:$0x6] =	wrdreg s28  }
0xe: {  	s17 =	simm.s32 $0x2;
	s31 =	sadd.s32 $0x17700, s7;
	[dreg:$0x8] =	wrdreg s30  }
0xf: {  	s19 =	simm.s32 $0x4;
	s1 =	simm.s32 $0x0;
	[dreg:$0x9] =	wrdreg s31  }
.LBB2_1:
0x10: {  	[dreg:$0xb] =	wrdreg s1  }
0x11: {  	s0 =	rddreg [dreg:$0x4];
	s31 =	simm.s32 $0x5  }
0x12: {  	[tilespmem:s2], [sflag:$0x5] =	stream.linear.gather [hbm4b:s0+s2], $0x1900, $0x38;
	[tilespmem:$0x1A900] =	vst v63  }
0x13: {  	_ =	swait.ge [sflag:s31], $0x1900  }
0x14: {  	[sflag:s31] =	ssyncset.done $0x0  }
0x15: {  	[sflag:s31] =	ssyncadd.s32 $0xFFFFE700  }
0x16: {  	v0 =	vld [tilespmem:s2+$0x0];
	_ =	sdelay $0x4  }
0x17: {  	v0 =	vshll.u32 v0, $0x4  }
0x18: {  	(v2sf) =	vpush v0, $0x0  }
0x19: {  	(v2sf) =	vpush v0, $0x1  }
0x1a: {  	(v2sf) =	vpush v0, $0x2;
	_ =	sdelay $0x1  }
0x1b: {  	(v2sf) =	vpush v0, $0x4;
	_ =	sdelay $0x1  }
0x1c: {  	(v2sf) =	vpush v0, $0x3  }
0x1d: {  	(v2sf) =	vpush v0, $0x5  }
0x1e: {  	s23 =	simm.s32 $0x2000;
	s22 =	simm.s32 $0x0;
	s24 =	simm.s32 $0x0;
	(v2sf) =	vpush v0, $0x6  }
.LBB2_2:
0x1f: {  	p0 =	sne.s32 s23, $0x30000  }
0x20: {  	s8 =	sadd.s32 $0x1980, s22;
	s29 =	sadd.s32 $0x1E80, s22;
	s25 =	smov.u32 s23  }
0x21: {  	s23 =	sadd.s32 $0x2000, s23;
	s1 =	sadd.s32 $0x1C80, s22;
	s26 =	sadd.s32 $0x1F00, s22;
	(v2sf) =	vpush v0, $0x7  }
0x22: {  	s7 =	sadd.s32 $0x1B80, s22;
	s0 =	sadd.s32 $0x1D00, s22;
	s28 =	sadd.s32 $0x1F80, s22  }
0x23: {  	s10 =	sadd.s32 $0x1900, s22;
	s31 =	sadd.s32 $0x1B00, s22;
	(v2sf) =	vpush v0, $0x8  }
0x24: {  	s21 =	simm.s32 $0x0;
	s11 =	sadd.s32 $0x1C00, s22;
	s24 =	sadd.s32 $0x10, s24  }
0x25: {  	s12 =	sadd.s32 $0x1A00, s22;
	s30 =	sadd.s32 $0x1E00, s22;
	s6 =	spop (v2sf);
	(v2sf) =	vpush v0, $0x9  }
0x26: {  	s13 =	sand.u32 $0x1FFFFFF0, s6;
	s6 =	sadd.s32 $0x1D80, s22;
	s20 =	spop (v2sf)  }
0x27: {  	s13 =	sadd.s32 s3, s13;
	s20 =	sand.u32 $0x1FFFFFF0, s20;
	s15 =	spop (v2sf);
	(v2sf) =	vpush v0, $0xA  }
0x28: {  	[tilespmem:s10], [sflag:$0x1] =	stream.linear.gather [hbm4b:s13+s21], $0x80, $0x38;
	[tilespmem:$0x1A900] =	vst v63  }
0x29: {  	s10 =	sadd.s32 s3, s20;
	s13 =	sadd.s32 $0x1A80, s22;
	s20 =	spop (v2sf);
	(v2sf) =	vpush v0, $0xB  }
0x2a: {  	[tilespmem:s8], [sflag:$0x1] =	stream.linear.gather [hbm4b:s10+s21], $0x80, $0x38;
	[tilespmem:$0x1A900] =	vst v63  }
0x2b: {  	s8 =	sand.u32 $0x1FFFFFF0, s15;
	s10 =	sand.u32 $0x1FFFFFF0, s20;
	s15 =	spop (v2sf);
	(v2sf) =	vpush v0, $0xC  }
0x2c: {  	s8 =	sadd.s32 s3, s8;
	s15 =	sand.u32 $0x1FFFFFF0, s15;
	s20 =	spop (v2sf)  }
0x2d: {  	[tilespmem:s12], [sflag:$0x1] =	stream.linear.gather [hbm4b:s8+s21], $0x80, $0x38;
	(v2sf) =	vpush v0, $0xD;
	[tilespmem:$0x1A900] =	vst v63  }
0x2e: {  	s8 =	sadd.s32 s3, s15;
	s12 =	sand.u32 $0x1FFFFFF0, s20;
	s15 =	spop (v2sf)  }
0x2f: {  	[tilespmem:s13], [sflag:$0x1] =	stream.linear.gather [hbm4b:s8+s21], $0x80, $0x38;
	(v2sf) =	vpush v0, $0xE;
	[tilespmem:$0x1A900] =	vst v63  }
0x30: {  	s8 =	sadd.s32 s3, s10;
	s10 =	sand.u32 $0x1FFFFFF0, s15;
	s13 =	spop (v2sf)  }
0x31: {  	[tilespmem:s31], [sflag:$0x1] =	stream.linear.gather [hbm4b:s8+s21], $0x80, $0x38;
	(v2sf) =	vpush v0, $0xF;
	[tilespmem:$0x1A900] =	vst v63  }
0x32: {  	s8 =	sadd.s32 s3, s12;
	s12 =	sand.u32 $0x1FFFFFF0, s13;
	s13 =	spop (v2sf)  }
0x33: {  	[tilespmem:s7], [sflag:$0x1] =	stream.linear.gather [hbm4b:s8+s21], $0x80, $0x38;
	[tilespmem:$0x1A900] =	vst v63  }
0x34: {  	s7 =	sadd.s32 s3, s10;
	s8 =	sand.u32 $0x1FFFFFF0, s13;
	s10 =	spop (v2sf)  }
0x35: {  	[tilespmem:s11], [sflag:$0x1] =	stream.linear.gather [hbm4b:s7+s21], $0x80, $0x38;
	[tilespmem:$0x1A900] =	vst v63  }
0x36: {  	s7 =	sadd.s32 s3, s12;
	s10 =	sand.u32 $0x1FFFFFF0, s10;
	s11 =	spop (v2sf)  }
0x37: {  	[tilespmem:s1], [sflag:$0x1] =	stream.linear.gather [hbm4b:s7+s21], $0x80, $0x38;
	[tilespmem:$0x1A900] =	vst v63  }
0x38: {  	s1 =	sadd.s32 s3, s8;
	s7 =	sand.u32 $0x1FFFFFF0, s11;
	s8 =	spop (v2sf)  }
0x39: {  	[tilespmem:s0], [sflag:$0x1] =	stream.linear.gather [hbm4b:s1+s21], $0x80, $0x38;
	[tilespmem:$0x1A900] =	vst v63  }
0x3a: {  	s0 =	sadd.s32 s3, s10;
	s1 =	sand.u32 $0x1FFFFFF0, s8;
	s8 =	spop (v2sf)  }
0x3b: {  	[tilespmem:s6], [sflag:$0x1] =	stream.linear.gather [hbm4b:s0+s21], $0x80, $0x38;
	[tilespmem:$0x1A900] =	vst v63  }
0x3c: {  	s0 =	sadd.s32 s3, s7;
	s6 =	sand.u32 $0x1FFFFFF0, s8;
	s7 =	spop (v2sf)  }
0x3d: {  	[tilespmem:s30], [sflag:$0x1] =	stream.linear.gather [hbm4b:s0+s21], $0x80, $0x38;
	[tilespmem:$0x1A900] =	vst v63  }
0x3e: {  	s0 =	sadd.s32 s3, s1;
	s1 =	sand.u32 $0x1FFFFFF0, s7;
	s7 =	spop (v2sf)  }
0x3f: {  	[tilespmem:s29], [sflag:$0x1] =	stream.linear.gather [hbm4b:s0+s21], $0x80, $0x38;
	[tilespmem:$0x1A900] =	vst v63  }
0x40: {  	s0 =	sadd.s32 s3, s6;
	s6 =	sand.u32 $0x1FFFFFF0, s7;
	s7 =	spop (v2sf)  }
0x41: {  	[tilespmem:s26], [sflag:$0x1] =	stream.linear.gather [hbm4b:s0+s21], $0x80, $0x38;
	[tilespmem:$0x1A900] =	vst v63  }
0x42: {  	s0 =	sadd.s32 s3, s1;
	s1 =	sand.u32 $0x1FFFFFF0, s7  }
0x43: {  	[tilespmem:s28], [sflag:$0x1] =	stream.linear.gather [hbm4b:s0+s21], $0x80, $0x38;
	[tilespmem:$0x1A900] =	vst v63  }
0x44: {  	s6 =	sadd.s32 s3, s6;
	s0 =	sadd.s32 $0x2000, s22  }
0x45: {  	[tilespmem:s0], [sflag:$0x1] =	stream.linear.gather [hbm4b:s6+s21], $0x80, $0x38;
	[tilespmem:$0x1A900] =	vst v63  }
0x46: {  	s1 =	sadd.s32 s3, s1;
	s0 =	sadd.s32 $0x2080, s22  }
0x47: {  	[tilespmem:s0], [sflag:$0x1] =	stream.linear.gather [hbm4b:s1+s21], $0x80, $0x38;
	[tilespmem:$0x1A900] =	vst v63  }
0x48: {  	v0 =	vld [tilespmem:s24+$0x0];
	_ =	sdelay $0x4  }
0x49: {  	v0 =	vshll.u32 v0, $0x4  }
0x4a: {  	(v2sf) =	vpush v0, $0x0  }
0x4b: {  	(v2sf) =	vpush v0, $0x1  }
0x4c: {  	(v2sf) =	vpush v0, $0x2;
	_ =	sdelay $0x1  }
0x4d: {  	(v2sf) =	vpush v0, $0x4  }
.Ltmp0:
0x4e: {  	(pc) =	sbr.rel @p0 .LBB2_2-.Ltmp0, $3  }
0x4f: {  	(v2sf) =	vpush v0, $0x3  }
0x50: {  	(v2sf) =	vpush v0, $0x5;
	_ =	sdelay $0x1  }
0x51: {  	s22 =	sshra.s32 s25, $0x2;
	(v2sf) =	vpush v0, $0x6  }
0x52: {  	_ =	sdelay $0x1  }
0x53: {  	s7 =	sadd.s32 $0x1980, s22;
	s6 =	sadd.s32 $0x1E80, s22  }
0x54: {  	s8 =	sadd.s32 $0x1C80, s22;
	s0 =	sadd.s32 $0x1F00, s22;
	(v2sf) =	vpush v0, $0x7;
	s10 =	sadd.s32 $0x1B80, s22  }
0x55: {  	s11 =	sadd.s32 $0x1D00, s22;
	s1 =	sadd.s32 $0x1F80, s22;
	s12 =	sadd.s32 $0x1900, s22  }
0x56: {  	s13 =	sadd.s32 $0x1B00, s22;
	s15 =	sadd.s32 $0x1C00, s22;
	(v2sf) =	vpush v0, $0x8;
	s20 =	spop (v2sf)  }
0x57: {  	s23 =	sadd.s32 $0x1A00, s22;
	s20 =	sand.u32 $0x1FFFFFF0, s20;
	s24 =	spop (v2sf)  }
0x58: {  	(v2sf) =	vpush v0, $0x9;
	s20 =	sadd.s32 s3, s20;
	s24 =	sand.u32 $0x1FFFFFF0, s24;
	s25 =	spop (v2sf)  }
0x59: {  	[tilespmem:s12], [sflag:$0x1] =	stream.linear.gather [hbm4b:s20+s21], $0x80, $0x38;
	[tilespmem:$0x1A900] =	vst v63  }
0x5a: {  	(v2sf) =	vpush v0, $0xA;
	s26 =	sadd.s32 s3, s24;
	s29 =	sand.u32 $0x1FFFFFF0, s25;
	s28 =	spop (v2sf)  }
0x5b: {  	[tilespmem:s7], [sflag:$0x1] =	stream.linear.gather [hbm4b:s26+s21], $0x80, $0x38;
	[tilespmem:$0x1A900] =	vst v63  }
0x5c: {  	s12 =	sadd.s32 $0x1E00, s22;
	(v2sf) =	vpush v0, $0xB;
	s20 =	sadd.s32 s3, s29;
	s30 =	spop (v2sf)  }
0x5d: {  	s7 =	sadd.s32 $0x1D80, s22;
	s26 =	sadd.s32 $0x1A80, s22;
	s25 =	sand.u32 $0x1FFFFFF0, s30  }
0x5e: {  	(v2sf) =	vpush v0, $0xC;
	[tilespmem:s23], [sflag:$0x1] =	stream.linear.gather [hbm4b:s20+s21], $0x80, $0x38;
	[tilespmem:$0x1A900] =	vst v63  }
0x5f: {  	s31 =	sand.u32 $0x1FFFFFF0, s28;
	s5 =	spop (v2sf);
	s9 =	sadd.s32 s3, s25  }
0x60: {  	(v2sf) =	vpush v0, $0xD;
	[tilespmem:s26], [sflag:$0x1] =	stream.linear.gather [hbm4b:s9+s21], $0x80, $0x38;
	[tilespmem:$0x1A900] =	vst v63  }
0x61: {  	s20 =	sadd.s32 s3, s31;
	s23 =	sand.u32 $0x1FFFFFF0, s5;
	s18 =	spop (v2sf)  }
0x62: {  	(v2sf) =	vpush v0, $0xE;
	[tilespmem:s13], [sflag:$0x1] =	stream.linear.gather [hbm4b:s20+s21], $0x80, $0x38;
	[tilespmem:$0x1A900] =	vst v63  }
0x63: {  	s23 =	sadd.s32 s3, s23;
	s25 =	sand.u32 $0x1FFFFFF0, s18;
	s26 =	spop (v2sf)  }
0x64: {  	(v2sf) =	vpush v0, $0xF;
	[tilespmem:s10], [sflag:$0x1] =	stream.linear.gather [hbm4b:s23+s21], $0x80, $0x38;
	[tilespmem:$0x1A900] =	vst v63  }
0x65: {  	s28 =	sand.u32 $0x1FFFFFF0, s26;
	s29 =	spop (v2sf);
	s13 =	sadd.s32 s3, s25  }
0x66: {  	[tilespmem:s15], [sflag:$0x1] =	stream.linear.gather [hbm4b:s13+s21], $0x80, $0x38;
	[tilespmem:$0x1A900] =	vst v63  }
0x67: {  	s30 =	sand.u32 $0x1FFFFFF0, s29;
	s10 =	sadd.s32 s3, s28;
	s31 =	spop (v2sf)  }
0x68: {  	[tilespmem:s8], [sflag:$0x1] =	stream.linear.gather [hbm4b:s10+s21], $0x80, $0x38;
	[tilespmem:$0x1A900] =	vst v63  }
0x69: {  	s13 =	sadd.s32 s3, s30;
	s5 =	sand.u32 $0x1FFFFFF0, s31;
	s9 =	spop (v2sf)  }
0x6a: {  	[tilespmem:s11], [sflag:$0x1] =	stream.linear.gather [hbm4b:s13+s21], $0x80, $0x38;
	[tilespmem:$0x1A900] =	vst v63  }
0x6b: {  	s10 =	sand.u32 $0x1FFFFFF0, s9;
	s8 =	sadd.s32 s3, s5;
	s15 =	spop (v2sf)  }
0x6c: {  	[tilespmem:s7], [sflag:$0x1] =	stream.linear.gather [hbm4b:s8+s21], $0x80, $0x38;
	[tilespmem:$0x1A900] =	vst v63  }
0x6d: {  	s10 =	sadd.s32 s3, s10;
	s18 =	sand.u32 $0x1FFFFFF0, s15;
	s20 =	spop (v2sf)  }
0x6e: {  	[tilespmem:s12], [sflag:$0x1] =	stream.linear.gather [hbm4b:s10+s21], $0x80, $0x38;
	[tilespmem:$0x1A900] =	vst v63  }
0x6f: {  	s7 =	sadd.s32 s3, s18;
	s8 =	sand.u32 $0x1FFFFFF0, s20;
	s23 =	spop (v2sf)  }
0x70: {  	[tilespmem:s6], [sflag:$0x1] =	stream.linear.gather [hbm4b:s7+s21], $0x80, $0x38;
	[tilespmem:$0x1A900] =	vst v63  }
0x71: {  	s24 =	sand.u32 $0x1FFFFFF0, s23;
	s8 =	sadd.s32 s3, s8;
	s25 =	spop (v2sf)  }
0x72: {  	[tilespmem:s0], [sflag:$0x1] =	stream.linear.gather [hbm4b:s8+s21], $0x80, $0x38;
	[tilespmem:$0x1A900] =	vst v63  }
0x73: {  	s26 =	sand.u32 $0x1FFFFFF0, s25;
	s28 =	spop (v2sf);
	s6 =	sadd.s32 s3, s24  }
0x74: {  	[tilespmem:s1], [sflag:$0x1] =	stream.linear.gather [hbm4b:s6+s21], $0x80, $0x38;
	[tilespmem:$0x1A900] =	vst v63  }
0x75: {  	s30 =	sadd.s32 $0x2000, s22;
	s29 =	sand.u32 $0x1FFFFFF0, s28;
	s0 =	sadd.s32 s3, s26  }
0x76: {  	[tilespmem:s30], [sflag:$0x1] =	stream.linear.gather [hbm4b:s0+s21], $0x80, $0x38;
	[tilespmem:$0x1A900] =	vst v63  }
0x77: {  	s31 =	sadd.s32 $0x2080, s22;
	s22 =	simm.s32 $0x190;
	s1 =	sadd.s32 s3, s29  }
0x78: {  	[tilespmem:s31], [sflag:$0x1] =	stream.linear.gather [hbm4b:s1+s21], $0x80, $0x38;
	[tilespmem:$0x1A900] =	vst v63  }
0x79: {  	v0 =	vld [tilespmem:s22+$0x0];
	_ =	sdelay $0x4  }
0x7a: {  	v0 =	vshll.u32 v0, $0x4  }
0x7b: {  	(v2sf) =	vpush v0, $0x0  }
0x7c: {  	(v2sf) =	vpush v0, $0x1  }
0x7d: {  	(v2sf) =	vpush v0, $0x2;
	_ =	sdelay $0x1  }
0x7e: {  	(v2sf) =	vpush v0, $0x4;
	_ =	sdelay $0x1  }
0x7f: {  	(v2sf) =	vpush v0, $0x3  }
0x80: {  	(v2sf) =	vpush v0, $0x5  }
0x81: {  	s23 =	simm.s32 $0x2000;
	s21 =	simm.s32 $0x0;
	(v2sf) =	vpush v0, $0x6  }
.LBB2_4:
0x82: {  	p0 =	sne.s32 s23, $0x30000  }
0x83: {  	s10 =	sadd.s32 $0xE180, s21;
	s28 =	sadd.s32 $0xE680, s21;
	s24 =	smov.u32 s23  }
0x84: {  	s23 =	sadd.s32 $0x2000, s23;
	s6 =	sadd.s32 $0xE480, s21;
	s25 =	sadd.s32 $0xE700, s21;
	(v2sf) =	vpush v0, $0x7  }
0x85: {  	s8 =	sadd.s32 $0xE380, s21;
	s1 =	sadd.s32 $0xE500, s21;
	s26 =	sadd.s32 $0xE780, s21  }
0x86: {  	s11 =	sadd.s32 $0xE100, s21;
	s12 =	sadd.s32 $0xE300, s21;
	(v2sf) =	vpush v0, $0x8  }
0x87: {  	s13 =	sadd.s32 $0xE400, s21;
	s22 =	sadd.s32 $0x10, s22  }
0x88: {  	s15 =	sadd.s32 $0xE200, s21;
	s0 =	sadd.s32 $0xE600, s21;
	s7 =	spop (v2sf);
	(v2sf) =	vpush v0, $0x9  }
0x89: {  	s20 =	sand.u32 $0x1FFFFFF0, s7;
	s7 =	sadd.s32 $0xE580, s21;
	s29 =	spop (v2sf)  }
0x8a: {  	s20 =	sadd.s32 s3, s20;
	s29 =	sand.u32 $0x1FFFFFF0, s29;
	s30 =	spop (v2sf);
	(v2sf) =	vpush v0, $0xA  }
0x8b: {  	[tilespmem:s11], [sflag:$0x2] =	stream.linear.gather [hbm4b:s20+s2], $0x80, $0x38;
	[tilespmem:$0x1A900] =	vst v63  }
0x8c: {  	s11 =	sadd.s32 s3, s29;
	s20 =	sadd.s32 $0xE280, s21;
	s29 =	spop (v2sf);
	(v2sf) =	vpush v0, $0xB  }
0x8d: {  	[tilespmem:s10], [sflag:$0x2] =	stream.linear.gather [hbm4b:s11+s2], $0x80, $0x38;
	[tilespmem:$0x1A900] =	vst v63  }
0x8e: {  	s10 =	sand.u32 $0x1FFFFFF0, s30;
	s11 =	sand.u32 $0x1FFFFFF0, s29;
	s29 =	spop (v2sf);
	(v2sf) =	vpush v0, $0xC  }
0x8f: {  	s10 =	sadd.s32 s3, s10;
	s29 =	sand.u32 $0x1FFFFFF0, s29;
	s30 =	spop (v2sf)  }
0x90: {  	[tilespmem:s15], [sflag:$0x2] =	stream.linear.gather [hbm4b:s10+s2], $0x80, $0x38;
	(v2sf) =	vpush v0, $0xD;
	[tilespmem:$0x1A900] =	vst v63  }
0x91: {  	s10 =	sadd.s32 s3, s29;
	s15 =	sand.u32 $0x1FFFFFF0, s30;
	s29 =	spop (v2sf)  }
0x92: {  	[tilespmem:s20], [sflag:$0x2] =	stream.linear.gather [hbm4b:s10+s2], $0x80, $0x38;
	(v2sf) =	vpush v0, $0xE;
	[tilespmem:$0x1A900] =	vst v63  }
0x93: {  	s10 =	sadd.s32 s3, s11;
	s11 =	sand.u32 $0x1FFFFFF0, s29;
	s20 =	spop (v2sf)  }
0x94: {  	[tilespmem:s12], [sflag:$0x2] =	stream.linear.gather [hbm4b:s10+s2], $0x80, $0x38;
	(v2sf) =	vpush v0, $0xF;
	[tilespmem:$0x1A900] =	vst v63  }
0x95: {  	s10 =	sadd.s32 s3, s15;
	s12 =	sand.u32 $0x1FFFFFF0, s20;
	s15 =	spop (v2sf)  }
0x96: {  	[tilespmem:s8], [sflag:$0x2] =	stream.linear.gather [hbm4b:s10+s2], $0x80, $0x38;
	[tilespmem:$0x1A900] =	vst v63  }
0x97: {  	s8 =	sadd.s32 s3, s11;
	s10 =	sand.u32 $0x1FFFFFF0, s15;
	s11 =	spop (v2sf)  }
0x98: {  	[tilespmem:s13], [sflag:$0x2] =	stream.linear.gather [hbm4b:s8+s2], $0x80, $0x38;
	[tilespmem:$0x1A900] =	vst v63  }
0x99: {  	s8 =	sadd.s32 s3, s12;
	s11 =	sand.u32 $0x1FFFFFF0, s11;
	s12 =	spop (v2sf)  }
0x9a: {  	[tilespmem:s6], [sflag:$0x2] =	stream.linear.gather [hbm4b:s8+s2], $0x80, $0x38;
	[tilespmem:$0x1A900] =	vst v63  }
0x9b: {  	s6 =	sadd.s32 s3, s10;
	s8 =	sand.u32 $0x1FFFFFF0, s12;
	s10 =	spop (v2sf)  }
0x9c: {  	[tilespmem:s1], [sflag:$0x2] =	stream.linear.gather [hbm4b:s6+s2], $0x80, $0x38;
	[tilespmem:$0x1A900] =	vst v63  }
0x9d: {  	s1 =	sadd.s32 s3, s11;
	s6 =	sand.u32 $0x1FFFFFF0, s10;
	s10 =	spop (v2sf)  }
0x9e: {  	[tilespmem:s7], [sflag:$0x2] =	stream.linear.gather [hbm4b:s1+s2], $0x80, $0x38;
	[tilespmem:$0x1A900] =	vst v63  }
0x9f: {  	s1 =	sadd.s32 s3, s8;
	s7 =	sand.u32 $0x1FFFFFF0, s10;
	s8 =	spop (v2sf)  }
0xa0: {  	[tilespmem:s0], [sflag:$0x2] =	stream.linear.gather [hbm4b:s1+s2], $0x80, $0x38;
	[tilespmem:$0x1A900] =	vst v63  }
0xa1: {  	s0 =	sadd.s32 s3, s6;
	s1 =	sand.u32 $0x1FFFFFF0, s8;
	s6 =	spop (v2sf)  }
0xa2: {  	[tilespmem:s28], [sflag:$0x2] =	stream.linear.gather [hbm4b:s0+s2], $0x80, $0x38;
	[tilespmem:$0x1A900] =	vst v63  }
0xa3: {  	s0 =	sadd.s32 s3, s7;
	s6 =	sand.u32 $0x1FFFFFF0, s6;
	s7 =	spop (v2sf)  }
0xa4: {  	[tilespmem:s25], [sflag:$0x2] =	stream.linear.gather [hbm4b:s0+s2], $0x80, $0x38;
	[tilespmem:$0x1A900] =	vst v63  }
0xa5: {  	s0 =	sadd.s32 s3, s1;
	s1 =	sand.u32 $0x1FFFFFF0, s7  }
0xa6: {  	[tilespmem:s26], [sflag:$0x2] =	stream.linear.gather [hbm4b:s0+s2], $0x80, $0x38;
	[tilespmem:$0x1A900] =	vst v63  }
0xa7: {  	s6 =	sadd.s32 s3, s6;
	s0 =	sadd.s32 $0xE800, s21  }
0xa8: {  	[tilespmem:s0], [sflag:$0x2] =	stream.linear.gather [hbm4b:s6+s2], $0x80, $0x38;
	[tilespmem:$0x1A900] =	vst v63  }
0xa9: {  	s1 =	sadd.s32 s3, s1;
	s0 =	sadd.s32 $0xE880, s21  }
0xaa: {  	[tilespmem:s0], [sflag:$0x2] =	stream.linear.gather [hbm4b:s1+s2], $0x80, $0x38;
	[tilespmem:$0x1A900] =	vst v63  }
0xab: {  	v0 =	vld [tilespmem:s22+$0x0];
	_ =	sdelay $0x4  }
0xac: {  	v0 =	vshll.u32 v0, $0x4  }
0xad: {  	(v2sf) =	vpush v0, $0x0  }
0xae: {  	(v2sf) =	vpush v0, $0x1  }
0xaf: {  	(v2sf) =	vpush v0, $0x2;
	_ =	sdelay $0x1  }
0xb0: {  	(v2sf) =	vpush v0, $0x4  }
.Ltmp1:
0xb1: {  	(pc) =	sbr.rel @p0 .LBB2_4-.Ltmp1, $3  }
0xb2: {  	(v2sf) =	vpush v0, $0x3  }
0xb3: {  	(v2sf) =	vpush v0, $0x5;
	_ =	sdelay $0x1  }
0xb4: {  	s21 =	sshra.s32 s24, $0x2;
	(v2sf) =	vpush v0, $0x6  }
0xb5: {  	_ =	sdelay $0x1  }
0xb6: {  	s7 =	sadd.s32 $0xE180, s21;
	s6 =	sadd.s32 $0xE680, s21  }
0xb7: {  	s8 =	sadd.s32 $0xE480, s21;
	s0 =	sadd.s32 $0xE700, s21;
	(v2sf) =	vpush v0, $0x7;
	s10 =	sadd.s32 $0xE380, s21  }
0xb8: {  	s11 =	sadd.s32 $0xE500, s21;
	s1 =	sadd.s32 $0xE780, s21;
	s12 =	sadd.s32 $0xE100, s21  }
0xb9: {  	s13 =	sadd.s32 $0xE300, s21;
	s15 =	sadd.s32 $0xE400, s21;
	(v2sf) =	vpush v0, $0x8;
	s20 =	spop (v2sf)  }
0xba: {  	s22 =	sadd.s32 $0xE200, s21;
	s20 =	sand.u32 $0x1FFFFFF0, s20;
	s23 =	spop (v2sf)  }
0xbb: {  	(v2sf) =	vpush v0, $0x9;
	s20 =	sadd.s32 s3, s20;
	s23 =	sand.u32 $0x1FFFFFF0, s23;
	s24 =	spop (v2sf)  }
0xbc: {  	[tilespmem:s12], [sflag:$0x2] =	stream.linear.gather [hbm4b:s20+s2], $0x80, $0x38;
	[tilespmem:$0x1A900] =	vst v63  }
0xbd: {  	s25 =	sadd.s32 $0xE280, s21;
	(v2sf) =	vpush v0, $0xA;
	s29 =	sadd.s32 s3, s23;
	s30 =	spop (v2sf)  }
0xbe: {  	[tilespmem:s7], [sflag:$0x2] =	stream.linear.gather [hbm4b:s29+s2], $0x80, $0x38;
	[tilespmem:$0x1A900] =	vst v63  }
0xbf: {  	s12 =	sadd.s32 $0xE600, s21;
	s31 =	sand.u32 $0x1FFFFFF0, s24;
	(v2sf) =	vpush v0, $0xB;
	s5 =	spop (v2sf)  }
0xc0: {  	s20 =	sadd.s32 s3, s31;
	s7 =	sadd.s32 $0xE580, s21;
	s24 =	sand.u32 $0x1FFFFFF0, s5  }
0xc1: {  	(v2sf) =	vpush v0, $0xC;
	[tilespmem:s22], [sflag:$0x2] =	stream.linear.gather [hbm4b:s20+s2], $0x80, $0x38;
	[tilespmem:$0x1A900] =	vst v63  }
0xc2: {  	s9 =	sand.u32 $0x1FFFFFF0, s30;
	s18 =	spop (v2sf);
	s24 =	sadd.s32 s3, s24  }
0xc3: {  	(v2sf) =	vpush v0, $0xD;
	[tilespmem:s25], [sflag:$0x2] =	stream.linear.gather [hbm4b:s24+s2], $0x80, $0x38;
	[tilespmem:$0x1A900] =	vst v63  }
0xc4: {  	s20 =	sadd.s32 s3, s9;
	s22 =	sand.u32 $0x1FFFFFF0, s18;
	s25 =	spop (v2sf)  }
0xc5: {  	(v2sf) =	vpush v0, $0xE;
	[tilespmem:s13], [sflag:$0x2] =	stream.linear.gather [hbm4b:s20+s2], $0x80, $0x38;
	[tilespmem:$0x1A900] =	vst v63  }
0xc6: {  	s22 =	sadd.s32 s3, s22;
	s26 =	sand.u32 $0x1FFFFFF0, s25;
	s28 =	spop (v2sf)  }
0xc7: {  	(v2sf) =	vpush v0, $0xF;
	[tilespmem:s10], [sflag:$0x2] =	stream.linear.gather [hbm4b:s22+s2], $0x80, $0x38;
	[tilespmem:$0x1A900] =	vst v63  }
0xc8: {  	s29 =	sand.u32 $0x1FFFFFF0, s28;
	s30 =	spop (v2sf);
	s13 =	sadd.s32 s3, s26  }
0xc9: {  	[tilespmem:s15], [sflag:$0x2] =	stream.linear.gather [hbm4b:s13+s2], $0x80, $0x38;
	[tilespmem:$0x1A900] =	vst v63  }
0xca: {  	s31 =	sand.u32 $0x1FFFFFF0, s30;
	s10 =	sadd.s32 s3, s29;
	s5 =	spop (v2sf)  }
0xcb: {  	[tilespmem:s8], [sflag:$0x2] =	stream.linear.gather [hbm4b:s10+s2], $0x80, $0x38;
	[tilespmem:$0x1A900] =	vst v63  }
0xcc: {  	s13 =	sadd.s32 s3, s31;
	s9 =	sand.u32 $0x1FFFFFF0, s5;
	s15 =	spop (v2sf)  }
0xcd: {  	[tilespmem:s11], [sflag:$0x2] =	stream.linear.gather [hbm4b:s13+s2], $0x80, $0x38;
	[tilespmem:$0x1A900] =	vst v63  }
0xce: {  	s10 =	sand.u32 $0x1FFFFFF0, s15;
	s8 =	sadd.s32 s3, s9;
	s18 =	spop (v2sf)  }
0xcf: {  	[tilespmem:s7], [sflag:$0x2] =	stream.linear.gather [hbm4b:s8+s2], $0x80, $0x38;
	[tilespmem:$0x1A900] =	vst v63  }
0xd0: {  	s10 =	sadd.s32 s3, s10;
	s20 =	sand.u32 $0x1FFFFFF0, s18;
	s22 =	spop (v2sf)  }
0xd1: {  	[tilespmem:s12], [sflag:$0x2] =	stream.linear.gather [hbm4b:s10+s2], $0x80, $0x38;
	[tilespmem:$0x1A900] =	vst v63  }
0xd2: {  	s7 =	sadd.s32 s3, s20;
	s8 =	sand.u32 $0x1FFFFFF0, s22;
	s23 =	spop (v2sf)  }
0xd3: {  	[tilespmem:s6], [sflag:$0x2] =	stream.linear.gather [hbm4b:s7+s2], $0x80, $0x38;
	[tilespmem:$0x1A900] =	vst v63  }
0xd4: {  	s24 =	sand.u32 $0x1FFFFFF0, s23;
	s8 =	sadd.s32 s3, s8;
	s25 =	spop (v2sf)  }
0xd5: {  	[tilespmem:s0], [sflag:$0x2] =	stream.linear.gather [hbm4b:s8+s2], $0x80, $0x38;
	[tilespmem:$0x1A900] =	vst v63  }
0xd6: {  	s26 =	sand.u32 $0x1FFFFFF0, s25;
	s28 =	spop (v2sf);
	s6 =	sadd.s32 s3, s24  }
0xd7: {  	[tilespmem:s1], [sflag:$0x2] =	stream.linear.gather [hbm4b:s6+s2], $0x80, $0x38;
	[tilespmem:$0x1A900] =	vst v63  }
0xd8: {  	s30 =	sadd.s32 $0xE800, s21;
	s29 =	sand.u32 $0x1FFFFFF0, s28;
	s0 =	sadd.s32 s3, s26  }
0xd9: {  	[tilespmem:s30], [sflag:$0x2] =	stream.linear.gather [hbm4b:s0+s2], $0x80, $0x38;
	[tilespmem:$0x1A900] =	vst v63  }
0xda: {  	s31 =	sadd.s32 $0xE880, s21;
	s1 =	sadd.s32 s3, s29  }
0xdb: {  	[tilespmem:s31], [sflag:$0x2] =	stream.linear.gather [hbm4b:s1+s2], $0x80, $0x38;
	[tilespmem:$0x1A900] =	vst v63  }
0xdc: {  	_ =	swait.ge [sflag:s14], $0xC800  }
0xdd: {  	[sflag:s14] =	ssyncset.done $0x0  }
0xde: {  	s0 =	simm.s32 $0x0;
	[sflag:s14] =	ssyncadd.s32 $0xFFFF3800  }
0xdf: {  	v0 =	vld [tilespmem:s0+$0x1900]  }
0xe0: {  	v2 =	vld [tilespmem:s0+$0x1910]  }
0xe1: {  	s1 =	simm.s32 $0x200;
	v1 =	vld [tilespmem:s0+$0x1920]  }
.LBB2_6:
0xe2: {  	p0 =	sne.s32 s1, $0x31E00;
	v3 =	vld [tilespmem:s0+$0x1930];
	_ =	sdelay $0x1  }
0xe3: {  	v0 =	vmul.f32 $8.000000000e+00, v0  }
.Ltmp2:
0xe4: {  	v2 =	vmul.f32 $8.000000000e+00, v2;
	(pc) =	sbr.rel @p0 .LBB2_6-.Ltmp2, $4  }
0xe5: {  	s6 =	sshra.s32 s1, $0x2;
	[tilespmem:s0+$0x1900] =	vst v0;
	v1 =	vmul.f32 $8.000000000e+00, v1  }
0xe6: {  	v0 =	vld [tilespmem:s6+$0x1900];
	[tilespmem:s0+$0x1910] =	vst v2;
	v3 =	vmul.f32 $8.000000000e+00, v3  }
0xe7: {  	v2 =	vld [tilespmem:s6+$0x1910];
	[tilespmem:s0+$0x1920] =	vst v1  }
0xe8: {  	s1 =	sadd.s32 $0x200, s1;
	v1 =	vld [tilespmem:s6+$0x1920];
	[tilespmem:s0+$0x1930] =	vst v3;
	s0 =	smov.u32 s6  }
0xe9: {  	v3 =	vld [tilespmem:s0+$0x1930];
	_ =	sdelay $0x1  }
0xea: {  	v0 =	vmul.f32 $8.000000000e+00, v0  }
0xeb: {  	v2 =	vmul.f32 $8.000000000e+00, v2  }
0xec: {  	[tilespmem:s0+$0x1900] =	vst v0;
	v0 =	vmul.f32 $8.000000000e+00, v1  }
0xed: {  	[tilespmem:s0+$0x1910] =	vst v2;
	v1 =	vmul.f32 $8.000000000e+00, v3  }
0xee: {  	[tilespmem:s0+$0x1920] =	vst v0  }
0xef: {  	s31 =	simm.s32 $0x0;
	s1 =	rddreg [dreg:$0x5];
	s5 =	simm.s32 $0x1900;
	[tilespmem:s0+$0x1930] =	vst v1  }
0xf0: {  	[hbm4b:s1+s31] =	stream.linear.scatter [tilespmem:s5], [sflag:$0x3], $0xC800, $0x38;
	[tilespmem:$0x1A900] =	vst v63  }
0xf1: {  	_ =	swait.ge [sflag:s16], $0xC800  }
0xf2: {  	[sflag:s16] =	ssyncset.done $0x0  }
0xf3: {  	s22 =	simm.s32 $0x320;
	[sflag:s16] =	ssyncadd.s32 $0xFFFF3800  }
0xf4: {  	v0 =	vld [tilespmem:s22+$0x0];
	_ =	sdelay $0x4  }
0xf5: {  	v0 =	vshll.u32 v0, $0x4  }
0xf6: {  	(v2sf) =	vpush v0, $0x0  }
0xf7: {  	(v2sf) =	vpush v0, $0x1  }
0xf8: {  	(v2sf) =	vpush v0, $0x2;
	_ =	sdelay $0x1  }
0xf9: {  	(v2sf) =	vpush v0, $0x4;
	_ =	sdelay $0x1  }
0xfa: {  	(v2sf) =	vpush v0, $0x3  }
0xfb: {  	(v2sf) =	vpush v0, $0x5  }
0xfc: {  	s23 =	simm.s32 $0x2000;
	s21 =	simm.s32 $0x0;
	(v2sf) =	vpush v0, $0x6  }
.LBB2_8:
0xfd: {  	p0 =	sne.s32 s23, $0x30000  }
0xfe: {  	s10 =	sadd.s32 $0x1980, s21;
	s28 =	sadd.s32 $0x1E80, s21;
	s24 =	smov.u32 s23  }
0xff: {  	s23 =	sadd.s32 $0x2000, s23;
	s6 =	sadd.s32 $0x1C80, s21;
	s25 =	sadd.s32 $0x1F00, s21;
	(v2sf) =	vpush v0, $0x7  }
0x100: {  	s8 =	sadd.s32 $0x1B80, s21;
	s1 =	sadd.s32 $0x1D00, s21;
	s26 =	sadd.s32 $0x1F80, s21  }
0x101: {  	s11 =	sadd.s32 $0x1900, s21;
	s12 =	sadd.s32 $0x1B00, s21;
	(v2sf) =	vpush v0, $0x8  }
0x102: {  	s13 =	sadd.s32 $0x1C00, s21;
	s22 =	sadd.s32 $0x10, s22  }
0x103: {  	s15 =	sadd.s32 $0x1A00, s21;
	s0 =	sadd.s32 $0x1E00, s21;
	s7 =	spop (v2sf);
	(v2sf) =	vpush v0, $0x9  }
0x104: {  	s20 =	sand.u32 $0x1FFFFFF0, s7;
	s7 =	sadd.s32 $0x1D80, s21;
	s29 =	spop (v2sf)  }
0x105: {  	s20 =	sadd.s32 s3, s20;
	s29 =	sand.u32 $0x1FFFFFF0, s29;
	s30 =	spop (v2sf);
	(v2sf) =	vpush v0, $0xA  }
0x106: {  	[tilespmem:s11], [sflag:$0x1] =	stream.linear.gather [hbm4b:s20+s2], $0x80, $0x38;
	[tilespmem:$0x1A900] =	vst v63  }
0x107: {  	s11 =	sadd.s32 s3, s29;
	s20 =	sadd.s32 $0x1A80, s21;
	s29 =	spop (v2sf);
	(v2sf) =	vpush v0, $0xB  }
0x108: {  	[tilespmem:s10], [sflag:$0x1] =	stream.linear.gather [hbm4b:s11+s2], $0x80, $0x38;
	[tilespmem:$0x1A900] =	vst v63  }
0x109: {  	s10 =	sand.u32 $0x1FFFFFF0, s30;
	s11 =	sand.u32 $0x1FFFFFF0, s29;
	s29 =	spop (v2sf);
	(v2sf) =	vpush v0, $0xC  }
0x10a: {  	s10 =	sadd.s32 s3, s10;
	s29 =	sand.u32 $0x1FFFFFF0, s29;
	s30 =	spop (v2sf)  }
0x10b: {  	[tilespmem:s15], [sflag:$0x1] =	stream.linear.gather [hbm4b:s10+s2], $0x80, $0x38;
	(v2sf) =	vpush v0, $0xD;
	[tilespmem:$0x1A900] =	vst v63  }
0x10c: {  	s10 =	sadd.s32 s3, s29;
	s15 =	sand.u32 $0x1FFFFFF0, s30;
	s29 =	spop (v2sf)  }
0x10d: {  	[tilespmem:s20], [sflag:$0x1] =	stream.linear.gather [hbm4b:s10+s2], $0x80, $0x38;
	(v2sf) =	vpush v0, $0xE;
	[tilespmem:$0x1A900] =	vst v63  }
0x10e: {  	s10 =	sadd.s32 s3, s11;
	s11 =	sand.u32 $0x1FFFFFF0, s29;
	s20 =	spop (v2sf)  }
0x10f: {  	[tilespmem:s12], [sflag:$0x1] =	stream.linear.gather [hbm4b:s10+s2], $0x80, $0x38;
	(v2sf) =	vpush v0, $0xF;
	[tilespmem:$0x1A900] =	vst v63  }
0x110: {  	s10 =	sadd.s32 s3, s15;
	s12 =	sand.u32 $0x1FFFFFF0, s20;
	s15 =	spop (v2sf)  }
0x111: {  	[tilespmem:s8], [sflag:$0x1] =	stream.linear.gather [hbm4b:s10+s2], $0x80, $0x38;
	[tilespmem:$0x1A900] =	vst v63  }
0x112: {  	s8 =	sadd.s32 s3, s11;
	s10 =	sand.u32 $0x1FFFFFF0, s15;
	s11 =	spop (v2sf)  }
0x113: {  	[tilespmem:s13], [sflag:$0x1] =	stream.linear.gather [hbm4b:s8+s2], $0x80, $0x38;
	[tilespmem:$0x1A900] =	vst v63  }
0x114: {  	s8 =	sadd.s32 s3, s12;
	s11 =	sand.u32 $0x1FFFFFF0, s11;
	s12 =	spop (v2sf)  }
0x115: {  	[tilespmem:s6], [sflag:$0x1] =	stream.linear.gather [hbm4b:s8+s2], $0x80, $0x38;
	[tilespmem:$0x1A900] =	vst v63  }
0x116: {  	s6 =	sadd.s32 s3, s10;
	s8 =	sand.u32 $0x1FFFFFF0, s12;
	s10 =	spop (v2sf)  }
0x117: {  	[tilespmem:s1], [sflag:$0x1] =	stream.linear.gather [hbm4b:s6+s2], $0x80, $0x38;
	[tilespmem:$0x1A900] =	vst v63  }
0x118: {  	s1 =	sadd.s32 s3, s11;
	s6 =	sand.u32 $0x1FFFFFF0, s10;
	s10 =	spop (v2sf)  }
0x119: {  	[tilespmem:s7], [sflag:$0x1] =	stream.linear.gather [hbm4b:s1+s2], $0x80, $0x38;
	[tilespmem:$0x1A900] =	vst v63  }
0x11a: {  	s1 =	sadd.s32 s3, s8;
	s7 =	sand.u32 $0x1FFFFFF0, s10;
	s8 =	spop (v2sf)  }
0x11b: {  	[tilespmem:s0], [sflag:$0x1] =	stream.linear.gather [hbm4b:s1+s2], $0x80, $0x38;
	[tilespmem:$0x1A900] =	vst v63  }
0x11c: {  	s0 =	sadd.s32 s3, s6;
	s1 =	sand.u32 $0x1FFFFFF0, s8;
	s6 =	spop (v2sf)  }
0x11d: {  	[tilespmem:s28], [sflag:$0x1] =	stream.linear.gather [hbm4b:s0+s2], $0x80, $0x38;
	[tilespmem:$0x1A900] =	vst v63  }
0x11e: {  	s0 =	sadd.s32 s3, s7;
	s6 =	sand.u32 $0x1FFFFFF0, s6;
	s7 =	spop (v2sf)  }
0x11f: {  	[tilespmem:s25], [sflag:$0x1] =	stream.linear.gather [hbm4b:s0+s2], $0x80, $0x38;
	[tilespmem:$0x1A900] =	vst v63  }
0x120: {  	s0 =	sadd.s32 s3, s1;
	s1 =	sand.u32 $0x1FFFFFF0, s7  }
0x121: {  	[tilespmem:s26], [sflag:$0x1] =	stream.linear.gather [hbm4b:s0+s2], $0x80, $0x38;
	[tilespmem:$0x1A900] =	vst v63  }
0x122: {  	s6 =	sadd.s32 s3, s6;
	s0 =	sadd.s32 $0x2000, s21  }
0x123: {  	[tilespmem:s0], [sflag:$0x1] =	stream.linear.gather [hbm4b:s6+s2], $0x80, $0x38;
	[tilespmem:$0x1A900] =	vst v63  }
0x124: {  	s1 =	sadd.s32 s3, s1;
	s0 =	sadd.s32 $0x2080, s21  }
0x125: {  	[tilespmem:s0], [sflag:$0x1] =	stream.linear.gather [hbm4b:s1+s2], $0x80, $0x38;
	[tilespmem:$0x1A900] =	vst v63  }
0x126: {  	v0 =	vld [tilespmem:s22+$0x0];
	_ =	sdelay $0x4  }
0x127: {  	v0 =	vshll.u32 v0, $0x4  }
0x128: {  	(v2sf) =	vpush v0, $0x0  }
0x129: {  	(v2sf) =	vpush v0, $0x1  }
0x12a: {  	(v2sf) =	vpush v0, $0x2;
	_ =	sdelay $0x1  }
0x12b: {  	(v2sf) =	vpush v0, $0x4  }
.Ltmp3:
0x12c: {  	(pc) =	sbr.rel @p0 .LBB2_8-.Ltmp3, $3  }
0x12d: {  	(v2sf) =	vpush v0, $0x3  }
0x12e: {  	(v2sf) =	vpush v0, $0x5;
	_ =	sdelay $0x1  }
0x12f: {  	s21 =	sshra.s32 s24, $0x2;
	(v2sf) =	vpush v0, $0x6  }
0x130: {  	_ =	sdelay $0x1  }
0x131: {  	s7 =	sadd.s32 $0x1980, s21;
	s6 =	sadd.s32 $0x1E80, s21  }
0x132: {  	s8 =	sadd.s32 $0x1C80, s21;
	s0 =	sadd.s32 $0x1F00, s21;
	(v2sf) =	vpush v0, $0x7;
	s10 =	sadd.s32 $0x1B80, s21  }
0x133: {  	s11 =	sadd.s32 $0x1D00, s21;
	s1 =	sadd.s32 $0x1F80, s21;
	s12 =	sadd.s32 $0x1900, s21  }
0x134: {  	s13 =	sadd.s32 $0x1B00, s21;
	s15 =	sadd.s32 $0x1C00, s21;
	(v2sf) =	vpush v0, $0x8;
	s20 =	spop (v2sf)  }
0x135: {  	s22 =	sadd.s32 $0x1A00, s21;
	s20 =	sand.u32 $0x1FFFFFF0, s20;
	s23 =	spop (v2sf)  }
0x136: {  	(v2sf) =	vpush v0, $0x9;
	s20 =	sadd.s32 s3, s20;
	s23 =	sand.u32 $0x1FFFFFF0, s23;
	s24 =	spop (v2sf)  }
0x137: {  	[tilespmem:s12], [sflag:$0x1] =	stream.linear.gather [hbm4b:s20+s2], $0x80, $0x38;
	[tilespmem:$0x1A900] =	vst v63  }
0x138: {  	s25 =	sadd.s32 $0x1A80, s21;
	(v2sf) =	vpush v0, $0xA;
	s29 =	sadd.s32 s3, s23;
	s30 =	spop (v2sf)  }
0x139: {  	[tilespmem:s7], [sflag:$0x1] =	stream.linear.gather [hbm4b:s29+s2], $0x80, $0x38;
	[tilespmem:$0x1A900] =	vst v63  }
0x13a: {  	s12 =	sadd.s32 $0x1E00, s21;
	s31 =	sand.u32 $0x1FFFFFF0, s24;
	(v2sf) =	vpush v0, $0xB;
	s5 =	spop (v2sf)  }
0x13b: {  	s20 =	sadd.s32 s3, s31;
	s7 =	sadd.s32 $0x1D80, s21;
	s24 =	sand.u32 $0x1FFFFFF0, s5  }
0x13c: {  	(v2sf) =	vpush v0, $0xC;
	[tilespmem:s22], [sflag:$0x1] =	stream.linear.gather [hbm4b:s20+s2], $0x80, $0x38;
	[tilespmem:$0x1A900] =	vst v63  }
0x13d: {  	s9 =	sand.u32 $0x1FFFFFF0, s30;
	s18 =	spop (v2sf);
	s24 =	sadd.s32 s3, s24  }
0x13e: {  	(v2sf) =	vpush v0, $0xD;
	[tilespmem:s25], [sflag:$0x1] =	stream.linear.gather [hbm4b:s24+s2], $0x80, $0x38;
	[tilespmem:$0x1A900] =	vst v63  }
0x13f: {  	s20 =	sadd.s32 s3, s9;
	s22 =	sand.u32 $0x1FFFFFF0, s18;
	s25 =	spop (v2sf)  }
0x140: {  	(v2sf) =	vpush v0, $0xE;
	[tilespmem:s13], [sflag:$0x1] =	stream.linear.gather [hbm4b:s20+s2], $0x80, $0x38;
	[tilespmem:$0x1A900] =	vst v63  }
0x141: {  	s22 =	sadd.s32 s3, s22;
	s26 =	sand.u32 $0x1FFFFFF0, s25;
	s28 =	spop (v2sf)  }
0x142: {  	(v2sf) =	vpush v0, $0xF;
	[tilespmem:s10], [sflag:$0x1] =	stream.linear.gather [hbm4b:s22+s2], $0x80, $0x38;
	[tilespmem:$0x1A900] =	vst v63  }
0x143: {  	s29 =	sand.u32 $0x1FFFFFF0, s28;
	s30 =	spop (v2sf);
	s13 =	sadd.s32 s3, s26  }
0x144: {  	[tilespmem:s15], [sflag:$0x1] =	stream.linear.gather [hbm4b:s13+s2], $0x80, $0x38;
	[tilespmem:$0x1A900] =	vst v63  }
0x145: {  	s31 =	sand.u32 $0x1FFFFFF0, s30;
	s10 =	sadd.s32 s3, s29;
	s5 =	spop (v2sf)  }
0x146: {  	[tilespmem:s8], [sflag:$0x1] =	stream.linear.gather [hbm4b:s10+s2], $0x80, $0x38;
	[tilespmem:$0x1A900] =	vst v63  }
0x147: {  	s13 =	sadd.s32 s3, s31;
	s9 =	sand.u32 $0x1FFFFFF0, s5;
	s15 =	spop (v2sf)  }
0x148: {  	[tilespmem:s11], [sflag:$0x1] =	stream.linear.gather [hbm4b:s13+s2], $0x80, $0x38;
	[tilespmem:$0x1A900] =	vst v63  }
0x149: {  	s10 =	sand.u32 $0x1FFFFFF0, s15;
	s8 =	sadd.s32 s3, s9;
	s18 =	spop (v2sf)  }
0x14a: {  	[tilespmem:s7], [sflag:$0x1] =	stream.linear.gather [hbm4b:s8+s2], $0x80, $0x38;
	[tilespmem:$0x1A900] =	vst v63  }
0x14b: {  	s10 =	sadd.s32 s3, s10;
	s20 =	sand.u32 $0x1FFFFFF0, s18;
	s22 =	spop (v2sf)  }
0x14c: {  	[tilespmem:s12], [sflag:$0x1] =	stream.linear.gather [hbm4b:s10+s2], $0x80, $0x38;
	[tilespmem:$0x1A900] =	vst v63  }
0x14d: {  	s7 =	sadd.s32 s3, s20;
	s8 =	sand.u32 $0x1FFFFFF0, s22;
	s23 =	spop (v2sf)  }
0x14e: {  	[tilespmem:s6], [sflag:$0x1] =	stream.linear.gather [hbm4b:s7+s2], $0x80, $0x38;
	[tilespmem:$0x1A900] =	vst v63  }
0x14f: {  	s24 =	sand.u32 $0x1FFFFFF0, s23;
	s8 =	sadd.s32 s3, s8;
	s25 =	spop (v2sf)  }
0x150: {  	[tilespmem:s0], [sflag:$0x1] =	stream.linear.gather [hbm4b:s8+s2], $0x80, $0x38;
	[tilespmem:$0x1A900] =	vst v63  }
0x151: {  	s26 =	sand.u32 $0x1FFFFFF0, s25;
	s28 =	spop (v2sf);
	s6 =	sadd.s32 s3, s24  }
0x152: {  	[tilespmem:s1], [sflag:$0x1] =	stream.linear.gather [hbm4b:s6+s2], $0x80, $0x38;
	[tilespmem:$0x1A900] =	vst v63  }
0x153: {  	s30 =	sadd.s32 $0x2000, s21;
	s29 =	sand.u32 $0x1FFFFFF0, s28;
	s0 =	sadd.s32 s3, s26  }
0x154: {  	[tilespmem:s30], [sflag:$0x1] =	stream.linear.gather [hbm4b:s0+s2], $0x80, $0x38;
	[tilespmem:$0x1A900] =	vst v63  }
0x155: {  	s31 =	sadd.s32 $0x2080, s21;
	s1 =	sadd.s32 s3, s29  }
0x156: {  	[tilespmem:s31], [sflag:$0x1] =	stream.linear.gather [hbm4b:s1+s2], $0x80, $0x38;
	[tilespmem:$0x1A900] =	vst v63  }
0x157: {  	_ =	swait.ge [sflag:s17], $0xC800  }
0x158: {  	[sflag:s17] =	ssyncset.done $0x0  }
0x159: {  	s0 =	simm.s32 $0x0;
	[sflag:s17] =	ssyncadd.s32 $0xFFFF3800  }
0x15a: {  	v0 =	vld [tilespmem:s0+$0xE100]  }
0x15b: {  	v2 =	vld [tilespmem:s0+$0xE110]  }
0x15c: {  	s1 =	simm.s32 $0x200;
	v1 =	vld [tilespmem:s0+$0xE120]  }
.LBB2_10:
0x15d: {  	p0 =	sne.s32 s1, $0x31E00;
	v3 =	vld [tilespmem:s0+$0xE130];
	_ =	sdelay $0x1  }
0x15e: {  	v0 =	vmul.f32 $8.000000000e+00, v0  }
.Ltmp4:
0x15f: {  	v2 =	vmul.f32 $8.000000000e+00, v2;
	(pc) =	sbr.rel @p0 .LBB2_10-.Ltmp4, $4  }
0x160: {  	s6 =	sshra.s32 s1, $0x2;
	[tilespmem:s0+$0xE100] =	vst v0;
	v1 =	vmul.f32 $8.000000000e+00, v1  }
0x161: {  	v0 =	vld [tilespmem:s6+$0xE100];
	[tilespmem:s0+$0xE110] =	vst v2;
	v3 =	vmul.f32 $8.000000000e+00, v3  }
0x162: {  	v2 =	vld [tilespmem:s6+$0xE110];
	[tilespmem:s0+$0xE120] =	vst v1  }
0x163: {  	s1 =	sadd.s32 $0x200, s1;
	v1 =	vld [tilespmem:s6+$0xE120];
	[tilespmem:s0+$0xE130] =	vst v3;
	s0 =	smov.u32 s6  }
0x164: {  	v3 =	vld [tilespmem:s0+$0xE130];
	_ =	sdelay $0x1  }
0x165: {  	v0 =	vmul.f32 $8.000000000e+00, v0  }
0x166: {  	v2 =	vmul.f32 $8.000000000e+00, v2  }
0x167: {  	[tilespmem:s0+$0xE100] =	vst v0;
	v0 =	vmul.f32 $8.000000000e+00, v1  }
0x168: {  	[tilespmem:s0+$0xE110] =	vst v2;
	v1 =	vmul.f32 $8.000000000e+00, v3  }
0x169: {  	[tilespmem:s0+$0xE120] =	vst v0  }
0x16a: {  	s31 =	simm.s32 $0x0;
	s1 =	rddreg [dreg:$0x6];
	s5 =	simm.s32 $0xE100;
	[tilespmem:s0+$0xE130] =	vst v1  }
0x16b: {  	[hbm4b:s1+s31] =	stream.linear.scatter [tilespmem:s5], [sflag:$0x4], $0xC800, $0x38;
	[tilespmem:$0x1A900] =	vst v63  }
0x16c: {  	_ =	swait.ge [sflag:s19], $0xC800  }
0x16d: {  	[sflag:s19] =	ssyncset.done $0x0  }
0x16e: {  	s22 =	simm.s32 $0x4B0;
	[sflag:s19] =	ssyncadd.s32 $0xFFFF3800  }
0x16f: {  	v0 =	vld [tilespmem:s22+$0x0];
	_ =	sdelay $0x4  }
0x170: {  	v0 =	vshll.u32 v0, $0x4  }
0x171: {  	(v2sf) =	vpush v0, $0x0  }
0x172: {  	(v2sf) =	vpush v0, $0x1  }
0x173: {  	(v2sf) =	vpush v0, $0x2;
	_ =	sdelay $0x1  }
0x174: {  	(v2sf) =	vpush v0, $0x4;
	_ =	sdelay $0x1  }
0x175: {  	(v2sf) =	vpush v0, $0x3  }
0x176: {  	(v2sf) =	vpush v0, $0x5  }
0x177: {  	s23 =	simm.s32 $0x2000;
	s21 =	simm.s32 $0x0;
	(v2sf) =	vpush v0, $0x6  }
.LBB2_12:
0x178: {  	p0 =	sne.s32 s23, $0x30000  }
0x179: {  	s10 =	sadd.s32 $0xE180, s21;
	s28 =	sadd.s32 $0xE680, s21;
	s24 =	smov.u32 s23  }
0x17a: {  	s23 =	sadd.s32 $0x2000, s23;
	s6 =	sadd.s32 $0xE480, s21;
	s25 =	sadd.s32 $0xE700, s21;
	(v2sf) =	vpush v0, $0x7  }
0x17b: {  	s8 =	sadd.s32 $0xE380, s21;
	s1 =	sadd.s32 $0xE500, s21;
	s26 =	sadd.s32 $0xE780, s21  }
0x17c: {  	s11 =	sadd.s32 $0xE100, s21;
	s12 =	sadd.s32 $0xE300, s21;
	(v2sf) =	vpush v0, $0x8  }
0x17d: {  	s13 =	sadd.s32 $0xE400, s21;
	s22 =	sadd.s32 $0x10, s22  }
0x17e: {  	s15 =	sadd.s32 $0xE200, s21;
	s0 =	sadd.s32 $0xE600, s21;
	s7 =	spop (v2sf);
	(v2sf) =	vpush v0, $0x9  }
0x17f: {  	s20 =	sand.u32 $0x1FFFFFF0, s7;
	s7 =	sadd.s32 $0xE580, s21;
	s29 =	spop (v2sf)  }
0x180: {  	s20 =	sadd.s32 s3, s20;
	s29 =	sand.u32 $0x1FFFFFF0, s29;
	s30 =	spop (v2sf);
	(v2sf) =	vpush v0, $0xA  }
0x181: {  	[tilespmem:s11], [sflag:$0x2] =	stream.linear.gather [hbm4b:s20+s2], $0x80, $0x38;
	[tilespmem:$0x1A900] =	vst v63  }
0x182: {  	s11 =	sadd.s32 s3, s29;
	s20 =	sadd.s32 $0xE280, s21;
	s29 =	spop (v2sf);
	(v2sf) =	vpush v0, $0xB  }
0x183: {  	[tilespmem:s10], [sflag:$0x2] =	stream.linear.gather [hbm4b:s11+s2], $0x80, $0x38;
	[tilespmem:$0x1A900] =	vst v63  }
0x184: {  	s10 =	sand.u32 $0x1FFFFFF0, s30;
	s11 =	sand.u32 $0x1FFFFFF0, s29;
	s29 =	spop (v2sf);
	(v2sf) =	vpush v0, $0xC  }
0x185: {  	s10 =	sadd.s32 s3, s10;
	s29 =	sand.u32 $0x1FFFFFF0, s29;
	s30 =	spop (v2sf)  }
0x186: {  	[tilespmem:s15], [sflag:$0x2] =	stream.linear.gather [hbm4b:s10+s2], $0x80, $0x38;
	(v2sf) =	vpush v0, $0xD;
	[tilespmem:$0x1A900] =	vst v63  }
0x187: {  	s10 =	sadd.s32 s3, s29;
	s15 =	sand.u32 $0x1FFFFFF0, s30;
	s29 =	spop (v2sf)  }
0x188: {  	[tilespmem:s20], [sflag:$0x2] =	stream.linear.gather [hbm4b:s10+s2], $0x80, $0x38;
	(v2sf) =	vpush v0, $0xE;
	[tilespmem:$0x1A900] =	vst v63  }
0x189: {  	s10 =	sadd.s32 s3, s11;
	s11 =	sand.u32 $0x1FFFFFF0, s29;
	s20 =	spop (v2sf)  }
0x18a: {  	[tilespmem:s12], [sflag:$0x2] =	stream.linear.gather [hbm4b:s10+s2], $0x80, $0x38;
	(v2sf) =	vpush v0, $0xF;
	[tilespmem:$0x1A900] =	vst v63  }
0x18b: {  	s10 =	sadd.s32 s3, s15;
	s12 =	sand.u32 $0x1FFFFFF0, s20;
	s15 =	spop (v2sf)  }
0x18c: {  	[tilespmem:s8], [sflag:$0x2] =	stream.linear.gather [hbm4b:s10+s2], $0x80, $0x38;
	[tilespmem:$0x1A900] =	vst v63  }
0x18d: {  	s8 =	sadd.s32 s3, s11;
	s10 =	sand.u32 $0x1FFFFFF0, s15;
	s11 =	spop (v2sf)  }
0x18e: {  	[tilespmem:s13], [sflag:$0x2] =	stream.linear.gather [hbm4b:s8+s2], $0x80, $0x38;
	[tilespmem:$0x1A900] =	vst v63  }
0x18f: {  	s8 =	sadd.s32 s3, s12;
	s11 =	sand.u32 $0x1FFFFFF0, s11;
	s12 =	spop (v2sf)  }
0x190: {  	[tilespmem:s6], [sflag:$0x2] =	stream.linear.gather [hbm4b:s8+s2], $0x80, $0x38;
	[tilespmem:$0x1A900] =	vst v63  }
0x191: {  	s6 =	sadd.s32 s3, s10;
	s8 =	sand.u32 $0x1FFFFFF0, s12;
	s10 =	spop (v2sf)  }
0x192: {  	[tilespmem:s1], [sflag:$0x2] =	stream.linear.gather [hbm4b:s6+s2], $0x80, $0x38;
	[tilespmem:$0x1A900] =	vst v63  }
0x193: {  	s1 =	sadd.s32 s3, s11;
	s6 =	sand.u32 $0x1FFFFFF0, s10;
	s10 =	spop (v2sf)  }
0x194: {  	[tilespmem:s7], [sflag:$0x2] =	stream.linear.gather [hbm4b:s1+s2], $0x80, $0x38;
	[tilespmem:$0x1A900] =	vst v63  }
0x195: {  	s1 =	sadd.s32 s3, s8;
	s7 =	sand.u32 $0x1FFFFFF0, s10;
	s8 =	spop (v2sf)  }
0x196: {  	[tilespmem:s0], [sflag:$0x2] =	stream.linear.gather [hbm4b:s1+s2], $0x80, $0x38;
	[tilespmem:$0x1A900] =	vst v63  }
0x197: {  	s0 =	sadd.s32 s3, s6;
	s1 =	sand.u32 $0x1FFFFFF0, s8;
	s6 =	spop (v2sf)  }
0x198: {  	[tilespmem:s28], [sflag:$0x2] =	stream.linear.gather [hbm4b:s0+s2], $0x80, $0x38;
	[tilespmem:$0x1A900] =	vst v63  }
0x199: {  	s0 =	sadd.s32 s3, s7;
	s6 =	sand.u32 $0x1FFFFFF0, s6;
	s7 =	spop (v2sf)  }
0x19a: {  	[tilespmem:s25], [sflag:$0x2] =	stream.linear.gather [hbm4b:s0+s2], $0x80, $0x38;
	[tilespmem:$0x1A900] =	vst v63  }
0x19b: {  	s0 =	sadd.s32 s3, s1;
	s1 =	sand.u32 $0x1FFFFFF0, s7  }
0x19c: {  	[tilespmem:s26], [sflag:$0x2] =	stream.linear.gather [hbm4b:s0+s2], $0x80, $0x38;
	[tilespmem:$0x1A900] =	vst v63  }
0x19d: {  	s6 =	sadd.s32 s3, s6;
	s0 =	sadd.s32 $0xE800, s21  }
0x19e: {  	[tilespmem:s0], [sflag:$0x2] =	stream.linear.gather [hbm4b:s6+s2], $0x80, $0x38;
	[tilespmem:$0x1A900] =	vst v63  }
0x19f: {  	s1 =	sadd.s32 s3, s1;
	s0 =	sadd.s32 $0xE880, s21  }
0x1a0: {  	[tilespmem:s0], [sflag:$0x2] =	stream.linear.gather [hbm4b:s1+s2], $0x80, $0x38;
	[tilespmem:$0x1A900] =	vst v63  }
0x1a1: {  	v0 =	vld [tilespmem:s22+$0x0];
	_ =	sdelay $0x4  }
0x1a2: {  	v0 =	vshll.u32 v0, $0x4  }
0x1a3: {  	(v2sf) =	vpush v0, $0x0  }
0x1a4: {  	(v2sf) =	vpush v0, $0x1  }
0x1a5: {  	(v2sf) =	vpush v0, $0x2;
	_ =	sdelay $0x1  }
0x1a6: {  	(v2sf) =	vpush v0, $0x4  }
.Ltmp5:
0x1a7: {  	(pc) =	sbr.rel @p0 .LBB2_12-.Ltmp5, $3  }
0x1a8: {  	(v2sf) =	vpush v0, $0x3  }
0x1a9: {  	(v2sf) =	vpush v0, $0x5;
	_ =	sdelay $0x1  }
0x1aa: {  	s21 =	sshra.s32 s24, $0x2;
	(v2sf) =	vpush v0, $0x6  }
0x1ab: {  	_ =	sdelay $0x1  }
0x1ac: {  	s7 =	sadd.s32 $0xE180, s21;
	(v2sf) =	vpush v0, $0x7  }
0x1ad: {  	s6 =	sadd.s32 $0xE680, s21;
	s8 =	sadd.s32 $0xE480, s21;
	s0 =	sadd.s32 $0xE700, s21  }
0x1ae: {  	s10 =	sadd.s32 $0xE380, s21;
	s11 =	sadd.s32 $0xE500, s21;
	s1 =	sadd.s32 $0xE780, s21;
	(v2sf) =	vpush v0, $0x8  }
0x1af: {  	s12 =	sadd.s32 $0xE100, s21;
	s13 =	sadd.s32 $0xE300, s21;
	s20 =	spop (v2sf)  }
0x1b0: {  	s15 =	sadd.s32 $0xE400, s21;
	s20 =	sand.u32 $0x1FFFFFF0, s20;
	s23 =	spop (v2sf)  }
0x1b1: {  	s20 =	sadd.s32 s3, s20;
	s23 =	sand.u32 $0x1FFFFFF0, s23;
	s24 =	spop (v2sf)  }
0x1b2: {  	(v2sf) =	vpush v0, $0x9;
	[tilespmem:s12], [sflag:$0x2] =	stream.linear.gather [hbm4b:s20+s2], $0x80, $0x38;
	[tilespmem:$0x1A900] =	vst v63  }
0x1b3: {  	s22 =	sadd.s32 $0xE200, s21;
	s29 =	sadd.s32 s3, s23;
	s30 =	spop (v2sf)  }
0x1b4: {  	(v2sf) =	vpush v0, $0xA;
	[tilespmem:s7], [sflag:$0x2] =	stream.linear.gather [hbm4b:s29+s2], $0x80, $0x38;
	[tilespmem:$0x1A900] =	vst v63  }
0x1b5: {  	s25 =	sadd.s32 $0xE280, s21;
	s31 =	sand.u32 $0x1FFFFFF0, s24;
	s5 =	spop (v2sf)  }
0x1b6: {  	s12 =	sadd.s32 $0xE600, s21;
	(v2sf) =	vpush v0, $0xB;
	s20 =	sadd.s32 s3, s31;
	s24 =	sand.u32 $0x1FFFFFF0, s5  }
0x1b7: {  	[tilespmem:s22], [sflag:$0x2] =	stream.linear.gather [hbm4b:s20+s2], $0x80, $0x38;
	[tilespmem:$0x1A900] =	vst v63  }
0x1b8: {  	s7 =	sadd.s32 $0xE580, s21;
	(v2sf) =	vpush v0, $0xC;
	s18 =	spop (v2sf);
	s24 =	sadd.s32 s3, s24  }
0x1b9: {  	[tilespmem:s25], [sflag:$0x2] =	stream.linear.gather [hbm4b:s24+s2], $0x80, $0x38;
	[tilespmem:$0x1A900] =	vst v63  }
0x1ba: {  	s9 =	sand.u32 $0x1FFFFFF0, s30;
	(v2sf) =	vpush v0, $0xD;
	s22 =	sand.u32 $0x1FFFFFF0, s18;
	s25 =	spop (v2sf)  }
0x1bb: {  	s20 =	sadd.s32 s3, s9;
	s22 =	sadd.s32 s3, s22;
	s28 =	spop (v2sf)  }
0x1bc: {  	(v2sf) =	vpush v0, $0xE;
	[tilespmem:s13], [sflag:$0x2] =	stream.linear.gather [hbm4b:s20+s2], $0x80, $0x38;
	[tilespmem:$0x1A900] =	vst v63  }
0x1bd: {  	s26 =	sand.u32 $0x1FFFFFF0, s25;
	s29 =	sand.u32 $0x1FFFFFF0, s28;
	s30 =	spop (v2sf)  }
0x1be: {  	(v2sf) =	vpush v0, $0xF;
	[tilespmem:s10], [sflag:$0x2] =	stream.linear.gather [hbm4b:s22+s2], $0x80, $0x38;
	[tilespmem:$0x1A900] =	vst v63  }
0x1bf: {  	s13 =	sadd.s32 s3, s26;
	s31 =	sand.u32 $0x1FFFFFF0, s30;
	s30 =	sadd.s32 $0xE800, s21  }
0x1c0: {  	[tilespmem:s15], [sflag:$0x2] =	stream.linear.gather [hbm4b:s13+s2], $0x80, $0x38;
	[tilespmem:$0x1A900] =	vst v63  }
0x1c1: {  	s10 =	sadd.s32 s3, s29;
	s13 =	sadd.s32 s3, s31;
	s5 =	spop (v2sf)  }
0x1c2: {  	[tilespmem:s8], [sflag:$0x2] =	stream.linear.gather [hbm4b:s10+s2], $0x80, $0x38;
	[tilespmem:$0x1A900] =	vst v63  }
0x1c3: {  	s31 =	sadd.s32 $0xE880, s21;
	s9 =	sand.u32 $0x1FFFFFF0, s5;
	s15 =	spop (v2sf)  }
0x1c4: {  	[tilespmem:s11], [sflag:$0x2] =	stream.linear.gather [hbm4b:s13+s2], $0x80, $0x38;
	[tilespmem:$0x1A900] =	vst v63  }
0x1c5: {  	s10 =	sand.u32 $0x1FFFFFF0, s15;
	s8 =	sadd.s32 s3, s9;
	s18 =	spop (v2sf)  }
0x1c6: {  	[tilespmem:s7], [sflag:$0x2] =	stream.linear.gather [hbm4b:s8+s2], $0x80, $0x38;
	[tilespmem:$0x1A900] =	vst v63  }
0x1c7: {  	s10 =	sadd.s32 s3, s10;
	s20 =	sand.u32 $0x1FFFFFF0, s18;
	s22 =	spop (v2sf)  }
0x1c8: {  	[tilespmem:s12], [sflag:$0x2] =	stream.linear.gather [hbm4b:s10+s2], $0x80, $0x38;
	[tilespmem:$0x1A900] =	vst v63  }
0x1c9: {  	s7 =	sadd.s32 s3, s20;
	s8 =	sand.u32 $0x1FFFFFF0, s22;
	s23 =	spop (v2sf)  }
0x1ca: {  	[tilespmem:s6], [sflag:$0x2] =	stream.linear.gather [hbm4b:s7+s2], $0x80, $0x38;
	[tilespmem:$0x1A900] =	vst v63  }
0x1cb: {  	s24 =	sand.u32 $0x1FFFFFF0, s23;
	s8 =	sadd.s32 s3, s8;
	s25 =	spop (v2sf)  }
0x1cc: {  	[tilespmem:s0], [sflag:$0x2] =	stream.linear.gather [hbm4b:s8+s2], $0x80, $0x38;
	[tilespmem:$0x1A900] =	vst v63  }
0x1cd: {  	s26 =	sand.u32 $0x1FFFFFF0, s25;
	s28 =	spop (v2sf);
	s6 =	sadd.s32 s3, s24  }
0x1ce: {  	[tilespmem:s1], [sflag:$0x2] =	stream.linear.gather [hbm4b:s6+s2], $0x80, $0x38;
	[tilespmem:$0x1A900] =	vst v63  }
0x1cf: {  	s21 =	simm.s32 $0x1;
	s29 =	sand.u32 $0x1FFFFFF0, s28;
	s0 =	sadd.s32 s3, s26  }
0x1d0: {  	[tilespmem:s30], [sflag:$0x2] =	stream.linear.gather [hbm4b:s0+s2], $0x80, $0x38;
	[tilespmem:$0x1A900] =	vst v63  }
0x1d1: {  	s22 =	simm.s32 $0x640;
	s23 =	simm.s32 $0x7D0;
	s1 =	sadd.s32 s3, s29  }
0x1d2: {  	[tilespmem:s31], [sflag:$0x2] =	stream.linear.gather [hbm4b:s1+s2], $0x80, $0x38;
	[tilespmem:$0x1A900] =	vst v63  }
.LBB2_14:
0x1d3: {  	_ =	swait.ge [sflag:s14], $0xC800  }
0x1d4: {  	[sflag:s14] =	ssyncset.done $0x0  }
0x1d5: {  	s0 =	simm.s32 $0x0;
	[sflag:s14] =	ssyncadd.s32 $0xFFFF3800  }
0x1d6: {  	v1 =	vld [tilespmem:s0+$0x1900]  }
0x1d7: {  	v2 =	vld [tilespmem:s0+$0x1910]  }
0x1d8: {  	s1 =	simm.s32 $0x200;
	v0 =	vld [tilespmem:s0+$0x1920]  }
.LBB2_15:
0x1d9: {  	p0 =	sne.s32 s1, $0x31E00;
	v3 =	vld [tilespmem:s0+$0x1930];
	_ =	sdelay $0x1  }
0x1da: {  	v1 =	vmul.f32 $8.000000000e+00, v1  }
.Ltmp6:
0x1db: {  	v2 =	vmul.f32 $8.000000000e+00, v2;
	(pc) =	sbr.rel @p0 .LBB2_15-.Ltmp6, $4  }
0x1dc: {  	s6 =	sshra.s32 s1, $0x2;
	[tilespmem:s0+$0x1900] =	vst v1;
	v0 =	vmul.f32 $8.000000000e+00, v0  }
0x1dd: {  	v1 =	vld [tilespmem:s6+$0x1900];
	[tilespmem:s0+$0x1910] =	vst v2;
	v3 =	vmul.f32 $8.000000000e+00, v3  }
0x1de: {  	v2 =	vld [tilespmem:s6+$0x1910];
	[tilespmem:s0+$0x1920] =	vst v0  }
0x1df: {  	s1 =	sadd.s32 $0x200, s1;
	v0 =	vld [tilespmem:s6+$0x1920];
	[tilespmem:s0+$0x1930] =	vst v3;
	s0 =	smov.u32 s6  }
0x1e0: {  	v3 =	vld [tilespmem:s0+$0x1930];
	_ =	sdelay $0x1  }
0x1e1: {  	v1 =	vmul.f32 $8.000000000e+00, v1  }
0x1e2: {  	s24 =	smul.u32 $0x320, s21;
	v2 =	vmul.f32 $8.000000000e+00, v2  }
0x1e3: {  	s1 =	rddreg [dreg:$0x3];
	[tilespmem:s0+$0x1900] =	vst v1;
	v0 =	vmul.f32 $8.000000000e+00, v0  }
0x1e4: {  	s1 =	sadd.s32 s1, s24;
	[tilespmem:s0+$0x1910] =	vst v2;
	v1 =	vmul.f32 $8.000000000e+00, v3  }
0x1e5: {  	s1 =	sshll.u32 s1, $0x4;
	[tilespmem:s0+$0x1920] =	vst v0  }
0x1e6: {  	s31 =	simm.s32 $0x0;
	s5 =	simm.s32 $0x1900;
	s30 =	sadd.s32 s4, s1;
	[tilespmem:s0+$0x1930] =	vst v1  }
0x1e7: {  	[hbm4b:s30+s31] =	stream.linear.scatter [tilespmem:s5], [sflag:$0x3], $0xC800, $0x38;
	[tilespmem:$0x1A900] =	vst v63  }
0x1e8: {  	_ =	swait.ge [sflag:s16], $0xC800  }
0x1e9: {  	[sflag:s16] =	ssyncset.done $0x0  }
0x1ea: {  	[sflag:s16] =	ssyncadd.s32 $0xFFFF3800  }
0x1eb: {  	v0 =	vld [tilespmem:s22+$0x0];
	_ =	sdelay $0x4  }
0x1ec: {  	v0 =	vshll.u32 v0, $0x4  }
0x1ed: {  	(v2sf) =	vpush v0, $0x0  }
0x1ee: {  	(v2sf) =	vpush v0, $0x1  }
0x1ef: {  	(v2sf) =	vpush v0, $0x2;
	_ =	sdelay $0x1  }
0x1f0: {  	(v2sf) =	vpush v0, $0x4;
	_ =	sdelay $0x1  }
0x1f1: {  	(v2sf) =	vpush v0, $0x3  }
0x1f2: {  	(v2sf) =	vpush v0, $0x5  }
0x1f3: {  	s26 =	simm.s32 $0x2000;
	s25 =	simm.s32 $0x0;
	s28 =	smov.u32 s22;
	(v2sf) =	vpush v0, $0x6  }
.LBB2_17:
0x1f4: {  	p0 =	sne.s32 s26, $0x30000  }
0x1f5: {  	s11 =	sadd.s32 $0x1980, s25;
	s0 =	sadd.s32 $0x1E80, s25;
	s29 =	smov.u32 s26  }
0x1f6: {  	s26 =	sadd.s32 $0x2000, s26;
	s7 =	sadd.s32 $0x1C80, s25;
	s30 =	sadd.s32 $0x1F00, s25;
	(v2sf) =	vpush v0, $0x7  }
0x1f7: {  	s10 =	sadd.s32 $0x1B80, s25;
	s6 =	sadd.s32 $0x1D00, s25;
	s31 =	sadd.s32 $0x1F80, s25  }
0x1f8: {  	s12 =	sadd.s32 $0x1900, s25;
	s13 =	sadd.s32 $0x1B00, s25;
	(v2sf) =	vpush v0, $0x8  }
0x1f9: {  	s15 =	sadd.s32 $0x1C00, s25;
	s28 =	sadd.s32 $0x10, s28  }
0x1fa: {  	s20 =	sadd.s32 $0x1A00, s25;
	s1 =	sadd.s32 $0x1E00, s25;
	s8 =	spop (v2sf);
	(v2sf) =	vpush v0, $0x9  }
0x1fb: {  	s18 =	sand.u32 $0x1FFFFFF0, s8;
	s8 =	sadd.s32 $0x1D80, s25;
	s5 =	spop (v2sf)  }
0x1fc: {  	s18 =	sadd.s32 s3, s18;
	s5 =	sand.u32 $0x1FFFFFF0, s5;
	s9 =	spop (v2sf);
	(v2sf) =	vpush v0, $0xA  }
0x1fd: {  	[tilespmem:s12], [sflag:$0x1] =	stream.linear.gather [hbm4b:s18+s2], $0x80, $0x38;
	[tilespmem:$0x1A900] =	vst v63  }
0x1fe: {  	s5 =	sadd.s32 s3, s5;
	s12 =	sadd.s32 $0x1A80, s25;
	s18 =	spop (v2sf);
	(v2sf) =	vpush v0, $0xB  }
0x1ff: {  	[tilespmem:s11], [sflag:$0x1] =	stream.linear.gather [hbm4b:s5+s2], $0x80, $0x38;
	[tilespmem:$0x1A900] =	vst v63  }
0x200: {  	s5 =	sand.u32 $0x1FFFFFF0, s9;
	s9 =	sand.u32 $0x1FFFFFF0, s18;
	s11 =	spop (v2sf);
	(v2sf) =	vpush v0, $0xC  }
0x201: {  	s5 =	sadd.s32 s3, s5;
	s11 =	sand.u32 $0x1FFFFFF0, s11;
	s18 =	spop (v2sf)  }
0x202: {  	[tilespmem:s20], [sflag:$0x1] =	stream.linear.gather [hbm4b:s5+s2], $0x80, $0x38;
	(v2sf) =	vpush v0, $0xD;
	[tilespmem:$0x1A900] =	vst v63  }
0x203: {  	s5 =	sadd.s32 s3, s11;
	s11 =	sand.u32 $0x1FFFFFF0, s18;
	s18 =	spop (v2sf)  }
0x204: {  	[tilespmem:s12], [sflag:$0x1] =	stream.linear.gather [hbm4b:s5+s2], $0x80, $0x38;
	(v2sf) =	vpush v0, $0xE;
	[tilespmem:$0x1A900] =	vst v63  }
0x205: {  	s5 =	sadd.s32 s3, s9;
	s9 =	sand.u32 $0x1FFFFFF0, s18;
	s12 =	spop (v2sf)  }
0x206: {  	[tilespmem:s13], [sflag:$0x1] =	stream.linear.gather [hbm4b:s5+s2], $0x80, $0x38;
	(v2sf) =	vpush v0, $0xF;
	[tilespmem:$0x1A900] =	vst v63  }
0x207: {  	s5 =	sadd.s32 s3, s11;
	s11 =	sand.u32 $0x1FFFFFF0, s12;
	s12 =	spop (v2sf)  }
0x208: {  	[tilespmem:s10], [sflag:$0x1] =	stream.linear.gather [hbm4b:s5+s2], $0x80, $0x38;
	[tilespmem:$0x1A900] =	vst v63  }
0x209: {  	s5 =	sadd.s32 s3, s9;
	s9 =	sand.u32 $0x1FFFFFF0, s12;
	s10 =	spop (v2sf)  }
0x20a: {  	[tilespmem:s15], [sflag:$0x1] =	stream.linear.gather [hbm4b:s5+s2], $0x80, $0x38;
	[tilespmem:$0x1A900] =	vst v63  }
0x20b: {  	s5 =	sadd.s32 s3, s11;
	s10 =	sand.u32 $0x1FFFFFF0, s10;
	s11 =	spop (v2sf)  }
0x20c: {  	[tilespmem:s7], [sflag:$0x1] =	stream.linear.gather [hbm4b:s5+s2], $0x80, $0x38;
	[tilespmem:$0x1A900] =	vst v63  }
0x20d: {  	s5 =	sadd.s32 s3, s9;
	s7 =	sand.u32 $0x1FFFFFF0, s11;
	s9 =	spop (v2sf)  }
0x20e: {  	[tilespmem:s6], [sflag:$0x1] =	stream.linear.gather [hbm4b:s5+s2], $0x80, $0x38;
	[tilespmem:$0x1A900] =	vst v63  }
0x20f: {  	s5 =	sadd.s32 s3, s10;
	s6 =	sand.u32 $0x1FFFFFF0, s9;
	s9 =	spop (v2sf)  }
0x210: {  	[tilespmem:s8], [sflag:$0x1] =	stream.linear.gather [hbm4b:s5+s2], $0x80, $0x38;
	[tilespmem:$0x1A900] =	vst v63  }
0x211: {  	s5 =	sadd.s32 s3, s7;
	s7 =	sand.u32 $0x1FFFFFF0, s9;
	s8 =	spop (v2sf)  }
0x212: {  	[tilespmem:s1], [sflag:$0x1] =	stream.linear.gather [hbm4b:s5+s2], $0x80, $0x38;
	[tilespmem:$0x1A900] =	vst v63  }
0x213: {  	s1 =	sadd.s32 s3, s6;
	s5 =	sand.u32 $0x1FFFFFF0, s8;
	s6 =	spop (v2sf)  }
0x214: {  	[tilespmem:s0], [sflag:$0x1] =	stream.linear.gather [hbm4b:s1+s2], $0x80, $0x38;
	[tilespmem:$0x1A900] =	vst v63  }
0x215: {  	s0 =	sadd.s32 s3, s7;
	s1 =	sand.u32 $0x1FFFFFF0, s6;
	s6 =	spop (v2sf)  }
0x216: {  	[tilespmem:s30], [sflag:$0x1] =	stream.linear.gather [hbm4b:s0+s2], $0x80, $0x38;
	[tilespmem:$0x1A900] =	vst v63  }
0x217: {  	s0 =	sadd.s32 s3, s5;
	s5 =	sand.u32 $0x1FFFFFF0, s6  }
0x218: {  	[tilespmem:s31], [sflag:$0x1] =	stream.linear.gather [hbm4b:s0+s2], $0x80, $0x38;
	[tilespmem:$0x1A900] =	vst v63  }
0x219: {  	s1 =	sadd.s32 s3, s1;
	s0 =	sadd.s32 $0x2000, s25  }
0x21a: {  	[tilespmem:s0], [sflag:$0x1] =	stream.linear.gather [hbm4b:s1+s2], $0x80, $0x38;
	[tilespmem:$0x1A900] =	vst v63  }
0x21b: {  	s0 =	sadd.s32 $0x2080, s25;
	s1 =	sadd.s32 s3, s5  }
0x21c: {  	[tilespmem:s0], [sflag:$0x1] =	stream.linear.gather [hbm4b:s1+s2], $0x80, $0x38;
	[tilespmem:$0x1A900] =	vst v63  }
0x21d: {  	v0 =	vld [tilespmem:s28+$0x0];
	_ =	sdelay $0x4  }
0x21e: {  	v0 =	vshll.u32 v0, $0x4  }
0x21f: {  	(v2sf) =	vpush v0, $0x0  }
0x220: {  	(v2sf) =	vpush v0, $0x1  }
0x221: {  	(v2sf) =	vpush v0, $0x2;
	_ =	sdelay $0x1  }
0x222: {  	(v2sf) =	vpush v0, $0x4  }
.Ltmp7:
0x223: {  	(pc) =	sbr.rel @p0 .LBB2_17-.Ltmp7, $3  }
0x224: {  	(v2sf) =	vpush v0, $0x3  }
0x225: {  	(v2sf) =	vpush v0, $0x5;
	_ =	sdelay $0x1  }
0x226: {  	s25 =	sshra.s32 s29, $0x2;
	(v2sf) =	vpush v0, $0x6  }
0x227: {  	_ =	sdelay $0x1  }
0x228: {  	s5 =	sadd.s32 $0x1980, s25;
	s6 =	sadd.s32 $0x1E80, s25  }
0x229: {  	s7 =	sadd.s32 $0x1C80, s25;
	s0 =	sadd.s32 $0x1F00, s25;
	(v2sf) =	vpush v0, $0x7;
	s8 =	sadd.s32 $0x1B80, s25  }
0x22a: {  	s9 =	sadd.s32 $0x1D00, s25;
	s1 =	sadd.s32 $0x1F80, s25;
	s10 =	sadd.s32 $0x1900, s25  }
0x22b: {  	s11 =	sadd.s32 $0x1B00, s25;
	s12 =	sadd.s32 $0x1C00, s25;
	(v2sf) =	vpush v0, $0x8;
	s13 =	spop (v2sf)  }
0x22c: {  	s15 =	sadd.s32 $0x1A00, s25;
	s13 =	sand.u32 $0x1FFFFFF0, s13;
	s18 =	spop (v2sf)  }
0x22d: {  	(v2sf) =	vpush v0, $0x9;
	s13 =	sadd.s32 s3, s13;
	s18 =	sand.u32 $0x1FFFFFF0, s18;
	s20 =	spop (v2sf)  }
0x22e: {  	[tilespmem:s10], [sflag:$0x1] =	stream.linear.gather [hbm4b:s13+s2], $0x80, $0x38;
	[tilespmem:$0x1A900] =	vst v63  }
0x22f: {  	(v2sf) =	vpush v0, $0xA;
	s26 =	sadd.s32 s3, s18;
	s29 =	sand.u32 $0x1FFFFFF0, s20;
	s28 =	spop (v2sf)  }
0x230: {  	[tilespmem:s5], [sflag:$0x1] =	stream.linear.gather [hbm4b:s26+s2], $0x80, $0x38;
	[tilespmem:$0x1A900] =	vst v63  }
0x231: {  	s10 =	sadd.s32 $0x1E00, s25;
	(v2sf) =	vpush v0, $0xB;
	s13 =	sadd.s32 s3, s29;
	s30 =	spop (v2sf)  }
0x232: {  	s5 =	sadd.s32 $0x1D80, s25;
	s26 =	sadd.s32 $0x1A80, s25;
	s20 =	sand.u32 $0x1FFFFFF0, s30  }
0x233: {  	(v2sf) =	vpush v0, $0xC;
	[tilespmem:s15], [sflag:$0x1] =	stream.linear.gather [hbm4b:s13+s2], $0x80, $0x38;
	[tilespmem:$0x1A900] =	vst v63  }
0x234: {  	s31 =	sand.u32 $0x1FFFFFF0, s28;
	s28 =	spop (v2sf);
	s29 =	sadd.s32 s3, s20  }
0x235: {  	(v2sf) =	vpush v0, $0xD;
	[tilespmem:s26], [sflag:$0x1] =	stream.linear.gather [hbm4b:s29+s2], $0x80, $0x38;
	[tilespmem:$0x1A900] =	vst v63  }
0x236: {  	s13 =	sadd.s32 s3, s31;
	s15 =	sand.u32 $0x1FFFFFF0, s28;
	s30 =	spop (v2sf)  }
0x237: {  	(v2sf) =	vpush v0, $0xE;
	[tilespmem:s11], [sflag:$0x1] =	stream.linear.gather [hbm4b:s13+s2], $0x80, $0x38;
	[tilespmem:$0x1A900] =	vst v63  }
0x238: {  	s15 =	sadd.s32 s3, s15;
	s31 =	sand.u32 $0x1FFFFFF0, s30;
	s18 =	spop (v2sf)  }
0x239: {  	(v2sf) =	vpush v0, $0xF;
	[tilespmem:s8], [sflag:$0x1] =	stream.linear.gather [hbm4b:s15+s2], $0x80, $0x38;
	[tilespmem:$0x1A900] =	vst v63  }
0x23a: {  	s20 =	sand.u32 $0x1FFFFFF0, s18;
	s26 =	spop (v2sf);
	s11 =	sadd.s32 s3, s31  }
0x23b: {  	[tilespmem:s12], [sflag:$0x1] =	stream.linear.gather [hbm4b:s11+s2], $0x80, $0x38;
	[tilespmem:$0x1A900] =	vst v63  }
0x23c: {  	s28 =	sand.u32 $0x1FFFFFF0, s26;
	s8 =	sadd.s32 s3, s20;
	s29 =	spop (v2sf)  }
0x23d: {  	[tilespmem:s7], [sflag:$0x1] =	stream.linear.gather [hbm4b:s8+s2], $0x80, $0x38;
	[tilespmem:$0x1A900] =	vst v63  }
0x23e: {  	s11 =	sadd.s32 s3, s28;
	s30 =	sand.u32 $0x1FFFFFF0, s29;
	s31 =	spop (v2sf)  }
0x23f: {  	[tilespmem:s9], [sflag:$0x1] =	stream.linear.gather [hbm4b:s11+s2], $0x80, $0x38;
	[tilespmem:$0x1A900] =	vst v63  }
0x240: {  	s8 =	sand.u32 $0x1FFFFFF0, s31;
	s7 =	sadd.s32 s3, s30;
	s11 =	spop (v2sf)  }
0x241: {  	[tilespmem:s5], [sflag:$0x1] =	stream.linear.gather [hbm4b:s7+s2], $0x80, $0x38;
	[tilespmem:$0x1A900] =	vst v63  }
0x242: {  	s8 =	sadd.s32 s3, s8;
	s12 =	sand.u32 $0x1FFFFFF0, s11;
	s13 =	spop (v2sf)  }
0x243: {  	[tilespmem:s10], [sflag:$0x1] =	stream.linear.gather [hbm4b:s8+s2], $0x80, $0x38;
	[tilespmem:$0x1A900] =	vst v63  }
0x244: {  	s5 =	sadd.s32 s3, s12;
	s7 =	sand.u32 $0x1FFFFFF0, s13;
	s15 =	spop (v2sf)  }
0x245: {  	[tilespmem:s6], [sflag:$0x1] =	stream.linear.gather [hbm4b:s5+s2], $0x80, $0x38;
	[tilespmem:$0x1A900] =	vst v63  }
0x246: {  	s18 =	sand.u32 $0x1FFFFFF0, s15;
	s7 =	sadd.s32 s3, s7;
	s20 =	spop (v2sf)  }
0x247: {  	[tilespmem:s0], [sflag:$0x1] =	stream.linear.gather [hbm4b:s7+s2], $0x80, $0x38;
	[tilespmem:$0x1A900] =	vst v63  }
0x248: {  	s26 =	sand.u32 $0x1FFFFFF0, s20;
	s28 =	spop (v2sf);
	s5 =	sadd.s32 s3, s18  }
0x249: {  	[tilespmem:s1], [sflag:$0x1] =	stream.linear.gather [hbm4b:s5+s2], $0x80, $0x38;
	[tilespmem:$0x1A900] =	vst v63  }
0x24a: {  	s30 =	sadd.s32 $0x2000, s25;
	s29 =	sand.u32 $0x1FFFFFF0, s28;
	s0 =	sadd.s32 s3, s26  }
0x24b: {  	[tilespmem:s30], [sflag:$0x1] =	stream.linear.gather [hbm4b:s0+s2], $0x80, $0x38;
	[tilespmem:$0x1A900] =	vst v63  }
0x24c: {  	s31 =	sadd.s32 $0x2080, s25;
	s1 =	sadd.s32 s3, s29  }
0x24d: {  	[tilespmem:s31], [sflag:$0x1] =	stream.linear.gather [hbm4b:s1+s2], $0x80, $0x38;
	[tilespmem:$0x1A900] =	vst v63  }
0x24e: {  	_ =	swait.ge [sflag:s17], $0xC800  }
0x24f: {  	[sflag:s17] =	ssyncset.done $0x0  }
0x250: {  	s0 =	simm.s32 $0x0;
	[sflag:s17] =	ssyncadd.s32 $0xFFFF3800  }
0x251: {  	v0 =	vld [tilespmem:s0+$0xE100]  }
0x252: {  	v2 =	vld [tilespmem:s0+$0xE110]  }
0x253: {  	s1 =	simm.s32 $0x200;
	v1 =	vld [tilespmem:s0+$0xE120]  }
.LBB2_19:
0x254: {  	p0 =	sne.s32 s1, $0x31E00;
	v3 =	vld [tilespmem:s0+$0xE130];
	_ =	sdelay $0x1  }
0x255: {  	v0 =	vmul.f32 $8.000000000e+00, v0  }
.Ltmp8:
0x256: {  	v2 =	vmul.f32 $8.000000000e+00, v2;
	(pc) =	sbr.rel @p0 .LBB2_19-.Ltmp8, $4  }
0x257: {  	s5 =	sshra.s32 s1, $0x2;
	[tilespmem:s0+$0xE100] =	vst v0;
	v1 =	vmul.f32 $8.000000000e+00, v1  }
0x258: {  	v0 =	vld [tilespmem:s5+$0xE100];
	[tilespmem:s0+$0xE110] =	vst v2;
	v3 =	vmul.f32 $8.000000000e+00, v3  }
0x259: {  	v2 =	vld [tilespmem:s5+$0xE110];
	[tilespmem:s0+$0xE120] =	vst v1  }
0x25a: {  	s1 =	sadd.s32 $0x200, s1;
	v1 =	vld [tilespmem:s5+$0xE120];
	[tilespmem:s0+$0xE130] =	vst v3;
	s0 =	smov.u32 s5  }
0x25b: {  	v3 =	vld [tilespmem:s0+$0xE130];
	_ =	sdelay $0x1  }
0x25c: {  	v0 =	vmul.f32 $8.000000000e+00, v0  }
0x25d: {  	v2 =	vmul.f32 $8.000000000e+00, v2  }
0x25e: {  	s1 =	rddreg [dreg:$0x7];
	[tilespmem:s0+$0xE100] =	vst v0;
	v0 =	vmul.f32 $8.000000000e+00, v1  }
0x25f: {  	s1 =	sadd.s32 s24, s1;
	[tilespmem:s0+$0xE110] =	vst v2;
	v1 =	vmul.f32 $8.000000000e+00, v3  }
0x260: {  	s1 =	sshll.u32 s1, $0x4;
	[tilespmem:s0+$0xE120] =	vst v0  }
0x261: {  	s31 =	simm.s32 $0x0;
	s5 =	simm.s32 $0xE100;
	s30 =	sadd.s32 s4, s1;
	[tilespmem:s0+$0xE130] =	vst v1  }
0x262: {  	[hbm4b:s30+s31] =	stream.linear.scatter [tilespmem:s5], [sflag:$0x4], $0xC800, $0x38;
	[tilespmem:$0x1A900] =	vst v63  }
0x263: {  	_ =	swait.ge [sflag:s19], $0xC800  }
0x264: {  	[sflag:s19] =	ssyncset.done $0x0  }
0x265: {  	[sflag:s19] =	ssyncadd.s32 $0xFFFF3800  }
0x266: {  	v0 =	vld [tilespmem:s23+$0x0];
	_ =	sdelay $0x4  }
0x267: {  	v0 =	vshll.u32 v0, $0x4  }
0x268: {  	(v2sf) =	vpush v0, $0x0  }
0x269: {  	(v2sf) =	vpush v0, $0x1  }
0x26a: {  	(v2sf) =	vpush v0, $0x2;
	_ =	sdelay $0x1  }
0x26b: {  	(v2sf) =	vpush v0, $0x4;
	_ =	sdelay $0x1  }
0x26c: {  	(v2sf) =	vpush v0, $0x3  }
0x26d: {  	(v2sf) =	vpush v0, $0x5  }
0x26e: {  	s25 =	simm.s32 $0x2000;
	s26 =	smov.u32 s23;
	s24 =	simm.s32 $0x0;
	(v2sf) =	vpush v0, $0x6  }
.LBB2_21:
0x26f: {  	p0 =	sne.s32 s25, $0x30000  }
0x270: {  	s5 =	sadd.s32 $0xE180, s24;
	s0 =	sadd.s32 $0xE680, s24;
	s28 =	smov.u32 s25  }
0x271: {  	s25 =	sadd.s32 $0x2000, s25;
	s7 =	sadd.s32 $0xE480, s24;
	s29 =	sadd.s32 $0xE700, s24;
	(v2sf) =	vpush v0, $0x7  }
0x272: {  	s10 =	sadd.s32 $0xE380, s24;
	s6 =	sadd.s32 $0xE500, s24;
	s30 =	sadd.s32 $0xE780, s24  }
0x273: {  	s9 =	sadd.s32 $0xE100, s24;
	s11 =	sadd.s32 $0xE300, s24;
	(v2sf) =	vpush v0, $0x8  }
0x274: {  	s12 =	sadd.s32 $0xE400, s24;
	s26 =	sadd.s32 $0x10, s26  }
0x275: {  	s13 =	sadd.s32 $0xE200, s24;
	s1 =	sadd.s32 $0xE600, s24;
	s8 =	spop (v2sf);
	(v2sf) =	vpush v0, $0x9  }
0x276: {  	s15 =	sand.u32 $0x1FFFFFF0, s8;
	s8 =	sadd.s32 $0xE580, s24;
	s18 =	spop (v2sf)  }
0x277: {  	s15 =	sadd.s32 s3, s15;
	s18 =	sand.u32 $0x1FFFFFF0, s18;
	s20 =	spop (v2sf);
	(v2sf) =	vpush v0, $0xA  }
0x278: {  	[tilespmem:s9], [sflag:$0x2] =	stream.linear.gather [hbm4b:s15+s2], $0x80, $0x38;
	[tilespmem:$0x1A900] =	vst v63  }
0x279: {  	s9 =	sadd.s32 s3, s18;
	s15 =	sadd.s32 $0xE280, s24;
	s18 =	spop (v2sf);
	(v2sf) =	vpush v0, $0xB  }
0x27a: {  	[tilespmem:s5], [sflag:$0x2] =	stream.linear.gather [hbm4b:s9+s2], $0x80, $0x38;
	[tilespmem:$0x1A900] =	vst v63  }
0x27b: {  	s5 =	sand.u32 $0x1FFFFFF0, s20;
	s9 =	sand.u32 $0x1FFFFFF0, s18;
	s18 =	spop (v2sf);
	(v2sf) =	vpush v0, $0xC  }
0x27c: {  	s5 =	sadd.s32 s3, s5;
	s18 =	sand.u32 $0x1FFFFFF0, s18;
	s20 =	spop (v2sf)  }
0x27d: {  	[tilespmem:s13], [sflag:$0x2] =	stream.linear.gather [hbm4b:s5+s2], $0x80, $0x38;
	(v2sf) =	vpush v0, $0xD;
	[tilespmem:$0x1A900] =	vst v63  }
0x27e: {  	s5 =	sadd.s32 s3, s18;
	s13 =	sand.u32 $0x1FFFFFF0, s20;
	s18 =	spop (v2sf)  }
0x27f: {  	[tilespmem:s15], [sflag:$0x2] =	stream.linear.gather [hbm4b:s5+s2], $0x80, $0x38;
	(v2sf) =	vpush v0, $0xE;
	[tilespmem:$0x1A900] =	vst v63  }
0x280: {  	s5 =	sadd.s32 s3, s9;
	s9 =	sand.u32 $0x1FFFFFF0, s18;
	s15 =	spop (v2sf)  }
0x281: {  	[tilespmem:s11], [sflag:$0x2] =	stream.linear.gather [hbm4b:s5+s2], $0x80, $0x38;
	(v2sf) =	vpush v0, $0xF;
	[tilespmem:$0x1A900] =	vst v63  }
0x282: {  	s5 =	sadd.s32 s3, s13;
	s11 =	sand.u32 $0x1FFFFFF0, s15;
	s13 =	spop (v2sf)  }
0x283: {  	[tilespmem:s10], [sflag:$0x2] =	stream.linear.gather [hbm4b:s5+s2], $0x80, $0x38;
	[tilespmem:$0x1A900] =	vst v63  }
0x284: {  	s5 =	sadd.s32 s3, s9;
	s9 =	sand.u32 $0x1FFFFFF0, s13;
	s10 =	spop (v2sf)  }
0x285: {  	[tilespmem:s12], [sflag:$0x2] =	stream.linear.gather [hbm4b:s5+s2], $0x80, $0x38;
	[tilespmem:$0x1A900] =	vst v63  }
0x286: {  	s5 =	sadd.s32 s3, s11;
	s10 =	sand.u32 $0x1FFFFFF0, s10;
	s11 =	spop (v2sf)  }
0x287: {  	[tilespmem:s7], [sflag:$0x2] =	stream.linear.gather [hbm4b:s5+s2], $0x80, $0x38;
	[tilespmem:$0x1A900] =	vst v63  }
0x288: {  	s5 =	sadd.s32 s3, s9;
	s7 =	sand.u32 $0x1FFFFFF0, s11;
	s9 =	spop (v2sf)  }
0x289: {  	[tilespmem:s6], [sflag:$0x2] =	stream.linear.gather [hbm4b:s5+s2], $0x80, $0x38;
	[tilespmem:$0x1A900] =	vst v63  }
0x28a: {  	s5 =	sadd.s32 s3, s10;
	s6 =	sand.u32 $0x1FFFFFF0, s9;
	s9 =	spop (v2sf)  }
0x28b: {  	[tilespmem:s8], [sflag:$0x2] =	stream.linear.gather [hbm4b:s5+s2], $0x80, $0x38;
	[tilespmem:$0x1A900] =	vst v63  }
0x28c: {  	s5 =	sadd.s32 s3, s7;
	s7 =	sand.u32 $0x1FFFFFF0, s9;
	s8 =	spop (v2sf)  }
0x28d: {  	[tilespmem:s1], [sflag:$0x2] =	stream.linear.gather [hbm4b:s5+s2], $0x80, $0x38;
	[tilespmem:$0x1A900] =	vst v63  }
0x28e: {  	s1 =	sadd.s32 s3, s6;
	s5 =	sand.u32 $0x1FFFFFF0, s8;
	s6 =	spop (v2sf)  }
0x28f: {  	[tilespmem:s0], [sflag:$0x2] =	stream.linear.gather [hbm4b:s1+s2], $0x80, $0x38;
	[tilespmem:$0x1A900] =	vst v63  }
0x290: {  	s0 =	sadd.s32 s3, s7;
	s1 =	sand.u32 $0x1FFFFFF0, s6;
	s6 =	spop (v2sf)  }
0x291: {  	[tilespmem:s29], [sflag:$0x2] =	stream.linear.gather [hbm4b:s0+s2], $0x80, $0x38;
	[tilespmem:$0x1A900] =	vst v63  }
0x292: {  	s0 =	sadd.s32 s3, s5;
	s5 =	sand.u32 $0x1FFFFFF0, s6  }
0x293: {  	[tilespmem:s30], [sflag:$0x2] =	stream.linear.gather [hbm4b:s0+s2], $0x80, $0x38;
	[tilespmem:$0x1A900] =	vst v63  }
0x294: {  	s1 =	sadd.s32 s3, s1;
	s0 =	sadd.s32 $0xE800, s24  }
0x295: {  	[tilespmem:s0], [sflag:$0x2] =	stream.linear.gather [hbm4b:s1+s2], $0x80, $0x38;
	[tilespmem:$0x1A900] =	vst v63  }
0x296: {  	s0 =	sadd.s32 $0xE880, s24;
	s1 =	sadd.s32 s3, s5  }
0x297: {  	[tilespmem:s0], [sflag:$0x2] =	stream.linear.gather [hbm4b:s1+s2], $0x80, $0x38;
	[tilespmem:$0x1A900] =	vst v63  }
0x298: {  	v0 =	vld [tilespmem:s26+$0x0];
	_ =	sdelay $0x4  }
0x299: {  	v0 =	vshll.u32 v0, $0x4  }
0x29a: {  	(v2sf) =	vpush v0, $0x0  }
0x29b: {  	(v2sf) =	vpush v0, $0x1  }
0x29c: {  	(v2sf) =	vpush v0, $0x2;
	_ =	sdelay $0x1  }
0x29d: {  	(v2sf) =	vpush v0, $0x4  }
.Ltmp9:
0x29e: {  	(pc) =	sbr.rel @p0 .LBB2_21-.Ltmp9, $3  }
0x29f: {  	(v2sf) =	vpush v0, $0x3  }
0x2a0: {  	(v2sf) =	vpush v0, $0x5;
	_ =	sdelay $0x1  }
0x2a1: {  	s24 =	sshra.s32 s28, $0x2;
	(v2sf) =	vpush v0, $0x6  }
0x2a2: {  	_ =	sdelay $0x1  }
0x2a3: {  	s5 =	sadd.s32 $0xE180, s24;
	s6 =	sadd.s32 $0xE680, s24;
	s7 =	sadd.s32 $0xE480, s24  }
0x2a4: {  	s0 =	sadd.s32 $0xE700, s24;
	(v2sf) =	vpush v0, $0x7;
	s8 =	sadd.s32 $0xE380, s24;
	s9 =	sadd.s32 $0xE500, s24  }
0x2a5: {  	s1 =	sadd.s32 $0xE780, s24;
	s10 =	sadd.s32 $0xE100, s24;
	s11 =	sadd.s32 $0xE300, s24  }
0x2a6: {  	s12 =	sadd.s32 $0xE400, s24;
	s15 =	sadd.s32 $0xE200, s24;
	(v2sf) =	vpush v0, $0x8;
	s13 =	spop (v2sf)  }
0x2a7: {  	s25 =	sadd.s32 $0xE280, s24;
	s13 =	sand.u32 $0x1FFFFFF0, s13;
	s18 =	spop (v2sf)  }
0x2a8: {  	(v2sf) =	vpush v0, $0x9;
	s13 =	sadd.s32 s3, s13;
	s18 =	sand.u32 $0x1FFFFFF0, s18;
	s20 =	spop (v2sf)  }
0x2a9: {  	[tilespmem:s10], [sflag:$0x2] =	stream.linear.gather [hbm4b:s13+s2], $0x80, $0x38;
	[tilespmem:$0x1A900] =	vst v63  }
0x2aa: {  	s21 =	sadd.s32 $0x1, s21;
	(v2sf) =	vpush v0, $0xA;
	s30 =	sadd.s32 s3, s18;
	s31 =	spop (v2sf)  }
0x2ab: {  	[tilespmem:s5], [sflag:$0x2] =	stream.linear.gather [hbm4b:s30+s2], $0x80, $0x38;
	[tilespmem:$0x1A900] =	vst v63  }
0x2ac: {  	s10 =	sadd.s32 $0xE600, s24;
	s20 =	sand.u32 $0x1FFFFFF0, s20;
	(v2sf) =	vpush v0, $0xB;
	s26 =	spop (v2sf)  }
0x2ad: {  	s13 =	sadd.s32 s3, s20;
	s5 =	sadd.s32 $0xE580, s24;
	s20 =	sand.u32 $0x1FFFFFF0, s26  }
0x2ae: {  	(v2sf) =	vpush v0, $0xC;
	[tilespmem:s15], [sflag:$0x2] =	stream.linear.gather [hbm4b:s13+s2], $0x80, $0x38;
	[tilespmem:$0x1A900] =	vst v63  }
0x2af: {  	s28 =	sand.u32 $0x1FFFFFF0, s31;
	s29 =	spop (v2sf);
	s30 =	sadd.s32 s3, s20  }
0x2b0: {  	(v2sf) =	vpush v0, $0xD;
	[tilespmem:s25], [sflag:$0x2] =	stream.linear.gather [hbm4b:s30+s2], $0x80, $0x38;
	[tilespmem:$0x1A900] =	vst v63  }
0x2b1: {  	s13 =	sadd.s32 s3, s28;
	s15 =	sand.u32 $0x1FFFFFF0, s29;
	s31 =	spop (v2sf)  }
0x2b2: {  	[tilespmem:s11], [sflag:$0x2] =	stream.linear.gather [hbm4b:s13+s2], $0x80, $0x38;
	[tilespmem:$0x1A900] =	vst v63  }
0x2b3: {  	s15 =	sadd.s32 s3, s15;
	s18 =	sand.u32 $0x1FFFFFF0, s31;
	s20 =	spop (v2sf)  }
0x2b4: {  	(v2sf) =	vpush v0, $0xE;
	[tilespmem:s8], [sflag:$0x2] =	stream.linear.gather [hbm4b:s15+s2], $0x80, $0x38;
	[tilespmem:$0x1A900] =	vst v63  }
0x2b5: {  	s25 =	sand.u32 $0x1FFFFFF0, s20;
	s26 =	spop (v2sf);
	s11 =	sadd.s32 s3, s18  }
0x2b6: {  	(v2sf) =	vpush v0, $0xF;
	[tilespmem:s12], [sflag:$0x2] =	stream.linear.gather [hbm4b:s11+s2], $0x80, $0x38;
	[tilespmem:$0x1A900] =	vst v63  }
0x2b7: {  	s28 =	sand.u32 $0x1FFFFFF0, s26;
	s8 =	sadd.s32 s3, s25;
	s29 =	spop (v2sf)  }
0x2b8: {  	[tilespmem:s7], [sflag:$0x2] =	stream.linear.gather [hbm4b:s8+s2], $0x80, $0x38;
	[tilespmem:$0x1A900] =	vst v63  }
0x2b9: {  	s11 =	sadd.s32 s3, s28;
	s30 =	sand.u32 $0x1FFFFFF0, s29;
	s31 =	spop (v2sf)  }
0x2ba: {  	[tilespmem:s9], [sflag:$0x2] =	stream.linear.gather [hbm4b:s11+s2], $0x80, $0x38;
	[tilespmem:$0x1A900] =	vst v63  }
0x2bb: {  	s8 =	sand.u32 $0x1FFFFFF0, s31;
	s7 =	sadd.s32 s3, s30;
	s12 =	spop (v2sf)  }
0x2bc: {  	[tilespmem:s5], [sflag:$0x2] =	stream.linear.gather [hbm4b:s7+s2], $0x80, $0x38;
	[tilespmem:$0x1A900] =	vst v63  }
0x2bd: {  	s8 =	sadd.s32 s3, s8;
	s13 =	sand.u32 $0x1FFFFFF0, s12;
	s15 =	spop (v2sf)  }
0x2be: {  	[tilespmem:s10], [sflag:$0x2] =	stream.linear.gather [hbm4b:s8+s2], $0x80, $0x38;
	[tilespmem:$0x1A900] =	vst v63  }
0x2bf: {  	s5 =	sadd.s32 s3, s13;
	s7 =	sand.u32 $0x1FFFFFF0, s15;
	s18 =	spop (v2sf)  }
0x2c0: {  	[tilespmem:s6], [sflag:$0x2] =	stream.linear.gather [hbm4b:s5+s2], $0x80, $0x38;
	[tilespmem:$0x1A900] =	vst v63  }
0x2c1: {  	s22 =	sadd.s32 $0x320, s22;
	s20 =	sand.u32 $0x1FFFFFF0, s18;
	s7 =	sadd.s32 s3, s7  }
0x2c2: {  	[tilespmem:s0], [sflag:$0x2] =	stream.linear.gather [hbm4b:s7+s2], $0x80, $0x38;
	[tilespmem:$0x1A900] =	vst v63  }
0x2c3: {  	p0 =	sne.s32 s21, $0x7;
	s25 =	spop (v2sf);
	s5 =	sadd.s32 s3, s20  }
0x2c4: {  	[tilespmem:s1], [sflag:$0x2] =	stream.linear.gather [hbm4b:s5+s2], $0x80, $0x38;
	[tilespmem:$0x1A900] =	vst v63  }
.Ltmp10:
0x2c5: {  	s26 =	sand.u32 $0x1FFFFFF0, s25;
	s28 =	spop (v2sf);
	(pc) =	sbr.rel @p0 .LBB2_14-.Ltmp10, $4  }
0x2c6: {  	s30 =	sadd.s32 $0xE800, s24;
	s29 =	sand.u32 $0x1FFFFFF0, s28;
	s0 =	sadd.s32 s3, s26  }
0x2c7: {  	[tilespmem:s30], [sflag:$0x2] =	stream.linear.gather [hbm4b:s0+s2], $0x80, $0x38;
	[tilespmem:$0x1A900] =	vst v63  }
0x2c8: {  	s23 =	sadd.s32 $0x320, s23;
	s31 =	sadd.s32 $0xE880, s24;
	s1 =	sadd.s32 s3, s29  }
0x2c9: {  	[tilespmem:s31], [sflag:$0x2] =	stream.linear.gather [hbm4b:s1+s2], $0x80, $0x38;
	[tilespmem:$0x1A900] =	vst v63  }
0x2ca: {  	_ =	swait.ge [sflag:s14], $0xC800  }
0x2cb: {  	[sflag:s14] =	ssyncset.done $0x0  }
0x2cc: {  	s0 =	simm.s32 $0x0;
	[sflag:s14] =	ssyncadd.s32 $0xFFFF3800  }
0x2cd: {  	v0 =	vld [tilespmem:s0+$0x1900]  }
0x2ce: {  	v2 =	vld [tilespmem:s0+$0x1910]  }
0x2cf: {  	s1 =	simm.s32 $0x200;
	v1 =	vld [tilespmem:s0+$0x1920]  }
.LBB2_24:
0x2d0: {  	p0 =	sne.s32 s1, $0x31E00;
	v3 =	vld [tilespmem:s0+$0x1930];
	_ =	sdelay $0x1  }
0x2d1: {  	v0 =	vmul.f32 $8.000000000e+00, v0  }
.Ltmp11:
0x2d2: {  	v2 =	vmul.f32 $8.000000000e+00, v2;
	(pc) =	sbr.rel @p0 .LBB2_24-.Ltmp11, $4  }
0x2d3: {  	s5 =	sshra.s32 s1, $0x2;
	[tilespmem:s0+$0x1900] =	vst v0;
	v1 =	vmul.f32 $8.000000000e+00, v1  }
0x2d4: {  	v0 =	vld [tilespmem:s5+$0x1900];
	[tilespmem:s0+$0x1910] =	vst v2;
	v3 =	vmul.f32 $8.000000000e+00, v3  }
0x2d5: {  	v2 =	vld [tilespmem:s5+$0x1910];
	[tilespmem:s0+$0x1920] =	vst v1  }
0x2d6: {  	s1 =	sadd.s32 $0x200, s1;
	v1 =	vld [tilespmem:s5+$0x1920];
	[tilespmem:s0+$0x1930] =	vst v3;
	s0 =	smov.u32 s5  }
0x2d7: {  	v3 =	vld [tilespmem:s0+$0x1930];
	_ =	sdelay $0x1  }
0x2d8: {  	v0 =	vmul.f32 $8.000000000e+00, v0  }
0x2d9: {  	v2 =	vmul.f32 $8.000000000e+00, v2  }
0x2da: {  	[tilespmem:s0+$0x1900] =	vst v0;
	v0 =	vmul.f32 $8.000000000e+00, v1  }
0x2db: {  	[tilespmem:s0+$0x1910] =	vst v2;
	v1 =	vmul.f32 $8.000000000e+00, v3  }
0x2dc: {  	[tilespmem:s0+$0x1920] =	vst v0  }
0x2dd: {  	s31 =	simm.s32 $0x0;
	s1 =	rddreg [dreg:$0x8];
	s5 =	simm.s32 $0x1900;
	[tilespmem:s0+$0x1930] =	vst v1  }
0x2de: {  	[hbm4b:s1+s31] =	stream.linear.scatter [tilespmem:s5], [sflag:$0x3], $0xC800, $0x38;
	[tilespmem:$0x1A900] =	vst v63  }
0x2df: {  	_ =	swait.ge [sflag:s17], $0xC800  }
0x2e0: {  	[sflag:s17] =	ssyncset.done $0x0  }
0x2e1: {  	s0 =	simm.s32 $0x0;
	[sflag:s17] =	ssyncadd.s32 $0xFFFF3800  }
0x2e2: {  	v0 =	vld [tilespmem:s0+$0xE100]  }
0x2e3: {  	v2 =	vld [tilespmem:s0+$0xE110]  }
0x2e4: {  	s1 =	simm.s32 $0x200;
	v1 =	vld [tilespmem:s0+$0xE120]  }
.LBB2_26:
0x2e5: {  	p0 =	sne.s32 s1, $0x31E00;
	v3 =	vld [tilespmem:s0+$0xE130];
	_ =	sdelay $0x1  }
0x2e6: {  	v0 =	vmul.f32 $8.000000000e+00, v0  }
.Ltmp12:
0x2e7: {  	v2 =	vmul.f32 $8.000000000e+00, v2;
	(pc) =	sbr.rel @p0 .LBB2_26-.Ltmp12, $4  }
0x2e8: {  	s5 =	sshra.s32 s1, $0x2;
	[tilespmem:s0+$0xE100] =	vst v0;
	v1 =	vmul.f32 $8.000000000e+00, v1  }
0x2e9: {  	v0 =	vld [tilespmem:s5+$0xE100];
	[tilespmem:s0+$0xE110] =	vst v2;
	v3 =	vmul.f32 $8.000000000e+00, v3  }
0x2ea: {  	v2 =	vld [tilespmem:s5+$0xE110];
	[tilespmem:s0+$0xE120] =	vst v1  }
0x2eb: {  	s1 =	sadd.s32 $0x200, s1;
	v1 =	vld [tilespmem:s5+$0xE120];
	[tilespmem:s0+$0xE130] =	vst v3;
	s0 =	smov.u32 s5  }
0x2ec: {  	v3 =	vld [tilespmem:s0+$0xE130];
	_ =	sdelay $0x1  }
0x2ed: {  	v0 =	vmul.f32 $8.000000000e+00, v0  }
0x2ee: {  	v2 =	vmul.f32 $8.000000000e+00, v2  }
0x2ef: {  	[tilespmem:s0+$0xE100] =	vst v0;
	v62 =	vmul.f32 $8.000000000e+00, v1  }
0x2f0: {  	[tilespmem:s0+$0xE110] =	vst v2;
	v63 =	vmul.f32 $8.000000000e+00, v3  }
0x2f1: {  	[tilespmem:s0+$0xE120] =	vst v62  }
0x2f2: {  	s29 =	rddreg [dreg:$0x9];
	s1 =	simm.s32 $0xE100;
	[tilespmem:s0+$0xE130] =	vst v63  }
0x2f3: {  	[hbm4b:s29+s2] =	stream.linear.scatter [tilespmem:s1], [sflag:$0x4], $0xC800, $0x38;
	[tilespmem:$0x1A900] =	vst v63  }
0x2f4: {  	_ =	swait.ge [sflag:s16], $0xC800  }
0x2f5: {  	[sflag:s16] =	ssyncset.done $0x0  }
0x2f6: {  	[sflag:s16] =	ssyncadd.s32 $0xFFFF3800  }
0x2f7: {  	_ =	swait.ge [sflag:s19], $0xC800  }
0x2f8: {  	s30 =	rddreg [dreg:$0xb]  }
0x2f9: {  	s31 =	rddreg [dreg:$0xa];
	s1 =	sadd.s32 $0x1, s30  }
0x2fa: {  	p0 =	sne.s32 s1, s31  }
.Ltmp13:
0x2fb: {  	_ = 	snop;
	(pc) =	sbr.rel @p0 .LBB2_1-.Ltmp13, $3  }
0x2fc: {  	_ =	sdelay $0x1  }
0x2fd: {  	[sflag:s19] =	ssyncset.done $0x0  }
0x2fe: {  	[sflag:s19] =	ssyncadd.s32 $0xFFFF3800  }
0x2ff: {  	_ =	sfence.sel $0x180000  }
0x300: {  	[bflag:$0x0] =	sbarrier.arrive $0xFFFF  }
0x301: {  	_ =	strace $0x90000047  }
0x302: {  	s0 =	stileid.u32;
	[bflag:$0x2] =	sbarrier.arrive $0xFFFF  }
0x303: {  	p0 =	sne.s32 s0, $0x0;
	s0 =	rddreg [dreg:$0x2]  }
0x304: {  	s0 =	sadd.s32 @!p0 $0x100000, s0  }
0x305: {  	[sflag:s0] =	ssyncadd.tile.s32 @!p0 $0x1;
	_ =	shalt  }
.Lfunc_end2:
_tile_overlayer_lowered:
.L_overlay_start_2:
0x306: {  	(tag) =	ssettag $0x2  }
0x307: {  	s0 =	rddreg [dreg:$0x0];
	s2 =	stileid.u32  }
0x308: {  	s1 =	rddreg [dreg:$0x1];
	p0 =	sne.s32 s2, $0x0  }
0x309: {  	s3 =	rddreg [dreg:$0x2];
	[bflag:$0x3] =	sbarrier.arrive $0xFFFF;
	s2 =	simm.s32 @!p0 $0x1C05  }
0x30a: {  	[timem:s3], [sflag:s2] =	dma.local @!p0 [hbm:s0], s1  }
0x30b: {  	s0 =	simm.s32 @!p0 $0x5  }
0x30c: {  	_ =	swait.ge @!p0 [sflag:s0], s1  }
0x30d: {  	s1 =	ssub.s32 @!p0 $0x0, s1;
	[sflag:s0] =	ssyncset.done @!p0 $0x0  }
0x30e: {  	[sflag:s0] =	ssyncadd.s32 @!p0 s1  }
0x30f: {  	[bflag:$0x3] =	sbarrier.arrive $0xFFFF  }
0x310: {  	_ =	shalt  }

// kernel: sparse-core-data-format-call.cloned.1.call-start
scs
called_computation_lowered:
.L_overlay_start_0:
0x0: {  	s2 =	sld [smem:$0x3FD9]  }
0x1: {  	s3 =	sld [smem:$0x3FFE];
	_ =	sdelay $0x1  }
0x2: {  	s1 =	srdreg.scid  }
0x3: {  	s0 =	sand.u32 $0x1, s1  }
0x4: {  	s18 =	sshll.u32 s0, $0xA;
	s2 =	sadd.s32 s3, s2  }
0x5: {  	s2 =	sadd.s32 s2, s18  }
0x6: {  	[smem:$0x3FC6] =	sst s2  }
0x7: {  	_ = 	snop  }
0x8: {  	s2 =	sld [smem:$0x3FD0];
	(tm) =	ssettm $0x1  }
0x9: {  	s19 =	sld [smem:$0x3FFB];
	_ =	sdelay $0x3  }
0xa: {  	_ =	strace s19  }
0xb: {  	s3 =	sld [smem:$0x3FFC];
	_ =	sdelay $0x3  }
0xc: {  	_ =	strace s3  }
0xd: {  	s3 =	sld [smem:$0x3FFD];
	_ =	sdelay $0x3  }
0xe: {  	_ =	strace s3  }
0xf: {  	_ =	strace $0x8FFFFFFF  }
0x10: {  	s20 =	sld [smem:$0x3FDB];
	_ =	sdelay $0x1  }
0x11: {  	s4 =	simm.s32 $_scs_section_size  }
0x12: {  	s5 =	simm.s32 $_size__tile_overlayer_lowered;
	s6 =	simm.s32 $_tile_overlayer_lowered  }
0x13: {  	s23 =	simm.s32 $0x1BFF;
	s22 =	sshll.u32 s6, $0x1;
	s3 =	sadd.s32 s4, s20  }
0x14: {  	s7 =	simm.s32 $0x0;
	s21 =	sshll.u32 s5, $0x1;
	s5 =	sadd.s32 s22, s3  }
0x15: {  	[timem:s7], [sflag:s23] =	dma.local [hbm:s5], s21  }
0x16: {  	_ =	swait.ge [sflag:s23], s21  }
0x17: {  	s4 =	ssub.s32 $0x0, s21;
	[sflag:s23] =	ssyncset.done $0x0  }
0x18: {  	[sflag:s23] =	ssyncadd.s32 s4;
	_ =	sdelay $0x1  }
0x19: {  	s24 =	simm.s32 $0x1B8B  }
0x1a: {  	_ =	swait.ge [sflag:s24], $0x1  }
0x1b: {  	[sflag:s24] =	ssyncset.done $0x0  }
0x1c: {  	s26 =	simm.s32 $0x1B8E;
	s25 =	sld [smem:$0x3FFE];
	[sflag:s24] =	ssyncadd.s32 $0xFFFFFFFF  }
0x1d: {  	s27 =	simm.s32 $execute0_lowered;
	[smem:$0x3FD2] =	sst s26  }
0x1e: {  	s5 =	sshll.u32 s27, $0x1;
	_ =	strace $0x80000049;
	[dreg:$0x1] =	wrdreg $0xFFFFFFFF  }
0x1f: {  	s28 =	simm.s32 $_size_execute0_lowered;
	s3 =	sadd.s32 s3, s5;
	[dreg:$0x0] =	wrdreg $0x0  }
0x20: {  	s5 =	sshll.u32 s28, $0x1;
	[dreg:$0x2] =	wrdreg s3  }
0x21: {  	[dreg:$0x3] =	wrdreg s5  }
0x22: {  	[dreg:$0x4] =	wrdreg $0xC0  }
0x23: {  	_ =	task [dreg:s7], $0x5FFFF  }
0x24: {  	[dreg:$0x1] =	wrdreg $0xFFFFFFFF  }
0x25: {  	[dreg:$0x0] =	wrdreg $0x60  }
0x26: {  	[dreg:$0x2] =	wrdreg s25  }
0x27: {  	[dreg:$0x3] =	wrdreg s2  }
0x28: {  	[dreg:$0x4] =	wrdreg $0x9  }
0x29: {  	_ =	task.clear_ibuf [dreg:s7], $0x5FFFF;
	_ =	strace $0x90000049  }
0x2a: {  	s29 =	simm.s32 $0x9;
	_ =	strace $0x8000004B  }
0x2b: {  	_ =	swait.ge [sflag:s29], $0x1  }
0x2c: {  	[sflag:s29] =	ssyncadd.s32 $0xFFFFFFFF  }
0x2d: {  	_ =	strace $0x9000004B  }
0x2e: {  	_ =	sfence  }
0x2f: {  	s30 =	sld [smem:$0x0];
	_ =	sdelay $0x2  }
0x30: {  	s31 =	sshll.u32 s1, $0xD;
	s1 =	sshrl.u32 s1, $0x2  }
0x31: {  	s3 =	sand.u32 $0x4000, s31;
	s1 =	sadd.s32 s1, s30  }
0x32: {  	s0 =	sor.u32 s3, s0;
	s1 =	sshll.u32 s1, $0x11  }
0x33: {  	s0 =	sor.u32 s1, s0  }
0x34: {  	s0 =	sadd.s32 $0x8F2B, s0  }
0x35: {  	[sflag:s0] =	ssyncadd.remote.s32 $0x1  }
0x36: {  	_ =	sfence.sel $0xFFFF  }
0x37: {  	[dreg:$0x0] =	wrdreg $0xFFFFFFFF;
	(pc) =	sbr.abs _section_cstart, $3  }
0x38: {  	[dreg:$0x1] =	wrdreg $0xFFFFFFFF  }
0x39: {  	_ =	task.clear_ibuf [dreg:s7], $0x2FFFF;
	_ =	strace $0x9FFFFFFF  }
0x3a: {  	(tm) =	ssettm $0x7FFFFFFF  }
0x3b: {  	_ =	shalt  }
tec
execute0_lowered:
.L_overlay_start_1:
0x0: {  	(tag) =	ssettag $0x1  }
0x1: {  	s0 =	srdreg.scid  }
0x2: {  	s1 =	sshll.u32 s0, $0x4  }
0x3: {  	s0 =	stileid.u32;
	s1 =	sand.u32 $0x10, s1  }
0x4: {  	s1 =	sor.u32 s0, s1  }
0x5: {  	s6 =	rddreg [dreg:$0x0];
	s4 =	simm.s32 $0x1;
	s2 =	sshll.u32 s1, $0x7  }
0x6: {  	s7 =	simm.s32 $0x2;
	s12 =	simm.s32 $0x0;
	s1 =	ssub.s32 $0x1000, s2  }
0x7: {  	s8 =	simm.s32 $0x8000;
	s13 =	simm.s32 $0x0;
	s3 =	sand.u32 $0xF80, s1  }
0x8: {  	s9 =	simm.s32 $0x0;
	s5 =	sshrl.u32 s1, $0xC;
	p0 =	sne.s32 s3, $0x0  }
.Ltmp0:
0x9: {  	s1 =	rddreg [dreg:$0x2];
	s4 =	simm.s32 @!p0 $0x0;
	(pc) =	sbr.rel .LBB1_1-.Ltmp0, $4  }
0xa: {  	s11 =	simm.s32 $0x0;
	s3 =	rddreg [dreg:$0x1];
	s5 =	sadd.s32 s4, s5  }
0xb: {  	_ =	strace $0x8000004A;
	s4 =	simm.s32 $0x1;
	s5 =	smul.u32 $0x32, s5  }
0xc: {  	s6 =	sadd.s32 $0x800, s6;
	s10 =	smov.u32 s2;
	[sflag:s4] =	ssyncpa.u1 $0x0  }
0xd: {  	p0 =	por $0x0, $0x0;
	[sflag:s7] =	ssyncpa.u1 $0x0;
	s7 =	sor.u32 $0x1, s5  }
.LBB1_4:
0xe: {  	s16 =	sshll.u32 s13, $0x3;
	s17 =	sand.u32 $0x78, s13  }
0xf: {  	s30 =	sand.u32 $0x7E00, s13;
	s12 =	sshll.u32 s12, $0xF;
	s16 =	sand.u32 $0xC00, s16  }
0x10: {  	[tilespmem:s15+$0x810 ss:$0x81] =	vst.msk $0xffff, v2;
	s31 =	sand.u32 $0x7, s13;
	s16 =	sor.u32 s17, s16;
	s17 =	sadd.s32 s3, s30  }
0x11: {  	[tilespmem:s15+$0x1020 ss:$0x81] =	vst.msk $0xffff, v0;
	s13 =	sshll.u32 s31, $0x12;
	s12 =	sadd.s32 s12, s17;
	s16 =	sshrl.u32 s16, $0x3  }
0x12: {  	[tilespmem:s15+$0x0 ss:$0x81] =	vst.msk $0xffff, v1;
	s13 =	sor.u32 $0x400, s13;
	s12 =	sadd.s32 s16, s12  }
0x13: {  	[hbm4b:s12+s13] =	stream.strided.scatter [tilespmem:s14], [sflag:$0x2], $0x2000, s8, s13, $0x20;
	[tilespmem:$0x8080] =	vst v63  }
.LBB1_5:
0x14: {  	s14 =	sadd.s32 $0x1, s9  }
0x15: {  	s12 =	sadd.s32 $0x1000, s10;
	s16 =	smov.u32 s10;
	p2 =	sgt.s32 s14, $0x31  }
0x16: {  	s16 =	smov.u32 @p2 s12  }
0x17: {  	s14 =	simm.s32 @p2 $0x0;
	p2 =	sgt.s32 s16, $0xFFF  }
0x18: {  	s16 =	smov.u32 @p2 s2;
	p2 =	sne.s32 s11, s7  }
.Ltmp1:
0x19: {  	p1 =	slt.u32 s11, $0x2;
	(pc) =	sbr.rel @!p2 .LBB1_6-.Ltmp1, $4  }
0x1a: {  	s15 =	simm.s32 @!p1 $0x2  }
0x1b: {  	s13 =	smov.u32 s10;
	p0 =	por !p0, !p0;
	_ =	swait.ge @!p1 [sflag:s15], $0x2000  }
0x1c: {  	s12 =	smov.u32 s9;
	[sflag:s15] =	ssyncset.done @!p1 $0x0;
	s9 =	smov.u32 s14  }
0x1d: {  	s11 =	sadd.s32 $0x1, s11;
	[sflag:s15] =	ssyncadd.s32 @!p1 $0xFFFFE000;
	s10 =	smov.u32 s16  }
.LBB1_1:
0x1e: {  	p1 =	sge.u32 s11, s5  }
0x1f: {  	s14 =	sand.u32 @!p1 $0x1FFFFFF, s9  }
0x20: {  	s15 =	smulhi.u32 @!p1 $0x4924925, s14;
	_ =	sdelay $0x1  }
0x21: {  	s15 =	smul.u32 @!p1 $0x38, s15  }
0x22: {  	s16 =	sxor.u32 @!p1 $0xFFFFFFFF, s11;
	s17 =	smul.u32 @!p1 $0x380, s10  }
0x23: {  	s31 =	sadd.s32 $0xFFFFFFFF, s11;
	s16 =	sshll.u32 @!p1 s16, $0xD;
	s14 =	ssub.s32 @!p1 s14, s15  }
0x24: {  	s15 =	sand.u32 @!p1 $0x2000, s16;
	s16 =	sadd.s32 @!p1 s6, s17;
	s14 =	sshll.u32 @!p1 s14, $0x4  }
0x25: {  	s17 =	simm.s32 @!p1 $0x1C00;
	s14 =	sadd.s32 @!p1 s14, s16;
	s16 =	simm.s32 @!p1 $0x40  }
0x26: {  	[tilespmem:s15], [sflag:$0x1] =	stream.strided.gather @!p1 [hbm4b:s14+s16], $0x2000, s17, s16, $0x38;
	[tilespmem:$0x8080] =	vst v63  }
0x27: {  	p1 =	sge.u32 s31, s5  }
.Ltmp2:
0x28: {  	_ = 	snop;
	(pc) =	sbr.rel @p1 .LBB1_5-.Ltmp2, $1  }
0x29: {  	_ =	sdelay $0x3  }
0x2a: {  	s14 =	simm.s32 $0x1  }
0x2b: {  	_ =	swait.ge [sflag:s4], $0x2000;
	s14 =	simm.s32 @!p0 $0x0  }
0x2c: {  	[sflag:s4] =	ssyncset.done $0x0;
	s15 =	sshll.u32 s14, $0xD  }
0x2d: {  	[sflag:s4] =	ssyncadd.s32 $0xFFFFE000;
	s18 =	sor.u32 $0x20, s15  }
0x2e: {  	s14 =	smul.u32 $0x8100, s14;
	v3 =	vld [tilespmem:s18+$0x10]  }
0x2f: {  	s30 =	sand.u32 $0x1, s11;
	v2 =	vld [tilespmem:s18+$0xFFFFFFF0]  }
0x30: {  	s15 =	smul.u32 $0x8100, s30;
	s14 =	sshrl.u32 s14, $0x2;
	v0 =	vld [tilespmem:s18+$0x0]  }
0x31: {  	v1 =	vld [tilespmem:s18+$0xFFFFFFE0];
	s16 =	sor.u32 $0x4000, s14  }
0x32: {  	s31 =	sshrl.u32 s15, $0x2;
	s15 =	sadd.s32 $0x0, s16  }
0x33: {  	s17 =	simm.s32 $0x4;
	s18 =	sadd.s32 $0x40, s18;
	s14 =	sor.u32 $0x4000, s31;
	[tilespmem:s15+$0x1830 ss:$0x81] =	vst.msk $0xffff, v3  }
.LBB1_3:
0x34: {  	v3 =	vld [tilespmem:s18+$0x10];
	p1 =	sne.s32 s17, $0x1FC;
	[tilespmem:s15+$0x810 ss:$0x81] =	vst.msk $0xffff, v2;
	s19 =	smov.u32 s17;
	s17 =	sadd.s32 $0x4, s17  }
.Ltmp3:
0x35: {  	v2 =	vld [tilespmem:s18+$0xFFFFFFF0];
	[tilespmem:s15+$0x1020 ss:$0x81] =	vst.msk $0xffff, v0;
	(pc) =	sbr.rel @p1 .LBB1_3-.Ltmp3, $4  }
0x36: {  	v0 =	vld [tilespmem:s18+$0x0];
	[tilespmem:s15+$0x0 ss:$0x81] =	vst.msk $0xffff, v1  }
0x37: {  	s15 =	sshra.s32 s19, $0x2;
	v1 =	vld [tilespmem:s18+$0xFFFFFFE0]  }
0x38: {  	s15 =	sadd.s32 s15, s16  }
0x39: {  	s18 =	sadd.s32 $0x40, s18;
	[tilespmem:s15+$0x1830 ss:$0x81] =	vst.msk $0xffff, v3  }
.Ltmp4:
0x3a: {  	_ = 	snop;
	(pc) =	sbr.rel .LBB1_4-.Ltmp4, $1  }
0x3b: {  	_ =	sdelay $0x3  }
.LBB1_6:
0x3c: {  	_ =	sfence.sel $0x180000  }
0x3d: {  	s2 =	simm.s32 $0x1;
	[bflag:$0x0] =	sbarrier.arrive $0xFFFF  }
0x3e: {  	s31 =	simm.s32 $0x2;
	[sflag:s2] =	ssyncpa.u1 $0x1  }
0x3f: {  	[sflag:s31] =	ssyncpa.u1 $0x1  }
0x40: {  	p0 =	sne.s32 s0, $0x0;
	_ =	strace $0x9000004A  }
0x41: {  	s0 =	sadd.s32 @!p0 $0x100000, s1;
	[bflag:$0x2] =	sbarrier.arrive $0xFFFF  }
0x42: {  	[sflag:s0] =	ssyncadd.tile.s32 @!p0 $0x1;
	_ =	shalt  }
.Lfunc_end1:
_tile_overlayer_lowered:
.L_overlay_start_2:
0x43: {  	(tag) =	ssettag $0x2  }
0x44: {  	s0 =	rddreg [dreg:$0x0];
	s2 =	stileid.u32  }
0x45: {  	s1 =	rddreg [dreg:$0x1];
	p0 =	sne.s32 s2, $0x0  }
0x46: {  	s3 =	rddreg [dreg:$0x2];
	[bflag:$0x3] =	sbarrier.arrive $0xFFFF;
	s2 =	simm.s32 @!p0 $0x1C01  }
0x47: {  	[timem:s3], [sflag:s2] =	dma.local @!p0 [hbm:s0], s1  }
0x48: {  	s0 =	simm.s32 @!p0 $0x1  }
0x49: {  	_ =	swait.ge @!p0 [sflag:s0], s1  }
0x4a: {  	s1 =	ssub.s32 @!p0 $0x0, s1;
	[sflag:s0] =	ssyncset.done @!p0 $0x0  }
0x4b: {  	[sflag:s0] =	ssyncadd.s32 @!p0 s1  }
0x4c: {  	[bflag:$0x3] =	sbarrier.arrive $0xFFFF  }
0x4d: {  	_ =	shalt  }

</sc_bundles>
